<compile_context>
chip_gen: v7x
topology: tpu7x:2x2x1
jax: 0.10.2.dev20260603
libtpu: 0.0.44.dev20260713+nightly
codegen_flags: <defaults>
</compile_context>

<pallas_src>
import jax
import jax.numpy as jnp
from jax import lax
from jax.experimental import pallas as pl
from jax.experimental.pallas import tpu as pltpu
from jax.experimental.pallas import tpu_sc as plsc

N = 10000
D = 128
E = 640000
V = 10000

NC = 2
NS = 16
NW = NC * NS

CH = 125
G = 40
NG = 4
EPT = NG * G * CH
EPAD = NW * EPT
APAD = 8

XPAD = 10240
XCH = 80
XNCH = XPAD // (NW * XCH)

_mesh = plsc.VectorSubcoreMesh(core_axis_name="c", subcore_axis_name="s")


def _emb_body(emb_hbm, idx_hbm, out_hbm, idx_v, rows_v, sem):
    c = lax.axis_index("c")
    s = lax.axis_index("s")
    wid = s * NC + c
    pltpu.sync_copy(idx_hbm.at[wid], idx_v)

    def step(j, carry):
        pltpu.async_copy(emb_hbm.at[idx_v.at[j]], rows_v, sem).wait()
        pltpu.sync_copy(rows_v, out_hbm.at[pl.ds(wid * (XNCH * XCH) + j * XCH, XCH)])
        return carry

    lax.fori_loop(0, XNCH, step, 0)


def _emb_gather(emb, idx3):
    k = pl.kernel(
        _emb_body,
        out_type=jax.ShapeDtypeStruct((XPAD, D), jnp.float32),
        mesh=_mesh,
        scratch_types=[
            pltpu.VMEM((XNCH, XCH), jnp.int32),
            pltpu.VMEM((XCH, D), jnp.float32),
            pltpu.SemaphoreType.DMA,
        ],
    )
    return k(emb, idx3)


def _gin_body(h_hbm, src_hbm, dst_hbm, out_hbm,
              srcv, dstv, rows0, rows1, acc, sem_g):
    c = lax.axis_index("c")
    s = lax.axis_index("s")
    wid = s * NC + c
    rpt = 624
    tail = N - NS * rpt

    pltpu.sync_copy(h_hbm.at[pl.ds(s * rpt, rpt)], acc.at[pl.ds(s * rpt, rpt)])

    @pl.when(s == 0)
    def _():
        pltpu.sync_copy(h_hbm.at[pl.ds(NS * rpt, tail)],
                        acc.at[pl.ds(NS * rpt, tail)])

    plsc.subcore_barrier()

    def group(gi, carry):
        pltpu.sync_copy(src_hbm.at[wid, gi], srcv)
        pltpu.sync_copy(dst_hbm.at[wid, gi], dstv)
        pltpu.async_copy(h_hbm.at[srcv.at[0]], rows0, sem_g)

        def step(i, carry2):
            j0 = i * 2
            j1 = j0 + 1
            pltpu.make_async_copy(h_hbm.at[srcv.at[j0]], rows0, sem_g).wait()
            pltpu.async_copy(h_hbm.at[srcv.at[j1]], rows1, sem_g)
            pltpu.sync_copy(rows0, acc.at[dstv.at[j0]], add=True)
            pltpu.make_async_copy(h_hbm.at[srcv.at[j1]], rows1, sem_g).wait()

            @pl.when(i < G // 2 - 1)
            def _():
                pltpu.async_copy(h_hbm.at[srcv.at[j0 + 2]], rows0, sem_g)

            pltpu.sync_copy(rows1, acc.at[dstv.at[j1]], add=True)
            return carry2

        lax.fori_loop(0, G // 2, step, 0)
        return carry

    lax.fori_loop(0, NG, group, 0)
    plsc.subcore_barrier()
    pltpu.sync_copy(acc.at[pl.ds(s * rpt, rpt)],
                    out_hbm.at[pl.ds(c * N + s * rpt, rpt)])

    @pl.when(s == 0)
    def _():
        pltpu.sync_copy(acc.at[pl.ds(NS * rpt, tail)],
                        out_hbm.at[pl.ds(c * N + NS * rpt, tail)])


def _gin_partials(h, src4, dst4):
    k = pl.kernel(
        _gin_body,
        out_type=jax.ShapeDtypeStruct((NC * N, D), jnp.float32),
        mesh=_mesh,
        scratch_types=[
            pltpu.VMEM((G, CH), jnp.int32),
            pltpu.VMEM((G, CH), jnp.int32),
            pltpu.VMEM((CH, D), jnp.float32),
            pltpu.VMEM((CH, D), jnp.float32),
            pltpu.VMEM_SHARED((N + APAD, D), jnp.float32),
            pltpu.SemaphoreType.DMA,
        ],
    )
    return k(h, src4, dst4)


def _bn_prelu(o, g, be, a):
    m = jnp.mean(o, axis=0, keepdims=True)
    v = jnp.mean((o - m) * (o - m), axis=0, keepdims=True)
    o = (o - m) * lax.rsqrt(v + 1e-5) * g + be
    return jnp.where(o >= 0, o, a * o)


def _mlp_body(p_ref, h_ref, W1_ref, b1_ref, g1_ref, be1_ref, a1_ref,
              W2_ref, b2_ref, g2_ref, be2_ref, a2_ref, out_ref):
    h = h_ref[...]
    g = p_ref[0:N, :] + p_ref[N:2 * N, :] - h
    o = jnp.dot(g, W1_ref[...], preferred_element_type=jnp.float32) + b1_ref[...]
    o = _bn_prelu(o, g1_ref[...], be1_ref[...], a1_ref[...])
    o = jnp.dot(o, W2_ref[...], preferred_element_type=jnp.float32) + b2_ref[...]
    o = _bn_prelu(o, g2_ref[...], be2_ref[...], a2_ref[...])
    out_ref[...] = o + h


def _conv_mlp(parts, h, cp):
    f = pl.pallas_call(
        _mlp_body,
        out_shape=jax.ShapeDtypeStruct((N, D), jnp.float32),
    )
    r = lambda a: a.reshape(1, -1)
    return f(parts, h, cp['W1'], r(cp['b1']), r(cp['g1']), r(cp['be1']),
             cp['a1'].reshape(1, 1), cp['W2'], r(cp['b2']), r(cp['g2']),
             r(cp['be2']), cp['a2'].reshape(1, 1))


def _proj_body(h_ref, Wp_ref, out_ref):
    out_ref[...] = jnp.dot(h_ref[...], Wp_ref[...],
                           preferred_element_type=jnp.float32)


def _proj(h, Wp):
    return pl.pallas_call(
        _proj_body,
        out_shape=jax.ShapeDtypeStruct((N, D), jnp.float32),
    )(h, Wp)


def _lin_body(p_ref, h_ref, Wt_ref, bt_ref, out_ref):
    g = p_ref[0:N, :] + p_ref[N:2 * N, :] - h_ref[...]
    out_ref[...] = jnp.dot(g, Wt_ref[...],
                           preferred_element_type=jnp.float32) + bt_ref[...]


def _lin(parts, h, Wt, bt):
    return pl.pallas_call(
        _lin_body,
        out_shape=jax.ShapeDtypeStruct((N, D), jnp.float32),
    )(parts, h, Wt, bt.reshape(1, -1))


RB = 400


def _big_body(t_ref, W_ref, b_ref, out_ref):
    out_ref[...] = jnp.dot(t_ref[...], W_ref[...],
                           preferred_element_type=jnp.float32) + b_ref[...]


def _big_matmul(t, Wpr, bpr):
    return pl.pallas_call(
        _big_body,
        grid=(N // RB,),
        in_specs=[
            pl.BlockSpec((RB, D), lambda i: (i, 0)),
            pl.BlockSpec((D, V), lambda i: (0, 0)),
            pl.BlockSpec((1, V), lambda i: (0, 0)),
        ],
        out_specs=pl.BlockSpec((RB, V), lambda i: (i, 0)),
        out_shape=jax.ShapeDtypeStruct((N, V), jnp.float32),
    )(t, Wpr, bpr.reshape(1, -1))


def kernel(params, x, edge_index):
    src4 = edge_index[0].reshape(NW, NG, G, CH)
    dst4 = edge_index[1].reshape(NW, NG, G, CH)
    xpad = jnp.concatenate(
        [x, jnp.zeros((XPAD - N,), jnp.int32)]).reshape(NW, XNCH, XCH)

    h = _emb_gather(params['emb'], xpad)[:N]
    for cp in params['convs']:
        parts = _gin_partials(h, src4, dst4)
        h = _conv_mlp(parts, h, cp)
    h = _proj(h, params['Wp'])
    parts = _gin_partials(h, src4, dst4)
    t = _lin(parts, h, params['Wt'], params['bt'])
    return _big_matmul(t, params['Wpr'], params['bpr'])

# --- scband reference (transcript-rebuilt; emitter-appended) ---
"""Pipeline reference for scband-maegin-9749575762317 (READ-ONLY COPY).

The authoritative reference and input builder live on the scoring server;
editing this copy changes nothing except your own understanding.
"""

import jax, jax.numpy as jnp
import numpy as np

V = 10000   # node_dict_size
N = 10000   # n_nodes
E = 640000  # n_edges
D = 128     # node_dim == hidden_dim
NUM_CONVS = 5  # 1 + layer_number(3) + 1


def setup_inputs(seed: int = 0) -> dict:
    key = jax.random.key(seed)
    ks = jax.random.split(key, 80)
    kit = iter(ks)

    def nrm(shape, s=0.05):
        return jax.random.normal(next(kit), shape, dtype=jnp.float32) * s

    convs = []
    for _ in range(NUM_CONVS):
        convs.append({
            'W1': nrm((D, D)), 'b1': jnp.zeros((D,), jnp.float32),
            'g1': jnp.ones((D,), jnp.float32), 'be1': jnp.zeros((D,), jnp.float32),
            'a1': jnp.asarray(0.25, jnp.float32),
            'W2': nrm((D, D)), 'b2': jnp.zeros((D,), jnp.float32),
            'g2': jnp.ones((D,), jnp.float32), 'be2': jnp.zeros((D,), jnp.float32),
            'a2': jnp.asarray(0.25, jnp.float32),
        })
    params = {
        'emb': nrm((V, D), 1.0),
        'convs': convs,
        'Wp': nrm((D, D)),
        'Wt': nrm((D, D)), 'bt': jnp.zeros((D,), jnp.float32),
        'Wpr': nrm((D, V)), 'bpr': jnp.zeros((V,), jnp.float32),
    }
    x = jax.random.randint(next(kit), (N,), 0, V, dtype=jnp.int32)
    edge_index = jax.random.randint(next(kit), (2, E), 0, N, dtype=jnp.int32)
    return {'params': params, 'x': x, 'edge_index': edge_index}


def _bn(x, g, b):
    # BatchNorm1d in training mode: biased batch statistics, eps=1e-5
    m = jnp.mean(x, axis=0)
    v = jnp.var(x, axis=0)
    return (x - m) / jnp.sqrt(v + 1e-5) * g + b


def _prelu(x, a):
    return jnp.where(x >= 0, x, a * x)


def _gin(x, src, dst):
    # GINConv with nn.Identity() mlp and eps=0: out[i] = x[i] + sum_{j->i} x[j]
    n = x.shape[0]
    return x + jax.ops.segment_sum(x[src], dst, num_segments=n)


def _conv(x, p, src, dst):
    o = _gin(x, src, dst)
    o = o @ p['W1'] + p['b1']
    o = _prelu(_bn(o, p['g1'], p['be1']), p['a1'])
    o = o @ p['W2'] + p['b2']
    o = _prelu(_bn(o, p['g2'], p['be2']), p['a2'])
    return o + x  # res is Identity (input_dim == output_dim)


def reference(params, x, edge_index):
    src, dst = edge_index[0], edge_index[1]
    # Encoder: embedding lookup (dropout p=0.0 is a no-op)
    h = jnp.take(params['emb'], x, axis=0)
    for p in params['convs']:
        h = _conv(h, p, src, dst)
    # Projection head
    h = h @ params['Wp']
    # Decoder: identity-GIN, transform, predict over node vocab
    h = _gin(h, src, dst)
    h = h @ params['Wt'] + params['bt']
    h = h @ params['Wpr'] + params['bpr']
    return h

if __name__ == "__main__":
    import jax
    _d = setup_inputs()
    print(jax.jit(kernel)(*tuple(_d.values())))

</pallas_src>

<mosaic_0001>
#map = affine_map<(d0, d1) -> (0, 0)>
#map1 = affine_map<(d0, d1) -> (0, 0, 0)>
module attributes {stable_mosaic.version = 14 : i64} {
  func.func @_emb_body(%arg0: i32, %arg1: i32, %arg2: memref<10000x128xf32, #tpu.memory_space<hbm>>, %arg3: memref<32x4x80xi32, #tpu.memory_space<hbm>>, %arg4: memref<10240x128xf32, #tpu.memory_space<hbm>>, %arg5: memref<4x80xi32, #tpu.memory_space<vmem>>, %arg6: memref<80x128xf32, #tpu.memory_space<vmem>>, %arg7: memref<!tpu.dma_semaphore, #tpu.memory_space<semaphore_mem>>) attributes {dimension_semantics = [#tpu.dimension_semantics<core_parallel>, #tpu.dimension_semantics<subcore_parallel>], iteration_bounds = array<i64: 2, 16>, scalar_prefetch = 0 : i64, scratch_operands = 3 : i64, tpu.core_type = #tpu.core_type<sc_vector_subcore>, window_params = [{transform_indices = #map}, {transform_indices = #map1}, {transform_indices = #map}]} {
    %mul3A = arith.constant 2 : i32
    %mul3A_0 = arith.muli %arg1, %mul3A : i32
    %add3A = arith.addi %mul3A_0, %arg0 : i32
    "tpu.region"() ({
      %run_scoped3A = tpu.sem_alloc : memref<!tpu.dma_semaphore, #tpu.memory_space<semaphore_mem>>
      %dma_start3A = arith.constant 0 : i32
      %dma_start3A_6 = arith.constant 0 : i32
      %dma_start3A_7 = tpu.memref_slice %arg3[%add3A, %dma_start3A, %dma_start3A_6] : memref<32x4x80xi32, #tpu.memory_space<hbm>> -> memref<1x4x80xi32, #tpu.memory_space<hbm>>
      %dma_start3A_8 = tpu.memref_squeeze %dma_start3A_7 : memref<1x4x80xi32, #tpu.memory_space<hbm>> -> memref<4x80xi32, #tpu.memory_space<hbm>>
      %dma_start3A_9 = arith.constant 0 : i32
      %dma_start3A_10 = arith.constant 0 : i32
      %dma_start3A_11 = tpu.memref_slice %arg3[%add3A, %dma_start3A_9, %dma_start3A_10] : memref<32x4x80xi32, #tpu.memory_space<hbm>> -> memref<1x4x80xi32, #tpu.memory_space<hbm>>
      %dma_start3A_12 = tpu.memref_squeeze %dma_start3A_11 : memref<1x4x80xi32, #tpu.memory_space<hbm>> -> memref<4x80xi32, #tpu.memory_space<hbm>>
      tpu.enqueue_dma source(%dma_start3A_12 : memref<4x80xi32, #tpu.memory_space<hbm>>) target(%arg5 : memref<4x80xi32, #tpu.memory_space<vmem>>) target_semaphore(%run_scoped3A : memref<!tpu.dma_semaphore, #tpu.memory_space<semaphore_mem>>)
      %dma_wait3A = arith.constant 0 : i32
      %dma_wait3A_13 = arith.constant 0 : i32
      %dma_wait3A_14 = tpu.memref_slice %arg3[%add3A, %dma_wait3A, %dma_wait3A_13] : memref<32x4x80xi32, #tpu.memory_space<hbm>> -> memref<1x4x80xi32, #tpu.memory_space<hbm>>
      %dma_wait3A_15 = tpu.memref_squeeze %dma_wait3A_14 : memref<1x4x80xi32, #tpu.memory_space<hbm>> -> memref<4x80xi32, #tpu.memory_space<hbm>>
      %dma_wait3A_16 = arith.constant 0 : i32
      %dma_wait3A_17 = arith.constant 0 : i32
      %dma_wait3A_18 = tpu.memref_slice %arg3[%add3A, %dma_wait3A_16, %dma_wait3A_17] : memref<32x4x80xi32, #tpu.memory_space<hbm>> -> memref<1x4x80xi32, #tpu.memory_space<hbm>>
      %dma_wait3A_19 = tpu.memref_squeeze %dma_wait3A_18 : memref<1x4x80xi32, #tpu.memory_space<hbm>> -> memref<4x80xi32, #tpu.memory_space<hbm>>
      tpu.wait_dma2 semaphore(%run_scoped3A : memref<!tpu.dma_semaphore, #tpu.memory_space<semaphore_mem>>) src(%dma_wait3A_19 : memref<4x80xi32, #tpu.memory_space<hbm>>) dst(%arg5 : memref<4x80xi32, #tpu.memory_space<vmem>>)
      tpu.yield
    }) : () -> ()
    %scan3A = arith.constant 0 : i32
    %scan3A_1 = arith.constant 0 : i32
    %scan3A_2 = arith.constant 4 : i32
    %scan3A_3 = arith.addi %scan3A_1, %scan3A_2 : i32
    %scan3A_4 = arith.constant 1 : i32
    scf.for %scan3A_6 = %scan3A_1 to %scan3A_3 step %scan3A_4  : i32 {
      %dma_start3A = arith.constant 0 : i32
      %dma_start3A_7 = tpu.memref_slice %arg5[%scan3A_6, %dma_start3A] : memref<4x80xi32, #tpu.memory_space<vmem>> -> memref<1x80xi32, #tpu.memory_space<vmem>>
      %dma_start3A_8 = tpu.memref_squeeze %dma_start3A_7 : memref<1x80xi32, #tpu.memory_space<vmem>> -> memref<80xi32, #tpu.memory_space<vmem>>
      %dma_start3A_9 = arith.constant 0 : i32
      %dma_start3A_10 = arith.constant 0 : i32
      %dma_start3A_11 = tpu.memref_slice %arg2[%dma_start3A_9, %dma_start3A_10] : memref<10000x128xf32, #tpu.memory_space<hbm>> -> memref<10000x128xf32, #tpu.memory_space<hbm>>
      tpu.enqueue_indirect_dma source(%dma_start3A_11 : memref<10000x128xf32, #tpu.memory_space<hbm>>) target(%arg6 : memref<80x128xf32, #tpu.memory_space<vmem>>) offsets(%dma_start3A_8 : memref<80xi32, #tpu.memory_space<vmem>>) semaphore(%arg7 : memref<!tpu.dma_semaphore, #tpu.memory_space<semaphore_mem>>)
      %dma_wait3A = arith.constant 0 : i32
      %dma_wait3A_12 = tpu.memref_slice %arg5[%scan3A_6, %dma_wait3A] : memref<4x80xi32, #tpu.memory_space<vmem>> -> memref<1x80xi32, #tpu.memory_space<vmem>>
      %dma_wait3A_13 = tpu.memref_squeeze %dma_wait3A_12 : memref<1x80xi32, #tpu.memory_space<vmem>> -> memref<80xi32, #tpu.memory_space<vmem>>
      %dma_wait3A_14 = arith.constant 0 : i32
      %dma_wait3A_15 = arith.constant 0 : i32
      %dma_wait3A_16 = tpu.memref_slice %arg2[%dma_wait3A_14, %dma_wait3A_15] : memref<10000x128xf32, #tpu.memory_space<hbm>> -> memref<10000x128xf32, #tpu.memory_space<hbm>>
      tpu.wait_indirect_dma semaphore(%arg7 : memref<!tpu.dma_semaphore, #tpu.memory_space<semaphore_mem>>) src(%dma_wait3A_16 : memref<10000x128xf32, #tpu.memory_space<hbm>>) dst(%arg6 : memref<80x128xf32, #tpu.memory_space<vmem>>)
      %mul3A_17 = arith.constant 320 : i32
      %mul3A_18 = arith.muli %add3A, %mul3A_17 : i32
      %mul3A_19 = arith.constant 80 : i32
      %mul3A_20 = arith.muli %scan3A_6, %mul3A_19 : i32
      %add3A_21 = arith.addi %mul3A_18, %mul3A_20 : i32
      "tpu.region"() ({
        %run_scoped3A = tpu.sem_alloc : memref<!tpu.dma_semaphore, #tpu.memory_space<semaphore_mem>>
        %dma_start3A_22 = arith.constant 0 : i32
        %dma_start3A_23 = tpu.memref_slice %arg4[%add3A_21, %dma_start3A_22] : memref<10240x128xf32, #tpu.memory_space<hbm>> -> memref<80x128xf32, #tpu.memory_space<hbm>>
        %dma_start3A_24 = arith.constant 0 : i32
        %dma_start3A_25 = tpu.memref_slice %arg4[%add3A_21, %dma_start3A_24] : memref<10240x128xf32, #tpu.memory_space<hbm>> -> memref<80x128xf32, #tpu.memory_space<hbm>>
        tpu.enqueue_dma source(%arg6 : memref<80x128xf32, #tpu.memory_space<vmem>>) target(%dma_start3A_25 : memref<80x128xf32, #tpu.memory_space<hbm>>) target_semaphore(%run_scoped3A : memref<!tpu.dma_semaphore, #tpu.memory_space<semaphore_mem>>)
        %dma_wait3A_26 = arith.constant 0 : i32
        %dma_wait3A_27 = tpu.memref_slice %arg4[%add3A_21, %dma_wait3A_26] : memref<10240x128xf32, #tpu.memory_space<hbm>> -> memref<80x128xf32, #tpu.memory_space<hbm>>
        %dma_wait3A_28 = arith.constant 0 : i32
        %dma_wait3A_29 = tpu.memref_slice %arg4[%add3A_21, %dma_wait3A_28] : memref<10240x128xf32, #tpu.memory_space<hbm>> -> memref<80x128xf32, #tpu.memory_space<hbm>>
        tpu.wait_dma2 semaphore(%run_scoped3A : memref<!tpu.dma_semaphore, #tpu.memory_space<semaphore_mem>>) src(%arg6 : memref<80x128xf32, #tpu.memory_space<vmem>>) dst(%dma_wait3A_29 : memref<80x128xf32, #tpu.memory_space<hbm>>)
        tpu.yield
      }) : () -> ()
    }
    %scan3A_5 = arith.constant 4 : i32
    return
  }
}

#map = affine_map<(d0, d1) -> (0, 0)>
#map1 = affine_map<(d0, d1) -> (0, 0, 0, 0)>
module attributes {stable_mosaic.version = 14 : i64} {
  func.func @_gin_body(%arg0: i32, %arg1: i32, %arg2: memref<10000x128xf32, #tpu.memory_space<hbm>>, %arg3: memref<32x4x40x125xi32, #tpu.memory_space<hbm>>, %arg4: memref<32x4x40x125xi32, #tpu.memory_space<hbm>>, %arg5: memref<20000x128xf32, #tpu.memory_space<hbm>>, %arg6: memref<40x125xi32, #tpu.memory_space<vmem>>, %arg7: memref<40x125xi32, #tpu.memory_space<vmem>>, %arg8: memref<125x128xf32, #tpu.memory_space<vmem>>, %arg9: memref<125x128xf32, #tpu.memory_space<vmem>>, %arg10: memref<10008x128xf32, #tpu.memory_space<vmem_shared>>, %arg11: memref<!tpu.dma_semaphore, #tpu.memory_space<semaphore_mem>>) attributes {dimension_semantics = [#tpu.dimension_semantics<core_parallel>, #tpu.dimension_semantics<subcore_parallel>], iteration_bounds = array<i64: 2, 16>, scalar_prefetch = 0 : i64, scratch_operands = 6 : i64, tpu.core_type = #tpu.core_type<sc_vector_subcore>, window_params = [{transform_indices = #map}, {transform_indices = #map1}, {transform_indices = #map1}, {transform_indices = #map}]} {
    %mul3A = arith.constant 2 : i32
    %mul3A_0 = arith.muli %arg1, %mul3A : i32
    %add3A = arith.addi %mul3A_0, %arg0 : i32
    %mul3A_1 = arith.constant 624 : i32
    %mul3A_2 = arith.muli %arg1, %mul3A_1 : i32
    %mul3A_3 = arith.constant 624 : i32
    %mul3A_4 = arith.muli %arg1, %mul3A_3 : i32
    "tpu.region"() ({
      %run_scoped3A = tpu.sem_alloc : memref<!tpu.dma_semaphore, #tpu.memory_space<semaphore_mem>>
      %dma_start3A = arith.constant 0 : i32
      %dma_start3A_25 = tpu.memref_slice %arg10[%mul3A_4, %dma_start3A] : memref<10008x128xf32, #tpu.memory_space<vmem_shared>> -> memref<624x128xf32, #tpu.memory_space<vmem_shared>>
      %dma_start3A_26 = arith.constant 0 : i32
      %dma_start3A_27 = tpu.memref_slice %arg2[%mul3A_2, %dma_start3A_26] : memref<10000x128xf32, #tpu.memory_space<hbm>> -> memref<624x128xf32, #tpu.memory_space<hbm>>
      tpu.enqueue_dma source(%dma_start3A_27 : memref<624x128xf32, #tpu.memory_space<hbm>>) target(%dma_start3A_25 : memref<624x128xf32, #tpu.memory_space<vmem_shared>>) target_semaphore(%run_scoped3A : memref<!tpu.dma_semaphore, #tpu.memory_space<semaphore_mem>>)
      %dma_wait3A = arith.constant 0 : i32
      %dma_wait3A_28 = tpu.memref_slice %arg10[%mul3A_4, %dma_wait3A] : memref<10008x128xf32, #tpu.memory_space<vmem_shared>> -> memref<624x128xf32, #tpu.memory_space<vmem_shared>>
      %dma_wait3A_29 = arith.constant 0 : i32
      %dma_wait3A_30 = tpu.memref_slice %arg2[%mul3A_2, %dma_wait3A_29] : memref<10000x128xf32, #tpu.memory_space<hbm>> -> memref<624x128xf32, #tpu.memory_space<hbm>>
      tpu.wait_dma2 semaphore(%run_scoped3A : memref<!tpu.dma_semaphore, #tpu.memory_space<semaphore_mem>>) src(%dma_wait3A_30 : memref<624x128xf32, #tpu.memory_space<hbm>>) dst(%dma_wait3A_28 : memref<624x128xf32, #tpu.memory_space<vmem_shared>>)
      tpu.yield
    }) : () -> ()
    %eq3A = arith.constant 0 : i32
    %eq3A_5 = arith.cmpi eq, %arg1, %eq3A : i32
    %convert_element_type3A = arith.extui %eq3A_5 : i1 to i32
    %cond3A = arith.constant 0 : i32
    %cond3A_6 = arith.cmpi ne, %convert_element_type3A, %cond3A : i32
    scf.if %cond3A_6 {
      "tpu.region"() ({
        %run_scoped3A = tpu.sem_alloc : memref<!tpu.dma_semaphore, #tpu.memory_space<semaphore_mem>>
        %dma_start3A = arith.constant 9984 : i32
        %dma_start3A_25 = arith.constant 0 : i32
        %dma_start3A_26 = tpu.memref_slice %arg10[%dma_start3A, %dma_start3A_25] : memref<10008x128xf32, #tpu.memory_space<vmem_shared>> -> memref<16x128xf32, #tpu.memory_space<vmem_shared>>
        %dma_start3A_27 = arith.constant 9984 : i32
        %dma_start3A_28 = arith.constant 0 : i32
        %dma_start3A_29 = tpu.memref_slice %arg2[%dma_start3A_27, %dma_start3A_28] : memref<10000x128xf32, #tpu.memory_space<hbm>> -> memref<16x128xf32, #tpu.memory_space<hbm>>
        tpu.enqueue_dma source(%dma_start3A_29 : memref<16x128xf32, #tpu.memory_space<hbm>>) target(%dma_start3A_26 : memref<16x128xf32, #tpu.memory_space<vmem_shared>>) target_semaphore(%run_scoped3A : memref<!tpu.dma_semaphore, #tpu.memory_space<semaphore_mem>>)
        %dma_wait3A = arith.constant 9984 : i32
        %dma_wait3A_30 = arith.constant 0 : i32
        %dma_wait3A_31 = tpu.memref_slice %arg10[%dma_wait3A, %dma_wait3A_30] : memref<10008x128xf32, #tpu.memory_space<vmem_shared>> -> memref<16x128xf32, #tpu.memory_space<vmem_shared>>
        %dma_wait3A_32 = arith.constant 9984 : i32
        %dma_wait3A_33 = arith.constant 0 : i32
        %dma_wait3A_34 = tpu.memref_slice %arg2[%dma_wait3A_32, %dma_wait3A_33] : memref<10000x128xf32, #tpu.memory_space<hbm>> -> memref<16x128xf32, #tpu.memory_space<hbm>>
        tpu.wait_dma2 semaphore(%run_scoped3A : memref<!tpu.dma_semaphore, #tpu.memory_space<semaphore_mem>>) src(%dma_wait3A_34 : memref<16x128xf32, #tpu.memory_space<hbm>>) dst(%dma_wait3A_31 : memref<16x128xf32, #tpu.memory_space<vmem_shared>>)
        tpu.yield
      }) : () -> ()
    } else {
    }
    %barrier3A = arith.constant 0 : index
    tpu.barrier barrier_id(%barrier3A)
    %scan3A = arith.constant 0 : i32
    %scan3A_7 = arith.constant 0 : i32
    %scan3A_8 = arith.constant 4 : i32
    %scan3A_9 = arith.addi %scan3A_7, %scan3A_8 : i32
    %scan3A_10 = arith.constant 1 : i32
    scf.for %scan3A_25 = %scan3A_7 to %scan3A_9 step %scan3A_10  : i32 {
      "tpu.region"() ({
        %run_scoped3A = tpu.sem_alloc : memref<!tpu.dma_semaphore, #tpu.memory_space<semaphore_mem>>
        %dma_start3A_38 = arith.constant 0 : i32
        %dma_start3A_39 = arith.constant 0 : i32
        %dma_start3A_40 = tpu.memref_slice %arg3[%add3A, %scan3A_25, %dma_start3A_38, %dma_start3A_39] : memref<32x4x40x125xi32, #tpu.memory_space<hbm>> -> memref<1x1x40x125xi32, #tpu.memory_space<hbm>>
        %dma_start3A_41 = tpu.memref_squeeze %dma_start3A_40 : memref<1x1x40x125xi32, #tpu.memory_space<hbm>> -> memref<40x125xi32, #tpu.memory_space<hbm>>
        %dma_start3A_42 = arith.constant 0 : i32
        %dma_start3A_43 = arith.constant 0 : i32
        %dma_start3A_44 = tpu.memref_slice %arg3[%add3A, %scan3A_25, %dma_start3A_42, %dma_start3A_43] : memref<32x4x40x125xi32, #tpu.memory_space<hbm>> -> memref<1x1x40x125xi32, #tpu.memory_space<hbm>>
        %dma_start3A_45 = tpu.memref_squeeze %dma_start3A_44 : memref<1x1x40x125xi32, #tpu.memory_space<hbm>> -> memref<40x125xi32, #tpu.memory_space<hbm>>
        tpu.enqueue_dma source(%dma_start3A_45 : memref<40x125xi32, #tpu.memory_space<hbm>>) target(%arg6 : memref<40x125xi32, #tpu.memory_space<vmem>>) target_semaphore(%run_scoped3A : memref<!tpu.dma_semaphore, #tpu.memory_space<semaphore_mem>>)
        %dma_wait3A = arith.constant 0 : i32
        %dma_wait3A_46 = arith.constant 0 : i32
        %dma_wait3A_47 = tpu.memref_slice %arg3[%add3A, %scan3A_25, %dma_wait3A, %dma_wait3A_46] : memref<32x4x40x125xi32, #tpu.memory_space<hbm>> -> memref<1x1x40x125xi32, #tpu.memory_space<hbm>>
        %dma_wait3A_48 = tpu.memref_squeeze %dma_wait3A_47 : memref<1x1x40x125xi32, #tpu.memory_space<hbm>> -> memref<40x125xi32, #tpu.memory_space<hbm>>
        %dma_wait3A_49 = arith.constant 0 : i32
        %dma_wait3A_50 = arith.constant 0 : i32
        %dma_wait3A_51 = tpu.memref_slice %arg3[%add3A, %scan3A_25, %dma_wait3A_49, %dma_wait3A_50] : memref<32x4x40x125xi32, #tpu.memory_space<hbm>> -> memref<1x1x40x125xi32, #tpu.memory_space<hbm>>
        %dma_wait3A_52 = tpu.memref_squeeze %dma_wait3A_51 : memref<1x1x40x125xi32, #tpu.memory_space<hbm>> -> memref<40x125xi32, #tpu.memory_space<hbm>>
        tpu.wait_dma2 semaphore(%run_scoped3A : memref<!tpu.dma_semaphore, #tpu.memory_space<semaphore_mem>>) src(%dma_wait3A_52 : memref<40x125xi32, #tpu.memory_space<hbm>>) dst(%arg6 : memref<40x125xi32, #tpu.memory_space<vmem>>)
        tpu.yield
      }) : () -> ()
      "tpu.region"() ({
        %run_scoped3A = tpu.sem_alloc : memref<!tpu.dma_semaphore, #tpu.memory_space<semaphore_mem>>
        %dma_start3A_38 = arith.constant 0 : i32
        %dma_start3A_39 = arith.constant 0 : i32
        %dma_start3A_40 = tpu.memref_slice %arg4[%add3A, %scan3A_25, %dma_start3A_38, %dma_start3A_39] : memref<32x4x40x125xi32, #tpu.memory_space<hbm>> -> memref<1x1x40x125xi32, #tpu.memory_space<hbm>>
        %dma_start3A_41 = tpu.memref_squeeze %dma_start3A_40 : memref<1x1x40x125xi32, #tpu.memory_space<hbm>> -> memref<40x125xi32, #tpu.memory_space<hbm>>
        %dma_start3A_42 = arith.constant 0 : i32
        %dma_start3A_43 = arith.constant 0 : i32
        %dma_start3A_44 = tpu.memref_slice %arg4[%add3A, %scan3A_25, %dma_start3A_42, %dma_start3A_43] : memref<32x4x40x125xi32, #tpu.memory_space<hbm>> -> memref<1x1x40x125xi32, #tpu.memory_space<hbm>>
        %dma_start3A_45 = tpu.memref_squeeze %dma_start3A_44 : memref<1x1x40x125xi32, #tpu.memory_space<hbm>> -> memref<40x125xi32, #tpu.memory_space<hbm>>
        tpu.enqueue_dma source(%dma_start3A_45 : memref<40x125xi32, #tpu.memory_space<hbm>>) target(%arg7 : memref<40x125xi32, #tpu.memory_space<vmem>>) target_semaphore(%run_scoped3A : memref<!tpu.dma_semaphore, #tpu.memory_space<semaphore_mem>>)
        %dma_wait3A = arith.constant 0 : i32
        %dma_wait3A_46 = arith.constant 0 : i32
        %dma_wait3A_47 = tpu.memref_slice %arg4[%add3A, %scan3A_25, %dma_wait3A, %dma_wait3A_46] : memref<32x4x40x125xi32, #tpu.memory_space<hbm>> -> memref<1x1x40x125xi32, #tpu.memory_space<hbm>>
        %dma_wait3A_48 = tpu.memref_squeeze %dma_wait3A_47 : memref<1x1x40x125xi32, #tpu.memory_space<hbm>> -> memref<40x125xi32, #tpu.memory_space<hbm>>
        %dma_wait3A_49 = arith.constant 0 : i32
        %dma_wait3A_50 = arith.constant 0 : i32
        %dma_wait3A_51 = tpu.memref_slice %arg4[%add3A, %scan3A_25, %dma_wait3A_49, %dma_wait3A_50] : memref<32x4x40x125xi32, #tpu.memory_space<hbm>> -> memref<1x1x40x125xi32, #tpu.memory_space<hbm>>
        %dma_wait3A_52 = tpu.memref_squeeze %dma_wait3A_51 : memref<1x1x40x125xi32, #tpu.memory_space<hbm>> -> memref<40x125xi32, #tpu.memory_space<hbm>>
        tpu.wait_dma2 semaphore(%run_scoped3A : memref<!tpu.dma_semaphore, #tpu.memory_space<semaphore_mem>>) src(%dma_wait3A_52 : memref<40x125xi32, #tpu.memory_space<hbm>>) dst(%arg7 : memref<40x125xi32, #tpu.memory_space<vmem>>)
        tpu.yield
      }) : () -> ()
      %dma_start3A = arith.constant 0 : i32
      %dma_start3A_26 = arith.constant 0 : i32
      %dma_start3A_27 = tpu.memref_slice %arg6[%dma_start3A, %dma_start3A_26] : memref<40x125xi32, #tpu.memory_space<vmem>> -> memref<1x125xi32, #tpu.memory_space<vmem>>
      %dma_start3A_28 = tpu.memref_squeeze %dma_start3A_27 : memref<1x125xi32, #tpu.memory_space<vmem>> -> memref<125xi32, #tpu.memory_space<vmem>>
      %dma_start3A_29 = arith.constant 0 : i32
      %dma_start3A_30 = arith.constant 0 : i32
      %dma_start3A_31 = tpu.memref_slice %arg2[%dma_start3A_29, %dma_start3A_30] : memref<10000x128xf32, #tpu.memory_space<hbm>> -> memref<10000x128xf32, #tpu.memory_space<hbm>>
      tpu.enqueue_indirect_dma source(%dma_start3A_31 : memref<10000x128xf32, #tpu.memory_space<hbm>>) target(%arg8 : memref<125x128xf32, #tpu.memory_space<vmem>>) offsets(%dma_start3A_28 : memref<125xi32, #tpu.memory_space<vmem>>) semaphore(%arg11 : memref<!tpu.dma_semaphore, #tpu.memory_space<semaphore_mem>>)
      %scan3A_32 = arith.constant 0 : i32
      %scan3A_33 = arith.constant 0 : i32
      %scan3A_34 = arith.constant 20 : i32
      %scan3A_35 = arith.addi %scan3A_33, %scan3A_34 : i32
      %scan3A_36 = arith.constant 1 : i32
      scf.for %scan3A_38 = %scan3A_33 to %scan3A_35 step %scan3A_36  : i32 {
        %mul3A_39 = arith.constant 2 : i32
        %mul3A_40 = arith.muli %scan3A_38, %mul3A_39 : i32
        %add3A_41 = arith.constant 1 : i32
        %add3A_42 = arith.addi %mul3A_40, %add3A_41 : i32
        %dma_wait3A = arith.constant 0 : i32
        %dma_wait3A_43 = tpu.memref_slice %arg6[%mul3A_40, %dma_wait3A] : memref<40x125xi32, #tpu.memory_space<vmem>> -> memref<1x125xi32, #tpu.memory_space<vmem>>
        %dma_wait3A_44 = tpu.memref_squeeze %dma_wait3A_43 : memref<1x125xi32, #tpu.memory_space<vmem>> -> memref<125xi32, #tpu.memory_space<vmem>>
        %dma_wait3A_45 = arith.constant 0 : i32
        %dma_wait3A_46 = arith.constant 0 : i32
        %dma_wait3A_47 = tpu.memref_slice %arg2[%dma_wait3A_45, %dma_wait3A_46] : memref<10000x128xf32, #tpu.memory_space<hbm>> -> memref<10000x128xf32, #tpu.memory_space<hbm>>
        tpu.wait_indirect_dma semaphore(%arg11 : memref<!tpu.dma_semaphore, #tpu.memory_space<semaphore_mem>>) src(%dma_wait3A_47 : memref<10000x128xf32, #tpu.memory_space<hbm>>) dst(%arg8 : memref<125x128xf32, #tpu.memory_space<vmem>>)
        %dma_start3A_48 = arith.constant 0 : i32
        %dma_start3A_49 = tpu.memref_slice %arg6[%add3A_42, %dma_start3A_48] : memref<40x125xi32, #tpu.memory_space<vmem>> -> memref<1x125xi32, #tpu.memory_space<vmem>>
        %dma_start3A_50 = tpu.memref_squeeze %dma_start3A_49 : memref<1x125xi32, #tpu.memory_space<vmem>> -> memref<125xi32, #tpu.memory_space<vmem>>
        %dma_start3A_51 = arith.constant 0 : i32
        %dma_start3A_52 = arith.constant 0 : i32
        %dma_start3A_53 = tpu.memref_slice %arg2[%dma_start3A_51, %dma_start3A_52] : memref<10000x128xf32, #tpu.memory_space<hbm>> -> memref<10000x128xf32, #tpu.memory_space<hbm>>
        tpu.enqueue_indirect_dma source(%dma_start3A_53 : memref<10000x128xf32, #tpu.memory_space<hbm>>) target(%arg9 : memref<125x128xf32, #tpu.memory_space<vmem>>) offsets(%dma_start3A_50 : memref<125xi32, #tpu.memory_space<vmem>>) semaphore(%arg11 : memref<!tpu.dma_semaphore, #tpu.memory_space<semaphore_mem>>)
        "tpu.region"() ({
          %run_scoped3A = tpu.sem_alloc : memref<!tpu.dma_semaphore, #tpu.memory_space<semaphore_mem>>
          %dma_start3A_64 = arith.constant 0 : i32
          %dma_start3A_65 = tpu.memref_slice %arg7[%mul3A_40, %dma_start3A_64] : memref<40x125xi32, #tpu.memory_space<vmem>> -> memref<1x125xi32, #tpu.memory_space<vmem>>
          %dma_start3A_66 = tpu.memref_squeeze %dma_start3A_65 : memref<1x125xi32, #tpu.memory_space<vmem>> -> memref<125xi32, #tpu.memory_space<vmem>>
          %dma_start3A_67 = arith.constant 0 : i32
          %dma_start3A_68 = arith.constant 0 : i32
          %dma_start3A_69 = tpu.memref_slice %arg10[%dma_start3A_67, %dma_start3A_68] : memref<10008x128xf32, #tpu.memory_space<vmem_shared>> -> memref<10008x128xf32, #tpu.memory_space<vmem_shared>>
          tpu.enqueue_indirect_dma source(%arg8 : memref<125x128xf32, #tpu.memory_space<vmem>>) target(%dma_start3A_69 : memref<10008x128xf32, #tpu.memory_space<vmem_shared>>) offsets(%dma_start3A_66 : memref<125xi32, #tpu.memory_space<vmem>>) semaphore(%run_scoped3A : memref<!tpu.dma_semaphore, #tpu.memory_space<semaphore_mem>>) {add = true}
          %dma_wait3A_70 = arith.constant 0 : i32
          %dma_wait3A_71 = tpu.memref_slice %arg7[%mul3A_40, %dma_wait3A_70] : memref<40x125xi32, #tpu.memory_space<vmem>> -> memref<1x125xi32, #tpu.memory_space<vmem>>
          %dma_wait3A_72 = tpu.memref_squeeze %dma_wait3A_71 : memref<1x125xi32, #tpu.memory_space<vmem>> -> memref<125xi32, #tpu.memory_space<vmem>>
          %dma_wait3A_73 = arith.constant 0 : i32
          %dma_wait3A_74 = arith.constant 0 : i32
          %dma_wait3A_75 = tpu.memref_slice %arg10[%dma_wait3A_73, %dma_wait3A_74] : memref<10008x128xf32, #tpu.memory_space<vmem_shared>> -> memref<10008x128xf32, #tpu.memory_space<vmem_shared>>
          tpu.wait_indirect_dma semaphore(%run_scoped3A : memref<!tpu.dma_semaphore, #tpu.memory_space<semaphore_mem>>) src(%arg8 : memref<125x128xf32, #tpu.memory_space<vmem>>) dst(%dma_wait3A_75 : memref<10008x128xf32, #tpu.memory_space<vmem_shared>>)
          tpu.yield
        }) : () -> ()
        %dma_wait3A_54 = arith.constant 0 : i32
        %dma_wait3A_55 = tpu.memref_slice %arg6[%add3A_42, %dma_wait3A_54] : memref<40x125xi32, #tpu.memory_space<vmem>> -> memref<1x125xi32, #tpu.memory_space<vmem>>
        %dma_wait3A_56 = tpu.memref_squeeze %dma_wait3A_55 : memref<1x125xi32, #tpu.memory_space<vmem>> -> memref<125xi32, #tpu.memory_space<vmem>>
        %dma_wait3A_57 = arith.constant 0 : i32
        %dma_wait3A_58 = arith.constant 0 : i32
        %dma_wait3A_59 = tpu.memref_slice %arg2[%dma_wait3A_57, %dma_wait3A_58] : memref<10000x128xf32, #tpu.memory_space<hbm>> -> memref<10000x128xf32, #tpu.memory_space<hbm>>
        tpu.wait_indirect_dma semaphore(%arg11 : memref<!tpu.dma_semaphore, #tpu.memory_space<semaphore_mem>>) src(%dma_wait3A_59 : memref<10000x128xf32, #tpu.memory_space<hbm>>) dst(%arg9 : memref<125x128xf32, #tpu.memory_space<vmem>>)
        %lt3A = arith.constant 19 : i32
        %lt3A_60 = arith.cmpi slt, %scan3A_38, %lt3A : i32
        %convert_element_type3A_61 = arith.extui %lt3A_60 : i1 to i32
        %cond3A_62 = arith.constant 0 : i32
        %cond3A_63 = arith.cmpi ne, %convert_element_type3A_61, %cond3A_62 : i32
        scf.if %cond3A_63 {
          %add3A_64 = arith.constant 2 : i32
          %add3A_65 = arith.addi %mul3A_40, %add3A_64 : i32
          %dma_start3A_66 = arith.constant 0 : i32
          %dma_start3A_67 = tpu.memref_slice %arg6[%add3A_65, %dma_start3A_66] : memref<40x125xi32, #tpu.memory_space<vmem>> -> memref<1x125xi32, #tpu.memory_space<vmem>>
          %dma_start3A_68 = tpu.memref_squeeze %dma_start3A_67 : memref<1x125xi32, #tpu.memory_space<vmem>> -> memref<125xi32, #tpu.memory_space<vmem>>
          %dma_start3A_69 = arith.constant 0 : i32
          %dma_start3A_70 = arith.constant 0 : i32
          %dma_start3A_71 = tpu.memref_slice %arg2[%dma_start3A_69, %dma_start3A_70] : memref<10000x128xf32, #tpu.memory_space<hbm>> -> memref<10000x128xf32, #tpu.memory_space<hbm>>
          tpu.enqueue_indirect_dma source(%dma_start3A_71 : memref<10000x128xf32, #tpu.memory_space<hbm>>) target(%arg8 : memref<125x128xf32, #tpu.memory_space<vmem>>) offsets(%dma_start3A_68 : memref<125xi32, #tpu.memory_space<vmem>>) semaphore(%arg11 : memref<!tpu.dma_semaphore, #tpu.memory_space<semaphore_mem>>)
        } else {
        }
        "tpu.region"() ({
          %run_scoped3A = tpu.sem_alloc : memref<!tpu.dma_semaphore, #tpu.memory_space<semaphore_mem>>
          %dma_start3A_64 = arith.constant 0 : i32
          %dma_start3A_65 = tpu.memref_slice %arg7[%add3A_42, %dma_start3A_64] : memref<40x125xi32, #tpu.memory_space<vmem>> -> memref<1x125xi32, #tpu.memory_space<vmem>>
          %dma_start3A_66 = tpu.memref_squeeze %dma_start3A_65 : memref<1x125xi32, #tpu.memory_space<vmem>> -> memref<125xi32, #tpu.memory_space<vmem>>
          %dma_start3A_67 = arith.constant 0 : i32
          %dma_start3A_68 = arith.constant 0 : i32
          %dma_start3A_69 = tpu.memref_slice %arg10[%dma_start3A_67, %dma_start3A_68] : memref<10008x128xf32, #tpu.memory_space<vmem_shared>> -> memref<10008x128xf32, #tpu.memory_space<vmem_shared>>
          tpu.enqueue_indirect_dma source(%arg9 : memref<125x128xf32, #tpu.memory_space<vmem>>) target(%dma_start3A_69 : memref<10008x128xf32, #tpu.memory_space<vmem_shared>>) offsets(%dma_start3A_66 : memref<125xi32, #tpu.memory_space<vmem>>) semaphore(%run_scoped3A : memref<!tpu.dma_semaphore, #tpu.memory_space<semaphore_mem>>) {add = true}
          %dma_wait3A_70 = arith.constant 0 : i32
          %dma_wait3A_71 = tpu.memref_slice %arg7[%add3A_42, %dma_wait3A_70] : memref<40x125xi32, #tpu.memory_space<vmem>> -> memref<1x125xi32, #tpu.memory_space<vmem>>
          %dma_wait3A_72 = tpu.memref_squeeze %dma_wait3A_71 : memref<1x125xi32, #tpu.memory_space<vmem>> -> memref<125xi32, #tpu.memory_space<vmem>>
          %dma_wait3A_73 = arith.constant 0 : i32
          %dma_wait3A_74 = arith.constant 0 : i32
          %dma_wait3A_75 = tpu.memref_slice %arg10[%dma_wait3A_73, %dma_wait3A_74] : memref<10008x128xf32, #tpu.memory_space<vmem_shared>> -> memref<10008x128xf32, #tpu.memory_space<vmem_shared>>
          tpu.wait_indirect_dma semaphore(%run_scoped3A : memref<!tpu.dma_semaphore, #tpu.memory_space<semaphore_mem>>) src(%arg9 : memref<125x128xf32, #tpu.memory_space<vmem>>) dst(%dma_wait3A_75 : memref<10008x128xf32, #tpu.memory_space<vmem_shared>>)
          tpu.yield
        }) : () -> ()
      }
      %scan3A_37 = arith.constant 20 : i32
    }
    %scan3A_11 = arith.constant 4 : i32
    %barrier3A_12 = arith.constant 0 : index
    tpu.barrier barrier_id(%barrier3A_12)
    %mul3A_13 = arith.constant 624 : i32
    %mul3A_14 = arith.muli %arg1, %mul3A_13 : i32
    %mul3A_15 = arith.constant 10000 : i32
    %mul3A_16 = arith.muli %arg0, %mul3A_15 : i32
    %mul3A_17 = arith.constant 624 : i32
    %mul3A_18 = arith.muli %arg1, %mul3A_17 : i32
    %add3A_19 = arith.addi %mul3A_16, %mul3A_18 : i32
    "tpu.region"() ({
      %run_scoped3A = tpu.sem_alloc : memref<!tpu.dma_semaphore, #tpu.memory_space<semaphore_mem>>
      %dma_start3A = arith.constant 0 : i32
      %dma_start3A_25 = tpu.memref_slice %arg5[%add3A_19, %dma_start3A] : memref<20000x128xf32, #tpu.memory_space<hbm>> -> memref<624x128xf32, #tpu.memory_space<hbm>>
      %dma_start3A_26 = arith.constant 0 : i32
      %dma_start3A_27 = tpu.memref_slice %arg10[%mul3A_14, %dma_start3A_26] : memref<10008x128xf32, #tpu.memory_space<vmem_shared>> -> memref<624x128xf32, #tpu.memory_space<vmem_shared>>
      tpu.enqueue_dma source(%dma_start3A_27 : memref<624x128xf32, #tpu.memory_space<vmem_shared>>) target(%dma_start3A_25 : memref<624x128xf32, #tpu.memory_space<hbm>>) target_semaphore(%run_scoped3A : memref<!tpu.dma_semaphore, #tpu.memory_space<semaphore_mem>>)
      %dma_wait3A = arith.constant 0 : i32
      %dma_wait3A_28 = tpu.memref_slice %arg5[%add3A_19, %dma_wait3A] : memref<20000x128xf32, #tpu.memory_space<hbm>> -> memref<624x128xf32, #tpu.memory_space<hbm>>
      %dma_wait3A_29 = arith.constant 0 : i32
      %dma_wait3A_30 = tpu.memref_slice %arg10[%mul3A_14, %dma_wait3A_29] : memref<10008x128xf32, #tpu.memory_space<vmem_shared>> -> memref<624x128xf32, #tpu.memory_space<vmem_shared>>
      tpu.wait_dma2 semaphore(%run_scoped3A : memref<!tpu.dma_semaphore, #tpu.memory_space<semaphore_mem>>) src(%dma_wait3A_30 : memref<624x128xf32, #tpu.memory_space<vmem_shared>>) dst(%dma_wait3A_28 : memref<624x128xf32, #tpu.memory_space<hbm>>)
      tpu.yield
    }) : () -> ()
    %eq3A_20 = arith.constant 0 : i32
    %eq3A_21 = arith.cmpi eq, %arg1, %eq3A_20 : i32
    %convert_element_type3A_22 = arith.extui %eq3A_21 : i1 to i32
    %cond3A_23 = arith.constant 0 : i32
    %cond3A_24 = arith.cmpi ne, %convert_element_type3A_22, %cond3A_23 : i32
    scf.if %cond3A_24 {
      %mul3A_25 = arith.constant 10000 : i32
      %mul3A_26 = arith.muli %arg0, %mul3A_25 : i32
      %add3A_27 = arith.constant 9984 : i32
      %add3A_28 = arith.addi %mul3A_26, %add3A_27 : i32
      "tpu.region"() ({
        %run_scoped3A = tpu.sem_alloc : memref<!tpu.dma_semaphore, #tpu.memory_space<semaphore_mem>>
        %dma_start3A = arith.constant 0 : i32
        %dma_start3A_29 = tpu.memref_slice %arg5[%add3A_28, %dma_start3A] : memref<20000x128xf32, #tpu.memory_space<hbm>> -> memref<16x128xf32, #tpu.memory_space<hbm>>
        %dma_start3A_30 = arith.constant 9984 : i32
        %dma_start3A_31 = arith.constant 0 : i32
        %dma_start3A_32 = tpu.memref_slice %arg10[%dma_start3A_30, %dma_start3A_31] : memref<10008x128xf32, #tpu.memory_space<vmem_shared>> -> memref<16x128xf32, #tpu.memory_space<vmem_shared>>
        tpu.enqueue_dma source(%dma_start3A_32 : memref<16x128xf32, #tpu.memory_space<vmem_shared>>) target(%dma_start3A_29 : memref<16x128xf32, #tpu.memory_space<hbm>>) target_semaphore(%run_scoped3A : memref<!tpu.dma_semaphore, #tpu.memory_space<semaphore_mem>>)
        %dma_wait3A = arith.constant 0 : i32
        %dma_wait3A_33 = tpu.memref_slice %arg5[%add3A_28, %dma_wait3A] : memref<20000x128xf32, #tpu.memory_space<hbm>> -> memref<16x128xf32, #tpu.memory_space<hbm>>
        %dma_wait3A_34 = arith.constant 9984 : i32
        %dma_wait3A_35 = arith.constant 0 : i32
        %dma_wait3A_36 = tpu.memref_slice %arg10[%dma_wait3A_34, %dma_wait3A_35] : memref<10008x128xf32, #tpu.memory_space<vmem_shared>> -> memref<16x128xf32, #tpu.memory_space<vmem_shared>>
        tpu.wait_dma2 semaphore(%run_scoped3A : memref<!tpu.dma_semaphore, #tpu.memory_space<semaphore_mem>>) src(%dma_wait3A_36 : memref<16x128xf32, #tpu.memory_space<vmem_shared>>) dst(%dma_wait3A_33 : memref<16x128xf32, #tpu.memory_space<hbm>>)
        tpu.yield
      }) : () -> ()
    } else {
    }
    return
  }
}

#map = affine_map<(d0, d1) -> (0, 0)>
#map1 = affine_map<(d0, d1) -> (0, 0, 0, 0)>
module attributes {stable_mosaic.version = 14 : i64} {
  func.func @_gin_body(%arg0: i32, %arg1: i32, %arg2: memref<10000x128xf32, #tpu.memory_space<hbm>>, %arg3: memref<32x4x40x125xi32, #tpu.memory_space<hbm>>, %arg4: memref<32x4x40x125xi32, #tpu.memory_space<hbm>>, %arg5: memref<20000x128xf32, #tpu.memory_space<hbm>>, %arg6: memref<40x125xi32, #tpu.memory_space<vmem>>, %arg7: memref<40x125xi32, #tpu.memory_space<vmem>>, %arg8: memref<125x128xf32, #tpu.memory_space<vmem>>, %arg9: memref<125x128xf32, #tpu.memory_space<vmem>>, %arg10: memref<10008x128xf32, #tpu.memory_space<vmem_shared>>, %arg11: memref<!tpu.dma_semaphore, #tpu.memory_space<semaphore_mem>>) attributes {dimension_semantics = [#tpu.dimension_semantics<core_parallel>, #tpu.dimension_semantics<subcore_parallel>], iteration_bounds = array<i64: 2, 16>, scalar_prefetch = 0 : i64, scratch_operands = 6 : i64, tpu.core_type = #tpu.core_type<sc_vector_subcore>, window_params = [{transform_indices = #map}, {transform_indices = #map1}, {transform_indices = #map1}, {transform_indices = #map}]} {
    %mul3A = arith.constant 2 : i32
    %mul3A_0 = arith.muli %arg1, %mul3A : i32
    %add3A = arith.addi %mul3A_0, %arg0 : i32
    %mul3A_1 = arith.constant 624 : i32
    %mul3A_2 = arith.muli %arg1, %mul3A_1 : i32
    %mul3A_3 = arith.constant 624 : i32
    %mul3A_4 = arith.muli %arg1, %mul3A_3 : i32
    "tpu.region"() ({
      %run_scoped3A = tpu.sem_alloc : memref<!tpu.dma_semaphore, #tpu.memory_space<semaphore_mem>>
      %dma_start3A = arith.constant 0 : i32
      %dma_start3A_25 = tpu.memref_slice %arg10[%mul3A_4, %dma_start3A] : memref<10008x128xf32, #tpu.memory_space<vmem_shared>> -> memref<624x128xf32, #tpu.memory_space<vmem_shared>>
      %dma_start3A_26 = arith.constant 0 : i32
      %dma_start3A_27 = tpu.memref_slice %arg2[%mul3A_2, %dma_start3A_26] : memref<10000x128xf32, #tpu.memory_space<hbm>> -> memref<624x128xf32, #tpu.memory_space<hbm>>
      tpu.enqueue_dma source(%dma_start3A_27 : memref<624x128xf32, #tpu.memory_space<hbm>>) target(%dma_start3A_25 : memref<624x128xf32, #tpu.memory_space<vmem_shared>>) target_semaphore(%run_scoped3A : memref<!tpu.dma_semaphore, #tpu.memory_space<semaphore_mem>>)
      %dma_wait3A = arith.constant 0 : i32
      %dma_wait3A_28 = tpu.memref_slice %arg10[%mul3A_4, %dma_wait3A] : memref<10008x128xf32, #tpu.memory_space<vmem_shared>> -> memref<624x128xf32, #tpu.memory_space<vmem_shared>>
      %dma_wait3A_29 = arith.constant 0 : i32
      %dma_wait3A_30 = tpu.memref_slice %arg2[%mul3A_2, %dma_wait3A_29] : memref<10000x128xf32, #tpu.memory_space<hbm>> -> memref<624x128xf32, #tpu.memory_space<hbm>>
      tpu.wait_dma2 semaphore(%run_scoped3A : memref<!tpu.dma_semaphore, #tpu.memory_space<semaphore_mem>>) src(%dma_wait3A_30 : memref<624x128xf32, #tpu.memory_space<hbm>>) dst(%dma_wait3A_28 : memref<624x128xf32, #tpu.memory_space<vmem_shared>>)
      tpu.yield
    }) : () -> ()
    %eq3A = arith.constant 0 : i32
    %eq3A_5 = arith.cmpi eq, %arg1, %eq3A : i32
    %convert_element_type3A = arith.extui %eq3A_5 : i1 to i32
    %cond3A = arith.constant 0 : i32
    %cond3A_6 = arith.cmpi ne, %convert_element_type3A, %cond3A : i32
    scf.if %cond3A_6 {
      "tpu.region"() ({
        %run_scoped3A = tpu.sem_alloc : memref<!tpu.dma_semaphore, #tpu.memory_space<semaphore_mem>>
        %dma_start3A = arith.constant 9984 : i32
        %dma_start3A_25 = arith.constant 0 : i32
        %dma_start3A_26 = tpu.memref_slice %arg10[%dma_start3A, %dma_start3A_25] : memref<10008x128xf32, #tpu.memory_space<vmem_shared>> -> memref<16x128xf32, #tpu.memory_space<vmem_shared>>
        %dma_start3A_27 = arith.constant 9984 : i32
        %dma_start3A_28 = arith.constant 0 : i32
        %dma_start3A_29 = tpu.memref_slice %arg2[%dma_start3A_27, %dma_start3A_28] : memref<10000x128xf32, #tpu.memory_space<hbm>> -> memref<16x128xf32, #tpu.memory_space<hbm>>
        tpu.enqueue_dma source(%dma_start3A_29 : memref<16x128xf32, #tpu.memory_space<hbm>>) target(%dma_start3A_26 : memref<16x128xf32, #tpu.memory_space<vmem_shared>>) target_semaphore(%run_scoped3A : memref<!tpu.dma_semaphore, #tpu.memory_space<semaphore_mem>>)
        %dma_wait3A = arith.constant 9984 : i32
        %dma_wait3A_30 = arith.constant 0 : i32
        %dma_wait3A_31 = tpu.memref_slice %arg10[%dma_wait3A, %dma_wait3A_30] : memref<10008x128xf32, #tpu.memory_space<vmem_shared>> -> memref<16x128xf32, #tpu.memory_space<vmem_shared>>
        %dma_wait3A_32 = arith.constant 9984 : i32
        %dma_wait3A_33 = arith.constant 0 : i32
        %dma_wait3A_34 = tpu.memref_slice %arg2[%dma_wait3A_32, %dma_wait3A_33] : memref<10000x128xf32, #tpu.memory_space<hbm>> -> memref<16x128xf32, #tpu.memory_space<hbm>>
        tpu.wait_dma2 semaphore(%run_scoped3A : memref<!tpu.dma_semaphore, #tpu.memory_space<semaphore_mem>>) src(%dma_wait3A_34 : memref<16x128xf32, #tpu.memory_space<hbm>>) dst(%dma_wait3A_31 : memref<16x128xf32, #tpu.memory_space<vmem_shared>>)
        tpu.yield
      }) : () -> ()
    } else {
    }
    %barrier3A = arith.constant 0 : index
    tpu.barrier barrier_id(%barrier3A)
    %scan3A = arith.constant 0 : i32
    %scan3A_7 = arith.constant 0 : i32
    %scan3A_8 = arith.constant 4 : i32
    %scan3A_9 = arith.addi %scan3A_7, %scan3A_8 : i32
    %scan3A_10 = arith.constant 1 : i32
    scf.for %scan3A_25 = %scan3A_7 to %scan3A_9 step %scan3A_10  : i32 {
      "tpu.region"() ({
        %run_scoped3A = tpu.sem_alloc : memref<!tpu.dma_semaphore, #tpu.memory_space<semaphore_mem>>
        %dma_start3A_38 = arith.constant 0 : i32
        %dma_start3A_39 = arith.constant 0 : i32
        %dma_start3A_40 = tpu.memref_slice %arg3[%add3A, %scan3A_25, %dma_start3A_38, %dma_start3A_39] : memref<32x4x40x125xi32, #tpu.memory_space<hbm>> -> memref<1x1x40x125xi32, #tpu.memory_space<hbm>>
        %dma_start3A_41 = tpu.memref_squeeze %dma_start3A_40 : memref<1x1x40x125xi32, #tpu.memory_space<hbm>> -> memref<40x125xi32, #tpu.memory_space<hbm>>
        %dma_start3A_42 = arith.constant 0 : i32
        %dma_start3A_43 = arith.constant 0 : i32
        %dma_start3A_44 = tpu.memref_slice %arg3[%add3A, %scan3A_25, %dma_start3A_42, %dma_start3A_43] : memref<32x4x40x125xi32, #tpu.memory_space<hbm>> -> memref<1x1x40x125xi32, #tpu.memory_space<hbm>>
        %dma_start3A_45 = tpu.memref_squeeze %dma_start3A_44 : memref<1x1x40x125xi32, #tpu.memory_space<hbm>> -> memref<40x125xi32, #tpu.memory_space<hbm>>
        tpu.enqueue_dma source(%dma_start3A_45 : memref<40x125xi32, #tpu.memory_space<hbm>>) target(%arg6 : memref<40x125xi32, #tpu.memory_space<vmem>>) target_semaphore(%run_scoped3A : memref<!tpu.dma_semaphore, #tpu.memory_space<semaphore_mem>>)
        %dma_wait3A = arith.constant 0 : i32
        %dma_wait3A_46 = arith.constant 0 : i32
        %dma_wait3A_47 = tpu.memref_slice %arg3[%add3A, %scan3A_25, %dma_wait3A, %dma_wait3A_46] : memref<32x4x40x125xi32, #tpu.memory_space<hbm>> -> memref<1x1x40x125xi32, #tpu.memory_space<hbm>>
        %dma_wait3A_48 = tpu.memref_squeeze %dma_wait3A_47 : memref<1x1x40x125xi32, #tpu.memory_space<hbm>> -> memref<40x125xi32, #tpu.memory_space<hbm>>
        %dma_wait3A_49 = arith.constant 0 : i32
        %dma_wait3A_50 = arith.constant 0 : i32
        %dma_wait3A_51 = tpu.memref_slice %arg3[%add3A, %scan3A_25, %dma_wait3A_49, %dma_wait3A_50] : memref<32x4x40x125xi32, #tpu.memory_space<hbm>> -> memref<1x1x40x125xi32, #tpu.memory_space<hbm>>
        %dma_wait3A_52 = tpu.memref_squeeze %dma_wait3A_51 : memref<1x1x40x125xi32, #tpu.memory_space<hbm>> -> memref<40x125xi32, #tpu.memory_space<hbm>>
        tpu.wait_dma2 semaphore(%run_scoped3A : memref<!tpu.dma_semaphore, #tpu.memory_space<semaphore_mem>>) src(%dma_wait3A_52 : memref<40x125xi32, #tpu.memory_space<hbm>>) dst(%arg6 : memref<40x125xi32, #tpu.memory_space<vmem>>)
        tpu.yield
      }) : () -> ()
      "tpu.region"() ({
        %run_scoped3A = tpu.sem_alloc : memref<!tpu.dma_semaphore, #tpu.memory_space<semaphore_mem>>
        %dma_start3A_38 = arith.constant 0 : i32
        %dma_start3A_39 = arith.constant 0 : i32
        %dma_start3A_40 = tpu.memref_slice %arg4[%add3A, %scan3A_25, %dma_start3A_38, %dma_start3A_39] : memref<32x4x40x125xi32, #tpu.memory_space<hbm>> -> memref<1x1x40x125xi32, #tpu.memory_space<hbm>>
        %dma_start3A_41 = tpu.memref_squeeze %dma_start3A_40 : memref<1x1x40x125xi32, #tpu.memory_space<hbm>> -> memref<40x125xi32, #tpu.memory_space<hbm>>
        %dma_start3A_42 = arith.constant 0 : i32
        %dma_start3A_43 = arith.constant 0 : i32
        %dma_start3A_44 = tpu.memref_slice %arg4[%add3A, %scan3A_25, %dma_start3A_42, %dma_start3A_43] : memref<32x4x40x125xi32, #tpu.memory_space<hbm>> -> memref<1x1x40x125xi32, #tpu.memory_space<hbm>>
        %dma_start3A_45 = tpu.memref_squeeze %dma_start3A_44 : memref<1x1x40x125xi32, #tpu.memory_space<hbm>> -> memref<40x125xi32, #tpu.memory_space<hbm>>
        tpu.enqueue_dma source(%dma_start3A_45 : memref<40x125xi32, #tpu.memory_space<hbm>>) target(%arg7 : memref<40x125xi32, #tpu.memory_space<vmem>>) target_semaphore(%run_scoped3A : memref<!tpu.dma_semaphore, #tpu.memory_space<semaphore_mem>>)
        %dma_wait3A = arith.constant 0 : i32
        %dma_wait3A_46 = arith.constant 0 : i32
        %dma_wait3A_47 = tpu.memref_slice %arg4[%add3A, %scan3A_25, %dma_wait3A, %dma_wait3A_46] : memref<32x4x40x125xi32, #tpu.memory_space<hbm>> -> memref<1x1x40x125xi32, #tpu.memory_space<hbm>>
        %dma_wait3A_48 = tpu.memref_squeeze %dma_wait3A_47 : memref<1x1x40x125xi32, #tpu.memory_space<hbm>> -> memref<40x125xi32, #tpu.memory_space<hbm>>
        %dma_wait3A_49 = arith.constant 0 : i32
        %dma_wait3A_50 = arith.constant 0 : i32
        %dma_wait3A_51 = tpu.memref_slice %arg4[%add3A, %scan3A_25, %dma_wait3A_49, %dma_wait3A_50] : memref<32x4x40x125xi32, #tpu.memory_space<hbm>> -> memref<1x1x40x125xi32, #tpu.memory_space<hbm>>
        %dma_wait3A_52 = tpu.memref_squeeze %dma_wait3A_51 : memref<1x1x40x125xi32, #tpu.memory_space<hbm>> -> memref<40x125xi32, #tpu.memory_space<hbm>>
        tpu.wait_dma2 semaphore(%run_scoped3A : memref<!tpu.dma_semaphore, #tpu.memory_space<semaphore_mem>>) src(%dma_wait3A_52 : memref<40x125xi32, #tpu.memory_space<hbm>>) dst(%arg7 : memref<40x125xi32, #tpu.memory_space<vmem>>)
        tpu.yield
      }) : () -> ()
      %dma_start3A = arith.constant 0 : i32
      %dma_start3A_26 = arith.constant 0 : i32
      %dma_start3A_27 = tpu.memref_slice %arg6[%dma_start3A, %dma_start3A_26] : memref<40x125xi32, #tpu.memory_space<vmem>> -> memref<1x125xi32, #tpu.memory_space<vmem>>
      %dma_start3A_28 = tpu.memref_squeeze %dma_start3A_27 : memref<1x125xi32, #tpu.memory_space<vmem>> -> memref<125xi32, #tpu.memory_space<vmem>>
      %dma_start3A_29 = arith.constant 0 : i32
      %dma_start3A_30 = arith.constant 0 : i32
      %dma_start3A_31 = tpu.memref_slice %arg2[%dma_start3A_29, %dma_start3A_30] : memref<10000x128xf32, #tpu.memory_space<hbm>> -> memref<10000x128xf32, #tpu.memory_space<hbm>>
      tpu.enqueue_indirect_dma source(%dma_start3A_31 : memref<10000x128xf32, #tpu.memory_space<hbm>>) target(%arg8 : memref<125x128xf32, #tpu.memory_space<vmem>>) offsets(%dma_start3A_28 : memref<125xi32, #tpu.memory_space<vmem>>) semaphore(%arg11 : memref<!tpu.dma_semaphore, #tpu.memory_space<semaphore_mem>>)
      %scan3A_32 = arith.constant 0 : i32
      %scan3A_33 = arith.constant 0 : i32
      %scan3A_34 = arith.constant 20 : i32
      %scan3A_35 = arith.addi %scan3A_33, %scan3A_34 : i32
      %scan3A_36 = arith.constant 1 : i32
      scf.for %scan3A_38 = %scan3A_33 to %scan3A_35 step %scan3A_36  : i32 {
        %mul3A_39 = arith.constant 2 : i32
        %mul3A_40 = arith.muli %scan3A_38, %mul3A_39 : i32
        %add3A_41 = arith.constant 1 : i32
        %add3A_42 = arith.addi %mul3A_40, %add3A_41 : i32
        %dma_wait3A = arith.constant 0 : i32
        %dma_wait3A_43 = tpu.memref_slice %arg6[%mul3A_40, %dma_wait3A] : memref<40x125xi32, #tpu.memory_space<vmem>> -> memref<1x125xi32, #tpu.memory_space<vmem>>
        %dma_wait3A_44 = tpu.memref_squeeze %dma_wait3A_43 : memref<1x125xi32, #tpu.memory_space<vmem>> -> memref<125xi32, #tpu.memory_space<vmem>>
        %dma_wait3A_45 = arith.constant 0 : i32
        %dma_wait3A_46 = arith.constant 0 : i32
        %dma_wait3A_47 = tpu.memref_slice %arg2[%dma_wait3A_45, %dma_wait3A_46] : memref<10000x128xf32, #tpu.memory_space<hbm>> -> memref<10000x128xf32, #tpu.memory_space<hbm>>
        tpu.wait_indirect_dma semaphore(%arg11 : memref<!tpu.dma_semaphore, #tpu.memory_space<semaphore_mem>>) src(%dma_wait3A_47 : memref<10000x128xf32, #tpu.memory_space<hbm>>) dst(%arg8 : memref<125x128xf32, #tpu.memory_space<vmem>>)
        %dma_start3A_48 = arith.constant 0 : i32
        %dma_start3A_49 = tpu.memref_slice %arg6[%add3A_42, %dma_start3A_48] : memref<40x125xi32, #tpu.memory_space<vmem>> -> memref<1x125xi32, #tpu.memory_space<vmem>>
        %dma_start3A_50 = tpu.memref_squeeze %dma_start3A_49 : memref<1x125xi32, #tpu.memory_space<vmem>> -> memref<125xi32, #tpu.memory_space<vmem>>
        %dma_start3A_51 = arith.constant 0 : i32
        %dma_start3A_52 = arith.constant 0 : i32
        %dma_start3A_53 = tpu.memref_slice %arg2[%dma_start3A_51, %dma_start3A_52] : memref<10000x128xf32, #tpu.memory_space<hbm>> -> memref<10000x128xf32, #tpu.memory_space<hbm>>
        tpu.enqueue_indirect_dma source(%dma_start3A_53 : memref<10000x128xf32, #tpu.memory_space<hbm>>) target(%arg9 : memref<125x128xf32, #tpu.memory_space<vmem>>) offsets(%dma_start3A_50 : memref<125xi32, #tpu.memory_space<vmem>>) semaphore(%arg11 : memref<!tpu.dma_semaphore, #tpu.memory_space<semaphore_mem>>)
        "tpu.region"() ({
          %run_scoped3A = tpu.sem_alloc : memref<!tpu.dma_semaphore, #tpu.memory_space<semaphore_mem>>
          %dma_start3A_64 = arith.constant 0 : i32
          %dma_start3A_65 = tpu.memref_slice %arg7[%mul3A_40, %dma_start3A_64] : memref<40x125xi32, #tpu.memory_space<vmem>> -> memref<1x125xi32, #tpu.memory_space<vmem>>
          %dma_start3A_66 = tpu.memref_squeeze %dma_start3A_65 : memref<1x125xi32, #tpu.memory_space<vmem>> -> memref<125xi32, #tpu.memory_space<vmem>>
          %dma_start3A_67 = arith.constant 0 : i32
          %dma_start3A_68 = arith.constant 0 : i32
          %dma_start3A_69 = tpu.memref_slice %arg10[%dma_start3A_67, %dma_start3A_68] : memref<10008x128xf32, #tpu.memory_space<vmem_shared>> -> memref<10008x128xf32, #tpu.memory_space<vmem_shared>>
          tpu.enqueue_indirect_dma source(%arg8 : memref<125x128xf32, #tpu.memory_space<vmem>>) target(%dma_start3A_69 : memref<10008x128xf32, #tpu.memory_space<vmem_shared>>) offsets(%dma_start3A_66 : memref<125xi32, #tpu.memory_space<vmem>>) semaphore(%run_scoped3A : memref<!tpu.dma_semaphore, #tpu.memory_space<semaphore_mem>>) {add = true}
          %dma_wait3A_70 = arith.constant 0 : i32
          %dma_wait3A_71 = tpu.memref_slice %arg7[%mul3A_40, %dma_wait3A_70] : memref<40x125xi32, #tpu.memory_space<vmem>> -> memref<1x125xi32, #tpu.memory_space<vmem>>
          %dma_wait3A_72 = tpu.memref_squeeze %dma_wait3A_71 : memref<1x125xi32, #tpu.memory_space<vmem>> -> memref<125xi32, #tpu.memory_space<vmem>>
          %dma_wait3A_73 = arith.constant 0 : i32
          %dma_wait3A_74 = arith.constant 0 : i32
          %dma_wait3A_75 = tpu.memref_slice %arg10[%dma_wait3A_73, %dma_wait3A_74] : memref<10008x128xf32, #tpu.memory_space<vmem_shared>> -> memref<10008x128xf32, #tpu.memory_space<vmem_shared>>
          tpu.wait_indirect_dma semaphore(%run_scoped3A : memref<!tpu.dma_semaphore, #tpu.memory_space<semaphore_mem>>) src(%arg8 : memref<125x128xf32, #tpu.memory_space<vmem>>) dst(%dma_wait3A_75 : memref<10008x128xf32, #tpu.memory_space<vmem_shared>>)
          tpu.yield
        }) : () -> ()
        %dma_wait3A_54 = arith.constant 0 : i32
        %dma_wait3A_55 = tpu.memref_slice %arg6[%add3A_42, %dma_wait3A_54] : memref<40x125xi32, #tpu.memory_space<vmem>> -> memref<1x125xi32, #tpu.memory_space<vmem>>
        %dma_wait3A_56 = tpu.memref_squeeze %dma_wait3A_55 : memref<1x125xi32, #tpu.memory_space<vmem>> -> memref<125xi32, #tpu.memory_space<vmem>>
        %dma_wait3A_57 = arith.constant 0 : i32
        %dma_wait3A_58 = arith.constant 0 : i32
        %dma_wait3A_59 = tpu.memref_slice %arg2[%dma_wait3A_57, %dma_wait3A_58] : memref<10000x128xf32, #tpu.memory_space<hbm>> -> memref<10000x128xf32, #tpu.memory_space<hbm>>
        tpu.wait_indirect_dma semaphore(%arg11 : memref<!tpu.dma_semaphore, #tpu.memory_space<semaphore_mem>>) src(%dma_wait3A_59 : memref<10000x128xf32, #tpu.memory_space<hbm>>) dst(%arg9 : memref<125x128xf32, #tpu.memory_space<vmem>>)
        %lt3A = arith.constant 19 : i32
        %lt3A_60 = arith.cmpi slt, %scan3A_38, %lt3A : i32
        %convert_element_type3A_61 = arith.extui %lt3A_60 : i1 to i32
        %cond3A_62 = arith.constant 0 : i32
        %cond3A_63 = arith.cmpi ne, %convert_element_type3A_61, %cond3A_62 : i32
        scf.if %cond3A_63 {
          %add3A_64 = arith.constant 2 : i32
          %add3A_65 = arith.addi %mul3A_40, %add3A_64 : i32
          %dma_start3A_66 = arith.constant 0 : i32
          %dma_start3A_67 = tpu.memref_slice %arg6[%add3A_65, %dma_start3A_66] : memref<40x125xi32, #tpu.memory_space<vmem>> -> memref<1x125xi32, #tpu.memory_space<vmem>>
          %dma_start3A_68 = tpu.memref_squeeze %dma_start3A_67 : memref<1x125xi32, #tpu.memory_space<vmem>> -> memref<125xi32, #tpu.memory_space<vmem>>
          %dma_start3A_69 = arith.constant 0 : i32
          %dma_start3A_70 = arith.constant 0 : i32
          %dma_start3A_71 = tpu.memref_slice %arg2[%dma_start3A_69, %dma_start3A_70] : memref<10000x128xf32, #tpu.memory_space<hbm>> -> memref<10000x128xf32, #tpu.memory_space<hbm>>
          tpu.enqueue_indirect_dma source(%dma_start3A_71 : memref<10000x128xf32, #tpu.memory_space<hbm>>) target(%arg8 : memref<125x128xf32, #tpu.memory_space<vmem>>) offsets(%dma_start3A_68 : memref<125xi32, #tpu.memory_space<vmem>>) semaphore(%arg11 : memref<!tpu.dma_semaphore, #tpu.memory_space<semaphore_mem>>)
        } else {
        }
        "tpu.region"() ({
          %run_scoped3A = tpu.sem_alloc : memref<!tpu.dma_semaphore, #tpu.memory_space<semaphore_mem>>
          %dma_start3A_64 = arith.constant 0 : i32
          %dma_start3A_65 = tpu.memref_slice %arg7[%add3A_42, %dma_start3A_64] : memref<40x125xi32, #tpu.memory_space<vmem>> -> memref<1x125xi32, #tpu.memory_space<vmem>>
          %dma_start3A_66 = tpu.memref_squeeze %dma_start3A_65 : memref<1x125xi32, #tpu.memory_space<vmem>> -> memref<125xi32, #tpu.memory_space<vmem>>
          %dma_start3A_67 = arith.constant 0 : i32
          %dma_start3A_68 = arith.constant 0 : i32
          %dma_start3A_69 = tpu.memref_slice %arg10[%dma_start3A_67, %dma_start3A_68] : memref<10008x128xf32, #tpu.memory_space<vmem_shared>> -> memref<10008x128xf32, #tpu.memory_space<vmem_shared>>
          tpu.enqueue_indirect_dma source(%arg9 : memref<125x128xf32, #tpu.memory_space<vmem>>) target(%dma_start3A_69 : memref<10008x128xf32, #tpu.memory_space<vmem_shared>>) offsets(%dma_start3A_66 : memref<125xi32, #tpu.memory_space<vmem>>) semaphore(%run_scoped3A : memref<!tpu.dma_semaphore, #tpu.memory_space<semaphore_mem>>) {add = true}
          %dma_wait3A_70 = arith.constant 0 : i32
          %dma_wait3A_71 = tpu.memref_slice %arg7[%add3A_42, %dma_wait3A_70] : memref<40x125xi32, #tpu.memory_space<vmem>> -> memref<1x125xi32, #tpu.memory_space<vmem>>
          %dma_wait3A_72 = tpu.memref_squeeze %dma_wait3A_71 : memref<1x125xi32, #tpu.memory_space<vmem>> -> memref<125xi32, #tpu.memory_space<vmem>>
          %dma_wait3A_73 = arith.constant 0 : i32
          %dma_wait3A_74 = arith.constant 0 : i32
          %dma_wait3A_75 = tpu.memref_slice %arg10[%dma_wait3A_73, %dma_wait3A_74] : memref<10008x128xf32, #tpu.memory_space<vmem_shared>> -> memref<10008x128xf32, #tpu.memory_space<vmem_shared>>
          tpu.wait_indirect_dma semaphore(%run_scoped3A : memref<!tpu.dma_semaphore, #tpu.memory_space<semaphore_mem>>) src(%arg9 : memref<125x128xf32, #tpu.memory_space<vmem>>) dst(%dma_wait3A_75 : memref<10008x128xf32, #tpu.memory_space<vmem_shared>>)
          tpu.yield
        }) : () -> ()
      }
      %scan3A_37 = arith.constant 20 : i32
    }
    %scan3A_11 = arith.constant 4 : i32
    %barrier3A_12 = arith.constant 0 : index
    tpu.barrier barrier_id(%barrier3A_12)
    %mul3A_13 = arith.constant 624 : i32
    %mul3A_14 = arith.muli %arg1, %mul3A_13 : i32
    %mul3A_15 = arith.constant 10000 : i32
    %mul3A_16 = arith.muli %arg0, %mul3A_15 : i32
    %mul3A_17 = arith.constant 624 : i32
    %mul3A_18 = arith.muli %arg1, %mul3A_17 : i32
    %add3A_19 = arith.addi %mul3A_16, %mul3A_18 : i32
    "tpu.region"() ({
      %run_scoped3A = tpu.sem_alloc : memref<!tpu.dma_semaphore, #tpu.memory_space<semaphore_mem>>
      %dma_start3A = arith.constant 0 : i32
      %dma_start3A_25 = tpu.memref_slice %arg5[%add3A_19, %dma_start3A] : memref<20000x128xf32, #tpu.memory_space<hbm>> -> memref<624x128xf32, #tpu.memory_space<hbm>>
      %dma_start3A_26 = arith.constant 0 : i32
      %dma_start3A_27 = tpu.memref_slice %arg10[%mul3A_14, %dma_start3A_26] : memref<10008x128xf32, #tpu.memory_space<vmem_shared>> -> memref<624x128xf32, #tpu.memory_space<vmem_shared>>
      tpu.enqueue_dma source(%dma_start3A_27 : memref<624x128xf32, #tpu.memory_space<vmem_shared>>) target(%dma_start3A_25 : memref<624x128xf32, #tpu.memory_space<hbm>>) target_semaphore(%run_scoped3A : memref<!tpu.dma_semaphore, #tpu.memory_space<semaphore_mem>>)
      %dma_wait3A = arith.constant 0 : i32
      %dma_wait3A_28 = tpu.memref_slice %arg5[%add3A_19, %dma_wait3A] : memref<20000x128xf32, #tpu.memory_space<hbm>> -> memref<624x128xf32, #tpu.memory_space<hbm>>
      %dma_wait3A_29 = arith.constant 0 : i32
      %dma_wait3A_30 = tpu.memref_slice %arg10[%mul3A_14, %dma_wait3A_29] : memref<10008x128xf32, #tpu.memory_space<vmem_shared>> -> memref<624x128xf32, #tpu.memory_space<vmem_shared>>
      tpu.wait_dma2 semaphore(%run_scoped3A : memref<!tpu.dma_semaphore, #tpu.memory_space<semaphore_mem>>) src(%dma_wait3A_30 : memref<624x128xf32, #tpu.memory_space<vmem_shared>>) dst(%dma_wait3A_28 : memref<624x128xf32, #tpu.memory_space<hbm>>)
      tpu.yield
    }) : () -> ()
    %eq3A_20 = arith.constant 0 : i32
    %eq3A_21 = arith.cmpi eq, %arg1, %eq3A_20 : i32
    %convert_element_type3A_22 = arith.extui %eq3A_21 : i1 to i32
    %cond3A_23 = arith.constant 0 : i32
    %cond3A_24 = arith.cmpi ne, %convert_element_type3A_22, %cond3A_23 : i32
    scf.if %cond3A_24 {
      %mul3A_25 = arith.constant 10000 : i32
      %mul3A_26 = arith.muli %arg0, %mul3A_25 : i32
      %add3A_27 = arith.constant 9984 : i32
      %add3A_28 = arith.addi %mul3A_26, %add3A_27 : i32
      "tpu.region"() ({
        %run_scoped3A = tpu.sem_alloc : memref<!tpu.dma_semaphore, #tpu.memory_space<semaphore_mem>>
        %dma_start3A = arith.constant 0 : i32
        %dma_start3A_29 = tpu.memref_slice %arg5[%add3A_28, %dma_start3A] : memref<20000x128xf32, #tpu.memory_space<hbm>> -> memref<16x128xf32, #tpu.memory_space<hbm>>
        %dma_start3A_30 = arith.constant 9984 : i32
        %dma_start3A_31 = arith.constant 0 : i32
        %dma_start3A_32 = tpu.memref_slice %arg10[%dma_start3A_30, %dma_start3A_31] : memref<10008x128xf32, #tpu.memory_space<vmem_shared>> -> memref<16x128xf32, #tpu.memory_space<vmem_shared>>
        tpu.enqueue_dma source(%dma_start3A_32 : memref<16x128xf32, #tpu.memory_space<vmem_shared>>) target(%dma_start3A_29 : memref<16x128xf32, #tpu.memory_space<hbm>>) target_semaphore(%run_scoped3A : memref<!tpu.dma_semaphore, #tpu.memory_space<semaphore_mem>>)
        %dma_wait3A = arith.constant 0 : i32
        %dma_wait3A_33 = tpu.memref_slice %arg5[%add3A_28, %dma_wait3A] : memref<20000x128xf32, #tpu.memory_space<hbm>> -> memref<16x128xf32, #tpu.memory_space<hbm>>
        %dma_wait3A_34 = arith.constant 9984 : i32
        %dma_wait3A_35 = arith.constant 0 : i32
        %dma_wait3A_36 = tpu.memref_slice %arg10[%dma_wait3A_34, %dma_wait3A_35] : memref<10008x128xf32, #tpu.memory_space<vmem_shared>> -> memref<16x128xf32, #tpu.memory_space<vmem_shared>>
        tpu.wait_dma2 semaphore(%run_scoped3A : memref<!tpu.dma_semaphore, #tpu.memory_space<semaphore_mem>>) src(%dma_wait3A_36 : memref<16x128xf32, #tpu.memory_space<vmem_shared>>) dst(%dma_wait3A_33 : memref<16x128xf32, #tpu.memory_space<hbm>>)
        tpu.yield
      }) : () -> ()
    } else {
    }
    return
  }
}

#map = affine_map<(d0, d1) -> (0, 0)>
#map1 = affine_map<(d0, d1) -> (0, 0, 0, 0)>
module attributes {stable_mosaic.version = 14 : i64} {
  func.func @_gin_body(%arg0: i32, %arg1: i32, %arg2: memref<10000x128xf32, #tpu.memory_space<hbm>>, %arg3: memref<32x4x40x125xi32, #tpu.memory_space<hbm>>, %arg4: memref<32x4x40x125xi32, #tpu.memory_space<hbm>>, %arg5: memref<20000x128xf32, #tpu.memory_space<hbm>>, %arg6: memref<40x125xi32, #tpu.memory_space<vmem>>, %arg7: memref<40x125xi32, #tpu.memory_space<vmem>>, %arg8: memref<125x128xf32, #tpu.memory_space<vmem>>, %arg9: memref<125x128xf32, #tpu.memory_space<vmem>>, %arg10: memref<10008x128xf32, #tpu.memory_space<vmem_shared>>, %arg11: memref<!tpu.dma_semaphore, #tpu.memory_space<semaphore_mem>>) attributes {dimension_semantics = [#tpu.dimension_semantics<core_parallel>, #tpu.dimension_semantics<subcore_parallel>], iteration_bounds = array<i64: 2, 16>, scalar_prefetch = 0 : i64, scratch_operands = 6 : i64, tpu.core_type = #tpu.core_type<sc_vector_subcore>, window_params = [{transform_indices = #map}, {transform_indices = #map1}, {transform_indices = #map1}, {transform_indices = #map}]} {
    %mul3A = arith.constant 2 : i32
    %mul3A_0 = arith.muli %arg1, %mul3A : i32
    %add3A = arith.addi %mul3A_0, %arg0 : i32
    %mul3A_1 = arith.constant 624 : i32
    %mul3A_2 = arith.muli %arg1, %mul3A_1 : i32
    %mul3A_3 = arith.constant 624 : i32
    %mul3A_4 = arith.muli %arg1, %mul3A_3 : i32
    "tpu.region"() ({
      %run_scoped3A = tpu.sem_alloc : memref<!tpu.dma_semaphore, #tpu.memory_space<semaphore_mem>>
      %dma_start3A = arith.constant 0 : i32
      %dma_start3A_25 = tpu.memref_slice %arg10[%mul3A_4, %dma_start3A] : memref<10008x128xf32, #tpu.memory_space<vmem_shared>> -> memref<624x128xf32, #tpu.memory_space<vmem_shared>>
      %dma_start3A_26 = arith.constant 0 : i32
      %dma_start3A_27 = tpu.memref_slice %arg2[%mul3A_2, %dma_start3A_26] : memref<10000x128xf32, #tpu.memory_space<hbm>> -> memref<624x128xf32, #tpu.memory_space<hbm>>
      tpu.enqueue_dma source(%dma_start3A_27 : memref<624x128xf32, #tpu.memory_space<hbm>>) target(%dma_start3A_25 : memref<624x128xf32, #tpu.memory_space<vmem_shared>>) target_semaphore(%run_scoped3A : memref<!tpu.dma_semaphore, #tpu.memory_space<semaphore_mem>>)
      %dma_wait3A = arith.constant 0 : i32
      %dma_wait3A_28 = tpu.memref_slice %arg10[%mul3A_4, %dma_wait3A] : memref<10008x128xf32, #tpu.memory_space<vmem_shared>> -> memref<624x128xf32, #tpu.memory_space<vmem_shared>>
      %dma_wait3A_29 = arith.constant 0 : i32
      %dma_wait3A_30 = tpu.memref_slice %arg2[%mul3A_2, %dma_wait3A_29] : memref<10000x128xf32, #tpu.memory_space<hbm>> -> memref<624x128xf32, #tpu.memory_space<hbm>>
      tpu.wait_dma2 semaphore(%run_scoped3A : memref<!tpu.dma_semaphore, #tpu.memory_space<semaphore_mem>>) src(%dma_wait3A_30 : memref<624x128xf32, #tpu.memory_space<hbm>>) dst(%dma_wait3A_28 : memref<624x128xf32, #tpu.memory_space<vmem_shared>>)
      tpu.yield
    }) : () -> ()
    %eq3A = arith.constant 0 : i32
    %eq3A_5 = arith.cmpi eq, %arg1, %eq3A : i32
    %convert_element_type3A = arith.extui %eq3A_5 : i1 to i32
    %cond3A = arith.constant 0 : i32
    %cond3A_6 = arith.cmpi ne, %convert_element_type3A, %cond3A : i32
    scf.if %cond3A_6 {
      "tpu.region"() ({
        %run_scoped3A = tpu.sem_alloc : memref<!tpu.dma_semaphore, #tpu.memory_space<semaphore_mem>>
        %dma_start3A = arith.constant 9984 : i32
        %dma_start3A_25 = arith.constant 0 : i32
        %dma_start3A_26 = tpu.memref_slice %arg10[%dma_start3A, %dma_start3A_25] : memref<10008x128xf32, #tpu.memory_space<vmem_shared>> -> memref<16x128xf32, #tpu.memory_space<vmem_shared>>
        %dma_start3A_27 = arith.constant 9984 : i32
        %dma_start3A_28 = arith.constant 0 : i32
        %dma_start3A_29 = tpu.memref_slice %arg2[%dma_start3A_27, %dma_start3A_28] : memref<10000x128xf32, #tpu.memory_space<hbm>> -> memref<16x128xf32, #tpu.memory_space<hbm>>
        tpu.enqueue_dma source(%dma_start3A_29 : memref<16x128xf32, #tpu.memory_space<hbm>>) target(%dma_start3A_26 : memref<16x128xf32, #tpu.memory_space<vmem_shared>>) target_semaphore(%run_scoped3A : memref<!tpu.dma_semaphore, #tpu.memory_space<semaphore_mem>>)
        %dma_wait3A = arith.constant 9984 : i32
        %dma_wait3A_30 = arith.constant 0 : i32
        %dma_wait3A_31 = tpu.memref_slice %arg10[%dma_wait3A, %dma_wait3A_30] : memref<10008x128xf32, #tpu.memory_space<vmem_shared>> -> memref<16x128xf32, #tpu.memory_space<vmem_shared>>
        %dma_wait3A_32 = arith.constant 9984 : i32
        %dma_wait3A_33 = arith.constant 0 : i32
        %dma_wait3A_34 = tpu.memref_slice %arg2[%dma_wait3A_32, %dma_wait3A_33] : memref<10000x128xf32, #tpu.memory_space<hbm>> -> memref<16x128xf32, #tpu.memory_space<hbm>>
        tpu.wait_dma2 semaphore(%run_scoped3A : memref<!tpu.dma_semaphore, #tpu.memory_space<semaphore_mem>>) src(%dma_wait3A_34 : memref<16x128xf32, #tpu.memory_space<hbm>>) dst(%dma_wait3A_31 : memref<16x128xf32, #tpu.memory_space<vmem_shared>>)
        tpu.yield
      }) : () -> ()
    } else {
    }
    %barrier3A = arith.constant 0 : index
    tpu.barrier barrier_id(%barrier3A)
    %scan3A = arith.constant 0 : i32
    %scan3A_7 = arith.constant 0 : i32
    %scan3A_8 = arith.constant 4 : i32
    %scan3A_9 = arith.addi %scan3A_7, %scan3A_8 : i32
    %scan3A_10 = arith.constant 1 : i32
    scf.for %scan3A_25 = %scan3A_7 to %scan3A_9 step %scan3A_10  : i32 {
      "tpu.region"() ({
        %run_scoped3A = tpu.sem_alloc : memref<!tpu.dma_semaphore, #tpu.memory_space<semaphore_mem>>
        %dma_start3A_38 = arith.constant 0 : i32
        %dma_start3A_39 = arith.constant 0 : i32
        %dma_start3A_40 = tpu.memref_slice %arg3[%add3A, %scan3A_25, %dma_start3A_38, %dma_start3A_39] : memref<32x4x40x125xi32, #tpu.memory_space<hbm>> -> memref<1x1x40x125xi32, #tpu.memory_space<hbm>>
        %dma_start3A_41 = tpu.memref_squeeze %dma_start3A_40 : memref<1x1x40x125xi32, #tpu.memory_space<hbm>> -> memref<40x125xi32, #tpu.memory_space<hbm>>
        %dma_start3A_42 = arith.constant 0 : i32
        %dma_start3A_43 = arith.constant 0 : i32
        %dma_start3A_44 = tpu.memref_slice %arg3[%add3A, %scan3A_25, %dma_start3A_42, %dma_start3A_43] : memref<32x4x40x125xi32, #tpu.memory_space<hbm>> -> memref<1x1x40x125xi32, #tpu.memory_space<hbm>>
        %dma_start3A_45 = tpu.memref_squeeze %dma_start3A_44 : memref<1x1x40x125xi32, #tpu.memory_space<hbm>> -> memref<40x125xi32, #tpu.memory_space<hbm>>
        tpu.enqueue_dma source(%dma_start3A_45 : memref<40x125xi32, #tpu.memory_space<hbm>>) target(%arg6 : memref<40x125xi32, #tpu.memory_space<vmem>>) target_semaphore(%run_scoped3A : memref<!tpu.dma_semaphore, #tpu.memory_space<semaphore_mem>>)
        %dma_wait3A = arith.constant 0 : i32
        %dma_wait3A_46 = arith.constant 0 : i32
        %dma_wait3A_47 = tpu.memref_slice %arg3[%add3A, %scan3A_25, %dma_wait3A, %dma_wait3A_46] : memref<32x4x40x125xi32, #tpu.memory_space<hbm>> -> memref<1x1x40x125xi32, #tpu.memory_space<hbm>>
        %dma_wait3A_48 = tpu.memref_squeeze %dma_wait3A_47 : memref<1x1x40x125xi32, #tpu.memory_space<hbm>> -> memref<40x125xi32, #tpu.memory_space<hbm>>
        %dma_wait3A_49 = arith.constant 0 : i32
        %dma_wait3A_50 = arith.constant 0 : i32
        %dma_wait3A_51 = tpu.memref_slice %arg3[%add3A, %scan3A_25, %dma_wait3A_49, %dma_wait3A_50] : memref<32x4x40x125xi32, #tpu.memory_space<hbm>> -> memref<1x1x40x125xi32, #tpu.memory_space<hbm>>
        %dma_wait3A_52 = tpu.memref_squeeze %dma_wait3A_51 : memref<1x1x40x125xi32, #tpu.memory_space<hbm>> -> memref<40x125xi32, #tpu.memory_space<hbm>>
        tpu.wait_dma2 semaphore(%run_scoped3A : memref<!tpu.dma_semaphore, #tpu.memory_space<semaphore_mem>>) src(%dma_wait3A_52 : memref<40x125xi32, #tpu.memory_space<hbm>>) dst(%arg6 : memref<40x125xi32, #tpu.memory_space<vmem>>)
        tpu.yield
      }) : () -> ()
      "tpu.region"() ({
        %run_scoped3A = tpu.sem_alloc : memref<!tpu.dma_semaphore, #tpu.memory_space<semaphore_mem>>
        %dma_start3A_38 = arith.constant 0 : i32
        %dma_start3A_39 = arith.constant 0 : i32
        %dma_start3A_40 = tpu.memref_slice %arg4[%add3A, %scan3A_25, %dma_start3A_38, %dma_start3A_39] : memref<32x4x40x125xi32, #tpu.memory_space<hbm>> -> memref<1x1x40x125xi32, #tpu.memory_space<hbm>>
        %dma_start3A_41 = tpu.memref_squeeze %dma_start3A_40 : memref<1x1x40x125xi32, #tpu.memory_space<hbm>> -> memref<40x125xi32, #tpu.memory_space<hbm>>
        %dma_start3A_42 = arith.constant 0 : i32
        %dma_start3A_43 = arith.constant 0 : i32
        %dma_start3A_44 = tpu.memref_slice %arg4[%add3A, %scan3A_25, %dma_start3A_42, %dma_start3A_43] : memref<32x4x40x125xi32, #tpu.memory_space<hbm>> -> memref<1x1x40x125xi32, #tpu.memory_space<hbm>>
        %dma_start3A_45 = tpu.memref_squeeze %dma_start3A_44 : memref<1x1x40x125xi32, #tpu.memory_space<hbm>> -> memref<40x125xi32, #tpu.memory_space<hbm>>
        tpu.enqueue_dma source(%dma_start3A_45 : memref<40x125xi32, #tpu.memory_space<hbm>>) target(%arg7 : memref<40x125xi32, #tpu.memory_space<vmem>>) target_semaphore(%run_scoped3A : memref<!tpu.dma_semaphore, #tpu.memory_space<semaphore_mem>>)
        %dma_wait3A = arith.constant 0 : i32
        %dma_wait3A_46 = arith.constant 0 : i32
        %dma_wait3A_47 = tpu.memref_slice %arg4[%add3A, %scan3A_25, %dma_wait3A, %dma_wait3A_46] : memref<32x4x40x125xi32, #tpu.memory_space<hbm>> -> memref<1x1x40x125xi32, #tpu.memory_space<hbm>>
        %dma_wait3A_48 = tpu.memref_squeeze %dma_wait3A_47 : memref<1x1x40x125xi32, #tpu.memory_space<hbm>> -> memref<40x125xi32, #tpu.memory_space<hbm>>
        %dma_wait3A_49 = arith.constant 0 : i32
        %dma_wait3A_50 = arith.constant 0 : i32
        %dma_wait3A_51 = tpu.memref_slice %arg4[%add3A, %scan3A_25, %dma_wait3A_49, %dma_wait3A_50] : memref<32x4x40x125xi32, #tpu.memory_space<hbm>> -> memref<1x1x40x125xi32, #tpu.memory_space<hbm>>
        %dma_wait3A_52 = tpu.memref_squeeze %dma_wait3A_51 : memref<1x1x40x125xi32, #tpu.memory_space<hbm>> -> memref<40x125xi32, #tpu.memory_space<hbm>>
        tpu.wait_dma2 semaphore(%run_scoped3A : memref<!tpu.dma_semaphore, #tpu.memory_space<semaphore_mem>>) src(%dma_wait3A_52 : memref<40x125xi32, #tpu.memory_space<hbm>>) dst(%arg7 : memref<40x125xi32, #tpu.memory_space<vmem>>)
        tpu.yield
      }) : () -> ()
      %dma_start3A = arith.constant 0 : i32
      %dma_start3A_26 = arith.constant 0 : i32
      %dma_start3A_27 = tpu.memref_slice %arg6[%dma_start3A, %dma_start3A_26] : memref<40x125xi32, #tpu.memory_space<vmem>> -> memref<1x125xi32, #tpu.memory_space<vmem>>
      %dma_start3A_28 = tpu.memref_squeeze %dma_start3A_27 : memref<1x125xi32, #tpu.memory_space<vmem>> -> memref<125xi32, #tpu.memory_space<vmem>>
      %dma_start3A_29 = arith.constant 0 : i32
      %dma_start3A_30 = arith.constant 0 : i32
      %dma_start3A_31 = tpu.memref_slice %arg2[%dma_start3A_29, %dma_start3A_30] : memref<10000x128xf32, #tpu.memory_space<hbm>> -> memref<10000x128xf32, #tpu.memory_space<hbm>>
      tpu.enqueue_indirect_dma source(%dma_start3A_31 : memref<10000x128xf32, #tpu.memory_space<hbm>>) target(%arg8 : memref<125x128xf32, #tpu.memory_space<vmem>>) offsets(%dma_start3A_28 : memref<125xi32, #tpu.memory_space<vmem>>) semaphore(%arg11 : memref<!tpu.dma_semaphore, #tpu.memory_space<semaphore_mem>>)
      %scan3A_32 = arith.constant 0 : i32
      %scan3A_33 = arith.constant 0 : i32
      %scan3A_34 = arith.constant 20 : i32
      %scan3A_35 = arith.addi %scan3A_33, %scan3A_34 : i32
      %scan3A_36 = arith.constant 1 : i32
      scf.for %scan3A_38 = %scan3A_33 to %scan3A_35 step %scan3A_36  : i32 {
        %mul3A_39 = arith.constant 2 : i32
        %mul3A_40 = arith.muli %scan3A_38, %mul3A_39 : i32
        %add3A_41 = arith.constant 1 : i32
        %add3A_42 = arith.addi %mul3A_40, %add3A_41 : i32
        %dma_wait3A = arith.constant 0 : i32
        %dma_wait3A_43 = tpu.memref_slice %arg6[%mul3A_40, %dma_wait3A] : memref<40x125xi32, #tpu.memory_space<vmem>> -> memref<1x125xi32, #tpu.memory_space<vmem>>
        %dma_wait3A_44 = tpu.memref_squeeze %dma_wait3A_43 : memref<1x125xi32, #tpu.memory_space<vmem>> -> memref<125xi32, #tpu.memory_space<vmem>>
        %dma_wait3A_45 = arith.constant 0 : i32
        %dma_wait3A_46 = arith.constant 0 : i32
        %dma_wait3A_47 = tpu.memref_slice %arg2[%dma_wait3A_45, %dma_wait3A_46] : memref<10000x128xf32, #tpu.memory_space<hbm>> -> memref<10000x128xf32, #tpu.memory_space<hbm>>
        tpu.wait_indirect_dma semaphore(%arg11 : memref<!tpu.dma_semaphore, #tpu.memory_space<semaphore_mem>>) src(%dma_wait3A_47 : memref<10000x128xf32, #tpu.memory_space<hbm>>) dst(%arg8 : memref<125x128xf32, #tpu.memory_space<vmem>>)
        %dma_start3A_48 = arith.constant 0 : i32
        %dma_start3A_49 = tpu.memref_slice %arg6[%add3A_42, %dma_start3A_48] : memref<40x125xi32, #tpu.memory_space<vmem>> -> memref<1x125xi32, #tpu.memory_space<vmem>>
        %dma_start3A_50 = tpu.memref_squeeze %dma_start3A_49 : memref<1x125xi32, #tpu.memory_space<vmem>> -> memref<125xi32, #tpu.memory_space<vmem>>
        %dma_start3A_51 = arith.constant 0 : i32
        %dma_start3A_52 = arith.constant 0 : i32
        %dma_start3A_53 = tpu.memref_slice %arg2[%dma_start3A_51, %dma_start3A_52] : memref<10000x128xf32, #tpu.memory_space<hbm>> -> memref<10000x128xf32, #tpu.memory_space<hbm>>
        tpu.enqueue_indirect_dma source(%dma_start3A_53 : memref<10000x128xf32, #tpu.memory_space<hbm>>) target(%arg9 : memref<125x128xf32, #tpu.memory_space<vmem>>) offsets(%dma_start3A_50 : memref<125xi32, #tpu.memory_space<vmem>>) semaphore(%arg11 : memref<!tpu.dma_semaphore, #tpu.memory_space<semaphore_mem>>)
        "tpu.region"() ({
          %run_scoped3A = tpu.sem_alloc : memref<!tpu.dma_semaphore, #tpu.memory_space<semaphore_mem>>
          %dma_start3A_64 = arith.constant 0 : i32
          %dma_start3A_65 = tpu.memref_slice %arg7[%mul3A_40, %dma_start3A_64] : memref<40x125xi32, #tpu.memory_space<vmem>> -> memref<1x125xi32, #tpu.memory_space<vmem>>
          %dma_start3A_66 = tpu.memref_squeeze %dma_start3A_65 : memref<1x125xi32, #tpu.memory_space<vmem>> -> memref<125xi32, #tpu.memory_space<vmem>>
          %dma_start3A_67 = arith.constant 0 : i32
          %dma_start3A_68 = arith.constant 0 : i32
          %dma_start3A_69 = tpu.memref_slice %arg10[%dma_start3A_67, %dma_start3A_68] : memref<10008x128xf32, #tpu.memory_space<vmem_shared>> -> memref<10008x128xf32, #tpu.memory_space<vmem_shared>>
          tpu.enqueue_indirect_dma source(%arg8 : memref<125x128xf32, #tpu.memory_space<vmem>>) target(%dma_start3A_69 : memref<10008x128xf32, #tpu.memory_space<vmem_shared>>) offsets(%dma_start3A_66 : memref<125xi32, #tpu.memory_space<vmem>>) semaphore(%run_scoped3A : memref<!tpu.dma_semaphore, #tpu.memory_space<semaphore_mem>>) {add = true}
          %dma_wait3A_70 = arith.constant 0 : i32
          %dma_wait3A_71 = tpu.memref_slice %arg7[%mul3A_40, %dma_wait3A_70] : memref<40x125xi32, #tpu.memory_space<vmem>> -> memref<1x125xi32, #tpu.memory_space<vmem>>
          %dma_wait3A_72 = tpu.memref_squeeze %dma_wait3A_71 : memref<1x125xi32, #tpu.memory_space<vmem>> -> memref<125xi32, #tpu.memory_space<vmem>>
          %dma_wait3A_73 = arith.constant 0 : i32
          %dma_wait3A_74 = arith.constant 0 : i32
          %dma_wait3A_75 = tpu.memref_slice %arg10[%dma_wait3A_73, %dma_wait3A_74] : memref<10008x128xf32, #tpu.memory_space<vmem_shared>> -> memref<10008x128xf32, #tpu.memory_space<vmem_shared>>
          tpu.wait_indirect_dma semaphore(%run_scoped3A : memref<!tpu.dma_semaphore, #tpu.memory_space<semaphore_mem>>) src(%arg8 : memref<125x128xf32, #tpu.memory_space<vmem>>) dst(%dma_wait3A_75 : memref<10008x128xf32, #tpu.memory_space<vmem_shared>>)
          tpu.yield
        }) : () -> ()
        %dma_wait3A_54 = arith.constant 0 : i32
        %dma_wait3A_55 = tpu.memref_slice %arg6[%add3A_42, %dma_wait3A_54] : memref<40x125xi32, #tpu.memory_space<vmem>> -> memref<1x125xi32, #tpu.memory_space<vmem>>
        %dma_wait3A_56 = tpu.memref_squeeze %dma_wait3A_55 : memref<1x125xi32, #tpu.memory_space<vmem>> -> memref<125xi32, #tpu.memory_space<vmem>>
        %dma_wait3A_57 = arith.constant 0 : i32
        %dma_wait3A_58 = arith.constant 0 : i32
        %dma_wait3A_59 = tpu.memref_slice %arg2[%dma_wait3A_57, %dma_wait3A_58] : memref<10000x128xf32, #tpu.memory_space<hbm>> -> memref<10000x128xf32, #tpu.memory_space<hbm>>
        tpu.wait_indirect_dma semaphore(%arg11 : memref<!tpu.dma_semaphore, #tpu.memory_space<semaphore_mem>>) src(%dma_wait3A_59 : memref<10000x128xf32, #tpu.memory_space<hbm>>) dst(%arg9 : memref<125x128xf32, #tpu.memory_space<vmem>>)
        %lt3A = arith.constant 19 : i32
        %lt3A_60 = arith.cmpi slt, %scan3A_38, %lt3A : i32
        %convert_element_type3A_61 = arith.extui %lt3A_60 : i1 to i32
        %cond3A_62 = arith.constant 0 : i32
        %cond3A_63 = arith.cmpi ne, %convert_element_type3A_61, %cond3A_62 : i32
        scf.if %cond3A_63 {
          %add3A_64 = arith.constant 2 : i32
          %add3A_65 = arith.addi %mul3A_40, %add3A_64 : i32
          %dma_start3A_66 = arith.constant 0 : i32
          %dma_start3A_67 = tpu.memref_slice %arg6[%add3A_65, %dma_start3A_66] : memref<40x125xi32, #tpu.memory_space<vmem>> -> memref<1x125xi32, #tpu.memory_space<vmem>>
          %dma_start3A_68 = tpu.memref_squeeze %dma_start3A_67 : memref<1x125xi32, #tpu.memory_space<vmem>> -> memref<125xi32, #tpu.memory_space<vmem>>
          %dma_start3A_69 = arith.constant 0 : i32
          %dma_start3A_70 = arith.constant 0 : i32
          %dma_start3A_71 = tpu.memref_slice %arg2[%dma_start3A_69, %dma_start3A_70] : memref<10000x128xf32, #tpu.memory_space<hbm>> -> memref<10000x128xf32, #tpu.memory_space<hbm>>
          tpu.enqueue_indirect_dma source(%dma_start3A_71 : memref<10000x128xf32, #tpu.memory_space<hbm>>) target(%arg8 : memref<125x128xf32, #tpu.memory_space<vmem>>) offsets(%dma_start3A_68 : memref<125xi32, #tpu.memory_space<vmem>>) semaphore(%arg11 : memref<!tpu.dma_semaphore, #tpu.memory_space<semaphore_mem>>)
        } else {
        }
        "tpu.region"() ({
          %run_scoped3A = tpu.sem_alloc : memref<!tpu.dma_semaphore, #tpu.memory_space<semaphore_mem>>
          %dma_start3A_64 = arith.constant 0 : i32
          %dma_start3A_65 = tpu.memref_slice %arg7[%add3A_42, %dma_start3A_64] : memref<40x125xi32, #tpu.memory_space<vmem>> -> memref<1x125xi32, #tpu.memory_space<vmem>>
          %dma_start3A_66 = tpu.memref_squeeze %dma_start3A_65 : memref<1x125xi32, #tpu.memory_space<vmem>> -> memref<125xi32, #tpu.memory_space<vmem>>
          %dma_start3A_67 = arith.constant 0 : i32
          %dma_start3A_68 = arith.constant 0 : i32
          %dma_start3A_69 = tpu.memref_slice %arg10[%dma_start3A_67, %dma_start3A_68] : memref<10008x128xf32, #tpu.memory_space<vmem_shared>> -> memref<10008x128xf32, #tpu.memory_space<vmem_shared>>
          tpu.enqueue_indirect_dma source(%arg9 : memref<125x128xf32, #tpu.memory_space<vmem>>) target(%dma_start3A_69 : memref<10008x128xf32, #tpu.memory_space<vmem_shared>>) offsets(%dma_start3A_66 : memref<125xi32, #tpu.memory_space<vmem>>) semaphore(%run_scoped3A : memref<!tpu.dma_semaphore, #tpu.memory_space<semaphore_mem>>) {add = true}
          %dma_wait3A_70 = arith.constant 0 : i32
          %dma_wait3A_71 = tpu.memref_slice %arg7[%add3A_42, %dma_wait3A_70] : memref<40x125xi32, #tpu.memory_space<vmem>> -> memref<1x125xi32, #tpu.memory_space<vmem>>
          %dma_wait3A_72 = tpu.memref_squeeze %dma_wait3A_71 : memref<1x125xi32, #tpu.memory_space<vmem>> -> memref<125xi32, #tpu.memory_space<vmem>>
          %dma_wait3A_73 = arith.constant 0 : i32
          %dma_wait3A_74 = arith.constant 0 : i32
          %dma_wait3A_75 = tpu.memref_slice %arg10[%dma_wait3A_73, %dma_wait3A_74] : memref<10008x128xf32, #tpu.memory_space<vmem_shared>> -> memref<10008x128xf32, #tpu.memory_space<vmem_shared>>
          tpu.wait_indirect_dma semaphore(%run_scoped3A : memref<!tpu.dma_semaphore, #tpu.memory_space<semaphore_mem>>) src(%arg9 : memref<125x128xf32, #tpu.memory_space<vmem>>) dst(%dma_wait3A_75 : memref<10008x128xf32, #tpu.memory_space<vmem_shared>>)
          tpu.yield
        }) : () -> ()
      }
      %scan3A_37 = arith.constant 20 : i32
    }
    %scan3A_11 = arith.constant 4 : i32
    %barrier3A_12 = arith.constant 0 : index
    tpu.barrier barrier_id(%barrier3A_12)
    %mul3A_13 = arith.constant 624 : i32
    %mul3A_14 = arith.muli %arg1, %mul3A_13 : i32
    %mul3A_15 = arith.constant 10000 : i32
    %mul3A_16 = arith.muli %arg0, %mul3A_15 : i32
    %mul3A_17 = arith.constant 624 : i32
    %mul3A_18 = arith.muli %arg1, %mul3A_17 : i32
    %add3A_19 = arith.addi %mul3A_16, %mul3A_18 : i32
    "tpu.region"() ({
      %run_scoped3A = tpu.sem_alloc : memref<!tpu.dma_semaphore, #tpu.memory_space<semaphore_mem>>
      %dma_start3A = arith.constant 0 : i32
      %dma_start3A_25 = tpu.memref_slice %arg5[%add3A_19, %dma_start3A] : memref<20000x128xf32, #tpu.memory_space<hbm>> -> memref<624x128xf32, #tpu.memory_space<hbm>>
      %dma_start3A_26 = arith.constant 0 : i32
      %dma_start3A_27 = tpu.memref_slice %arg10[%mul3A_14, %dma_start3A_26] : memref<10008x128xf32, #tpu.memory_space<vmem_shared>> -> memref<624x128xf32, #tpu.memory_space<vmem_shared>>
      tpu.enqueue_dma source(%dma_start3A_27 : memref<624x128xf32, #tpu.memory_space<vmem_shared>>) target(%dma_start3A_25 : memref<624x128xf32, #tpu.memory_space<hbm>>) target_semaphore(%run_scoped3A : memref<!tpu.dma_semaphore, #tpu.memory_space<semaphore_mem>>)
      %dma_wait3A = arith.constant 0 : i32
      %dma_wait3A_28 = tpu.memref_slice %arg5[%add3A_19, %dma_wait3A] : memref<20000x128xf32, #tpu.memory_space<hbm>> -> memref<624x128xf32, #tpu.memory_space<hbm>>
      %dma_wait3A_29 = arith.constant 0 : i32
      %dma_wait3A_30 = tpu.memref_slice %arg10[%mul3A_14, %dma_wait3A_29] : memref<10008x128xf32, #tpu.memory_space<vmem_shared>> -> memref<624x128xf32, #tpu.memory_space<vmem_shared>>
      tpu.wait_dma2 semaphore(%run_scoped3A : memref<!tpu.dma_semaphore, #tpu.memory_space<semaphore_mem>>) src(%dma_wait3A_30 : memref<624x128xf32, #tpu.memory_space<vmem_shared>>) dst(%dma_wait3A_28 : memref<624x128xf32, #tpu.memory_space<hbm>>)
      tpu.yield
    }) : () -> ()
    %eq3A_20 = arith.constant 0 : i32
    %eq3A_21 = arith.cmpi eq, %arg1, %eq3A_20 : i32
    %convert_element_type3A_22 = arith.extui %eq3A_21 : i1 to i32
    %cond3A_23 = arith.constant 0 : i32
    %cond3A_24 = arith.cmpi ne, %convert_element_type3A_22, %cond3A_23 : i32
    scf.if %cond3A_24 {
      %mul3A_25 = arith.constant 10000 : i32
      %mul3A_26 = arith.muli %arg0, %mul3A_25 : i32
      %add3A_27 = arith.constant 9984 : i32
      %add3A_28 = arith.addi %mul3A_26, %add3A_27 : i32
      "tpu.region"() ({
        %run_scoped3A = tpu.sem_alloc : memref<!tpu.dma_semaphore, #tpu.memory_space<semaphore_mem>>
        %dma_start3A = arith.constant 0 : i32
        %dma_start3A_29 = tpu.memref_slice %arg5[%add3A_28, %dma_start3A] : memref<20000x128xf32, #tpu.memory_space<hbm>> -> memref<16x128xf32, #tpu.memory_space<hbm>>
        %dma_start3A_30 = arith.constant 9984 : i32
        %dma_start3A_31 = arith.constant 0 : i32
        %dma_start3A_32 = tpu.memref_slice %arg10[%dma_start3A_30, %dma_start3A_31] : memref<10008x128xf32, #tpu.memory_space<vmem_shared>> -> memref<16x128xf32, #tpu.memory_space<vmem_shared>>
        tpu.enqueue_dma source(%dma_start3A_32 : memref<16x128xf32, #tpu.memory_space<vmem_shared>>) target(%dma_start3A_29 : memref<16x128xf32, #tpu.memory_space<hbm>>) target_semaphore(%run_scoped3A : memref<!tpu.dma_semaphore, #tpu.memory_space<semaphore_mem>>)
        %dma_wait3A = arith.constant 0 : i32
        %dma_wait3A_33 = tpu.memref_slice %arg5[%add3A_28, %dma_wait3A] : memref<20000x128xf32, #tpu.memory_space<hbm>> -> memref<16x128xf32, #tpu.memory_space<hbm>>
        %dma_wait3A_34 = arith.constant 9984 : i32
        %dma_wait3A_35 = arith.constant 0 : i32
        %dma_wait3A_36 = tpu.memref_slice %arg10[%dma_wait3A_34, %dma_wait3A_35] : memref<10008x128xf32, #tpu.memory_space<vmem_shared>> -> memref<16x128xf32, #tpu.memory_space<vmem_shared>>
        tpu.wait_dma2 semaphore(%run_scoped3A : memref<!tpu.dma_semaphore, #tpu.memory_space<semaphore_mem>>) src(%dma_wait3A_36 : memref<16x128xf32, #tpu.memory_space<vmem_shared>>) dst(%dma_wait3A_33 : memref<16x128xf32, #tpu.memory_space<hbm>>)
        tpu.yield
      }) : () -> ()
    } else {
    }
    return
  }
}

#map = affine_map<(d0, d1) -> (0, 0)>
#map1 = affine_map<(d0, d1) -> (0, 0, 0, 0)>
module attributes {stable_mosaic.version = 14 : i64} {
  func.func @_gin_body(%arg0: i32, %arg1: i32, %arg2: memref<10000x128xf32, #tpu.memory_space<hbm>>, %arg3: memref<32x4x40x125xi32, #tpu.memory_space<hbm>>, %arg4: memref<32x4x40x125xi32, #tpu.memory_space<hbm>>, %arg5: memref<20000x128xf32, #tpu.memory_space<hbm>>, %arg6: memref<40x125xi32, #tpu.memory_space<vmem>>, %arg7: memref<40x125xi32, #tpu.memory_space<vmem>>, %arg8: memref<125x128xf32, #tpu.memory_space<vmem>>, %arg9: memref<125x128xf32, #tpu.memory_space<vmem>>, %arg10: memref<10008x128xf32, #tpu.memory_space<vmem_shared>>, %arg11: memref<!tpu.dma_semaphore, #tpu.memory_space<semaphore_mem>>) attributes {dimension_semantics = [#tpu.dimension_semantics<core_parallel>, #tpu.dimension_semantics<subcore_parallel>], iteration_bounds = array<i64: 2, 16>, scalar_prefetch = 0 : i64, scratch_operands = 6 : i64, tpu.core_type = #tpu.core_type<sc_vector_subcore>, window_params = [{transform_indices = #map}, {transform_indices = #map1}, {transform_indices = #map1}, {transform_indices = #map}]} {
    %mul3A = arith.constant 2 : i32
    %mul3A_0 = arith.muli %arg1, %mul3A : i32
    %add3A = arith.addi %mul3A_0, %arg0 : i32
    %mul3A_1 = arith.constant 624 : i32
    %mul3A_2 = arith.muli %arg1, %mul3A_1 : i32
    %mul3A_3 = arith.constant 624 : i32
    %mul3A_4 = arith.muli %arg1, %mul3A_3 : i32
    "tpu.region"() ({
      %run_scoped3A = tpu.sem_alloc : memref<!tpu.dma_semaphore, #tpu.memory_space<semaphore_mem>>
      %dma_start3A = arith.constant 0 : i32
      %dma_start3A_25 = tpu.memref_slice %arg10[%mul3A_4, %dma_start3A] : memref<10008x128xf32, #tpu.memory_space<vmem_shared>> -> memref<624x128xf32, #tpu.memory_space<vmem_shared>>
      %dma_start3A_26 = arith.constant 0 : i32
      %dma_start3A_27 = tpu.memref_slice %arg2[%mul3A_2, %dma_start3A_26] : memref<10000x128xf32, #tpu.memory_space<hbm>> -> memref<624x128xf32, #tpu.memory_space<hbm>>
      tpu.enqueue_dma source(%dma_start3A_27 : memref<624x128xf32, #tpu.memory_space<hbm>>) target(%dma_start3A_25 : memref<624x128xf32, #tpu.memory_space<vmem_shared>>) target_semaphore(%run_scoped3A : memref<!tpu.dma_semaphore, #tpu.memory_space<semaphore_mem>>)
      %dma_wait3A = arith.constant 0 : i32
      %dma_wait3A_28 = tpu.memref_slice %arg10[%mul3A_4, %dma_wait3A] : memref<10008x128xf32, #tpu.memory_space<vmem_shared>> -> memref<624x128xf32, #tpu.memory_space<vmem_shared>>
      %dma_wait3A_29 = arith.constant 0 : i32
      %dma_wait3A_30 = tpu.memref_slice %arg2[%mul3A_2, %dma_wait3A_29] : memref<10000x128xf32, #tpu.memory_space<hbm>> -> memref<624x128xf32, #tpu.memory_space<hbm>>
      tpu.wait_dma2 semaphore(%run_scoped3A : memref<!tpu.dma_semaphore, #tpu.memory_space<semaphore_mem>>) src(%dma_wait3A_30 : memref<624x128xf32, #tpu.memory_space<hbm>>) dst(%dma_wait3A_28 : memref<624x128xf32, #tpu.memory_space<vmem_shared>>)
      tpu.yield
    }) : () -> ()
    %eq3A = arith.constant 0 : i32
    %eq3A_5 = arith.cmpi eq, %arg1, %eq3A : i32
    %convert_element_type3A = arith.extui %eq3A_5 : i1 to i32
    %cond3A = arith.constant 0 : i32
    %cond3A_6 = arith.cmpi ne, %convert_element_type3A, %cond3A : i32
    scf.if %cond3A_6 {
      "tpu.region"() ({
        %run_scoped3A = tpu.sem_alloc : memref<!tpu.dma_semaphore, #tpu.memory_space<semaphore_mem>>
        %dma_start3A = arith.constant 9984 : i32
        %dma_start3A_25 = arith.constant 0 : i32
        %dma_start3A_26 = tpu.memref_slice %arg10[%dma_start3A, %dma_start3A_25] : memref<10008x128xf32, #tpu.memory_space<vmem_shared>> -> memref<16x128xf32, #tpu.memory_space<vmem_shared>>
        %dma_start3A_27 = arith.constant 9984 : i32
        %dma_start3A_28 = arith.constant 0 : i32
        %dma_start3A_29 = tpu.memref_slice %arg2[%dma_start3A_27, %dma_start3A_28] : memref<10000x128xf32, #tpu.memory_space<hbm>> -> memref<16x128xf32, #tpu.memory_space<hbm>>
        tpu.enqueue_dma source(%dma_start3A_29 : memref<16x128xf32, #tpu.memory_space<hbm>>) target(%dma_start3A_26 : memref<16x128xf32, #tpu.memory_space<vmem_shared>>) target_semaphore(%run_scoped3A : memref<!tpu.dma_semaphore, #tpu.memory_space<semaphore_mem>>)
        %dma_wait3A = arith.constant 9984 : i32
        %dma_wait3A_30 = arith.constant 0 : i32
        %dma_wait3A_31 = tpu.memref_slice %arg10[%dma_wait3A, %dma_wait3A_30] : memref<10008x128xf32, #tpu.memory_space<vmem_shared>> -> memref<16x128xf32, #tpu.memory_space<vmem_shared>>
        %dma_wait3A_32 = arith.constant 9984 : i32
        %dma_wait3A_33 = arith.constant 0 : i32
        %dma_wait3A_34 = tpu.memref_slice %arg2[%dma_wait3A_32, %dma_wait3A_33] : memref<10000x128xf32, #tpu.memory_space<hbm>> -> memref<16x128xf32, #tpu.memory_space<hbm>>
        tpu.wait_dma2 semaphore(%run_scoped3A : memref<!tpu.dma_semaphore, #tpu.memory_space<semaphore_mem>>) src(%dma_wait3A_34 : memref<16x128xf32, #tpu.memory_space<hbm>>) dst(%dma_wait3A_31 : memref<16x128xf32, #tpu.memory_space<vmem_shared>>)
        tpu.yield
      }) : () -> ()
    } else {
    }
    %barrier3A = arith.constant 0 : index
    tpu.barrier barrier_id(%barrier3A)
    %scan3A = arith.constant 0 : i32
    %scan3A_7 = arith.constant 0 : i32
    %scan3A_8 = arith.constant 4 : i32
    %scan3A_9 = arith.addi %scan3A_7, %scan3A_8 : i32
    %scan3A_10 = arith.constant 1 : i32
    scf.for %scan3A_25 = %scan3A_7 to %scan3A_9 step %scan3A_10  : i32 {
      "tpu.region"() ({
        %run_scoped3A = tpu.sem_alloc : memref<!tpu.dma_semaphore, #tpu.memory_space<semaphore_mem>>
        %dma_start3A_38 = arith.constant 0 : i32
        %dma_start3A_39 = arith.constant 0 : i32
        %dma_start3A_40 = tpu.memref_slice %arg3[%add3A, %scan3A_25, %dma_start3A_38, %dma_start3A_39] : memref<32x4x40x125xi32, #tpu.memory_space<hbm>> -> memref<1x1x40x125xi32, #tpu.memory_space<hbm>>
        %dma_start3A_41 = tpu.memref_squeeze %dma_start3A_40 : memref<1x1x40x125xi32, #tpu.memory_space<hbm>> -> memref<40x125xi32, #tpu.memory_space<hbm>>
        %dma_start3A_42 = arith.constant 0 : i32
        %dma_start3A_43 = arith.constant 0 : i32
        %dma_start3A_44 = tpu.memref_slice %arg3[%add3A, %scan3A_25, %dma_start3A_42, %dma_start3A_43] : memref<32x4x40x125xi32, #tpu.memory_space<hbm>> -> memref<1x1x40x125xi32, #tpu.memory_space<hbm>>
        %dma_start3A_45 = tpu.memref_squeeze %dma_start3A_44 : memref<1x1x40x125xi32, #tpu.memory_space<hbm>> -> memref<40x125xi32, #tpu.memory_space<hbm>>
        tpu.enqueue_dma source(%dma_start3A_45 : memref<40x125xi32, #tpu.memory_space<hbm>>) target(%arg6 : memref<40x125xi32, #tpu.memory_space<vmem>>) target_semaphore(%run_scoped3A : memref<!tpu.dma_semaphore, #tpu.memory_space<semaphore_mem>>)
        %dma_wait3A = arith.constant 0 : i32
        %dma_wait3A_46 = arith.constant 0 : i32
        %dma_wait3A_47 = tpu.memref_slice %arg3[%add3A, %scan3A_25, %dma_wait3A, %dma_wait3A_46] : memref<32x4x40x125xi32, #tpu.memory_space<hbm>> -> memref<1x1x40x125xi32, #tpu.memory_space<hbm>>
        %dma_wait3A_48 = tpu.memref_squeeze %dma_wait3A_47 : memref<1x1x40x125xi32, #tpu.memory_space<hbm>> -> memref<40x125xi32, #tpu.memory_space<hbm>>
        %dma_wait3A_49 = arith.constant 0 : i32
        %dma_wait3A_50 = arith.constant 0 : i32
        %dma_wait3A_51 = tpu.memref_slice %arg3[%add3A, %scan3A_25, %dma_wait3A_49, %dma_wait3A_50] : memref<32x4x40x125xi32, #tpu.memory_space<hbm>> -> memref<1x1x40x125xi32, #tpu.memory_space<hbm>>
        %dma_wait3A_52 = tpu.memref_squeeze %dma_wait3A_51 : memref<1x1x40x125xi32, #tpu.memory_space<hbm>> -> memref<40x125xi32, #tpu.memory_space<hbm>>
        tpu.wait_dma2 semaphore(%run_scoped3A : memref<!tpu.dma_semaphore, #tpu.memory_space<semaphore_mem>>) src(%dma_wait3A_52 : memref<40x125xi32, #tpu.memory_space<hbm>>) dst(%arg6 : memref<40x125xi32, #tpu.memory_space<vmem>>)
        tpu.yield
      }) : () -> ()
      "tpu.region"() ({
        %run_scoped3A = tpu.sem_alloc : memref<!tpu.dma_semaphore, #tpu.memory_space<semaphore_mem>>
        %dma_start3A_38 = arith.constant 0 : i32
        %dma_start3A_39 = arith.constant 0 : i32
        %dma_start3A_40 = tpu.memref_slice %arg4[%add3A, %scan3A_25, %dma_start3A_38, %dma_start3A_39] : memref<32x4x40x125xi32, #tpu.memory_space<hbm>> -> memref<1x1x40x125xi32, #tpu.memory_space<hbm>>
        %dma_start3A_41 = tpu.memref_squeeze %dma_start3A_40 : memref<1x1x40x125xi32, #tpu.memory_space<hbm>> -> memref<40x125xi32, #tpu.memory_space<hbm>>
        %dma_start3A_42 = arith.constant 0 : i32
        %dma_start3A_43 = arith.constant 0 : i32
        %dma_start3A_44 = tpu.memref_slice %arg4[%add3A, %scan3A_25, %dma_start3A_42, %dma_start3A_43] : memref<32x4x40x125xi32, #tpu.memory_space<hbm>> -> memref<1x1x40x125xi32, #tpu.memory_space<hbm>>
        %dma_start3A_45 = tpu.memref_squeeze %dma_start3A_44 : memref<1x1x40x125xi32, #tpu.memory_space<hbm>> -> memref<40x125xi32, #tpu.memory_space<hbm>>
        tpu.enqueue_dma source(%dma_start3A_45 : memref<40x125xi32, #tpu.memory_space<hbm>>) target(%arg7 : memref<40x125xi32, #tpu.memory_space<vmem>>) target_semaphore(%run_scoped3A : memref<!tpu.dma_semaphore, #tpu.memory_space<semaphore_mem>>)
        %dma_wait3A = arith.constant 0 : i32
        %dma_wait3A_46 = arith.constant 0 : i32
        %dma_wait3A_47 = tpu.memref_slice %arg4[%add3A, %scan3A_25, %dma_wait3A, %dma_wait3A_46] : memref<32x4x40x125xi32, #tpu.memory_space<hbm>> -> memref<1x1x40x125xi32, #tpu.memory_space<hbm>>
        %dma_wait3A_48 = tpu.memref_squeeze %dma_wait3A_47 : memref<1x1x40x125xi32, #tpu.memory_space<hbm>> -> memref<40x125xi32, #tpu.memory_space<hbm>>
        %dma_wait3A_49 = arith.constant 0 : i32
        %dma_wait3A_50 = arith.constant 0 : i32
        %dma_wait3A_51 = tpu.memref_slice %arg4[%add3A, %scan3A_25, %dma_wait3A_49, %dma_wait3A_50] : memref<32x4x40x125xi32, #tpu.memory_space<hbm>> -> memref<1x1x40x125xi32, #tpu.memory_space<hbm>>
        %dma_wait3A_52 = tpu.memref_squeeze %dma_wait3A_51 : memref<1x1x40x125xi32, #tpu.memory_space<hbm>> -> memref<40x125xi32, #tpu.memory_space<hbm>>
        tpu.wait_dma2 semaphore(%run_scoped3A : memref<!tpu.dma_semaphore, #tpu.memory_space<semaphore_mem>>) src(%dma_wait3A_52 : memref<40x125xi32, #tpu.memory_space<hbm>>) dst(%arg7 : memref<40x125xi32, #tpu.memory_space<vmem>>)
        tpu.yield
      }) : () -> ()
      %dma_start3A = arith.constant 0 : i32
      %dma_start3A_26 = arith.constant 0 : i32
      %dma_start3A_27 = tpu.memref_slice %arg6[%dma_start3A, %dma_start3A_26] : memref<40x125xi32, #tpu.memory_space<vmem>> -> memref<1x125xi32, #tpu.memory_space<vmem>>
      %dma_start3A_28 = tpu.memref_squeeze %dma_start3A_27 : memref<1x125xi32, #tpu.memory_space<vmem>> -> memref<125xi32, #tpu.memory_space<vmem>>
      %dma_start3A_29 = arith.constant 0 : i32
      %dma_start3A_30 = arith.constant 0 : i32
      %dma_start3A_31 = tpu.memref_slice %arg2[%dma_start3A_29, %dma_start3A_30] : memref<10000x128xf32, #tpu.memory_space<hbm>> -> memref<10000x128xf32, #tpu.memory_space<hbm>>
      tpu.enqueue_indirect_dma source(%dma_start3A_31 : memref<10000x128xf32, #tpu.memory_space<hbm>>) target(%arg8 : memref<125x128xf32, #tpu.memory_space<vmem>>) offsets(%dma_start3A_28 : memref<125xi32, #tpu.memory_space<vmem>>) semaphore(%arg11 : memref<!tpu.dma_semaphore, #tpu.memory_space<semaphore_mem>>)
      %scan3A_32 = arith.constant 0 : i32
      %scan3A_33 = arith.constant 0 : i32
      %scan3A_34 = arith.constant 20 : i32
      %scan3A_35 = arith.addi %scan3A_33, %scan3A_34 : i32
      %scan3A_36 = arith.constant 1 : i32
      scf.for %scan3A_38 = %scan3A_33 to %scan3A_35 step %scan3A_36  : i32 {
        %mul3A_39 = arith.constant 2 : i32
        %mul3A_40 = arith.muli %scan3A_38, %mul3A_39 : i32
        %add3A_41 = arith.constant 1 : i32
        %add3A_42 = arith.addi %mul3A_40, %add3A_41 : i32
        %dma_wait3A = arith.constant 0 : i32
        %dma_wait3A_43 = tpu.memref_slice %arg6[%mul3A_40, %dma_wait3A] : memref<40x125xi32, #tpu.memory_space<vmem>> -> memref<1x125xi32, #tpu.memory_space<vmem>>
        %dma_wait3A_44 = tpu.memref_squeeze %dma_wait3A_43 : memref<1x125xi32, #tpu.memory_space<vmem>> -> memref<125xi32, #tpu.memory_space<vmem>>
        %dma_wait3A_45 = arith.constant 0 : i32
        %dma_wait3A_46 = arith.constant 0 : i32
        %dma_wait3A_47 = tpu.memref_slice %arg2[%dma_wait3A_45, %dma_wait3A_46] : memref<10000x128xf32, #tpu.memory_space<hbm>> -> memref<10000x128xf32, #tpu.memory_space<hbm>>
        tpu.wait_indirect_dma semaphore(%arg11 : memref<!tpu.dma_semaphore, #tpu.memory_space<semaphore_mem>>) src(%dma_wait3A_47 : memref<10000x128xf32, #tpu.memory_space<hbm>>) dst(%arg8 : memref<125x128xf32, #tpu.memory_space<vmem>>)
        %dma_start3A_48 = arith.constant 0 : i32
        %dma_start3A_49 = tpu.memref_slice %arg6[%add3A_42, %dma_start3A_48] : memref<40x125xi32, #tpu.memory_space<vmem>> -> memref<1x125xi32, #tpu.memory_space<vmem>>
        %dma_start3A_50 = tpu.memref_squeeze %dma_start3A_49 : memref<1x125xi32, #tpu.memory_space<vmem>> -> memref<125xi32, #tpu.memory_space<vmem>>
        %dma_start3A_51 = arith.constant 0 : i32
        %dma_start3A_52 = arith.constant 0 : i32
        %dma_start3A_53 = tpu.memref_slice %arg2[%dma_start3A_51, %dma_start3A_52] : memref<10000x128xf32, #tpu.memory_space<hbm>> -> memref<10000x128xf32, #tpu.memory_space<hbm>>
        tpu.enqueue_indirect_dma source(%dma_start3A_53 : memref<10000x128xf32, #tpu.memory_space<hbm>>) target(%arg9 : memref<125x128xf32, #tpu.memory_space<vmem>>) offsets(%dma_start3A_50 : memref<125xi32, #tpu.memory_space<vmem>>) semaphore(%arg11 : memref<!tpu.dma_semaphore, #tpu.memory_space<semaphore_mem>>)
        "tpu.region"() ({
          %run_scoped3A = tpu.sem_alloc : memref<!tpu.dma_semaphore, #tpu.memory_space<semaphore_mem>>
          %dma_start3A_64 = arith.constant 0 : i32
          %dma_start3A_65 = tpu.memref_slice %arg7[%mul3A_40, %dma_start3A_64] : memref<40x125xi32, #tpu.memory_space<vmem>> -> memref<1x125xi32, #tpu.memory_space<vmem>>
          %dma_start3A_66 = tpu.memref_squeeze %dma_start3A_65 : memref<1x125xi32, #tpu.memory_space<vmem>> -> memref<125xi32, #tpu.memory_space<vmem>>
          %dma_start3A_67 = arith.constant 0 : i32
          %dma_start3A_68 = arith.constant 0 : i32
          %dma_start3A_69 = tpu.memref_slice %arg10[%dma_start3A_67, %dma_start3A_68] : memref<10008x128xf32, #tpu.memory_space<vmem_shared>> -> memref<10008x128xf32, #tpu.memory_space<vmem_shared>>
          tpu.enqueue_indirect_dma source(%arg8 : memref<125x128xf32, #tpu.memory_space<vmem>>) target(%dma_start3A_69 : memref<10008x128xf32, #tpu.memory_space<vmem_shared>>) offsets(%dma_start3A_66 : memref<125xi32, #tpu.memory_space<vmem>>) semaphore(%run_scoped3A : memref<!tpu.dma_semaphore, #tpu.memory_space<semaphore_mem>>) {add = true}
          %dma_wait3A_70 = arith.constant 0 : i32
          %dma_wait3A_71 = tpu.memref_slice %arg7[%mul3A_40, %dma_wait3A_70] : memref<40x125xi32, #tpu.memory_space<vmem>> -> memref<1x125xi32, #tpu.memory_space<vmem>>
          %dma_wait3A_72 = tpu.memref_squeeze %dma_wait3A_71 : memref<1x125xi32, #tpu.memory_space<vmem>> -> memref<125xi32, #tpu.memory_space<vmem>>
          %dma_wait3A_73 = arith.constant 0 : i32
          %dma_wait3A_74 = arith.constant 0 : i32
          %dma_wait3A_75 = tpu.memref_slice %arg10[%dma_wait3A_73, %dma_wait3A_74] : memref<10008x128xf32, #tpu.memory_space<vmem_shared>> -> memref<10008x128xf32, #tpu.memory_space<vmem_shared>>
          tpu.wait_indirect_dma semaphore(%run_scoped3A : memref<!tpu.dma_semaphore, #tpu.memory_space<semaphore_mem>>) src(%arg8 : memref<125x128xf32, #tpu.memory_space<vmem>>) dst(%dma_wait3A_75 : memref<10008x128xf32, #tpu.memory_space<vmem_shared>>)
          tpu.yield
        }) : () -> ()
        %dma_wait3A_54 = arith.constant 0 : i32
        %dma_wait3A_55 = tpu.memref_slice %arg6[%add3A_42, %dma_wait3A_54] : memref<40x125xi32, #tpu.memory_space<vmem>> -> memref<1x125xi32, #tpu.memory_space<vmem>>
        %dma_wait3A_56 = tpu.memref_squeeze %dma_wait3A_55 : memref<1x125xi32, #tpu.memory_space<vmem>> -> memref<125xi32, #tpu.memory_space<vmem>>
        %dma_wait3A_57 = arith.constant 0 : i32
        %dma_wait3A_58 = arith.constant 0 : i32
        %dma_wait3A_59 = tpu.memref_slice %arg2[%dma_wait3A_57, %dma_wait3A_58] : memref<10000x128xf32, #tpu.memory_space<hbm>> -> memref<10000x128xf32, #tpu.memory_space<hbm>>
        tpu.wait_indirect_dma semaphore(%arg11 : memref<!tpu.dma_semaphore, #tpu.memory_space<semaphore_mem>>) src(%dma_wait3A_59 : memref<10000x128xf32, #tpu.memory_space<hbm>>) dst(%arg9 : memref<125x128xf32, #tpu.memory_space<vmem>>)
        %lt3A = arith.constant 19 : i32
        %lt3A_60 = arith.cmpi slt, %scan3A_38, %lt3A : i32
        %convert_element_type3A_61 = arith.extui %lt3A_60 : i1 to i32
        %cond3A_62 = arith.constant 0 : i32
        %cond3A_63 = arith.cmpi ne, %convert_element_type3A_61, %cond3A_62 : i32
        scf.if %cond3A_63 {
          %add3A_64 = arith.constant 2 : i32
          %add3A_65 = arith.addi %mul3A_40, %add3A_64 : i32
          %dma_start3A_66 = arith.constant 0 : i32
          %dma_start3A_67 = tpu.memref_slice %arg6[%add3A_65, %dma_start3A_66] : memref<40x125xi32, #tpu.memory_space<vmem>> -> memref<1x125xi32, #tpu.memory_space<vmem>>
          %dma_start3A_68 = tpu.memref_squeeze %dma_start3A_67 : memref<1x125xi32, #tpu.memory_space<vmem>> -> memref<125xi32, #tpu.memory_space<vmem>>
          %dma_start3A_69 = arith.constant 0 : i32
          %dma_start3A_70 = arith.constant 0 : i32
          %dma_start3A_71 = tpu.memref_slice %arg2[%dma_start3A_69, %dma_start3A_70] : memref<10000x128xf32, #tpu.memory_space<hbm>> -> memref<10000x128xf32, #tpu.memory_space<hbm>>
          tpu.enqueue_indirect_dma source(%dma_start3A_71 : memref<10000x128xf32, #tpu.memory_space<hbm>>) target(%arg8 : memref<125x128xf32, #tpu.memory_space<vmem>>) offsets(%dma_start3A_68 : memref<125xi32, #tpu.memory_space<vmem>>) semaphore(%arg11 : memref<!tpu.dma_semaphore, #tpu.memory_space<semaphore_mem>>)
        } else {
        }
        "tpu.region"() ({
          %run_scoped3A = tpu.sem_alloc : memref<!tpu.dma_semaphore, #tpu.memory_space<semaphore_mem>>
          %dma_start3A_64 = arith.constant 0 : i32
          %dma_start3A_65 = tpu.memref_slice %arg7[%add3A_42, %dma_start3A_64] : memref<40x125xi32, #tpu.memory_space<vmem>> -> memref<1x125xi32, #tpu.memory_space<vmem>>
          %dma_start3A_66 = tpu.memref_squeeze %dma_start3A_65 : memref<1x125xi32, #tpu.memory_space<vmem>> -> memref<125xi32, #tpu.memory_space<vmem>>
          %dma_start3A_67 = arith.constant 0 : i32
          %dma_start3A_68 = arith.constant 0 : i32
          %dma_start3A_69 = tpu.memref_slice %arg10[%dma_start3A_67, %dma_start3A_68] : memref<10008x128xf32, #tpu.memory_space<vmem_shared>> -> memref<10008x128xf32, #tpu.memory_space<vmem_shared>>
          tpu.enqueue_indirect_dma source(%arg9 : memref<125x128xf32, #tpu.memory_space<vmem>>) target(%dma_start3A_69 : memref<10008x128xf32, #tpu.memory_space<vmem_shared>>) offsets(%dma_start3A_66 : memref<125xi32, #tpu.memory_space<vmem>>) semaphore(%run_scoped3A : memref<!tpu.dma_semaphore, #tpu.memory_space<semaphore_mem>>) {add = true}
          %dma_wait3A_70 = arith.constant 0 : i32
          %dma_wait3A_71 = tpu.memref_slice %arg7[%add3A_42, %dma_wait3A_70] : memref<40x125xi32, #tpu.memory_space<vmem>> -> memref<1x125xi32, #tpu.memory_space<vmem>>
          %dma_wait3A_72 = tpu.memref_squeeze %dma_wait3A_71 : memref<1x125xi32, #tpu.memory_space<vmem>> -> memref<125xi32, #tpu.memory_space<vmem>>
          %dma_wait3A_73 = arith.constant 0 : i32
          %dma_wait3A_74 = arith.constant 0 : i32
          %dma_wait3A_75 = tpu.memref_slice %arg10[%dma_wait3A_73, %dma_wait3A_74] : memref<10008x128xf32, #tpu.memory_space<vmem_shared>> -> memref<10008x128xf32, #tpu.memory_space<vmem_shared>>
          tpu.wait_indirect_dma semaphore(%run_scoped3A : memref<!tpu.dma_semaphore, #tpu.memory_space<semaphore_mem>>) src(%arg9 : memref<125x128xf32, #tpu.memory_space<vmem>>) dst(%dma_wait3A_75 : memref<10008x128xf32, #tpu.memory_space<vmem_shared>>)
          tpu.yield
        }) : () -> ()
      }
      %scan3A_37 = arith.constant 20 : i32
    }
    %scan3A_11 = arith.constant 4 : i32
    %barrier3A_12 = arith.constant 0 : index
    tpu.barrier barrier_id(%barrier3A_12)
    %mul3A_13 = arith.constant 624 : i32
    %mul3A_14 = arith.muli %arg1, %mul3A_13 : i32
    %mul3A_15 = arith.constant 10000 : i32
    %mul3A_16 = arith.muli %arg0, %mul3A_15 : i32
    %mul3A_17 = arith.constant 624 : i32
    %mul3A_18 = arith.muli %arg1, %mul3A_17 : i32
    %add3A_19 = arith.addi %mul3A_16, %mul3A_18 : i32
    "tpu.region"() ({
      %run_scoped3A = tpu.sem_alloc : memref<!tpu.dma_semaphore, #tpu.memory_space<semaphore_mem>>
      %dma_start3A = arith.constant 0 : i32
      %dma_start3A_25 = tpu.memref_slice %arg5[%add3A_19, %dma_start3A] : memref<20000x128xf32, #tpu.memory_space<hbm>> -> memref<624x128xf32, #tpu.memory_space<hbm>>
      %dma_start3A_26 = arith.constant 0 : i32
      %dma_start3A_27 = tpu.memref_slice %arg10[%mul3A_14, %dma_start3A_26] : memref<10008x128xf32, #tpu.memory_space<vmem_shared>> -> memref<624x128xf32, #tpu.memory_space<vmem_shared>>
      tpu.enqueue_dma source(%dma_start3A_27 : memref<624x128xf32, #tpu.memory_space<vmem_shared>>) target(%dma_start3A_25 : memref<624x128xf32, #tpu.memory_space<hbm>>) target_semaphore(%run_scoped3A : memref<!tpu.dma_semaphore, #tpu.memory_space<semaphore_mem>>)
      %dma_wait3A = arith.constant 0 : i32
      %dma_wait3A_28 = tpu.memref_slice %arg5[%add3A_19, %dma_wait3A] : memref<20000x128xf32, #tpu.memory_space<hbm>> -> memref<624x128xf32, #tpu.memory_space<hbm>>
      %dma_wait3A_29 = arith.constant 0 : i32
      %dma_wait3A_30 = tpu.memref_slice %arg10[%mul3A_14, %dma_wait3A_29] : memref<10008x128xf32, #tpu.memory_space<vmem_shared>> -> memref<624x128xf32, #tpu.memory_space<vmem_shared>>
      tpu.wait_dma2 semaphore(%run_scoped3A : memref<!tpu.dma_semaphore, #tpu.memory_space<semaphore_mem>>) src(%dma_wait3A_30 : memref<624x128xf32, #tpu.memory_space<vmem_shared>>) dst(%dma_wait3A_28 : memref<624x128xf32, #tpu.memory_space<hbm>>)
      tpu.yield
    }) : () -> ()
    %eq3A_20 = arith.constant 0 : i32
    %eq3A_21 = arith.cmpi eq, %arg1, %eq3A_20 : i32
    %convert_element_type3A_22 = arith.extui %eq3A_21 : i1 to i32
    %cond3A_23 = arith.constant 0 : i32
    %cond3A_24 = arith.cmpi ne, %convert_element_type3A_22, %cond3A_23 : i32
    scf.if %cond3A_24 {
      %mul3A_25 = arith.constant 10000 : i32
      %mul3A_26 = arith.muli %arg0, %mul3A_25 : i32
      %add3A_27 = arith.constant 9984 : i32
      %add3A_28 = arith.addi %mul3A_26, %add3A_27 : i32
      "tpu.region"() ({
        %run_scoped3A = tpu.sem_alloc : memref<!tpu.dma_semaphore, #tpu.memory_space<semaphore_mem>>
        %dma_start3A = arith.constant 0 : i32
        %dma_start3A_29 = tpu.memref_slice %arg5[%add3A_28, %dma_start3A] : memref<20000x128xf32, #tpu.memory_space<hbm>> -> memref<16x128xf32, #tpu.memory_space<hbm>>
        %dma_start3A_30 = arith.constant 9984 : i32
        %dma_start3A_31 = arith.constant 0 : i32
        %dma_start3A_32 = tpu.memref_slice %arg10[%dma_start3A_30, %dma_start3A_31] : memref<10008x128xf32, #tpu.memory_space<vmem_shared>> -> memref<16x128xf32, #tpu.memory_space<vmem_shared>>
        tpu.enqueue_dma source(%dma_start3A_32 : memref<16x128xf32, #tpu.memory_space<vmem_shared>>) target(%dma_start3A_29 : memref<16x128xf32, #tpu.memory_space<hbm>>) target_semaphore(%run_scoped3A : memref<!tpu.dma_semaphore, #tpu.memory_space<semaphore_mem>>)
        %dma_wait3A = arith.constant 0 : i32
        %dma_wait3A_33 = tpu.memref_slice %arg5[%add3A_28, %dma_wait3A] : memref<20000x128xf32, #tpu.memory_space<hbm>> -> memref<16x128xf32, #tpu.memory_space<hbm>>
        %dma_wait3A_34 = arith.constant 9984 : i32
        %dma_wait3A_35 = arith.constant 0 : i32
        %dma_wait3A_36 = tpu.memref_slice %arg10[%dma_wait3A_34, %dma_wait3A_35] : memref<10008x128xf32, #tpu.memory_space<vmem_shared>> -> memref<16x128xf32, #tpu.memory_space<vmem_shared>>
        tpu.wait_dma2 semaphore(%run_scoped3A : memref<!tpu.dma_semaphore, #tpu.memory_space<semaphore_mem>>) src(%dma_wait3A_36 : memref<16x128xf32, #tpu.memory_space<vmem_shared>>) dst(%dma_wait3A_33 : memref<16x128xf32, #tpu.memory_space<hbm>>)
        tpu.yield
      }) : () -> ()
    } else {
    }
    return
  }
}

#map = affine_map<(d0, d1) -> (0, 0)>
#map1 = affine_map<(d0, d1) -> (0, 0, 0, 0)>
module attributes {stable_mosaic.version = 14 : i64} {
  func.func @_gin_body(%arg0: i32, %arg1: i32, %arg2: memref<10000x128xf32, #tpu.memory_space<hbm>>, %arg3: memref<32x4x40x125xi32, #tpu.memory_space<hbm>>, %arg4: memref<32x4x40x125xi32, #tpu.memory_space<hbm>>, %arg5: memref<20000x128xf32, #tpu.memory_space<hbm>>, %arg6: memref<40x125xi32, #tpu.memory_space<vmem>>, %arg7: memref<40x125xi32, #tpu.memory_space<vmem>>, %arg8: memref<125x128xf32, #tpu.memory_space<vmem>>, %arg9: memref<125x128xf32, #tpu.memory_space<vmem>>, %arg10: memref<10008x128xf32, #tpu.memory_space<vmem_shared>>, %arg11: memref<!tpu.dma_semaphore, #tpu.memory_space<semaphore_mem>>) attributes {dimension_semantics = [#tpu.dimension_semantics<core_parallel>, #tpu.dimension_semantics<subcore_parallel>], iteration_bounds = array<i64: 2, 16>, scalar_prefetch = 0 : i64, scratch_operands = 6 : i64, tpu.core_type = #tpu.core_type<sc_vector_subcore>, window_params = [{transform_indices = #map}, {transform_indices = #map1}, {transform_indices = #map1}, {transform_indices = #map}]} {
    %mul3A = arith.constant 2 : i32
    %mul3A_0 = arith.muli %arg1, %mul3A : i32
    %add3A = arith.addi %mul3A_0, %arg0 : i32
    %mul3A_1 = arith.constant 624 : i32
    %mul3A_2 = arith.muli %arg1, %mul3A_1 : i32
    %mul3A_3 = arith.constant 624 : i32
    %mul3A_4 = arith.muli %arg1, %mul3A_3 : i32
    "tpu.region"() ({
      %run_scoped3A = tpu.sem_alloc : memref<!tpu.dma_semaphore, #tpu.memory_space<semaphore_mem>>
      %dma_start3A = arith.constant 0 : i32
      %dma_start3A_25 = tpu.memref_slice %arg10[%mul3A_4, %dma_start3A] : memref<10008x128xf32, #tpu.memory_space<vmem_shared>> -> memref<624x128xf32, #tpu.memory_space<vmem_shared>>
      %dma_start3A_26 = arith.constant 0 : i32
      %dma_start3A_27 = tpu.memref_slice %arg2[%mul3A_2, %dma_start3A_26] : memref<10000x128xf32, #tpu.memory_space<hbm>> -> memref<624x128xf32, #tpu.memory_space<hbm>>
      tpu.enqueue_dma source(%dma_start3A_27 : memref<624x128xf32, #tpu.memory_space<hbm>>) target(%dma_start3A_25 : memref<624x128xf32, #tpu.memory_space<vmem_shared>>) target_semaphore(%run_scoped3A : memref<!tpu.dma_semaphore, #tpu.memory_space<semaphore_mem>>)
      %dma_wait3A = arith.constant 0 : i32
      %dma_wait3A_28 = tpu.memref_slice %arg10[%mul3A_4, %dma_wait3A] : memref<10008x128xf32, #tpu.memory_space<vmem_shared>> -> memref<624x128xf32, #tpu.memory_space<vmem_shared>>
      %dma_wait3A_29 = arith.constant 0 : i32
      %dma_wait3A_30 = tpu.memref_slice %arg2[%mul3A_2, %dma_wait3A_29] : memref<10000x128xf32, #tpu.memory_space<hbm>> -> memref<624x128xf32, #tpu.memory_space<hbm>>
      tpu.wait_dma2 semaphore(%run_scoped3A : memref<!tpu.dma_semaphore, #tpu.memory_space<semaphore_mem>>) src(%dma_wait3A_30 : memref<624x128xf32, #tpu.memory_space<hbm>>) dst(%dma_wait3A_28 : memref<624x128xf32, #tpu.memory_space<vmem_shared>>)
      tpu.yield
    }) : () -> ()
    %eq3A = arith.constant 0 : i32
    %eq3A_5 = arith.cmpi eq, %arg1, %eq3A : i32
    %convert_element_type3A = arith.extui %eq3A_5 : i1 to i32
    %cond3A = arith.constant 0 : i32
    %cond3A_6 = arith.cmpi ne, %convert_element_type3A, %cond3A : i32
    scf.if %cond3A_6 {
      "tpu.region"() ({
        %run_scoped3A = tpu.sem_alloc : memref<!tpu.dma_semaphore, #tpu.memory_space<semaphore_mem>>
        %dma_start3A = arith.constant 9984 : i32
        %dma_start3A_25 = arith.constant 0 : i32
        %dma_start3A_26 = tpu.memref_slice %arg10[%dma_start3A, %dma_start3A_25] : memref<10008x128xf32, #tpu.memory_space<vmem_shared>> -> memref<16x128xf32, #tpu.memory_space<vmem_shared>>
        %dma_start3A_27 = arith.constant 9984 : i32
        %dma_start3A_28 = arith.constant 0 : i32
        %dma_start3A_29 = tpu.memref_slice %arg2[%dma_start3A_27, %dma_start3A_28] : memref<10000x128xf32, #tpu.memory_space<hbm>> -> memref<16x128xf32, #tpu.memory_space<hbm>>
        tpu.enqueue_dma source(%dma_start3A_29 : memref<16x128xf32, #tpu.memory_space<hbm>>) target(%dma_start3A_26 : memref<16x128xf32, #tpu.memory_space<vmem_shared>>) target_semaphore(%run_scoped3A : memref<!tpu.dma_semaphore, #tpu.memory_space<semaphore_mem>>)
        %dma_wait3A = arith.constant 9984 : i32
        %dma_wait3A_30 = arith.constant 0 : i32
        %dma_wait3A_31 = tpu.memref_slice %arg10[%dma_wait3A, %dma_wait3A_30] : memref<10008x128xf32, #tpu.memory_space<vmem_shared>> -> memref<16x128xf32, #tpu.memory_space<vmem_shared>>
        %dma_wait3A_32 = arith.constant 9984 : i32
        %dma_wait3A_33 = arith.constant 0 : i32
        %dma_wait3A_34 = tpu.memref_slice %arg2[%dma_wait3A_32, %dma_wait3A_33] : memref<10000x128xf32, #tpu.memory_space<hbm>> -> memref<16x128xf32, #tpu.memory_space<hbm>>
        tpu.wait_dma2 semaphore(%run_scoped3A : memref<!tpu.dma_semaphore, #tpu.memory_space<semaphore_mem>>) src(%dma_wait3A_34 : memref<16x128xf32, #tpu.memory_space<hbm>>) dst(%dma_wait3A_31 : memref<16x128xf32, #tpu.memory_space<vmem_shared>>)
        tpu.yield
      }) : () -> ()
    } else {
    }
    %barrier3A = arith.constant 0 : index
    tpu.barrier barrier_id(%barrier3A)
    %scan3A = arith.constant 0 : i32
    %scan3A_7 = arith.constant 0 : i32
    %scan3A_8 = arith.constant 4 : i32
    %scan3A_9 = arith.addi %scan3A_7, %scan3A_8 : i32
    %scan3A_10 = arith.constant 1 : i32
    scf.for %scan3A_25 = %scan3A_7 to %scan3A_9 step %scan3A_10  : i32 {
      "tpu.region"() ({
        %run_scoped3A = tpu.sem_alloc : memref<!tpu.dma_semaphore, #tpu.memory_space<semaphore_mem>>
        %dma_start3A_38 = arith.constant 0 : i32
        %dma_start3A_39 = arith.constant 0 : i32
        %dma_start3A_40 = tpu.memref_slice %arg3[%add3A, %scan3A_25, %dma_start3A_38, %dma_start3A_39] : memref<32x4x40x125xi32, #tpu.memory_space<hbm>> -> memref<1x1x40x125xi32, #tpu.memory_space<hbm>>
        %dma_start3A_41 = tpu.memref_squeeze %dma_start3A_40 : memref<1x1x40x125xi32, #tpu.memory_space<hbm>> -> memref<40x125xi32, #tpu.memory_space<hbm>>
        %dma_start3A_42 = arith.constant 0 : i32
        %dma_start3A_43 = arith.constant 0 : i32
        %dma_start3A_44 = tpu.memref_slice %arg3[%add3A, %scan3A_25, %dma_start3A_42, %dma_start3A_43] : memref<32x4x40x125xi32, #tpu.memory_space<hbm>> -> memref<1x1x40x125xi32, #tpu.memory_space<hbm>>
        %dma_start3A_45 = tpu.memref_squeeze %dma_start3A_44 : memref<1x1x40x125xi32, #tpu.memory_space<hbm>> -> memref<40x125xi32, #tpu.memory_space<hbm>>
        tpu.enqueue_dma source(%dma_start3A_45 : memref<40x125xi32, #tpu.memory_space<hbm>>) target(%arg6 : memref<40x125xi32, #tpu.memory_space<vmem>>) target_semaphore(%run_scoped3A : memref<!tpu.dma_semaphore, #tpu.memory_space<semaphore_mem>>)
        %dma_wait3A = arith.constant 0 : i32
        %dma_wait3A_46 = arith.constant 0 : i32
        %dma_wait3A_47 = tpu.memref_slice %arg3[%add3A, %scan3A_25, %dma_wait3A, %dma_wait3A_46] : memref<32x4x40x125xi32, #tpu.memory_space<hbm>> -> memref<1x1x40x125xi32, #tpu.memory_space<hbm>>
        %dma_wait3A_48 = tpu.memref_squeeze %dma_wait3A_47 : memref<1x1x40x125xi32, #tpu.memory_space<hbm>> -> memref<40x125xi32, #tpu.memory_space<hbm>>
        %dma_wait3A_49 = arith.constant 0 : i32
        %dma_wait3A_50 = arith.constant 0 : i32
        %dma_wait3A_51 = tpu.memref_slice %arg3[%add3A, %scan3A_25, %dma_wait3A_49, %dma_wait3A_50] : memref<32x4x40x125xi32, #tpu.memory_space<hbm>> -> memref<1x1x40x125xi32, #tpu.memory_space<hbm>>
        %dma_wait3A_52 = tpu.memref_squeeze %dma_wait3A_51 : memref<1x1x40x125xi32, #tpu.memory_space<hbm>> -> memref<40x125xi32, #tpu.memory_space<hbm>>
        tpu.wait_dma2 semaphore(%run_scoped3A : memref<!tpu.dma_semaphore, #tpu.memory_space<semaphore_mem>>) src(%dma_wait3A_52 : memref<40x125xi32, #tpu.memory_space<hbm>>) dst(%arg6 : memref<40x125xi32, #tpu.memory_space<vmem>>)
        tpu.yield
      }) : () -> ()
      "tpu.region"() ({
        %run_scoped3A = tpu.sem_alloc : memref<!tpu.dma_semaphore, #tpu.memory_space<semaphore_mem>>
        %dma_start3A_38 = arith.constant 0 : i32
        %dma_start3A_39 = arith.constant 0 : i32
        %dma_start3A_40 = tpu.memref_slice %arg4[%add3A, %scan3A_25, %dma_start3A_38, %dma_start3A_39] : memref<32x4x40x125xi32, #tpu.memory_space<hbm>> -> memref<1x1x40x125xi32, #tpu.memory_space<hbm>>
        %dma_start3A_41 = tpu.memref_squeeze %dma_start3A_40 : memref<1x1x40x125xi32, #tpu.memory_space<hbm>> -> memref<40x125xi32, #tpu.memory_space<hbm>>
        %dma_start3A_42 = arith.constant 0 : i32
        %dma_start3A_43 = arith.constant 0 : i32
        %dma_start3A_44 = tpu.memref_slice %arg4[%add3A, %scan3A_25, %dma_start3A_42, %dma_start3A_43] : memref<32x4x40x125xi32, #tpu.memory_space<hbm>> -> memref<1x1x40x125xi32, #tpu.memory_space<hbm>>
        %dma_start3A_45 = tpu.memref_squeeze %dma_start3A_44 : memref<1x1x40x125xi32, #tpu.memory_space<hbm>> -> memref<40x125xi32, #tpu.memory_space<hbm>>
        tpu.enqueue_dma source(%dma_start3A_45 : memref<40x125xi32, #tpu.memory_space<hbm>>) target(%arg7 : memref<40x125xi32, #tpu.memory_space<vmem>>) target_semaphore(%run_scoped3A : memref<!tpu.dma_semaphore, #tpu.memory_space<semaphore_mem>>)
        %dma_wait3A = arith.constant 0 : i32
        %dma_wait3A_46 = arith.constant 0 : i32
        %dma_wait3A_47 = tpu.memref_slice %arg4[%add3A, %scan3A_25, %dma_wait3A, %dma_wait3A_46] : memref<32x4x40x125xi32, #tpu.memory_space<hbm>> -> memref<1x1x40x125xi32, #tpu.memory_space<hbm>>
        %dma_wait3A_48 = tpu.memref_squeeze %dma_wait3A_47 : memref<1x1x40x125xi32, #tpu.memory_space<hbm>> -> memref<40x125xi32, #tpu.memory_space<hbm>>
        %dma_wait3A_49 = arith.constant 0 : i32
        %dma_wait3A_50 = arith.constant 0 : i32
        %dma_wait3A_51 = tpu.memref_slice %arg4[%add3A, %scan3A_25, %dma_wait3A_49, %dma_wait3A_50] : memref<32x4x40x125xi32, #tpu.memory_space<hbm>> -> memref<1x1x40x125xi32, #tpu.memory_space<hbm>>
        %dma_wait3A_52 = tpu.memref_squeeze %dma_wait3A_51 : memref<1x1x40x125xi32, #tpu.memory_space<hbm>> -> memref<40x125xi32, #tpu.memory_space<hbm>>
        tpu.wait_dma2 semaphore(%run_scoped3A : memref<!tpu.dma_semaphore, #tpu.memory_space<semaphore_mem>>) src(%dma_wait3A_52 : memref<40x125xi32, #tpu.memory_space<hbm>>) dst(%arg7 : memref<40x125xi32, #tpu.memory_space<vmem>>)
        tpu.yield
      }) : () -> ()
      %dma_start3A = arith.constant 0 : i32
      %dma_start3A_26 = arith.constant 0 : i32
      %dma_start3A_27 = tpu.memref_slice %arg6[%dma_start3A, %dma_start3A_26] : memref<40x125xi32, #tpu.memory_space<vmem>> -> memref<1x125xi32, #tpu.memory_space<vmem>>
      %dma_start3A_28 = tpu.memref_squeeze %dma_start3A_27 : memref<1x125xi32, #tpu.memory_space<vmem>> -> memref<125xi32, #tpu.memory_space<vmem>>
      %dma_start3A_29 = arith.constant 0 : i32
      %dma_start3A_30 = arith.constant 0 : i32
      %dma_start3A_31 = tpu.memref_slice %arg2[%dma_start3A_29, %dma_start3A_30] : memref<10000x128xf32, #tpu.memory_space<hbm>> -> memref<10000x128xf32, #tpu.memory_space<hbm>>
      tpu.enqueue_indirect_dma source(%dma_start3A_31 : memref<10000x128xf32, #tpu.memory_space<hbm>>) target(%arg8 : memref<125x128xf32, #tpu.memory_space<vmem>>) offsets(%dma_start3A_28 : memref<125xi32, #tpu.memory_space<vmem>>) semaphore(%arg11 : memref<!tpu.dma_semaphore, #tpu.memory_space<semaphore_mem>>)
      %scan3A_32 = arith.constant 0 : i32
      %scan3A_33 = arith.constant 0 : i32
      %scan3A_34 = arith.constant 20 : i32
      %scan3A_35 = arith.addi %scan3A_33, %scan3A_34 : i32
      %scan3A_36 = arith.constant 1 : i32
      scf.for %scan3A_38 = %scan3A_33 to %scan3A_35 step %scan3A_36  : i32 {
        %mul3A_39 = arith.constant 2 : i32
        %mul3A_40 = arith.muli %scan3A_38, %mul3A_39 : i32
        %add3A_41 = arith.constant 1 : i32
        %add3A_42 = arith.addi %mul3A_40, %add3A_41 : i32
        %dma_wait3A = arith.constant 0 : i32
        %dma_wait3A_43 = tpu.memref_slice %arg6[%mul3A_40, %dma_wait3A] : memref<40x125xi32, #tpu.memory_space<vmem>> -> memref<1x125xi32, #tpu.memory_space<vmem>>
        %dma_wait3A_44 = tpu.memref_squeeze %dma_wait3A_43 : memref<1x125xi32, #tpu.memory_space<vmem>> -> memref<125xi32, #tpu.memory_space<vmem>>
        %dma_wait3A_45 = arith.constant 0 : i32
        %dma_wait3A_46 = arith.constant 0 : i32
        %dma_wait3A_47 = tpu.memref_slice %arg2[%dma_wait3A_45, %dma_wait3A_46] : memref<10000x128xf32, #tpu.memory_space<hbm>> -> memref<10000x128xf32, #tpu.memory_space<hbm>>
        tpu.wait_indirect_dma semaphore(%arg11 : memref<!tpu.dma_semaphore, #tpu.memory_space<semaphore_mem>>) src(%dma_wait3A_47 : memref<10000x128xf32, #tpu.memory_space<hbm>>) dst(%arg8 : memref<125x128xf32, #tpu.memory_space<vmem>>)
        %dma_start3A_48 = arith.constant 0 : i32
        %dma_start3A_49 = tpu.memref_slice %arg6[%add3A_42, %dma_start3A_48] : memref<40x125xi32, #tpu.memory_space<vmem>> -> memref<1x125xi32, #tpu.memory_space<vmem>>
        %dma_start3A_50 = tpu.memref_squeeze %dma_start3A_49 : memref<1x125xi32, #tpu.memory_space<vmem>> -> memref<125xi32, #tpu.memory_space<vmem>>
        %dma_start3A_51 = arith.constant 0 : i32
        %dma_start3A_52 = arith.constant 0 : i32
        %dma_start3A_53 = tpu.memref_slice %arg2[%dma_start3A_51, %dma_start3A_52] : memref<10000x128xf32, #tpu.memory_space<hbm>> -> memref<10000x128xf32, #tpu.memory_space<hbm>>
        tpu.enqueue_indirect_dma source(%dma_start3A_53 : memref<10000x128xf32, #tpu.memory_space<hbm>>) target(%arg9 : memref<125x128xf32, #tpu.memory_space<vmem>>) offsets(%dma_start3A_50 : memref<125xi32, #tpu.memory_space<vmem>>) semaphore(%arg11 : memref<!tpu.dma_semaphore, #tpu.memory_space<semaphore_mem>>)
        "tpu.region"() ({
          %run_scoped3A = tpu.sem_alloc : memref<!tpu.dma_semaphore, #tpu.memory_space<semaphore_mem>>
          %dma_start3A_64 = arith.constant 0 : i32
          %dma_start3A_65 = tpu.memref_slice %arg7[%mul3A_40, %dma_start3A_64] : memref<40x125xi32, #tpu.memory_space<vmem>> -> memref<1x125xi32, #tpu.memory_space<vmem>>
          %dma_start3A_66 = tpu.memref_squeeze %dma_start3A_65 : memref<1x125xi32, #tpu.memory_space<vmem>> -> memref<125xi32, #tpu.memory_space<vmem>>
          %dma_start3A_67 = arith.constant 0 : i32
          %dma_start3A_68 = arith.constant 0 : i32
          %dma_start3A_69 = tpu.memref_slice %arg10[%dma_start3A_67, %dma_start3A_68] : memref<10008x128xf32, #tpu.memory_space<vmem_shared>> -> memref<10008x128xf32, #tpu.memory_space<vmem_shared>>
          tpu.enqueue_indirect_dma source(%arg8 : memref<125x128xf32, #tpu.memory_space<vmem>>) target(%dma_start3A_69 : memref<10008x128xf32, #tpu.memory_space<vmem_shared>>) offsets(%dma_start3A_66 : memref<125xi32, #tpu.memory_space<vmem>>) semaphore(%run_scoped3A : memref<!tpu.dma_semaphore, #tpu.memory_space<semaphore_mem>>) {add = true}
          %dma_wait3A_70 = arith.constant 0 : i32
          %dma_wait3A_71 = tpu.memref_slice %arg7[%mul3A_40, %dma_wait3A_70] : memref<40x125xi32, #tpu.memory_space<vmem>> -> memref<1x125xi32, #tpu.memory_space<vmem>>
          %dma_wait3A_72 = tpu.memref_squeeze %dma_wait3A_71 : memref<1x125xi32, #tpu.memory_space<vmem>> -> memref<125xi32, #tpu.memory_space<vmem>>
          %dma_wait3A_73 = arith.constant 0 : i32
          %dma_wait3A_74 = arith.constant 0 : i32
          %dma_wait3A_75 = tpu.memref_slice %arg10[%dma_wait3A_73, %dma_wait3A_74] : memref<10008x128xf32, #tpu.memory_space<vmem_shared>> -> memref<10008x128xf32, #tpu.memory_space<vmem_shared>>
          tpu.wait_indirect_dma semaphore(%run_scoped3A : memref<!tpu.dma_semaphore, #tpu.memory_space<semaphore_mem>>) src(%arg8 : memref<125x128xf32, #tpu.memory_space<vmem>>) dst(%dma_wait3A_75 : memref<10008x128xf32, #tpu.memory_space<vmem_shared>>)
          tpu.yield
        }) : () -> ()
        %dma_wait3A_54 = arith.constant 0 : i32
        %dma_wait3A_55 = tpu.memref_slice %arg6[%add3A_42, %dma_wait3A_54] : memref<40x125xi32, #tpu.memory_space<vmem>> -> memref<1x125xi32, #tpu.memory_space<vmem>>
        %dma_wait3A_56 = tpu.memref_squeeze %dma_wait3A_55 : memref<1x125xi32, #tpu.memory_space<vmem>> -> memref<125xi32, #tpu.memory_space<vmem>>
        %dma_wait3A_57 = arith.constant 0 : i32
        %dma_wait3A_58 = arith.constant 0 : i32
        %dma_wait3A_59 = tpu.memref_slice %arg2[%dma_wait3A_57, %dma_wait3A_58] : memref<10000x128xf32, #tpu.memory_space<hbm>> -> memref<10000x128xf32, #tpu.memory_space<hbm>>
        tpu.wait_indirect_dma semaphore(%arg11 : memref<!tpu.dma_semaphore, #tpu.memory_space<semaphore_mem>>) src(%dma_wait3A_59 : memref<10000x128xf32, #tpu.memory_space<hbm>>) dst(%arg9 : memref<125x128xf32, #tpu.memory_space<vmem>>)
        %lt3A = arith.constant 19 : i32
        %lt3A_60 = arith.cmpi slt, %scan3A_38, %lt3A : i32
        %convert_element_type3A_61 = arith.extui %lt3A_60 : i1 to i32
        %cond3A_62 = arith.constant 0 : i32
        %cond3A_63 = arith.cmpi ne, %convert_element_type3A_61, %cond3A_62 : i32
        scf.if %cond3A_63 {
          %add3A_64 = arith.constant 2 : i32
          %add3A_65 = arith.addi %mul3A_40, %add3A_64 : i32
          %dma_start3A_66 = arith.constant 0 : i32
          %dma_start3A_67 = tpu.memref_slice %arg6[%add3A_65, %dma_start3A_66] : memref<40x125xi32, #tpu.memory_space<vmem>> -> memref<1x125xi32, #tpu.memory_space<vmem>>
          %dma_start3A_68 = tpu.memref_squeeze %dma_start3A_67 : memref<1x125xi32, #tpu.memory_space<vmem>> -> memref<125xi32, #tpu.memory_space<vmem>>
          %dma_start3A_69 = arith.constant 0 : i32
          %dma_start3A_70 = arith.constant 0 : i32
          %dma_start3A_71 = tpu.memref_slice %arg2[%dma_start3A_69, %dma_start3A_70] : memref<10000x128xf32, #tpu.memory_space<hbm>> -> memref<10000x128xf32, #tpu.memory_space<hbm>>
          tpu.enqueue_indirect_dma source(%dma_start3A_71 : memref<10000x128xf32, #tpu.memory_space<hbm>>) target(%arg8 : memref<125x128xf32, #tpu.memory_space<vmem>>) offsets(%dma_start3A_68 : memref<125xi32, #tpu.memory_space<vmem>>) semaphore(%arg11 : memref<!tpu.dma_semaphore, #tpu.memory_space<semaphore_mem>>)
        } else {
        }
        "tpu.region"() ({
          %run_scoped3A = tpu.sem_alloc : memref<!tpu.dma_semaphore, #tpu.memory_space<semaphore_mem>>
          %dma_start3A_64 = arith.constant 0 : i32
          %dma_start3A_65 = tpu.memref_slice %arg7[%add3A_42, %dma_start3A_64] : memref<40x125xi32, #tpu.memory_space<vmem>> -> memref<1x125xi32, #tpu.memory_space<vmem>>
          %dma_start3A_66 = tpu.memref_squeeze %dma_start3A_65 : memref<1x125xi32, #tpu.memory_space<vmem>> -> memref<125xi32, #tpu.memory_space<vmem>>
          %dma_start3A_67 = arith.constant 0 : i32
          %dma_start3A_68 = arith.constant 0 : i32
          %dma_start3A_69 = tpu.memref_slice %arg10[%dma_start3A_67, %dma_start3A_68] : memref<10008x128xf32, #tpu.memory_space<vmem_shared>> -> memref<10008x128xf32, #tpu.memory_space<vmem_shared>>
          tpu.enqueue_indirect_dma source(%arg9 : memref<125x128xf32, #tpu.memory_space<vmem>>) target(%dma_start3A_69 : memref<10008x128xf32, #tpu.memory_space<vmem_shared>>) offsets(%dma_start3A_66 : memref<125xi32, #tpu.memory_space<vmem>>) semaphore(%run_scoped3A : memref<!tpu.dma_semaphore, #tpu.memory_space<semaphore_mem>>) {add = true}
          %dma_wait3A_70 = arith.constant 0 : i32
          %dma_wait3A_71 = tpu.memref_slice %arg7[%add3A_42, %dma_wait3A_70] : memref<40x125xi32, #tpu.memory_space<vmem>> -> memref<1x125xi32, #tpu.memory_space<vmem>>
          %dma_wait3A_72 = tpu.memref_squeeze %dma_wait3A_71 : memref<1x125xi32, #tpu.memory_space<vmem>> -> memref<125xi32, #tpu.memory_space<vmem>>
          %dma_wait3A_73 = arith.constant 0 : i32
          %dma_wait3A_74 = arith.constant 0 : i32
          %dma_wait3A_75 = tpu.memref_slice %arg10[%dma_wait3A_73, %dma_wait3A_74] : memref<10008x128xf32, #tpu.memory_space<vmem_shared>> -> memref<10008x128xf32, #tpu.memory_space<vmem_shared>>
          tpu.wait_indirect_dma semaphore(%run_scoped3A : memref<!tpu.dma_semaphore, #tpu.memory_space<semaphore_mem>>) src(%arg9 : memref<125x128xf32, #tpu.memory_space<vmem>>) dst(%dma_wait3A_75 : memref<10008x128xf32, #tpu.memory_space<vmem_shared>>)
          tpu.yield
        }) : () -> ()
      }
      %scan3A_37 = arith.constant 20 : i32
    }
    %scan3A_11 = arith.constant 4 : i32
    %barrier3A_12 = arith.constant 0 : index
    tpu.barrier barrier_id(%barrier3A_12)
    %mul3A_13 = arith.constant 624 : i32
    %mul3A_14 = arith.muli %arg1, %mul3A_13 : i32
    %mul3A_15 = arith.constant 10000 : i32
    %mul3A_16 = arith.muli %arg0, %mul3A_15 : i32
    %mul3A_17 = arith.constant 624 : i32
    %mul3A_18 = arith.muli %arg1, %mul3A_17 : i32
    %add3A_19 = arith.addi %mul3A_16, %mul3A_18 : i32
    "tpu.region"() ({
      %run_scoped3A = tpu.sem_alloc : memref<!tpu.dma_semaphore, #tpu.memory_space<semaphore_mem>>
      %dma_start3A = arith.constant 0 : i32
      %dma_start3A_25 = tpu.memref_slice %arg5[%add3A_19, %dma_start3A] : memref<20000x128xf32, #tpu.memory_space<hbm>> -> memref<624x128xf32, #tpu.memory_space<hbm>>
      %dma_start3A_26 = arith.constant 0 : i32
      %dma_start3A_27 = tpu.memref_slice %arg10[%mul3A_14, %dma_start3A_26] : memref<10008x128xf32, #tpu.memory_space<vmem_shared>> -> memref<624x128xf32, #tpu.memory_space<vmem_shared>>
      tpu.enqueue_dma source(%dma_start3A_27 : memref<624x128xf32, #tpu.memory_space<vmem_shared>>) target(%dma_start3A_25 : memref<624x128xf32, #tpu.memory_space<hbm>>) target_semaphore(%run_scoped3A : memref<!tpu.dma_semaphore, #tpu.memory_space<semaphore_mem>>)
      %dma_wait3A = arith.constant 0 : i32
      %dma_wait3A_28 = tpu.memref_slice %arg5[%add3A_19, %dma_wait3A] : memref<20000x128xf32, #tpu.memory_space<hbm>> -> memref<624x128xf32, #tpu.memory_space<hbm>>
      %dma_wait3A_29 = arith.constant 0 : i32
      %dma_wait3A_30 = tpu.memref_slice %arg10[%mul3A_14, %dma_wait3A_29] : memref<10008x128xf32, #tpu.memory_space<vmem_shared>> -> memref<624x128xf32, #tpu.memory_space<vmem_shared>>
      tpu.wait_dma2 semaphore(%run_scoped3A : memref<!tpu.dma_semaphore, #tpu.memory_space<semaphore_mem>>) src(%dma_wait3A_30 : memref<624x128xf32, #tpu.memory_space<vmem_shared>>) dst(%dma_wait3A_28 : memref<624x128xf32, #tpu.memory_space<hbm>>)
      tpu.yield
    }) : () -> ()
    %eq3A_20 = arith.constant 0 : i32
    %eq3A_21 = arith.cmpi eq, %arg1, %eq3A_20 : i32
    %convert_element_type3A_22 = arith.extui %eq3A_21 : i1 to i32
    %cond3A_23 = arith.constant 0 : i32
    %cond3A_24 = arith.cmpi ne, %convert_element_type3A_22, %cond3A_23 : i32
    scf.if %cond3A_24 {
      %mul3A_25 = arith.constant 10000 : i32
      %mul3A_26 = arith.muli %arg0, %mul3A_25 : i32
      %add3A_27 = arith.constant 9984 : i32
      %add3A_28 = arith.addi %mul3A_26, %add3A_27 : i32
      "tpu.region"() ({
        %run_scoped3A = tpu.sem_alloc : memref<!tpu.dma_semaphore, #tpu.memory_space<semaphore_mem>>
        %dma_start3A = arith.constant 0 : i32
        %dma_start3A_29 = tpu.memref_slice %arg5[%add3A_28, %dma_start3A] : memref<20000x128xf32, #tpu.memory_space<hbm>> -> memref<16x128xf32, #tpu.memory_space<hbm>>
        %dma_start3A_30 = arith.constant 9984 : i32
        %dma_start3A_31 = arith.constant 0 : i32
        %dma_start3A_32 = tpu.memref_slice %arg10[%dma_start3A_30, %dma_start3A_31] : memref<10008x128xf32, #tpu.memory_space<vmem_shared>> -> memref<16x128xf32, #tpu.memory_space<vmem_shared>>
        tpu.enqueue_dma source(%dma_start3A_32 : memref<16x128xf32, #tpu.memory_space<vmem_shared>>) target(%dma_start3A_29 : memref<16x128xf32, #tpu.memory_space<hbm>>) target_semaphore(%run_scoped3A : memref<!tpu.dma_semaphore, #tpu.memory_space<semaphore_mem>>)
        %dma_wait3A = arith.constant 0 : i32
        %dma_wait3A_33 = tpu.memref_slice %arg5[%add3A_28, %dma_wait3A] : memref<20000x128xf32, #tpu.memory_space<hbm>> -> memref<16x128xf32, #tpu.memory_space<hbm>>
        %dma_wait3A_34 = arith.constant 9984 : i32
        %dma_wait3A_35 = arith.constant 0 : i32
        %dma_wait3A_36 = tpu.memref_slice %arg10[%dma_wait3A_34, %dma_wait3A_35] : memref<10008x128xf32, #tpu.memory_space<vmem_shared>> -> memref<16x128xf32, #tpu.memory_space<vmem_shared>>
        tpu.wait_dma2 semaphore(%run_scoped3A : memref<!tpu.dma_semaphore, #tpu.memory_space<semaphore_mem>>) src(%dma_wait3A_36 : memref<16x128xf32, #tpu.memory_space<vmem_shared>>) dst(%dma_wait3A_33 : memref<16x128xf32, #tpu.memory_space<hbm>>)
        tpu.yield
      }) : () -> ()
    } else {
    }
    return
  }
}

#map = affine_map<(d0, d1) -> (0, 0)>
#map1 = affine_map<(d0, d1) -> (0, 0, 0, 0)>
module attributes {stable_mosaic.version = 14 : i64} {
  func.func @_gin_body(%arg0: i32, %arg1: i32, %arg2: memref<10000x128xf32, #tpu.memory_space<hbm>>, %arg3: memref<32x4x40x125xi32, #tpu.memory_space<hbm>>, %arg4: memref<32x4x40x125xi32, #tpu.memory_space<hbm>>, %arg5: memref<20000x128xf32, #tpu.memory_space<hbm>>, %arg6: memref<40x125xi32, #tpu.memory_space<vmem>>, %arg7: memref<40x125xi32, #tpu.memory_space<vmem>>, %arg8: memref<125x128xf32, #tpu.memory_space<vmem>>, %arg9: memref<125x128xf32, #tpu.memory_space<vmem>>, %arg10: memref<10008x128xf32, #tpu.memory_space<vmem_shared>>, %arg11: memref<!tpu.dma_semaphore, #tpu.memory_space<semaphore_mem>>) attributes {dimension_semantics = [#tpu.dimension_semantics<core_parallel>, #tpu.dimension_semantics<subcore_parallel>], iteration_bounds = array<i64: 2, 16>, scalar_prefetch = 0 : i64, scratch_operands = 6 : i64, tpu.core_type = #tpu.core_type<sc_vector_subcore>, window_params = [{transform_indices = #map}, {transform_indices = #map1}, {transform_indices = #map1}, {transform_indices = #map}]} {
    %mul3A = arith.constant 2 : i32
    %mul3A_0 = arith.muli %arg1, %mul3A : i32
    %add3A = arith.addi %mul3A_0, %arg0 : i32
    %mul3A_1 = arith.constant 624 : i32
    %mul3A_2 = arith.muli %arg1, %mul3A_1 : i32
    %mul3A_3 = arith.constant 624 : i32
    %mul3A_4 = arith.muli %arg1, %mul3A_3 : i32
    "tpu.region"() ({
      %run_scoped3A = tpu.sem_alloc : memref<!tpu.dma_semaphore, #tpu.memory_space<semaphore_mem>>
      %dma_start3A = arith.constant 0 : i32
      %dma_start3A_25 = tpu.memref_slice %arg10[%mul3A_4, %dma_start3A] : memref<10008x128xf32, #tpu.memory_space<vmem_shared>> -> memref<624x128xf32, #tpu.memory_space<vmem_shared>>
      %dma_start3A_26 = arith.constant 0 : i32
      %dma_start3A_27 = tpu.memref_slice %arg2[%mul3A_2, %dma_start3A_26] : memref<10000x128xf32, #tpu.memory_space<hbm>> -> memref<624x128xf32, #tpu.memory_space<hbm>>
      tpu.enqueue_dma source(%dma_start3A_27 : memref<624x128xf32, #tpu.memory_space<hbm>>) target(%dma_start3A_25 : memref<624x128xf32, #tpu.memory_space<vmem_shared>>) target_semaphore(%run_scoped3A : memref<!tpu.dma_semaphore, #tpu.memory_space<semaphore_mem>>)
      %dma_wait3A = arith.constant 0 : i32
      %dma_wait3A_28 = tpu.memref_slice %arg10[%mul3A_4, %dma_wait3A] : memref<10008x128xf32, #tpu.memory_space<vmem_shared>> -> memref<624x128xf32, #tpu.memory_space<vmem_shared>>
      %dma_wait3A_29 = arith.constant 0 : i32
      %dma_wait3A_30 = tpu.memref_slice %arg2[%mul3A_2, %dma_wait3A_29] : memref<10000x128xf32, #tpu.memory_space<hbm>> -> memref<624x128xf32, #tpu.memory_space<hbm>>
      tpu.wait_dma2 semaphore(%run_scoped3A : memref<!tpu.dma_semaphore, #tpu.memory_space<semaphore_mem>>) src(%dma_wait3A_30 : memref<624x128xf32, #tpu.memory_space<hbm>>) dst(%dma_wait3A_28 : memref<624x128xf32, #tpu.memory_space<vmem_shared>>)
      tpu.yield
    }) : () -> ()
    %eq3A = arith.constant 0 : i32
    %eq3A_5 = arith.cmpi eq, %arg1, %eq3A : i32
    %convert_element_type3A = arith.extui %eq3A_5 : i1 to i32
    %cond3A = arith.constant 0 : i32
    %cond3A_6 = arith.cmpi ne, %convert_element_type3A, %cond3A : i32
    scf.if %cond3A_6 {
      "tpu.region"() ({
        %run_scoped3A = tpu.sem_alloc : memref<!tpu.dma_semaphore, #tpu.memory_space<semaphore_mem>>
        %dma_start3A = arith.constant 9984 : i32
        %dma_start3A_25 = arith.constant 0 : i32
        %dma_start3A_26 = tpu.memref_slice %arg10[%dma_start3A, %dma_start3A_25] : memref<10008x128xf32, #tpu.memory_space<vmem_shared>> -> memref<16x128xf32, #tpu.memory_space<vmem_shared>>
        %dma_start3A_27 = arith.constant 9984 : i32
        %dma_start3A_28 = arith.constant 0 : i32
        %dma_start3A_29 = tpu.memref_slice %arg2[%dma_start3A_27, %dma_start3A_28] : memref<10000x128xf32, #tpu.memory_space<hbm>> -> memref<16x128xf32, #tpu.memory_space<hbm>>
        tpu.enqueue_dma source(%dma_start3A_29 : memref<16x128xf32, #tpu.memory_space<hbm>>) target(%dma_start3A_26 : memref<16x128xf32, #tpu.memory_space<vmem_shared>>) target_semaphore(%run_scoped3A : memref<!tpu.dma_semaphore, #tpu.memory_space<semaphore_mem>>)
        %dma_wait3A = arith.constant 9984 : i32
        %dma_wait3A_30 = arith.constant 0 : i32
        %dma_wait3A_31 = tpu.memref_slice %arg10[%dma_wait3A, %dma_wait3A_30] : memref<10008x128xf32, #tpu.memory_space<vmem_shared>> -> memref<16x128xf32, #tpu.memory_space<vmem_shared>>
        %dma_wait3A_32 = arith.constant 9984 : i32
        %dma_wait3A_33 = arith.constant 0 : i32
        %dma_wait3A_34 = tpu.memref_slice %arg2[%dma_wait3A_32, %dma_wait3A_33] : memref<10000x128xf32, #tpu.memory_space<hbm>> -> memref<16x128xf32, #tpu.memory_space<hbm>>
        tpu.wait_dma2 semaphore(%run_scoped3A : memref<!tpu.dma_semaphore, #tpu.memory_space<semaphore_mem>>) src(%dma_wait3A_34 : memref<16x128xf32, #tpu.memory_space<hbm>>) dst(%dma_wait3A_31 : memref<16x128xf32, #tpu.memory_space<vmem_shared>>)
        tpu.yield
      }) : () -> ()
    } else {
    }
    %barrier3A = arith.constant 0 : index
    tpu.barrier barrier_id(%barrier3A)
    %scan3A = arith.constant 0 : i32
    %scan3A_7 = arith.constant 0 : i32
    %scan3A_8 = arith.constant 4 : i32
    %scan3A_9 = arith.addi %scan3A_7, %scan3A_8 : i32
    %scan3A_10 = arith.constant 1 : i32
    scf.for %scan3A_25 = %scan3A_7 to %scan3A_9 step %scan3A_10  : i32 {
      "tpu.region"() ({
        %run_scoped3A = tpu.sem_alloc : memref<!tpu.dma_semaphore, #tpu.memory_space<semaphore_mem>>
        %dma_start3A_38 = arith.constant 0 : i32
        %dma_start3A_39 = arith.constant 0 : i32
        %dma_start3A_40 = tpu.memref_slice %arg3[%add3A, %scan3A_25, %dma_start3A_38, %dma_start3A_39] : memref<32x4x40x125xi32, #tpu.memory_space<hbm>> -> memref<1x1x40x125xi32, #tpu.memory_space<hbm>>
        %dma_start3A_41 = tpu.memref_squeeze %dma_start3A_40 : memref<1x1x40x125xi32, #tpu.memory_space<hbm>> -> memref<40x125xi32, #tpu.memory_space<hbm>>
        %dma_start3A_42 = arith.constant 0 : i32
        %dma_start3A_43 = arith.constant 0 : i32
        %dma_start3A_44 = tpu.memref_slice %arg3[%add3A, %scan3A_25, %dma_start3A_42, %dma_start3A_43] : memref<32x4x40x125xi32, #tpu.memory_space<hbm>> -> memref<1x1x40x125xi32, #tpu.memory_space<hbm>>
        %dma_start3A_45 = tpu.memref_squeeze %dma_start3A_44 : memref<1x1x40x125xi32, #tpu.memory_space<hbm>> -> memref<40x125xi32, #tpu.memory_space<hbm>>
        tpu.enqueue_dma source(%dma_start3A_45 : memref<40x125xi32, #tpu.memory_space<hbm>>) target(%arg6 : memref<40x125xi32, #tpu.memory_space<vmem>>) target_semaphore(%run_scoped3A : memref<!tpu.dma_semaphore, #tpu.memory_space<semaphore_mem>>)
        %dma_wait3A = arith.constant 0 : i32
        %dma_wait3A_46 = arith.constant 0 : i32
        %dma_wait3A_47 = tpu.memref_slice %arg3[%add3A, %scan3A_25, %dma_wait3A, %dma_wait3A_46] : memref<32x4x40x125xi32, #tpu.memory_space<hbm>> -> memref<1x1x40x125xi32, #tpu.memory_space<hbm>>
        %dma_wait3A_48 = tpu.memref_squeeze %dma_wait3A_47 : memref<1x1x40x125xi32, #tpu.memory_space<hbm>> -> memref<40x125xi32, #tpu.memory_space<hbm>>
        %dma_wait3A_49 = arith.constant 0 : i32
        %dma_wait3A_50 = arith.constant 0 : i32
        %dma_wait3A_51 = tpu.memref_slice %arg3[%add3A, %scan3A_25, %dma_wait3A_49, %dma_wait3A_50] : memref<32x4x40x125xi32, #tpu.memory_space<hbm>> -> memref<1x1x40x125xi32, #tpu.memory_space<hbm>>
        %dma_wait3A_52 = tpu.memref_squeeze %dma_wait3A_51 : memref<1x1x40x125xi32, #tpu.memory_space<hbm>> -> memref<40x125xi32, #tpu.memory_space<hbm>>
        tpu.wait_dma2 semaphore(%run_scoped3A : memref<!tpu.dma_semaphore, #tpu.memory_space<semaphore_mem>>) src(%dma_wait3A_52 : memref<40x125xi32, #tpu.memory_space<hbm>>) dst(%arg6 : memref<40x125xi32, #tpu.memory_space<vmem>>)
        tpu.yield
      }) : () -> ()
      "tpu.region"() ({
        %run_scoped3A = tpu.sem_alloc : memref<!tpu.dma_semaphore, #tpu.memory_space<semaphore_mem>>
        %dma_start3A_38 = arith.constant 0 : i32
        %dma_start3A_39 = arith.constant 0 : i32
        %dma_start3A_40 = tpu.memref_slice %arg4[%add3A, %scan3A_25, %dma_start3A_38, %dma_start3A_39] : memref<32x4x40x125xi32, #tpu.memory_space<hbm>> -> memref<1x1x40x125xi32, #tpu.memory_space<hbm>>
        %dma_start3A_41 = tpu.memref_squeeze %dma_start3A_40 : memref<1x1x40x125xi32, #tpu.memory_space<hbm>> -> memref<40x125xi32, #tpu.memory_space<hbm>>
        %dma_start3A_42 = arith.constant 0 : i32
        %dma_start3A_43 = arith.constant 0 : i32
        %dma_start3A_44 = tpu.memref_slice %arg4[%add3A, %scan3A_25, %dma_start3A_42, %dma_start3A_43] : memref<32x4x40x125xi32, #tpu.memory_space<hbm>> -> memref<1x1x40x125xi32, #tpu.memory_space<hbm>>
        %dma_start3A_45 = tpu.memref_squeeze %dma_start3A_44 : memref<1x1x40x125xi32, #tpu.memory_space<hbm>> -> memref<40x125xi32, #tpu.memory_space<hbm>>
        tpu.enqueue_dma source(%dma_start3A_45 : memref<40x125xi32, #tpu.memory_space<hbm>>) target(%arg7 : memref<40x125xi32, #tpu.memory_space<vmem>>) target_semaphore(%run_scoped3A : memref<!tpu.dma_semaphore, #tpu.memory_space<semaphore_mem>>)
        %dma_wait3A = arith.constant 0 : i32
        %dma_wait3A_46 = arith.constant 0 : i32
        %dma_wait3A_47 = tpu.memref_slice %arg4[%add3A, %scan3A_25, %dma_wait3A, %dma_wait3A_46] : memref<32x4x40x125xi32, #tpu.memory_space<hbm>> -> memref<1x1x40x125xi32, #tpu.memory_space<hbm>>
        %dma_wait3A_48 = tpu.memref_squeeze %dma_wait3A_47 : memref<1x1x40x125xi32, #tpu.memory_space<hbm>> -> memref<40x125xi32, #tpu.memory_space<hbm>>
        %dma_wait3A_49 = arith.constant 0 : i32
        %dma_wait3A_50 = arith.constant 0 : i32
        %dma_wait3A_51 = tpu.memref_slice %arg4[%add3A, %scan3A_25, %dma_wait3A_49, %dma_wait3A_50] : memref<32x4x40x125xi32, #tpu.memory_space<hbm>> -> memref<1x1x40x125xi32, #tpu.memory_space<hbm>>
        %dma_wait3A_52 = tpu.memref_squeeze %dma_wait3A_51 : memref<1x1x40x125xi32, #tpu.memory_space<hbm>> -> memref<40x125xi32, #tpu.memory_space<hbm>>
        tpu.wait_dma2 semaphore(%run_scoped3A : memref<!tpu.dma_semaphore, #tpu.memory_space<semaphore_mem>>) src(%dma_wait3A_52 : memref<40x125xi32, #tpu.memory_space<hbm>>) dst(%arg7 : memref<40x125xi32, #tpu.memory_space<vmem>>)
        tpu.yield
      }) : () -> ()
      %dma_start3A = arith.constant 0 : i32
      %dma_start3A_26 = arith.constant 0 : i32
      %dma_start3A_27 = tpu.memref_slice %arg6[%dma_start3A, %dma_start3A_26] : memref<40x125xi32, #tpu.memory_space<vmem>> -> memref<1x125xi32, #tpu.memory_space<vmem>>
      %dma_start3A_28 = tpu.memref_squeeze %dma_start3A_27 : memref<1x125xi32, #tpu.memory_space<vmem>> -> memref<125xi32, #tpu.memory_space<vmem>>
      %dma_start3A_29 = arith.constant 0 : i32
      %dma_start3A_30 = arith.constant 0 : i32
      %dma_start3A_31 = tpu.memref_slice %arg2[%dma_start3A_29, %dma_start3A_30] : memref<10000x128xf32, #tpu.memory_space<hbm>> -> memref<10000x128xf32, #tpu.memory_space<hbm>>
      tpu.enqueue_indirect_dma source(%dma_start3A_31 : memref<10000x128xf32, #tpu.memory_space<hbm>>) target(%arg8 : memref<125x128xf32, #tpu.memory_space<vmem>>) offsets(%dma_start3A_28 : memref<125xi32, #tpu.memory_space<vmem>>) semaphore(%arg11 : memref<!tpu.dma_semaphore, #tpu.memory_space<semaphore_mem>>)
      %scan3A_32 = arith.constant 0 : i32
      %scan3A_33 = arith.constant 0 : i32
      %scan3A_34 = arith.constant 20 : i32
      %scan3A_35 = arith.addi %scan3A_33, %scan3A_34 : i32
      %scan3A_36 = arith.constant 1 : i32
      scf.for %scan3A_38 = %scan3A_33 to %scan3A_35 step %scan3A_36  : i32 {
        %mul3A_39 = arith.constant 2 : i32
        %mul3A_40 = arith.muli %scan3A_38, %mul3A_39 : i32
        %add3A_41 = arith.constant 1 : i32
        %add3A_42 = arith.addi %mul3A_40, %add3A_41 : i32
        %dma_wait3A = arith.constant 0 : i32
        %dma_wait3A_43 = tpu.memref_slice %arg6[%mul3A_40, %dma_wait3A] : memref<40x125xi32, #tpu.memory_space<vmem>> -> memref<1x125xi32, #tpu.memory_space<vmem>>
        %dma_wait3A_44 = tpu.memref_squeeze %dma_wait3A_43 : memref<1x125xi32, #tpu.memory_space<vmem>> -> memref<125xi32, #tpu.memory_space<vmem>>
        %dma_wait3A_45 = arith.constant 0 : i32
        %dma_wait3A_46 = arith.constant 0 : i32
        %dma_wait3A_47 = tpu.memref_slice %arg2[%dma_wait3A_45, %dma_wait3A_46] : memref<10000x128xf32, #tpu.memory_space<hbm>> -> memref<10000x128xf32, #tpu.memory_space<hbm>>
        tpu.wait_indirect_dma semaphore(%arg11 : memref<!tpu.dma_semaphore, #tpu.memory_space<semaphore_mem>>) src(%dma_wait3A_47 : memref<10000x128xf32, #tpu.memory_space<hbm>>) dst(%arg8 : memref<125x128xf32, #tpu.memory_space<vmem>>)
        %dma_start3A_48 = arith.constant 0 : i32
        %dma_start3A_49 = tpu.memref_slice %arg6[%add3A_42, %dma_start3A_48] : memref<40x125xi32, #tpu.memory_space<vmem>> -> memref<1x125xi32, #tpu.memory_space<vmem>>
        %dma_start3A_50 = tpu.memref_squeeze %dma_start3A_49 : memref<1x125xi32, #tpu.memory_space<vmem>> -> memref<125xi32, #tpu.memory_space<vmem>>
        %dma_start3A_51 = arith.constant 0 : i32
        %dma_start3A_52 = arith.constant 0 : i32
        %dma_start3A_53 = tpu.memref_slice %arg2[%dma_start3A_51, %dma_start3A_52] : memref<10000x128xf32, #tpu.memory_space<hbm>> -> memref<10000x128xf32, #tpu.memory_space<hbm>>
        tpu.enqueue_indirect_dma source(%dma_start3A_53 : memref<10000x128xf32, #tpu.memory_space<hbm>>) target(%arg9 : memref<125x128xf32, #tpu.memory_space<vmem>>) offsets(%dma_start3A_50 : memref<125xi32, #tpu.memory_space<vmem>>) semaphore(%arg11 : memref<!tpu.dma_semaphore, #tpu.memory_space<semaphore_mem>>)
        "tpu.region"() ({
          %run_scoped3A = tpu.sem_alloc : memref<!tpu.dma_semaphore, #tpu.memory_space<semaphore_mem>>
          %dma_start3A_64 = arith.constant 0 : i32
          %dma_start3A_65 = tpu.memref_slice %arg7[%mul3A_40, %dma_start3A_64] : memref<40x125xi32, #tpu.memory_space<vmem>> -> memref<1x125xi32, #tpu.memory_space<vmem>>
          %dma_start3A_66 = tpu.memref_squeeze %dma_start3A_65 : memref<1x125xi32, #tpu.memory_space<vmem>> -> memref<125xi32, #tpu.memory_space<vmem>>
          %dma_start3A_67 = arith.constant 0 : i32
          %dma_start3A_68 = arith.constant 0 : i32
          %dma_start3A_69 = tpu.memref_slice %arg10[%dma_start3A_67, %dma_start3A_68] : memref<10008x128xf32, #tpu.memory_space<vmem_shared>> -> memref<10008x128xf32, #tpu.memory_space<vmem_shared>>
          tpu.enqueue_indirect_dma source(%arg8 : memref<125x128xf32, #tpu.memory_space<vmem>>) target(%dma_start3A_69 : memref<10008x128xf32, #tpu.memory_space<vmem_shared>>) offsets(%dma_start3A_66 : memref<125xi32, #tpu.memory_space<vmem>>) semaphore(%run_scoped3A : memref<!tpu.dma_semaphore, #tpu.memory_space<semaphore_mem>>) {add = true}
          %dma_wait3A_70 = arith.constant 0 : i32
          %dma_wait3A_71 = tpu.memref_slice %arg7[%mul3A_40, %dma_wait3A_70] : memref<40x125xi32, #tpu.memory_space<vmem>> -> memref<1x125xi32, #tpu.memory_space<vmem>>
          %dma_wait3A_72 = tpu.memref_squeeze %dma_wait3A_71 : memref<1x125xi32, #tpu.memory_space<vmem>> -> memref<125xi32, #tpu.memory_space<vmem>>
          %dma_wait3A_73 = arith.constant 0 : i32
          %dma_wait3A_74 = arith.constant 0 : i32
          %dma_wait3A_75 = tpu.memref_slice %arg10[%dma_wait3A_73, %dma_wait3A_74] : memref<10008x128xf32, #tpu.memory_space<vmem_shared>> -> memref<10008x128xf32, #tpu.memory_space<vmem_shared>>
          tpu.wait_indirect_dma semaphore(%run_scoped3A : memref<!tpu.dma_semaphore, #tpu.memory_space<semaphore_mem>>) src(%arg8 : memref<125x128xf32, #tpu.memory_space<vmem>>) dst(%dma_wait3A_75 : memref<10008x128xf32, #tpu.memory_space<vmem_shared>>)
          tpu.yield
        }) : () -> ()
        %dma_wait3A_54 = arith.constant 0 : i32
        %dma_wait3A_55 = tpu.memref_slice %arg6[%add3A_42, %dma_wait3A_54] : memref<40x125xi32, #tpu.memory_space<vmem>> -> memref<1x125xi32, #tpu.memory_space<vmem>>
        %dma_wait3A_56 = tpu.memref_squeeze %dma_wait3A_55 : memref<1x125xi32, #tpu.memory_space<vmem>> -> memref<125xi32, #tpu.memory_space<vmem>>
        %dma_wait3A_57 = arith.constant 0 : i32
        %dma_wait3A_58 = arith.constant 0 : i32
        %dma_wait3A_59 = tpu.memref_slice %arg2[%dma_wait3A_57, %dma_wait3A_58] : memref<10000x128xf32, #tpu.memory_space<hbm>> -> memref<10000x128xf32, #tpu.memory_space<hbm>>
        tpu.wait_indirect_dma semaphore(%arg11 : memref<!tpu.dma_semaphore, #tpu.memory_space<semaphore_mem>>) src(%dma_wait3A_59 : memref<10000x128xf32, #tpu.memory_space<hbm>>) dst(%arg9 : memref<125x128xf32, #tpu.memory_space<vmem>>)
        %lt3A = arith.constant 19 : i32
        %lt3A_60 = arith.cmpi slt, %scan3A_38, %lt3A : i32
        %convert_element_type3A_61 = arith.extui %lt3A_60 : i1 to i32
        %cond3A_62 = arith.constant 0 : i32
        %cond3A_63 = arith.cmpi ne, %convert_element_type3A_61, %cond3A_62 : i32
        scf.if %cond3A_63 {
          %add3A_64 = arith.constant 2 : i32
          %add3A_65 = arith.addi %mul3A_40, %add3A_64 : i32
          %dma_start3A_66 = arith.constant 0 : i32
          %dma_start3A_67 = tpu.memref_slice %arg6[%add3A_65, %dma_start3A_66] : memref<40x125xi32, #tpu.memory_space<vmem>> -> memref<1x125xi32, #tpu.memory_space<vmem>>
          %dma_start3A_68 = tpu.memref_squeeze %dma_start3A_67 : memref<1x125xi32, #tpu.memory_space<vmem>> -> memref<125xi32, #tpu.memory_space<vmem>>
          %dma_start3A_69 = arith.constant 0 : i32
          %dma_start3A_70 = arith.constant 0 : i32
          %dma_start3A_71 = tpu.memref_slice %arg2[%dma_start3A_69, %dma_start3A_70] : memref<10000x128xf32, #tpu.memory_space<hbm>> -> memref<10000x128xf32, #tpu.memory_space<hbm>>
          tpu.enqueue_indirect_dma source(%dma_start3A_71 : memref<10000x128xf32, #tpu.memory_space<hbm>>) target(%arg8 : memref<125x128xf32, #tpu.memory_space<vmem>>) offsets(%dma_start3A_68 : memref<125xi32, #tpu.memory_space<vmem>>) semaphore(%arg11 : memref<!tpu.dma_semaphore, #tpu.memory_space<semaphore_mem>>)
        } else {
        }
        "tpu.region"() ({
          %run_scoped3A = tpu.sem_alloc : memref<!tpu.dma_semaphore, #tpu.memory_space<semaphore_mem>>
          %dma_start3A_64 = arith.constant 0 : i32
          %dma_start3A_65 = tpu.memref_slice %arg7[%add3A_42, %dma_start3A_64] : memref<40x125xi32, #tpu.memory_space<vmem>> -> memref<1x125xi32, #tpu.memory_space<vmem>>
          %dma_start3A_66 = tpu.memref_squeeze %dma_start3A_65 : memref<1x125xi32, #tpu.memory_space<vmem>> -> memref<125xi32, #tpu.memory_space<vmem>>
          %dma_start3A_67 = arith.constant 0 : i32
          %dma_start3A_68 = arith.constant 0 : i32
          %dma_start3A_69 = tpu.memref_slice %arg10[%dma_start3A_67, %dma_start3A_68] : memref<10008x128xf32, #tpu.memory_space<vmem_shared>> -> memref<10008x128xf32, #tpu.memory_space<vmem_shared>>
          tpu.enqueue_indirect_dma source(%arg9 : memref<125x128xf32, #tpu.memory_space<vmem>>) target(%dma_start3A_69 : memref<10008x128xf32, #tpu.memory_space<vmem_shared>>) offsets(%dma_start3A_66 : memref<125xi32, #tpu.memory_space<vmem>>) semaphore(%run_scoped3A : memref<!tpu.dma_semaphore, #tpu.memory_space<semaphore_mem>>) {add = true}
          %dma_wait3A_70 = arith.constant 0 : i32
          %dma_wait3A_71 = tpu.memref_slice %arg7[%add3A_42, %dma_wait3A_70] : memref<40x125xi32, #tpu.memory_space<vmem>> -> memref<1x125xi32, #tpu.memory_space<vmem>>
          %dma_wait3A_72 = tpu.memref_squeeze %dma_wait3A_71 : memref<1x125xi32, #tpu.memory_space<vmem>> -> memref<125xi32, #tpu.memory_space<vmem>>
          %dma_wait3A_73 = arith.constant 0 : i32
          %dma_wait3A_74 = arith.constant 0 : i32
          %dma_wait3A_75 = tpu.memref_slice %arg10[%dma_wait3A_73, %dma_wait3A_74] : memref<10008x128xf32, #tpu.memory_space<vmem_shared>> -> memref<10008x128xf32, #tpu.memory_space<vmem_shared>>
          tpu.wait_indirect_dma semaphore(%run_scoped3A : memref<!tpu.dma_semaphore, #tpu.memory_space<semaphore_mem>>) src(%arg9 : memref<125x128xf32, #tpu.memory_space<vmem>>) dst(%dma_wait3A_75 : memref<10008x128xf32, #tpu.memory_space<vmem_shared>>)
          tpu.yield
        }) : () -> ()
      }
      %scan3A_37 = arith.constant 20 : i32
    }
    %scan3A_11 = arith.constant 4 : i32
    %barrier3A_12 = arith.constant 0 : index
    tpu.barrier barrier_id(%barrier3A_12)
    %mul3A_13 = arith.constant 624 : i32
    %mul3A_14 = arith.muli %arg1, %mul3A_13 : i32
    %mul3A_15 = arith.constant 10000 : i32
    %mul3A_16 = arith.muli %arg0, %mul3A_15 : i32
    %mul3A_17 = arith.constant 624 : i32
    %mul3A_18 = arith.muli %arg1, %mul3A_17 : i32
    %add3A_19 = arith.addi %mul3A_16, %mul3A_18 : i32
    "tpu.region"() ({
      %run_scoped3A = tpu.sem_alloc : memref<!tpu.dma_semaphore, #tpu.memory_space<semaphore_mem>>
      %dma_start3A = arith.constant 0 : i32
      %dma_start3A_25 = tpu.memref_slice %arg5[%add3A_19, %dma_start3A] : memref<20000x128xf32, #tpu.memory_space<hbm>> -> memref<624x128xf32, #tpu.memory_space<hbm>>
      %dma_start3A_26 = arith.constant 0 : i32
      %dma_start3A_27 = tpu.memref_slice %arg10[%mul3A_14, %dma_start3A_26] : memref<10008x128xf32, #tpu.memory_space<vmem_shared>> -> memref<624x128xf32, #tpu.memory_space<vmem_shared>>
      tpu.enqueue_dma source(%dma_start3A_27 : memref<624x128xf32, #tpu.memory_space<vmem_shared>>) target(%dma_start3A_25 : memref<624x128xf32, #tpu.memory_space<hbm>>) target_semaphore(%run_scoped3A : memref<!tpu.dma_semaphore, #tpu.memory_space<semaphore_mem>>)
      %dma_wait3A = arith.constant 0 : i32
      %dma_wait3A_28 = tpu.memref_slice %arg5[%add3A_19, %dma_wait3A] : memref<20000x128xf32, #tpu.memory_space<hbm>> -> memref<624x128xf32, #tpu.memory_space<hbm>>
      %dma_wait3A_29 = arith.constant 0 : i32
      %dma_wait3A_30 = tpu.memref_slice %arg10[%mul3A_14, %dma_wait3A_29] : memref<10008x128xf32, #tpu.memory_space<vmem_shared>> -> memref<624x128xf32, #tpu.memory_space<vmem_shared>>
      tpu.wait_dma2 semaphore(%run_scoped3A : memref<!tpu.dma_semaphore, #tpu.memory_space<semaphore_mem>>) src(%dma_wait3A_30 : memref<624x128xf32, #tpu.memory_space<vmem_shared>>) dst(%dma_wait3A_28 : memref<624x128xf32, #tpu.memory_space<hbm>>)
      tpu.yield
    }) : () -> ()
    %eq3A_20 = arith.constant 0 : i32
    %eq3A_21 = arith.cmpi eq, %arg1, %eq3A_20 : i32
    %convert_element_type3A_22 = arith.extui %eq3A_21 : i1 to i32
    %cond3A_23 = arith.constant 0 : i32
    %cond3A_24 = arith.cmpi ne, %convert_element_type3A_22, %cond3A_23 : i32
    scf.if %cond3A_24 {
      %mul3A_25 = arith.constant 10000 : i32
      %mul3A_26 = arith.muli %arg0, %mul3A_25 : i32
      %add3A_27 = arith.constant 9984 : i32
      %add3A_28 = arith.addi %mul3A_26, %add3A_27 : i32
      "tpu.region"() ({
        %run_scoped3A = tpu.sem_alloc : memref<!tpu.dma_semaphore, #tpu.memory_space<semaphore_mem>>
        %dma_start3A = arith.constant 0 : i32
        %dma_start3A_29 = tpu.memref_slice %arg5[%add3A_28, %dma_start3A] : memref<20000x128xf32, #tpu.memory_space<hbm>> -> memref<16x128xf32, #tpu.memory_space<hbm>>
        %dma_start3A_30 = arith.constant 9984 : i32
        %dma_start3A_31 = arith.constant 0 : i32
        %dma_start3A_32 = tpu.memref_slice %arg10[%dma_start3A_30, %dma_start3A_31] : memref<10008x128xf32, #tpu.memory_space<vmem_shared>> -> memref<16x128xf32, #tpu.memory_space<vmem_shared>>
        tpu.enqueue_dma source(%dma_start3A_32 : memref<16x128xf32, #tpu.memory_space<vmem_shared>>) target(%dma_start3A_29 : memref<16x128xf32, #tpu.memory_space<hbm>>) target_semaphore(%run_scoped3A : memref<!tpu.dma_semaphore, #tpu.memory_space<semaphore_mem>>)
        %dma_wait3A = arith.constant 0 : i32
        %dma_wait3A_33 = tpu.memref_slice %arg5[%add3A_28, %dma_wait3A] : memref<20000x128xf32, #tpu.memory_space<hbm>> -> memref<16x128xf32, #tpu.memory_space<hbm>>
        %dma_wait3A_34 = arith.constant 9984 : i32
        %dma_wait3A_35 = arith.constant 0 : i32
        %dma_wait3A_36 = tpu.memref_slice %arg10[%dma_wait3A_34, %dma_wait3A_35] : memref<10008x128xf32, #tpu.memory_space<vmem_shared>> -> memref<16x128xf32, #tpu.memory_space<vmem_shared>>
        tpu.wait_dma2 semaphore(%run_scoped3A : memref<!tpu.dma_semaphore, #tpu.memory_space<semaphore_mem>>) src(%dma_wait3A_36 : memref<16x128xf32, #tpu.memory_space<vmem_shared>>) dst(%dma_wait3A_33 : memref<16x128xf32, #tpu.memory_space<hbm>>)
        tpu.yield
      }) : () -> ()
    } else {
    }
    return
  }
}

module attributes {stable_mosaic.version = 14 : i64} {
  func.func @_mlp_body(%arg0: memref<20000x128xf32, #tpu.memory_space<vmem>>, %arg1: memref<10000x128xf32, #tpu.memory_space<vmem>>, %arg2: memref<128x128xf32, #tpu.memory_space<vmem>>, %arg3: memref<1x128xf32, #tpu.memory_space<vmem>>, %arg4: memref<1x128xf32, #tpu.memory_space<vmem>>, %arg5: memref<1x128xf32, #tpu.memory_space<vmem>>, %arg6: memref<1x1xf32, #tpu.memory_space<vmem>>, %arg7: memref<128x128xf32, #tpu.memory_space<vmem>>, %arg8: memref<1x128xf32, #tpu.memory_space<vmem>>, %arg9: memref<1x128xf32, #tpu.memory_space<vmem>>, %arg10: memref<1x128xf32, #tpu.memory_space<vmem>>, %arg11: memref<1x1xf32, #tpu.memory_space<vmem>>, %arg12: memref<10000x128xf32, #tpu.memory_space<vmem>>) attributes {dimension_semantics = [], scalar_prefetch = 0 : i64, scratch_operands = 0 : i64, tpu.core_type = #tpu.core_type<tc>} {
    %get3A = arith.constant 0 : index
    %get3A_0 = arith.constant 0 : index
    %get3A_1 = vector.load %arg1[%get3A, %get3A_0] : memref<10000x128xf32, #tpu.memory_space<vmem>>, vector<10000x128xf32>
    %get3A_2 = arith.constant 0 : index
    %get3A_3 = arith.constant 0 : index
    %get3A_4 = vector.load %arg0[%get3A_2, %get3A_3] : memref<20000x128xf32, #tpu.memory_space<vmem>>, vector<10000x128xf32>
    %get3A_5 = arith.constant 10000 : index
    %get3A_6 = arith.constant 0 : index
    %get3A_7 = vector.load %arg0[%get3A_5, %get3A_6] : memref<20000x128xf32, #tpu.memory_space<vmem>>, vector<10000x128xf32>
    %add3A = arith.addf %get3A_4, %get3A_7 : vector<10000x128xf32>
    %sub3A = arith.subf %add3A, %get3A_1 : vector<10000x128xf32>
    %get3A_8 = arith.constant 0 : index
    %get3A_9 = arith.constant 0 : index
    %get3A_10 = vector.load %arg2[%get3A_8, %get3A_9] : memref<128x128xf32, #tpu.memory_space<vmem>>, vector<128x128xf32>
    %dot_general3A = arith.constant dense<0.000000e+00> : vector<10000x128xf32>
    %dot_general3A_11 = tpu.matmul %sub3A, %get3A_10, %dot_general3A {dimension_numbers = #tpu.dot_dimension_numbers<[1], [0], [0], [1], [0, 0, 1, 1], [], []>, transpose_lhs_hint = false} : vector<10000x128xf32>, vector<128x128xf32>, vector<10000x128xf32> -> vector<10000x128xf32>
    %get3A_12 = arith.constant 0 : index
    %get3A_13 = arith.constant 0 : index
    %get3A_14 = vector.load %arg3[%get3A_12, %get3A_13] : memref<1x128xf32, #tpu.memory_space<vmem>>, vector<1x128xf32>
    %add3A_15 = vector.broadcast %get3A_14 : vector<1x128xf32> to vector<10000x128xf32>
    %add3A_16 = arith.addf %dot_general3A_11, %add3A_15 : vector<10000x128xf32>
    %get3A_17 = arith.constant 0 : index
    %get3A_18 = arith.constant 0 : index
    %get3A_19 = vector.load %arg4[%get3A_17, %get3A_18] : memref<1x128xf32, #tpu.memory_space<vmem>>, vector<1x128xf32>
    %get3A_20 = arith.constant 0 : index
    %get3A_21 = arith.constant 0 : index
    %get3A_22 = vector.load %arg5[%get3A_20, %get3A_21] : memref<1x128xf32, #tpu.memory_space<vmem>>, vector<1x128xf32>
    %get3A_23 = arith.constant 0 : index
    %get3A_24 = arith.constant 0 : index
    %get3A_25 = vector.load %arg6[%get3A_23, %get3A_24] : memref<1x1xf32, #tpu.memory_space<vmem>>, vector<1x1xf32>
    %reduce_sum3A = arith.constant dense<0.000000e+00> : vector<128xf32>
    %reduce_sum3A_26 = vector.multi_reduction <add>, %add3A_16, %reduce_sum3A [0] : vector<10000x128xf32> to vector<128xf32>
    %broadcast_in_dim3A = vector.shape_cast %reduce_sum3A_26 : vector<128xf32> to vector<1x128xf32>
    %div3A = arith.constant 1.000000e+04 : f32
    %div3A_27 = vector.broadcast %div3A : f32 to vector<1x128xf32>
    %div3A_28 = arith.divf %broadcast_in_dim3A, %div3A_27 : vector<1x128xf32>
    %sub3A_29 = vector.broadcast %div3A_28 : vector<1x128xf32> to vector<10000x128xf32>
    %sub3A_30 = arith.subf %add3A_16, %sub3A_29 : vector<10000x128xf32>
    %sub3A_31 = vector.broadcast %div3A_28 : vector<1x128xf32> to vector<10000x128xf32>
    %sub3A_32 = arith.subf %add3A_16, %sub3A_31 : vector<10000x128xf32>
    %mul3A = arith.mulf %sub3A_30, %sub3A_32 : vector<10000x128xf32>
    %reduce_sum3A_33 = arith.constant dense<0.000000e+00> : vector<128xf32>
    %reduce_sum3A_34 = vector.multi_reduction <add>, %mul3A, %reduce_sum3A_33 [0] : vector<10000x128xf32> to vector<128xf32>
    %broadcast_in_dim3A_35 = vector.shape_cast %reduce_sum3A_34 : vector<128xf32> to vector<1x128xf32>
    %div3A_36 = arith.constant 1.000000e+04 : f32
    %div3A_37 = vector.broadcast %div3A_36 : f32 to vector<1x128xf32>
    %div3A_38 = arith.divf %broadcast_in_dim3A_35, %div3A_37 : vector<1x128xf32>
    %sub3A_39 = vector.broadcast %div3A_28 : vector<1x128xf32> to vector<10000x128xf32>
    %sub3A_40 = arith.subf %add3A_16, %sub3A_39 : vector<10000x128xf32>
    %add3A_41 = arith.constant 9.99999974E-6 : f32
    %add3A_42 = vector.broadcast %add3A_41 : f32 to vector<1x128xf32>
    %add3A_43 = arith.addf %div3A_38, %add3A_42 : vector<1x128xf32>
    %rsqrt3A = math.rsqrt %add3A_43 : vector<1x128xf32>
    %mul3A_44 = vector.broadcast %rsqrt3A : vector<1x128xf32> to vector<10000x128xf32>
    %mul3A_45 = arith.mulf %sub3A_40, %mul3A_44 : vector<10000x128xf32>
    %mul3A_46 = vector.broadcast %get3A_19 : vector<1x128xf32> to vector<10000x128xf32>
    %mul3A_47 = arith.mulf %mul3A_45, %mul3A_46 : vector<10000x128xf32>
    %add3A_48 = vector.broadcast %get3A_22 : vector<1x128xf32> to vector<10000x128xf32>
    %add3A_49 = arith.addf %mul3A_47, %add3A_48 : vector<10000x128xf32>
    %ge3A = arith.constant 0.000000e+00 : f32
    %ge3A_50 = vector.broadcast %ge3A : f32 to vector<10000x128xf32>
    %ge3A_51 = arith.cmpf oge, %add3A_49, %ge3A_50 : vector<10000x128xf32>
    %mul3A_52 = vector.broadcast %get3A_25 : vector<1x1xf32> to vector<10000x128xf32>
    %mul3A_53 = arith.mulf %mul3A_52, %add3A_49 : vector<10000x128xf32>
    %select_n3A = arith.select %ge3A_51, %add3A_49, %mul3A_53 : vector<10000x128xi1>, vector<10000x128xf32>
    %get3A_54 = arith.constant 0 : index
    %get3A_55 = arith.constant 0 : index
    %get3A_56 = vector.load %arg7[%get3A_54, %get3A_55] : memref<128x128xf32, #tpu.memory_space<vmem>>, vector<128x128xf32>
    %dot_general3A_57 = arith.constant dense<0.000000e+00> : vector<10000x128xf32>
    %dot_general3A_58 = tpu.matmul %select_n3A, %get3A_56, %dot_general3A_57 {dimension_numbers = #tpu.dot_dimension_numbers<[1], [0], [0], [1], [0, 0, 1, 1], [], []>, transpose_lhs_hint = false} : vector<10000x128xf32>, vector<128x128xf32>, vector<10000x128xf32> -> vector<10000x128xf32>
    %get3A_59 = arith.constant 0 : index
    %get3A_60 = arith.constant 0 : index
    %get3A_61 = vector.load %arg8[%get3A_59, %get3A_60] : memref<1x128xf32, #tpu.memory_space<vmem>>, vector<1x128xf32>
    %add3A_62 = vector.broadcast %get3A_61 : vector<1x128xf32> to vector<10000x128xf32>
    %add3A_63 = arith.addf %dot_general3A_58, %add3A_62 : vector<10000x128xf32>
    %get3A_64 = arith.constant 0 : index
    %get3A_65 = arith.constant 0 : index
    %get3A_66 = vector.load %arg9[%get3A_64, %get3A_65] : memref<1x128xf32, #tpu.memory_space<vmem>>, vector<1x128xf32>
    %get3A_67 = arith.constant 0 : index
    %get3A_68 = arith.constant 0 : index
    %get3A_69 = vector.load %arg10[%get3A_67, %get3A_68] : memref<1x128xf32, #tpu.memory_space<vmem>>, vector<1x128xf32>
    %get3A_70 = arith.constant 0 : index
    %get3A_71 = arith.constant 0 : index
    %get3A_72 = vector.load %arg11[%get3A_70, %get3A_71] : memref<1x1xf32, #tpu.memory_space<vmem>>, vector<1x1xf32>
    %reduce_sum3A_73 = arith.constant dense<0.000000e+00> : vector<128xf32>
    %reduce_sum3A_74 = vector.multi_reduction <add>, %add3A_63, %reduce_sum3A_73 [0] : vector<10000x128xf32> to vector<128xf32>
    %broadcast_in_dim3A_75 = vector.shape_cast %reduce_sum3A_74 : vector<128xf32> to vector<1x128xf32>
    %div3A_76 = arith.constant 1.000000e+04 : f32
    %div3A_77 = vector.broadcast %div3A_76 : f32 to vector<1x128xf32>
    %div3A_78 = arith.divf %broadcast_in_dim3A_75, %div3A_77 : vector<1x128xf32>
    %sub3A_79 = vector.broadcast %div3A_78 : vector<1x128xf32> to vector<10000x128xf32>
    %sub3A_80 = arith.subf %add3A_63, %sub3A_79 : vector<10000x128xf32>
    %sub3A_81 = vector.broadcast %div3A_78 : vector<1x128xf32> to vector<10000x128xf32>
    %sub3A_82 = arith.subf %add3A_63, %sub3A_81 : vector<10000x128xf32>
    %mul3A_83 = arith.mulf %sub3A_80, %sub3A_82 : vector<10000x128xf32>
    %reduce_sum3A_84 = arith.constant dense<0.000000e+00> : vector<128xf32>
    %reduce_sum3A_85 = vector.multi_reduction <add>, %mul3A_83, %reduce_sum3A_84 [0] : vector<10000x128xf32> to vector<128xf32>
    %broadcast_in_dim3A_86 = vector.shape_cast %reduce_sum3A_85 : vector<128xf32> to vector<1x128xf32>
    %div3A_87 = arith.constant 1.000000e+04 : f32
    %div3A_88 = vector.broadcast %div3A_87 : f32 to vector<1x128xf32>
    %div3A_89 = arith.divf %broadcast_in_dim3A_86, %div3A_88 : vector<1x128xf32>
    %sub3A_90 = vector.broadcast %div3A_78 : vector<1x128xf32> to vector<10000x128xf32>
    %sub3A_91 = arith.subf %add3A_63, %sub3A_90 : vector<10000x128xf32>
    %add3A_92 = arith.constant 9.99999974E-6 : f32
    %add3A_93 = vector.broadcast %add3A_92 : f32 to vector<1x128xf32>
    %add3A_94 = arith.addf %div3A_89, %add3A_93 : vector<1x128xf32>
    %rsqrt3A_95 = math.rsqrt %add3A_94 : vector<1x128xf32>
    %mul3A_96 = vector.broadcast %rsqrt3A_95 : vector<1x128xf32> to vector<10000x128xf32>
    %mul3A_97 = arith.mulf %sub3A_91, %mul3A_96 : vector<10000x128xf32>
    %mul3A_98 = vector.broadcast %get3A_66 : vector<1x128xf32> to vector<10000x128xf32>
    %mul3A_99 = arith.mulf %mul3A_97, %mul3A_98 : vector<10000x128xf32>
    %add3A_100 = vector.broadcast %get3A_69 : vector<1x128xf32> to vector<10000x128xf32>
    %add3A_101 = arith.addf %mul3A_99, %add3A_100 : vector<10000x128xf32>
    %ge3A_102 = arith.constant 0.000000e+00 : f32
    %ge3A_103 = vector.broadcast %ge3A_102 : f32 to vector<10000x128xf32>
    %ge3A_104 = arith.cmpf oge, %add3A_101, %ge3A_103 : vector<10000x128xf32>
    %mul3A_105 = vector.broadcast %get3A_72 : vector<1x1xf32> to vector<10000x128xf32>
    %mul3A_106 = arith.mulf %mul3A_105, %add3A_101 : vector<10000x128xf32>
    %select_n3A_107 = arith.select %ge3A_104, %add3A_101, %mul3A_106 : vector<10000x128xi1>, vector<10000x128xf32>
    %add3A_108 = arith.addf %select_n3A_107, %get3A_1 : vector<10000x128xf32>
    %swap3A = arith.constant 0 : index
    %swap3A_109 = arith.constant 0 : index
    %swap3A_110 = vector.load %arg12[%swap3A, %swap3A_109] : memref<10000x128xf32, #tpu.memory_space<vmem>>, vector<10000x128xf32>
    tpu.vector_store %arg12[%swap3A, %swap3A_109], %add3A_108 {strides = array<i32>} : memref<10000x128xf32, #tpu.memory_space<vmem>>, vector<10000x128xf32>,
    return
  }
}

module attributes {stable_mosaic.version = 14 : i64} {
  func.func @_proj_body(%arg0: memref<10000x128xf32, #tpu.memory_space<vmem>>, %arg1: memref<128x128xf32, #tpu.memory_space<vmem>>, %arg2: memref<10000x128xf32, #tpu.memory_space<vmem>>) attributes {dimension_semantics = [], scalar_prefetch = 0 : i64, scratch_operands = 0 : i64, tpu.core_type = #tpu.core_type<tc>} {
    %get3A = arith.constant 0 : index
    %get3A_0 = arith.constant 0 : index
    %get3A_1 = vector.load %arg0[%get3A, %get3A_0] : memref<10000x128xf32, #tpu.memory_space<vmem>>, vector<10000x128xf32>
    %get3A_2 = arith.constant 0 : index
    %get3A_3 = arith.constant 0 : index
    %get3A_4 = vector.load %arg1[%get3A_2, %get3A_3] : memref<128x128xf32, #tpu.memory_space<vmem>>, vector<128x128xf32>
    %dot_general3A = arith.constant dense<0.000000e+00> : vector<10000x128xf32>
    %dot_general3A_5 = tpu.matmul %get3A_1, %get3A_4, %dot_general3A {dimension_numbers = #tpu.dot_dimension_numbers<[1], [0], [0], [1], [0, 0, 1, 1], [], []>, transpose_lhs_hint = false} : vector<10000x128xf32>, vector<128x128xf32>, vector<10000x128xf32> -> vector<10000x128xf32>
    %swap3A = arith.constant 0 : index
    %swap3A_6 = arith.constant 0 : index
    %swap3A_7 = vector.load %arg2[%swap3A, %swap3A_6] : memref<10000x128xf32, #tpu.memory_space<vmem>>, vector<10000x128xf32>
    tpu.vector_store %arg2[%swap3A, %swap3A_6], %dot_general3A_5 {strides = array<i32>} : memref<10000x128xf32, #tpu.memory_space<vmem>>, vector<10000x128xf32>,
    return
  }
}

module attributes {stable_mosaic.version = 14 : i64} {
  func.func @_big_body(%arg0: i32, %arg1: memref<400x128xf32, #tpu.memory_space<vmem>>, %arg2: memref<128x10000xf32, #tpu.memory_space<vmem>>, %arg3: memref<1x10000xf32, #tpu.memory_space<vmem>>, %arg4: memref<400x10000xf32, #tpu.memory_space<vmem>>) attributes {dimension_semantics = [#tpu.dimension_semantics<arbitrary>], iteration_bounds = array<i64: 25>, scalar_prefetch = 0 : i64, scratch_operands = 0 : i64, tpu.core_type = #tpu.core_type<tc>, window_params = [{transform_indices = @transform_0, window_bounds = array<i64: 400, 128>}, {pipeline_mode = #tpu.pipeline_mode<synchronous>, transform_indices = @transform_1, window_bounds = array<i64: 128, 10000>}, {pipeline_mode = #tpu.pipeline_mode<synchronous>, transform_indices = @transform_2, window_bounds = array<i64: 1, 10000>}, {transform_indices = @transform_3, window_bounds = array<i64: 400, 10000>}]} {
    %get3A = arith.constant 0 : index
    %get3A_0 = arith.constant 0 : index
    %get3A_1 = vector.load %arg1[%get3A, %get3A_0] : memref<400x128xf32, #tpu.memory_space<vmem>>, vector<400x128xf32>
    %get3A_2 = arith.constant 0 : index
    %get3A_3 = arith.constant 0 : index
    %get3A_4 = vector.load %arg2[%get3A_2, %get3A_3] : memref<128x10000xf32, #tpu.memory_space<vmem>>, vector<128x10000xf32>
    %dot_general3A = arith.constant dense<0.000000e+00> : vector<400x10000xf32>
    %dot_general3A_5 = tpu.matmul %get3A_1, %get3A_4, %dot_general3A {dimension_numbers = #tpu.dot_dimension_numbers<[1], [0], [0], [1], [0, 0, 1, 1], [], []>, transpose_lhs_hint = false} : vector<400x128xf32>, vector<128x10000xf32>, vector<400x10000xf32> -> vector<400x10000xf32>
    %get3A_6 = arith.constant 0 : index
    %get3A_7 = arith.constant 0 : index
    %get3A_8 = vector.load %arg3[%get3A_6, %get3A_7] : memref<1x10000xf32, #tpu.memory_space<vmem>>, vector<1x10000xf32>
    %add3A = vector.broadcast %get3A_8 : vector<1x10000xf32> to vector<400x10000xf32>
    %add3A_9 = arith.addf %dot_general3A_5, %add3A : vector<400x10000xf32>
    %swap3A = arith.constant 0 : index
    %swap3A_10 = arith.constant 0 : index
    %swap3A_11 = vector.load %arg4[%swap3A, %swap3A_10] : memref<400x10000xf32, #tpu.memory_space<vmem>>, vector<400x10000xf32>
    tpu.vector_store %arg4[%swap3A, %swap3A_10], %add3A_9 {strides = array<i32>} : memref<400x10000xf32, #tpu.memory_space<vmem>>, vector<400x10000xf32>,
    return
  }
  func.func @transform_0(%arg0: i32) -> (i32, i32) {
    %c0_i32 = arith.constant 0 : i32
    %c0_i32_0 = arith.constant 0 : i32
    return %arg0, %c0_i32 : i32, i32
  }
  func.func @transform_1(%arg0: i32) -> (i32, i32) {
    %c0_i32 = arith.constant 0 : i32
    %c0_i32_0 = arith.constant 0 : i32
    %c0_i32_1 = arith.constant 0 : i32
    return %c0_i32, %c0_i32_0 : i32, i32
  }
  func.func @transform_2(%arg0: i32) -> (i32, i32) {
    %c0_i32 = arith.constant 0 : i32
    %c0_i32_0 = arith.constant 0 : i32
    %c0_i32_1 = arith.constant 0 : i32
    return %c0_i32, %c0_i32_0 : i32, i32
  }
  func.func @transform_3(%arg0: i32) -> (i32, i32) {
    %c0_i32 = arith.constant 0 : i32
    %c0_i32_0 = arith.constant 0 : i32
    return %arg0, %c0_i32 : i32, i32
  }
}

module attributes {stable_mosaic.version = 14 : i64} {
  func.func @_lin_body(%arg0: memref<20000x128xf32, #tpu.memory_space<vmem>>, %arg1: memref<10000x128xf32, #tpu.memory_space<vmem>>, %arg2: memref<128x128xf32, #tpu.memory_space<vmem>>, %arg3: memref<1x128xf32, #tpu.memory_space<vmem>>, %arg4: memref<10000x128xf32, #tpu.memory_space<vmem>>) attributes {dimension_semantics = [], scalar_prefetch = 0 : i64, scratch_operands = 0 : i64, tpu.core_type = #tpu.core_type<tc>} {
    %get3A = arith.constant 0 : index
    %get3A_0 = arith.constant 0 : index
    %get3A_1 = vector.load %arg0[%get3A, %get3A_0] : memref<20000x128xf32, #tpu.memory_space<vmem>>, vector<10000x128xf32>
    %get3A_2 = arith.constant 10000 : index
    %get3A_3 = arith.constant 0 : index
    %get3A_4 = vector.load %arg0[%get3A_2, %get3A_3] : memref<20000x128xf32, #tpu.memory_space<vmem>>, vector<10000x128xf32>
    %add3A = arith.addf %get3A_1, %get3A_4 : vector<10000x128xf32>
    %get3A_5 = arith.constant 0 : index
    %get3A_6 = arith.constant 0 : index
    %get3A_7 = vector.load %arg1[%get3A_5, %get3A_6] : memref<10000x128xf32, #tpu.memory_space<vmem>>, vector<10000x128xf32>
    %sub3A = arith.subf %add3A, %get3A_7 : vector<10000x128xf32>
    %get3A_8 = arith.constant 0 : index
    %get3A_9 = arith.constant 0 : index
    %get3A_10 = vector.load %arg2[%get3A_8, %get3A_9] : memref<128x128xf32, #tpu.memory_space<vmem>>, vector<128x128xf32>
    %dot_general3A = arith.constant dense<0.000000e+00> : vector<10000x128xf32>
    %dot_general3A_11 = tpu.matmul %sub3A, %get3A_10, %dot_general3A {dimension_numbers = #tpu.dot_dimension_numbers<[1], [0], [0], [1], [0, 0, 1, 1], [], []>, transpose_lhs_hint = false} : vector<10000x128xf32>, vector<128x128xf32>, vector<10000x128xf32> -> vector<10000x128xf32>
    %get3A_12 = arith.constant 0 : index
    %get3A_13 = arith.constant 0 : index
    %get3A_14 = vector.load %arg3[%get3A_12, %get3A_13] : memref<1x128xf32, #tpu.memory_space<vmem>>, vector<1x128xf32>
    %add3A_15 = vector.broadcast %get3A_14 : vector<1x128xf32> to vector<10000x128xf32>
    %add3A_16 = arith.addf %dot_general3A_11, %add3A_15 : vector<10000x128xf32>
    %swap3A = arith.constant 0 : index
    %swap3A_17 = arith.constant 0 : index
    %swap3A_18 = vector.load %arg4[%swap3A, %swap3A_17] : memref<10000x128xf32, #tpu.memory_space<vmem>>, vector<10000x128xf32>
    tpu.vector_store %arg4[%swap3A, %swap3A_17], %add3A_16 {strides = array<i32>} : memref<10000x128xf32, #tpu.memory_space<vmem>>, vector<10000x128xf32>,
    return
  }
}

</mosaic_0001>

<sc_bundles>
// kernel: kernel.17.cloned.1.call-start
scs
__scs_entry_jumppad:
0x0: {  	(pc) =	sbr.rel $0x88, $3  }
0x1: {  	(tag) =	ssettag $0x0;
	lr =	simm.s32 $0x1  }
0x2: {  	[smem:$0x3F67] =	sst lr;
	_ =	strace $0xD0000000  }
0x3: {  	_ = 	snop  }
0x4: {  	_ = 	snop  }
0x5: {  	_ = 	snop  }
0x6: {  	_ = 	snop  }
0x7: {  	_ = 	snop  }
__scs_overlays_trampoline_lowered:
0x8: {  	[smem:$0x3F76] =	sst s0  }
0x9: {  	[smem:$0x3F77] =	sst s1  }
0xa: {  	[smem:$0x3F78] =	sst s2  }
0xb: {  	[smem:$0x3F79] =	sst s3  }
0xc: {  	[smem:$0x3F7A] =	sst s4  }
0xd: {  	[smem:$0x3F7B] =	sst s5  }
0xe: {  	[smem:$0x3F7C] =	sst s6  }
0xf: {  	[smem:$0x3F7D] =	sst s7  }
0x10: {  	[smem:$0x3F7E] =	sst s8  }
0x11: {  	[smem:$0x3F7F] =	sst s9;
	s0 =	simm.s32 @!p0 $0x0  }
0x12: {  	s1 =	sld [smem:$0x3F65];
	s0 =	simm.s32 @p0 $0x1  }
0x13: {  	[smem:$0x3F80] =	sst s0;
	s0 =	simm.s32 @!p1 $0x0  }
0x14: {  	s2 =	sld [smem:$0x3F64];
	s0 =	simm.s32 @p1 $0x1  }
0x15: {  	[smem:$0x3F81] =	sst s0;
	s0 =	simm.s32 @!p2 $0x0  }
0x16: {  	s3 =	sld [smem:$0x3FDB];
	s0 =	simm.s32 @p2 $0x1  }
0x17: {  	s4 =	simm.s32 $0x1BF5;
	[smem:$0x3F83] =	sst s0  }
0x18: {  	s0 =	sld [smem:$0x3F66];
	_ =	swait.ge [sflag:s4], $0x0  }
0x19: {  	s7 =	sld [smem:$0x3F67]  }
0x1a: {  	s8 =	sadd.s32 $0xFFFFE003, lr  }
0x1b: {  	s9 =	sadd.s32 $0xFFFFFEF7, lr;
	s5 =	simm.s32 $0xFFFFFFFF;
	p2 =	slt.u32 s8, $0xFFFFF086  }
0x1c: {  	p1 =	slt.u32 s9, $0xF7A;
	s5 =	simm.s32 @!p2 $0x0  }
0x1d: {  	s5 =	simm.s32 @p1 $0x1;
	p0 =	seq.s32 s7, s2  }
0x1e: {  	s7 =	smul.u32 @!p0 $0xF7A, s2;
	p2 =	seq.s32 @!p0 s5, $0x0  }
0x1f: {  	s9 =	smul.u32 $0xF7A, s1;
	s8 =	simm.s32 @!p0 $0x1BF5;
	p2 =	por !p2, p0  }
0x20: {  	[sflag:s8] =	ssyncset.s32 @!p0 $0xFFFFF086;
	s6 =	sadd.s32 @!p0 s3, s7;
	s7 =	simm.s32 @!p0 $0x108  }
0x21: {  	s3 =	sadd.s32 s3, s9;
	s6 =	sadd.s32 @!p0 $0x88, s6;
	s7 =	simm.s32 @p2 $0x1082  }
0x22: {  	[simem:s7], [sflag:s8] =	dma.local @!p0 [hbm:s6], $0xF7A  }
0x23: {  	s9 =	sor.u32 $0xD0000000, s2;
	s6 =	simm.s32 $0x108;
	_ =	swait.ge @!p0 [sflag:s8], $0x0  }
0x24: {  	s3 =	sadd.s32 $0x88, s3;
	s6 =	simm.s32 @!p1 $0x1082;
	[sflag:s4] =	ssyncset.s32 $0xFFFFF086  }
0x25: {  	[simem:s6], [sflag:s4] =	dma.local [hbm:s3], $0xF7A  }
0x26: {  	[smem:$0x3F67] =	sst s1;
	(tag) =	ssettag s2;
	_ =	strace s9  }
0x27: {  	s1 =	sld [smem:$0x3F77]  }
0x28: {  	s2 =	sld [smem:$0x3F78]  }
0x29: {  	s4 =	sld [smem:$0x3F7A]  }
0x2a: {  	p0 =	seq.s32 s5, $0x0;
	s5 =	sld [smem:$0x3F7B]  }
0x2b: {  	s6 =	sld [smem:$0x3F7C]  }
0x2c: {  	s7 =	sld [smem:$0x3F7D]  }
0x2d: {  	s3 =	simm.s32 $0x108;
	s8 =	sld [smem:$0x3F7E]  }
0x2e: {  	s3 =	simm.s32 @!p0 $0x1082;
	s9 =	sld [smem:$0x3F7F]  }
0x2f: {  	lr =	sadd.s32 s0, s3;
	s0 =	sld [smem:$0x3F76]  }
0x30: {  	s3 =	sld [smem:$0x3F79]  }
0x31: {  	[smem:$0x3F82] =	sst s10  }
0x32: {  	s10 =	sld [smem:$0x3F80];
	_ =	sdelay $0x3  }
0x33: {  	p0 =	seq.s32 s10, $0x1;
	s10 =	sld [smem:$0x3F82];
	_ =	sdelay $0x3  }
0x34: {  	[smem:$0x3F82] =	sst s10  }
0x35: {  	s10 =	sld [smem:$0x3F81];
	_ =	sdelay $0x3  }
0x36: {  	p1 =	seq.s32 s10, $0x1;
	s10 =	sld [smem:$0x3F82];
	_ =	sdelay $0x3  }
0x37: {  	[smem:$0x3F82] =	sst s10  }
0x38: {  	s10 =	sld [smem:$0x3F83]  }
0x39: {  	_ = 	snop;
	(pc) =	sbr.ind lr, $3  }
0x3a: {  	_ = 	snop  }
0x3b: {  	_ = 	snop  }
0x3c: {  	p2 =	seq.s32 s10, $0x1;
	s10 =	sld [smem:$0x3F82]  }
0x3d: {  	_ =	shalt  }
0x3e: {  	_ =	shalt  }
0x3f: {  	_ =	shalt  }
0x40: {  	_ =	shalt  }
0x41: {  	_ =	shalt  }
0x42: {  	_ =	shalt  }
0x43: {  	_ =	shalt  }
0x44: {  	_ =	shalt  }
0x45: {  	_ =	shalt  }
0x46: {  	_ =	shalt  }
0x47: {  	_ =	shalt  }
0x48: {  	_ =	shalt  }
0x49: {  	_ =	shalt  }
0x4a: {  	_ =	shalt  }
0x4b: {  	_ =	shalt  }
0x4c: {  	_ =	shalt  }
0x4d: {  	_ =	shalt  }
0x4e: {  	_ =	shalt  }
0x4f: {  	_ =	shalt  }
0x50: {  	_ =	shalt  }
0x51: {  	_ =	shalt  }
0x52: {  	_ =	shalt  }
0x53: {  	_ =	shalt  }
0x54: {  	_ =	shalt  }
0x55: {  	_ =	shalt  }
0x56: {  	_ =	shalt  }
0x57: {  	_ =	shalt  }
0x58: {  	_ =	shalt  }
0x59: {  	_ =	shalt  }
0x5a: {  	_ =	shalt  }
0x5b: {  	_ =	shalt  }
0x5c: {  	_ =	shalt  }
0x5d: {  	_ =	shalt  }
0x5e: {  	_ =	shalt  }
0x5f: {  	_ =	shalt  }
0x60: {  	_ =	shalt  }
0x61: {  	_ =	shalt  }
0x62: {  	_ =	shalt  }
0x63: {  	_ =	shalt  }
0x64: {  	_ =	shalt  }
0x65: {  	_ =	shalt  }
0x66: {  	_ =	shalt  }
0x67: {  	_ =	shalt  }
0x68: {  	_ =	shalt  }
0x69: {  	_ =	shalt  }
0x6a: {  	_ =	shalt  }
0x6b: {  	_ =	shalt  }
0x6c: {  	_ =	shalt  }
0x6d: {  	_ =	shalt  }
0x6e: {  	_ =	shalt  }
0x6f: {  	_ =	shalt  }
0x70: {  	_ =	shalt  }
0x71: {  	_ =	shalt  }
0x72: {  	_ =	shalt  }
0x73: {  	_ =	shalt  }
0x74: {  	_ =	shalt  }
0x75: {  	_ =	shalt  }
0x76: {  	_ =	shalt  }
0x77: {  	_ =	shalt  }
0x78: {  	_ =	shalt  }
0x79: {  	_ =	shalt  }
0x7a: {  	_ =	shalt  }
0x7b: {  	_ =	shalt  }
0x7c: {  	_ =	shalt  }
0x7d: {  	_ =	shalt  }
0x7e: {  	_ =	shalt  }
0x7f: {  	_ =	shalt  }
0x80: {  	_ =	shalt  }
0x81: {  	_ =	shalt  }
0x82: {  	_ =	shalt  }
0x83: {  	_ =	shalt  }
0x84: {  	_ =	shalt  }
0x85: {  	_ =	shalt  }
0x86: {  	_ =	shalt  }
0x87: {  	_ =	shalt  }
.Lfunc_end0:
.L_simem_size_0:
called_computation_lowered:
.L_overlay_start_0:
0x88: {  	s2 =	sld [smem:$0x3FD9]  }
0x89: {  	s3 =	sld [smem:$0x3FFE];
	_ =	sdelay $0x1  }
0x8a: {  	s1 =	srdreg.scid  }
0x8b: {  	s0 =	sand.u32 $0x1, s1  }
0x8c: {  	s17 =	sshll.u32 s0, $0xA;
	s2 =	sadd.s32 s3, s2  }
0x8d: {  	s2 =	sadd.s32 s2, s17  }
0x8e: {  	[smem:$0x3F8E] =	sst s2  }
0x8f: {  	_ = 	snop  }
0x90: {  	s2 =	sld [smem:$0x3F92]  }
0x91: {  	s18 =	sld [smem:$0x3FD0];
	(tm) =	ssettm $0x1  }
0x92: {  	s4 =	sld [smem:$0x3FFB];
	_ =	sdelay $0x3  }
0x93: {  	_ =	strace s4  }
0x94: {  	s4 =	sld [smem:$0x3FFC];
	_ =	sdelay $0x3  }
0x95: {  	_ =	strace s4  }
0x96: {  	s4 =	sld [smem:$0x3FFD];
	_ =	sdelay $0x3  }
0x97: {  	_ =	strace s4  }
0x98: {  	_ =	strace $0x8FFFFFFF  }
0x99: {  	s19 =	sld [smem:$0x3FDB];
	_ =	sdelay $0x1  }
0x9a: {  	s5 =	simm.s32 $_scs_section_size  }
0x9b: {  	s6 =	simm.s32 $_size__tile_overlayer_lowered;
	s7 =	simm.s32 $_tile_overlayer_lowered  }
0x9c: {  	s22 =	simm.s32 $0x1BFF;
	s21 =	sshll.u32 s7, $0x1;
	s4 =	sadd.s32 s5, s19  }
0x9d: {  	s8 =	simm.s32 $0x0;
	s20 =	sshll.u32 s6, $0x1;
	s6 =	sadd.s32 s21, s4  }
0x9e: {  	[timem:s8], [sflag:s22] =	dma.local [hbm:s6], s20  }
0x9f: {  	_ =	swait.ge [sflag:s22], s20  }
0xa0: {  	s5 =	ssub.s32 $0x0, s20;
	[sflag:s22] =	ssyncset.done $0x0  }
0xa1: {  	[sflag:s22] =	ssyncadd.s32 s5;
	_ =	sdelay $0x1  }
0xa2: {  	s23 =	simm.s32 $0x1B8B  }
0xa3: {  	_ =	swait.ge [sflag:s23], $0x1  }
0xa4: {  	[sflag:s23] =	ssyncset.done $0x0  }
0xa5: {  	s25 =	simm.s32 $0x1B8E;
	s24 =	sld [smem:$0x3FFE];
	[sflag:s23] =	ssyncadd.s32 $0xFFFFFFFF  }
0xa6: {  	s26 =	simm.s32 $execute0_lowered;
	[smem:$0x3FD2] =	sst s25  }
0xa7: {  	s6 =	sshll.u32 s26, $0x1;
	_ =	strace $0x80000046;
	[dreg:$0x1] =	wrdreg $0xFFFFFFFF  }
0xa8: {  	s28 =	simm.s32 $_size_execute0_lowered;
	s4 =	sadd.s32 s4, s6;
	[dreg:$0x0] =	wrdreg $0x0  }
0xa9: {  	s6 =	sshll.u32 s28, $0x1;
	[dreg:$0x2] =	wrdreg s4  }
0xaa: {  	[dreg:$0x3] =	wrdreg s6  }
0xab: {  	[dreg:$0x4] =	wrdreg $0xC0  }
0xac: {  	_ =	task [dreg:s8], $0x5FFFF  }
0xad: {  	[dreg:$0x1] =	wrdreg $0xFFFFFFFF  }
0xae: {  	[dreg:$0x0] =	wrdreg $0x60  }
0xaf: {  	[dreg:$0x2] =	wrdreg s2  }
0xb0: {  	[dreg:$0x3] =	wrdreg s24  }
0xb1: {  	[dreg:$0x4] =	wrdreg s18  }
0xb2: {  	[dreg:$0x5] =	wrdreg $0x9  }
0xb3: {  	_ =	task.clear_ibuf [dreg:s8], $0x6FFFF;
	_ =	strace $0x90000046  }
0xb4: {  	s29 =	simm.s32 $0x9;
	_ =	strace $0x80000048  }
0xb5: {  	_ =	swait.ge [sflag:s29], $0x1  }
0xb6: {  	[sflag:s29] =	ssyncadd.s32 $0xFFFFFFFF  }
0xb7: {  	_ =	strace $0x90000048  }
0xb8: {  	_ =	sfence  }
0xb9: {  	s30 =	sld [smem:$0x0];
	_ =	sdelay $0x2  }
0xba: {  	s31 =	sshll.u32 s1, $0xD;
	s1 =	sshrl.u32 s1, $0x2  }
0xbb: {  	s3 =	sand.u32 $0x4000, s31;
	s1 =	sadd.s32 s1, s30  }
0xbc: {  	s0 =	sor.u32 s3, s0;
	s1 =	sshll.u32 s1, $0x11  }
0xbd: {  	s0 =	sor.u32 s1, s0  }
0xbe: {  	s0 =	sadd.s32 $0x8F2B, s0  }
0xbf: {  	[sflag:s0] =	ssyncadd.remote.s32 $0x1  }
0xc0: {  	_ =	sfence.sel $0xFFFF  }
0xc1: {  	[dreg:$0x0] =	wrdreg $0xFFFFFFFF;
	(pc) =	sbr.abs _section_cstart, $3  }
0xc2: {  	[dreg:$0x1] =	wrdreg $0xFFFFFFFF  }
0xc3: {  	_ =	task.clear_ibuf [dreg:s8], $0x2FFFF;
	_ =	strace $0x9FFFFFFF  }
0xc4: {  	(tm) =	ssettm $0x7FFFFFFF  }
0xc5: {  	_ =	shalt  }
tec
execute0_lowered:
.L_overlay_start_1:
0x0: {  	(tag) =	ssettag $0x1  }
0x1: {  	s1 =	rddreg [dreg:$0x0]  }
0x2: {  	s2 =	srdreg.scid;
	s0 =	stileid.u32  }
0x3: {  	s4 =	rddreg [dreg:$0x1];
	s14 =	sand.u32 $0x1, s2;
	s31 =	sshll.u32 s0, $0x1  }
0x4: {  	s9 =	rddreg [dreg:$0x2];
	s10 =	sor.u32 s14, s31  }
0x5: {  	s3 =	simm.s32 $0x0;
	s2 =	rddreg [dreg:$0x3];
	s5 =	sshll.u32 s10, $0x6  }
0x6: {  	[smem:$0x7FF] =	sst s3;
	s4 =	sadd.s32 s5, s4  }
0x7: {  	_ =	strace $0x80000047;
	s5 =	sadd.s32 $0x9800, s4;
	s4 =	simm.s32 $0x2  }
0x8: {  	[tilespmem:s3], [sflag:$0x2] =	stream.linear.gather [hbm4b:s5+s3], $0x200, $0x38;
	[tilespmem:$0x2A00] =	vst v63  }
0x9: {  	_ =	swait.ge [sflag:s4], $0x200  }
0xa: {  	s6 =	simm.s32 $0x50;
	[sflag:s4] =	ssyncset.done $0x0  }
0xb: {  	s7 =	simm.s32 $0x200;
	s8 =	simm.s32 $0x1;
	[sflag:s4] =	ssyncadd.s32 $0xFFFFFE00  }
0xc: {  	[tilespmem:s7], [sflag:$0x1] =	stream.indirect.gather [hbm4b:s1+s6], $0x80, s3, s6, $0xb8;
	[tilespmem:$0x2A00] =	vst v63  }
0xd: {  	s10 =	smul.u32 $0x1400, s10;
	_ =	swait.ge [sflag:s8], $0x2800  }
0xe: {  	[sflag:s8] =	ssyncset.done $0x0  }
0xf: {  	s9 =	sadd.s32 s9, s10;
	[sflag:s8] =	ssyncadd.s32 $0xFFFFD800  }
0x10: {  	[hbm4b:s9+s3] =	stream.linear.scatter [tilespmem:s7], [sflag:$0x2], $0x2800, $0x38;
	[tilespmem:$0x2A00] =	vst v63  }
0x11: {  	_ =	swait.ge [sflag:s4], $0x2800  }
0x12: {  	[sflag:s4] =	ssyncset.done $0x0  }
0x13: {  	s10 =	simm.s32 $0x80;
	[sflag:s4] =	ssyncadd.s32 $0xFFFFD800  }
0x14: {  	[tilespmem:s7], [sflag:$0x1] =	stream.indirect.gather [hbm4b:s1+s6], $0x80, s10, s6, $0xb8;
	[tilespmem:$0x2A00] =	vst v63  }
0x15: {  	_ =	swait.ge [sflag:s8], $0x2800  }
0x16: {  	[sflag:s8] =	ssyncset.done $0x0  }
0x17: {  	s11 =	sadd.s32 $0x500, s9;
	[sflag:s8] =	ssyncadd.s32 $0xFFFFD800  }
0x18: {  	[hbm4b:s11+s3] =	stream.linear.scatter [tilespmem:s7], [sflag:$0x2], $0x2800, $0x38;
	[tilespmem:$0x2A00] =	vst v63  }
0x19: {  	_ =	swait.ge [sflag:s4], $0x2800  }
0x1a: {  	[sflag:s4] =	ssyncset.done $0x0  }
0x1b: {  	s12 =	simm.s32 $0x100;
	[sflag:s4] =	ssyncadd.s32 $0xFFFFD800  }
0x1c: {  	[tilespmem:s7], [sflag:$0x1] =	stream.indirect.gather [hbm4b:s1+s6], $0x80, s12, s6, $0xb8;
	[tilespmem:$0x2A00] =	vst v63  }
0x1d: {  	_ =	swait.ge [sflag:s8], $0x2800  }
0x1e: {  	[sflag:s8] =	ssyncset.done $0x0  }
0x1f: {  	s15 =	ssub.s32 $0x2, s14;
	s13 =	sadd.s32 $0xA00, s9;
	[sflag:s8] =	ssyncadd.s32 $0xFFFFD800  }
0x20: {  	[hbm4b:s13+s3] =	stream.linear.scatter [tilespmem:s7], [sflag:$0x2], $0x2800, $0x38;
	[tilespmem:$0x2A00] =	vst v63  }
0x21: {  	s16 =	sshrl.u32 s15, $0x1;
	_ =	swait.ge [sflag:s4], $0x2800  }
0x22: {  	s15 =	ssub.s32 s15, s16;
	[sflag:s4] =	ssyncset.done $0x0  }
0x23: {  	s14 =	simm.s32 $0x180;
	s16 =	smax.u32 s15, $0x1;
	[sflag:s4] =	ssyncadd.s32 $0xFFFFD800  }
0x24: {  	[tilespmem:s7], [sflag:$0x1] =	stream.indirect.gather [hbm4b:s1+s6], $0x80, s14, s6, $0xb8;
	[tilespmem:$0x2A00] =	vst v63  }
0x25: {  	p0 =	sne.s32 s16, $0x1;
	_ =	swait.ge [sflag:s8], $0x2800  }
.Ltmp0:
0x26: {  	[sflag:s8] =	ssyncset.done $0x0;
	(pc) =	sbr.rel @!p0 .LBB2_2-.Ltmp0, $4  }
0x27: {  	s15 =	sadd.s32 $0xF00, s9;
	[sflag:s8] =	ssyncadd.s32 $0xFFFFD800  }
0x28: {  	[hbm4b:s15+s3] =	stream.linear.scatter [tilespmem:s7], [sflag:$0x2], $0x2800, $0x38;
	[tilespmem:$0x2A00] =	vst v63  }
0x29: {  	_ =	swait.ge [sflag:s4], $0x2800  }
0x2a: {  	s16 =	sadd.s32 $0xFFFFFFFF, s16;
	[sflag:s4] =	ssyncset.done $0x0  }
.LBB2_1:
0x2b: {  	p0 =	sne.s32 s16, $0x1;
	s16 =	sadd.s32 $0xFFFFFFFF, s16;
	[sflag:s4] =	ssyncadd.s32 $0xFFFFD800  }
0x2c: {  	[tilespmem:s3], [sflag:$0x2] =	stream.linear.gather [hbm4b:s5+s3], $0x200, $0x38;
	[tilespmem:$0x2A00] =	vst v63  }
0x2d: {  	_ =	swait.ge [sflag:s4], $0x200  }
0x2e: {  	[sflag:s4] =	ssyncset.done $0x0  }
0x2f: {  	[sflag:s4] =	ssyncadd.s32 $0xFFFFFE00  }
0x30: {  	[tilespmem:s7], [sflag:$0x1] =	stream.indirect.gather [hbm4b:s1+s6], $0x80, s3, s6, $0xb8;
	[tilespmem:$0x2A00] =	vst v63  }
0x31: {  	_ =	swait.ge [sflag:s8], $0x2800  }
0x32: {  	[sflag:s8] =	ssyncset.done $0x0  }
0x33: {  	[sflag:s8] =	ssyncadd.s32 $0xFFFFD800  }
0x34: {  	[hbm4b:s9+s3] =	stream.linear.scatter [tilespmem:s7], [sflag:$0x2], $0x2800, $0x38;
	[tilespmem:$0x2A00] =	vst v63  }
0x35: {  	_ =	swait.ge [sflag:s4], $0x2800  }
0x36: {  	[sflag:s4] =	ssyncset.done $0x0  }
0x37: {  	[sflag:s4] =	ssyncadd.s32 $0xFFFFD800  }
0x38: {  	[tilespmem:s7], [sflag:$0x1] =	stream.indirect.gather [hbm4b:s1+s6], $0x80, s10, s6, $0xb8;
	[tilespmem:$0x2A00] =	vst v63  }
0x39: {  	_ =	swait.ge [sflag:s8], $0x2800  }
0x3a: {  	[sflag:s8] =	ssyncset.done $0x0  }
0x3b: {  	[sflag:s8] =	ssyncadd.s32 $0xFFFFD800  }
0x3c: {  	[hbm4b:s11+s3] =	stream.linear.scatter [tilespmem:s7], [sflag:$0x2], $0x2800, $0x38;
	[tilespmem:$0x2A00] =	vst v63  }
0x3d: {  	_ =	swait.ge [sflag:s4], $0x2800  }
0x3e: {  	[sflag:s4] =	ssyncset.done $0x0  }
0x3f: {  	[sflag:s4] =	ssyncadd.s32 $0xFFFFD800  }
0x40: {  	[tilespmem:s7], [sflag:$0x1] =	stream.indirect.gather [hbm4b:s1+s6], $0x80, s12, s6, $0xb8;
	[tilespmem:$0x2A00] =	vst v63  }
0x41: {  	_ =	swait.ge [sflag:s8], $0x2800  }
0x42: {  	[sflag:s8] =	ssyncset.done $0x0  }
0x43: {  	[sflag:s8] =	ssyncadd.s32 $0xFFFFD800  }
0x44: {  	[hbm4b:s13+s3] =	stream.linear.scatter [tilespmem:s7], [sflag:$0x2], $0x2800, $0x38;
	[tilespmem:$0x2A00] =	vst v63  }
0x45: {  	_ =	swait.ge [sflag:s4], $0x2800  }
0x46: {  	[sflag:s4] =	ssyncset.done $0x0  }
0x47: {  	[sflag:s4] =	ssyncadd.s32 $0xFFFFD800  }
0x48: {  	[tilespmem:s7], [sflag:$0x1] =	stream.indirect.gather [hbm4b:s1+s6], $0x80, s14, s6, $0xb8;
	[tilespmem:$0x2A00] =	vst v63  }
0x49: {  	_ =	swait.ge [sflag:s8], $0x2800  }
.Ltmp1:
0x4a: {  	[sflag:s8] =	ssyncset.done $0x0;
	(pc) =	sbr.rel @p0 .LBB2_1-.Ltmp1, $4  }
0x4b: {  	[sflag:s8] =	ssyncadd.s32 $0xFFFFD800  }
0x4c: {  	[hbm4b:s15+s3] =	stream.linear.scatter [tilespmem:s7], [sflag:$0x2], $0x2800, $0x38;
	[tilespmem:$0x2A00] =	vst v63  }
0x4d: {  	_ =	swait.ge [sflag:s4], $0x2800  }
0x4e: {  	[sflag:s4] =	ssyncset.done $0x0  }
.LBB2_2:
0x4f: {  	[sflag:s4] =	ssyncadd.s32 $0xFFFFD800  }
0x50: {  	_ =	sfence.sel $0x180000  }
0x51: {  	[bflag:$0x0] =	sbarrier.arrive $0xFFFF  }
0x52: {  	p0 =	sne.s32 s0, $0x0;
	_ =	strace $0x90000047  }
0x53: {  	s0 =	sadd.s32 @!p0 $0x100000, s2;
	[bflag:$0x2] =	sbarrier.arrive $0xFFFF  }
0x54: {  	[sflag:s0] =	ssyncadd.tile.s32 @!p0 $0x1;
	_ =	shalt  }
.Lfunc_end2:
_tile_overlayer_lowered:
.L_overlay_start_2:
0x55: {  	(tag) =	ssettag $0x2  }
0x56: {  	s0 =	rddreg [dreg:$0x0];
	s2 =	stileid.u32  }
0x57: {  	s1 =	rddreg [dreg:$0x1];
	p0 =	sne.s32 s2, $0x0  }
0x58: {  	s3 =	rddreg [dreg:$0x2];
	[bflag:$0x3] =	sbarrier.arrive $0xFFFF;
	s2 =	simm.s32 @!p0 $0x1C02  }
0x59: {  	[timem:s3], [sflag:s2] =	dma.local @!p0 [hbm:s0], s1  }
0x5a: {  	s0 =	simm.s32 @!p0 $0x2  }
0x5b: {  	_ =	swait.ge @!p0 [sflag:s0], s1  }
0x5c: {  	s1 =	ssub.s32 @!p0 $0x0, s1;
	[sflag:s0] =	ssyncset.done @!p0 $0x0  }
0x5d: {  	[sflag:s0] =	ssyncadd.s32 @!p0 s1  }
0x5e: {  	[bflag:$0x3] =	sbarrier.arrive $0xFFFF  }
0x5f: {  	_ =	shalt  }

// kernel: kernel.20.cloned.1.call-start
scs
__scs_entry_jumppad:
0x0: {  	(pc) =	sbr.rel $0x88, $3  }
0x1: {  	(tag) =	ssettag $0x0;
	lr =	simm.s32 $0x1  }
0x2: {  	[smem:$0x3F67] =	sst lr;
	_ =	strace $0xD0000000  }
0x3: {  	_ = 	snop  }
0x4: {  	_ = 	snop  }
0x5: {  	_ = 	snop  }
0x6: {  	_ = 	snop  }
0x7: {  	_ = 	snop  }
__scs_overlays_trampoline_lowered:
0x8: {  	[smem:$0x3F76] =	sst s0  }
0x9: {  	[smem:$0x3F77] =	sst s1  }
0xa: {  	[smem:$0x3F78] =	sst s2  }
0xb: {  	[smem:$0x3F79] =	sst s3  }
0xc: {  	[smem:$0x3F7A] =	sst s4  }
0xd: {  	[smem:$0x3F7B] =	sst s5  }
0xe: {  	[smem:$0x3F7C] =	sst s6  }
0xf: {  	[smem:$0x3F7D] =	sst s7  }
0x10: {  	[smem:$0x3F7E] =	sst s8  }
0x11: {  	[smem:$0x3F7F] =	sst s9;
	s0 =	simm.s32 @!p0 $0x0  }
0x12: {  	s1 =	sld [smem:$0x3F65];
	s0 =	simm.s32 @p0 $0x1  }
0x13: {  	[smem:$0x3F80] =	sst s0;
	s0 =	simm.s32 @!p1 $0x0  }
0x14: {  	s2 =	sld [smem:$0x3F64];
	s0 =	simm.s32 @p1 $0x1  }
0x15: {  	[smem:$0x3F81] =	sst s0;
	s0 =	simm.s32 @!p2 $0x0  }
0x16: {  	s3 =	sld [smem:$0x3FDB];
	s0 =	simm.s32 @p2 $0x1  }
0x17: {  	s4 =	simm.s32 $0x1BF5;
	[smem:$0x3F83] =	sst s0  }
0x18: {  	s0 =	sld [smem:$0x3F66];
	_ =	swait.ge [sflag:s4], $0x0  }
0x19: {  	s7 =	sld [smem:$0x3F67]  }
0x1a: {  	s8 =	sadd.s32 $0xFFFFE003, lr  }
0x1b: {  	s9 =	sadd.s32 $0xFFFFFEF7, lr;
	s5 =	simm.s32 $0xFFFFFFFF;
	p2 =	slt.u32 s8, $0xFFFFF086  }
0x1c: {  	p1 =	slt.u32 s9, $0xF7A;
	s5 =	simm.s32 @!p2 $0x0  }
0x1d: {  	s5 =	simm.s32 @p1 $0x1;
	p0 =	seq.s32 s7, s2  }
0x1e: {  	s7 =	smul.u32 @!p0 $0xF7A, s2;
	p2 =	seq.s32 @!p0 s5, $0x0  }
0x1f: {  	s9 =	smul.u32 $0xF7A, s1;
	s8 =	simm.s32 @!p0 $0x1BF5;
	p2 =	por !p2, p0  }
0x20: {  	[sflag:s8] =	ssyncset.s32 @!p0 $0xFFFFF086;
	s6 =	sadd.s32 @!p0 s3, s7;
	s7 =	simm.s32 @!p0 $0x108  }
0x21: {  	s3 =	sadd.s32 s3, s9;
	s6 =	sadd.s32 @!p0 $0x88, s6;
	s7 =	simm.s32 @p2 $0x1082  }
0x22: {  	[simem:s7], [sflag:s8] =	dma.local @!p0 [hbm:s6], $0xF7A  }
0x23: {  	s9 =	sor.u32 $0xD0000000, s2;
	s6 =	simm.s32 $0x108;
	_ =	swait.ge @!p0 [sflag:s8], $0x0  }
0x24: {  	s3 =	sadd.s32 $0x88, s3;
	s6 =	simm.s32 @!p1 $0x1082;
	[sflag:s4] =	ssyncset.s32 $0xFFFFF086  }
0x25: {  	[simem:s6], [sflag:s4] =	dma.local [hbm:s3], $0xF7A  }
0x26: {  	[smem:$0x3F67] =	sst s1;
	(tag) =	ssettag s2;
	_ =	strace s9  }
0x27: {  	s1 =	sld [smem:$0x3F77]  }
0x28: {  	s2 =	sld [smem:$0x3F78]  }
0x29: {  	s4 =	sld [smem:$0x3F7A]  }
0x2a: {  	p0 =	seq.s32 s5, $0x0;
	s5 =	sld [smem:$0x3F7B]  }
0x2b: {  	s6 =	sld [smem:$0x3F7C]  }
0x2c: {  	s7 =	sld [smem:$0x3F7D]  }
0x2d: {  	s3 =	simm.s32 $0x108;
	s8 =	sld [smem:$0x3F7E]  }
0x2e: {  	s3 =	simm.s32 @!p0 $0x1082;
	s9 =	sld [smem:$0x3F7F]  }
0x2f: {  	lr =	sadd.s32 s0, s3;
	s0 =	sld [smem:$0x3F76]  }
0x30: {  	s3 =	sld [smem:$0x3F79]  }
0x31: {  	[smem:$0x3F82] =	sst s10  }
0x32: {  	s10 =	sld [smem:$0x3F80];
	_ =	sdelay $0x3  }
0x33: {  	p0 =	seq.s32 s10, $0x1;
	s10 =	sld [smem:$0x3F82];
	_ =	sdelay $0x3  }
0x34: {  	[smem:$0x3F82] =	sst s10  }
0x35: {  	s10 =	sld [smem:$0x3F81];
	_ =	sdelay $0x3  }
0x36: {  	p1 =	seq.s32 s10, $0x1;
	s10 =	sld [smem:$0x3F82];
	_ =	sdelay $0x3  }
0x37: {  	[smem:$0x3F82] =	sst s10  }
0x38: {  	s10 =	sld [smem:$0x3F83]  }
0x39: {  	_ = 	snop;
	(pc) =	sbr.ind lr, $3  }
0x3a: {  	_ = 	snop  }
0x3b: {  	_ = 	snop  }
0x3c: {  	p2 =	seq.s32 s10, $0x1;
	s10 =	sld [smem:$0x3F82]  }
0x3d: {  	_ =	shalt  }
0x3e: {  	_ =	shalt  }
0x3f: {  	_ =	shalt  }
0x40: {  	_ =	shalt  }
0x41: {  	_ =	shalt  }
0x42: {  	_ =	shalt  }
0x43: {  	_ =	shalt  }
0x44: {  	_ =	shalt  }
0x45: {  	_ =	shalt  }
0x46: {  	_ =	shalt  }
0x47: {  	_ =	shalt  }
0x48: {  	_ =	shalt  }
0x49: {  	_ =	shalt  }
0x4a: {  	_ =	shalt  }
0x4b: {  	_ =	shalt  }
0x4c: {  	_ =	shalt  }
0x4d: {  	_ =	shalt  }
0x4e: {  	_ =	shalt  }
0x4f: {  	_ =	shalt  }
0x50: {  	_ =	shalt  }
0x51: {  	_ =	shalt  }
0x52: {  	_ =	shalt  }
0x53: {  	_ =	shalt  }
0x54: {  	_ =	shalt  }
0x55: {  	_ =	shalt  }
0x56: {  	_ =	shalt  }
0x57: {  	_ =	shalt  }
0x58: {  	_ =	shalt  }
0x59: {  	_ =	shalt  }
0x5a: {  	_ =	shalt  }
0x5b: {  	_ =	shalt  }
0x5c: {  	_ =	shalt  }
0x5d: {  	_ =	shalt  }
0x5e: {  	_ =	shalt  }
0x5f: {  	_ =	shalt  }
0x60: {  	_ =	shalt  }
0x61: {  	_ =	shalt  }
0x62: {  	_ =	shalt  }
0x63: {  	_ =	shalt  }
0x64: {  	_ =	shalt  }
0x65: {  	_ =	shalt  }
0x66: {  	_ =	shalt  }
0x67: {  	_ =	shalt  }
0x68: {  	_ =	shalt  }
0x69: {  	_ =	shalt  }
0x6a: {  	_ =	shalt  }
0x6b: {  	_ =	shalt  }
0x6c: {  	_ =	shalt  }
0x6d: {  	_ =	shalt  }
0x6e: {  	_ =	shalt  }
0x6f: {  	_ =	shalt  }
0x70: {  	_ =	shalt  }
0x71: {  	_ =	shalt  }
0x72: {  	_ =	shalt  }
0x73: {  	_ =	shalt  }
0x74: {  	_ =	shalt  }
0x75: {  	_ =	shalt  }
0x76: {  	_ =	shalt  }
0x77: {  	_ =	shalt  }
0x78: {  	_ =	shalt  }
0x79: {  	_ =	shalt  }
0x7a: {  	_ =	shalt  }
0x7b: {  	_ =	shalt  }
0x7c: {  	_ =	shalt  }
0x7d: {  	_ =	shalt  }
0x7e: {  	_ =	shalt  }
0x7f: {  	_ =	shalt  }
0x80: {  	_ =	shalt  }
0x81: {  	_ =	shalt  }
0x82: {  	_ =	shalt  }
0x83: {  	_ =	shalt  }
0x84: {  	_ =	shalt  }
0x85: {  	_ =	shalt  }
0x86: {  	_ =	shalt  }
0x87: {  	_ =	shalt  }
.Lfunc_end0:
.L_simem_size_0:
called_computation.1_lowered:
.L_overlay_start_0:
0x88: {  	s2 =	sld [smem:$0x3FD9]  }
0x89: {  	s3 =	sld [smem:$0x3FFE];
	_ =	sdelay $0x1  }
0x8a: {  	s1 =	srdreg.scid  }
0x8b: {  	s0 =	sand.u32 $0x1, s1  }
0x8c: {  	s17 =	sshll.u32 s0, $0xA;
	s2 =	sadd.s32 s3, s2  }
0x8d: {  	s2 =	sadd.s32 s2, s17  }
0x8e: {  	[smem:$0x3F8E] =	sst s2  }
0x8f: {  	_ = 	snop  }
0x90: {  	s2 =	sld [smem:$0x3FD0];
	(tm) =	ssettm $0x1  }
0x91: {  	s18 =	sld [smem:$0x3FFB];
	_ =	sdelay $0x3  }
0x92: {  	_ =	strace s18  }
0x93: {  	s3 =	sld [smem:$0x3FFC];
	_ =	sdelay $0x3  }
0x94: {  	_ =	strace s3  }
0x95: {  	s3 =	sld [smem:$0x3FFD];
	_ =	sdelay $0x3  }
0x96: {  	_ =	strace s3  }
0x97: {  	_ =	strace $0x8FFFFFFF  }
0x98: {  	s19 =	sld [smem:$0x3FDB];
	_ =	sdelay $0x1  }
0x99: {  	s4 =	simm.s32 $_scs_section_size  }
0x9a: {  	s5 =	simm.s32 $_size__tile_overlayer_lowered;
	s6 =	simm.s32 $_tile_overlayer_lowered  }
0x9b: {  	s22 =	simm.s32 $0x1BFF;
	s21 =	sshll.u32 s6, $0x1;
	s3 =	sadd.s32 s4, s19  }
0x9c: {  	s7 =	simm.s32 $0x0;
	s20 =	sshll.u32 s5, $0x1;
	s5 =	sadd.s32 s21, s3  }
0x9d: {  	[timem:s7], [sflag:s22] =	dma.local [hbm:s5], s20  }
0x9e: {  	_ =	swait.ge [sflag:s22], s20  }
0x9f: {  	s4 =	ssub.s32 $0x0, s20;
	[sflag:s22] =	ssyncset.done $0x0  }
0xa0: {  	[sflag:s22] =	ssyncadd.s32 s4;
	_ =	sdelay $0x1  }
0xa1: {  	s23 =	simm.s32 $0x1B8B  }
0xa2: {  	_ =	swait.ge [sflag:s23], $0x1  }
0xa3: {  	[sflag:s23] =	ssyncset.done $0x0  }
0xa4: {  	s25 =	simm.s32 $0x1B8E;
	s24 =	sld [smem:$0x3FFE];
	[sflag:s23] =	ssyncadd.s32 $0xFFFFFFFF  }
0xa5: {  	s26 =	simm.s32 $execute0_lowered;
	[smem:$0x3FD2] =	sst s25  }
0xa6: {  	s5 =	sshll.u32 s26, $0x1;
	_ =	strace $0x80000049;
	[dreg:$0x1] =	wrdreg $0xFFFFFFFF  }
0xa7: {  	s28 =	simm.s32 $_size_execute0_lowered;
	s3 =	sadd.s32 s3, s5;
	[dreg:$0x0] =	wrdreg $0x0  }
0xa8: {  	s5 =	sshll.u32 s28, $0x1;
	[dreg:$0x2] =	wrdreg s3  }
0xa9: {  	[dreg:$0x3] =	wrdreg s5  }
0xaa: {  	[dreg:$0x4] =	wrdreg $0xC0  }
0xab: {  	_ =	task [dreg:s7], $0x5FFFF  }
0xac: {  	[dreg:$0x1] =	wrdreg $0xFFFFFFFF  }
0xad: {  	[dreg:$0x0] =	wrdreg $0x60  }
0xae: {  	[dreg:$0x2] =	wrdreg s24  }
0xaf: {  	[dreg:$0x3] =	wrdreg s2  }
0xb0: {  	[dreg:$0x4] =	wrdreg $0xA8000  }
0xb1: {  	[dreg:$0x5] =	wrdreg $0x9  }
0xb2: {  	_ =	task.clear_ibuf [dreg:s7], $0x6FFFF;
	_ =	strace $0x90000049  }
0xb3: {  	s29 =	simm.s32 $0x9;
	_ =	strace $0x8000004B  }
0xb4: {  	_ =	swait.ge [sflag:s29], $0x1  }
0xb5: {  	[sflag:s29] =	ssyncadd.s32 $0xFFFFFFFF  }
0xb6: {  	_ =	strace $0x9000004B  }
0xb7: {  	_ =	sfence  }
0xb8: {  	s30 =	sld [smem:$0x0];
	_ =	sdelay $0x2  }
0xb9: {  	s31 =	sshll.u32 s1, $0xD;
	s1 =	sshrl.u32 s1, $0x2  }
0xba: {  	s3 =	sand.u32 $0x4000, s31;
	s1 =	sadd.s32 s1, s30  }
0xbb: {  	s0 =	sor.u32 s3, s0;
	s1 =	sshll.u32 s1, $0x11  }
0xbc: {  	s0 =	sor.u32 s1, s0  }
0xbd: {  	s0 =	sadd.s32 $0x8F2B, s0  }
0xbe: {  	[sflag:s0] =	ssyncadd.remote.s32 $0x1  }
0xbf: {  	_ =	sfence.sel $0xFFFF  }
0xc0: {  	[dreg:$0x0] =	wrdreg $0xFFFFFFFF;
	(pc) =	sbr.abs _section_cstart, $3  }
0xc1: {  	[dreg:$0x1] =	wrdreg $0xFFFFFFFF  }
0xc2: {  	_ =	task.clear_ibuf [dreg:s7], $0x2FFFF;
	_ =	strace $0x9FFFFFFF  }
0xc3: {  	(tm) =	ssettm $0x7FFFFFFF  }
tec
execute0_lowered:
.L_overlay_start_1:
0x0: {  	(tag) =	ssettag $0x1  }
0x1: {  	s8 =	rddreg [dreg:$0x0]  }
0x2: {  	s10 =	rddreg [dreg:$0x1]  }
0x3: {  	s1 =	rddreg [dreg:$0x2]  }
0x4: {  	s0 =	rddreg [dreg:$0x3];
	s2 =	simm.s32 $0x0;
	s3 =	srdreg.scid  }
0x5: {  	s13 =	stileid.u32;
	s19 =	simm.s32 $0x1;
	s20 =	simm.s32 $0x6800  }
0x6: {  	s21 =	simm.s32 $0x1380;
	s22 =	simm.s32 $0x2700;
	s23 =	simm.s32 $0x2780  }
0x7: {  	[smem:$0x7FF] =	sst s2;
	s9 =	sand.u32 $0x1, s3;
	s3 =	sadd.s32 $0x32000, s8  }
0x8: {  	s4 =	sadd.s32 $0x1E000, s8;
	s11 =	smul.u32 $0x4E000, s13;
	s5 =	sadd.s32 $0xA000, s8  }
0x9: {  	s26 =	sshll.u32 s13, $0x1;
	s15 =	smul.u32 $0x2700, s13;
	s29 =	sshll.u32 s13, $0x6  }
0xa: {  	s18 =	sadd.s32 $0x138000, s1;
	s8 =	sadd.s32 $0x59000, s8;
	p0 =	sne.s32 s13, $0x0  }
0xb: {  	_ =	strace $0x8000004A;
	s6 =	ssub.s32 $0x2, s9;
	s30 =	smul.u32 $0x138800, s9  }
0xc: {  	s14 =	sor.u32 s9, s26;
	s17 =	smul.u32 $0x27100, s9;
	s7 =	sshrl.u32 s6, $0x1  }
0xd: {  	s28 =	sshrl.u32 s11, $0x2;
	s9 =	smul.u32 $0x5000, s14;
	s14 =	simm.s32 $0x2  }
0xe: {  	s12 =	ssub.s32 s6, s7;
	s16 =	sadd.s32 s28, s1;
	s6 =	sadd.s32 s3, s15  }
0xf: {  	s7 =	sor.u32 $0x1C02, s29;
	s11 =	sshrl.u32 s30, $0x3;
	s31 =	sadd.s32 s15, s17  }
0x10: {  	s15 =	sshrl.u32 @!p0 s18, $0x3;
	s17 =	simm.s32 $0x7D;
	s18 =	simm.s32 $0x2800  }
0x11: {  	s11 =	sadd.s32 s10, s11;
	s10 =	sadd.s32 s10, s31;
	s12 =	smax.u32 s12, $0x1  }
0x12: {  	s13 =	sshrl.u32 s16, $0x3;
	s16 =	simm.s32 $0x1400;
	s11 =	sadd.s32 $0x27000, s11  }
.LBB2_1:
0x13: {  	[spmem:s13], [sflag:s7] =	dma.local [hbm:s6], $0x2700  }
0x14: {  	_ =	swait.ge [sflag:s14], $0x2700  }
0x15: {  	[sflag:s14] =	ssyncset.done $0x0  }
0x16: {  	s24 =	simm.s32 @!p0 $0x2;
	[sflag:s14] =	ssyncadd.s32 $0xFFFFD900  }
0x17: {  	[spmem:s15], [sflag:s7] =	dma.local @!p0 [hbm:s8], $0x100  }
0x18: {  	_ =	swait.ge @!p0 [sflag:s24], $0x100  }
0x19: {  	[sflag:s24] =	ssyncset.done @!p0 $0x0  }
0x1a: {  	[sflag:s24] =	ssyncadd.s32 @!p0 $0xFFFFFF00  }
0x1b: {  	s24 =	simm.s32 $0x0;
	[bflag:$0x0] =	sbarrier.arrive $0xFFFF  }
.LBB2_2:
0x1c: {  	s25 =	smul.u32 $0x1400, s24;
	_ =	sdelay $0x1  }
0x1d: {  	s25 =	sadd.s32 s9, s25  }
0x1e: {  	s25 =	sshrl.u32 s25, $0x3  }
0x1f: {  	s28 =	simm.s32 $0x0;
	s26 =	sadd.s32 s4, s25  }
0x20: {  	[tilespmem:s28], [sflag:$0x2] =	stream.linear.gather [hbm4b:s26+s28], $0x1400, $0x38;
	[tilespmem:$0x1E0C0] =	vst v63  }
0x21: {  	_ =	swait.ge [sflag:s14], $0x1400  }
0x22: {  	[sflag:s14] =	ssyncset.done $0x0  }
0x23: {  	s25 =	sadd.s32 s5, s25;
	[sflag:s14] =	ssyncadd.s32 $0xFFFFEC00  }
0x24: {  	[tilespmem:s16], [sflag:$0x2] =	stream.linear.gather [hbm4b:s25+s28], $0x1400, $0x38;
	[tilespmem:$0x1E0C0] =	vst v63  }
0x25: {  	_ =	swait.ge [sflag:s14], $0x1400  }
0x26: {  	[sflag:s14] =	ssyncset.done $0x0  }
0x27: {  	[sflag:s14] =	ssyncadd.s32 $0xFFFFEC00  }
0x28: {  	[tilespmem:s18], [sflag:$0x1] =	stream.indirect.gather [hbm4b:s3+s17], $0x80, s28, s17, $0xb8;
	[tilespmem:$0x1E0C0] =	vst v63  }
0x29: {  	_ =	swait.ge [sflag:s19], $0x3E80  }
0x2a: {  	[sflag:s19] =	ssyncset.done $0x0  }
0x2b: {  	s28 =	simm.s32 $0x80;
	[sflag:s19] =	ssyncadd.s32 $0xFFFFC180  }
0x2c: {  	[tilespmem:s20], [sflag:$0x1] =	stream.indirect.gather [hbm4b:s3+s17], $0x80, s28, s17, $0xb8;
	[tilespmem:$0x1E0C0] =	vst v63  }
0x2d: {  	s29 =	simm.s32 $0x1400  }
0x2e: {  	[spmem:s1] =	stream.indirect.scatter.add.f32 [tilespmem:s18], [sflag:$0x2], $0x80, s29, s17, $0xb8;
	[tilespmem:$0x1E0C0] =	vst v63  }
0x2f: {  	_ =	swait.ge [sflag:s14], $0x3E80  }
0x30: {  	[sflag:s14] =	ssyncset.done $0x0  }
0x31: {  	[sflag:s14] =	ssyncadd.s32 $0xFFFFC180  }
0x32: {  	_ =	swait.ge [sflag:s19], $0x3E80  }
0x33: {  	[sflag:s19] =	ssyncset.done $0x0  }
0x34: {  	s30 =	simm.s32 $0x100;
	[sflag:s19] =	ssyncadd.s32 $0xFFFFC180  }
0x35: {  	[tilespmem:s18], [sflag:$0x1] =	stream.indirect.gather [hbm4b:s3+s17], $0x80, s30, s17, $0xb8;
	[tilespmem:$0x1E0C0] =	vst v63  }
0x36: {  	s31 =	simm.s32 $0x1480  }
0x37: {  	[spmem:s1] =	stream.indirect.scatter.add.f32 [tilespmem:s20], [sflag:$0x2], $0x80, s31, s17, $0xb8;
	[tilespmem:$0x1E0C0] =	vst v63  }
0x38: {  	_ =	swait.ge [sflag:s14], $0x3E80  }
0x39: {  	s25 =	simm.s32 $0x400;
	[sflag:s14] =	ssyncset.done $0x0  }
.LBB2_3:
0x3a: {  	p1 =	sne.s32 s25, $0x4800  }
0x3b: {  	[sflag:s14] =	ssyncadd.s32 $0xFFFFC180;
	s26 =	smov.u32 s25;
	s25 =	sadd.s32 $0x400, s25  }
0x3c: {  	_ = 	snop  }
0x3d: {  	_ =	swait.ge [sflag:s19], $0x3E80  }
0x3e: {  	s26 =	sshra.s32 s26, $0x2;
	[sflag:s19] =	ssyncset.done $0x0  }
0x3f: {  	s28 =	sadd.s32 $0x80, s26;
	[sflag:s19] =	ssyncadd.s32 $0xFFFFC180  }
0x40: {  	[tilespmem:s20], [sflag:$0x1] =	stream.indirect.gather [hbm4b:s3+s17], $0x80, s28, s17, $0xb8;
	[tilespmem:$0x1E0C0] =	vst v63  }
0x41: {  	s28 =	sadd.s32 $0x1400, s26  }
0x42: {  	[spmem:s1] =	stream.indirect.scatter.add.f32 [tilespmem:s18], [sflag:$0x2], $0x80, s28, s17, $0xb8;
	[tilespmem:$0x1E0C0] =	vst v63  }
0x43: {  	_ =	swait.ge [sflag:s14], $0x3E80  }
0x44: {  	[sflag:s14] =	ssyncset.done $0x0  }
0x45: {  	[sflag:s14] =	ssyncadd.s32 $0xFFFFC180  }
0x46: {  	_ =	swait.ge [sflag:s19], $0x3E80  }
0x47: {  	[sflag:s19] =	ssyncset.done $0x0  }
0x48: {  	s28 =	sadd.s32 $0x100, s26;
	[sflag:s19] =	ssyncadd.s32 $0xFFFFC180  }
0x49: {  	[tilespmem:s18], [sflag:$0x1] =	stream.indirect.gather [hbm4b:s3+s17], $0x80, s28, s17, $0xb8;
	[tilespmem:$0x1E0C0] =	vst v63  }
.Ltmp0:
0x4a: {  	_ = 	snop;
	(pc) =	sbr.rel @p1 .LBB2_3-.Ltmp0, $4  }
0x4b: {  	s26 =	sadd.s32 $0x1480, s26  }
0x4c: {  	[spmem:s1] =	stream.indirect.scatter.add.f32 [tilespmem:s20], [sflag:$0x2], $0x80, s26, s17, $0xb8;
	[tilespmem:$0x1E0C0] =	vst v63  }
0x4d: {  	_ =	swait.ge [sflag:s14], $0x3E80  }
0x4e: {  	[sflag:s14] =	ssyncset.done $0x0  }
0x4f: {  	[sflag:s14] =	ssyncadd.s32 $0xFFFFC180  }
0x50: {  	_ =	swait.ge [sflag:s19], $0x3E80  }
0x51: {  	[sflag:s19] =	ssyncset.done $0x0  }
0x52: {  	[sflag:s19] =	ssyncadd.s32 $0xFFFFC180  }
0x53: {  	[tilespmem:s20], [sflag:$0x1] =	stream.indirect.gather [hbm4b:s3+s17], $0x80, s21, s17, $0xb8;
	[tilespmem:$0x1E0C0] =	vst v63  }
0x54: {  	_ = 	snop  }
0x55: {  	[spmem:s1] =	stream.indirect.scatter.add.f32 [tilespmem:s18], [sflag:$0x2], $0x80, s22, s17, $0xb8;
	[tilespmem:$0x1E0C0] =	vst v63  }
0x56: {  	_ =	swait.ge [sflag:s14], $0x3E80  }
0x57: {  	[sflag:s14] =	ssyncset.done $0x0  }
0x58: {  	[sflag:s14] =	ssyncadd.s32 $0xFFFFC180  }
0x59: {  	s24 =	sadd.s32 $0x1, s24;
	_ =	swait.ge [sflag:s19], $0x3E80  }
0x5a: {  	p1 =	sne.s32 s24, $0x4;
	[sflag:s19] =	ssyncset.done $0x0  }
.Ltmp1:
0x5b: {  	[sflag:s19] =	ssyncadd.s32 $0xFFFFC180;
	(pc) =	sbr.rel @p1 .LBB2_2-.Ltmp1, $4  }
0x5c: {  	[spmem:s1] =	stream.indirect.scatter.add.f32 [tilespmem:s20], [sflag:$0x2], $0x80, s23, s17, $0xb8;
	[tilespmem:$0x1E0C0] =	vst v63  }
0x5d: {  	_ =	swait.ge [sflag:s14], $0x3E80  }
0x5e: {  	[sflag:s14] =	ssyncset.done $0x0  }
0x5f: {  	[sflag:s14] =	ssyncadd.s32 $0xFFFFC180  }
0x60: {  	[bflag:$0x0] =	sbarrier.arrive $0xFFFF  }
0x61: {  	[hbm:s10], [sflag:s7] =	dma.local [spmem:s13], $0x2700  }
0x62: {  	s2 =	sadd.s32 $0x1, s2;
	_ =	swait.ge [sflag:s14], $0x2700  }
0x63: {  	p1 =	sne.s32 s2, s12;
	[sflag:s14] =	ssyncset.done $0x0  }
.Ltmp2:
0x64: {  	s24 =	simm.s32 @!p0 $0x2;
	[sflag:s14] =	ssyncadd.s32 $0xFFFFD900;
	(pc) =	sbr.rel @p1 .LBB2_1-.Ltmp2, $4  }
0x65: {  	[hbm:s11], [sflag:s7] =	dma.local @!p0 [spmem:s15], $0x100  }
0x66: {  	_ =	swait.ge @!p0 [sflag:s24], $0x100  }
0x67: {  	[sflag:s24] =	ssyncset.done @!p0 $0x0  }
0x68: {  	[sflag:s24] =	ssyncadd.s32 @!p0 $0xFFFFFF00  }
0x69: {  	_ =	sfence.sel $0x180000  }
0x6a: {  	[bflag:$0x0] =	sbarrier.arrive $0xFFFF  }
0x6b: {  	_ =	strace $0x9000004A  }
0x6c: {  	s0 =	sadd.s32 @!p0 $0x100000, s0;
	[bflag:$0x2] =	sbarrier.arrive $0xFFFF  }
0x6d: {  	[sflag:s0] =	ssyncadd.tile.s32 @!p0 $0x1;
	_ =	shalt  }
.Lfunc_end2:
_tile_overlayer_lowered:
.L_overlay_start_2:
0x6e: {  	(tag) =	ssettag $0x2  }
0x6f: {  	s0 =	rddreg [dreg:$0x0];
	s2 =	stileid.u32  }
0x70: {  	s1 =	rddreg [dreg:$0x1];
	p0 =	sne.s32 s2, $0x0  }
0x71: {  	s3 =	rddreg [dreg:$0x2];
	[bflag:$0x3] =	sbarrier.arrive $0xFFFF;
	s2 =	simm.s32 @!p0 $0x1C02  }
0x72: {  	[timem:s3], [sflag:s2] =	dma.local @!p0 [hbm:s0], s1  }
0x73: {  	s0 =	simm.s32 @!p0 $0x2  }
0x74: {  	_ =	swait.ge @!p0 [sflag:s0], s1  }
0x75: {  	s1 =	ssub.s32 @!p0 $0x0, s1;
	[sflag:s0] =	ssyncset.done @!p0 $0x0  }
0x76: {  	[sflag:s0] =	ssyncadd.s32 @!p0 s1  }
0x77: {  	[bflag:$0x3] =	sbarrier.arrive $0xFFFF  }
0x78: {  	_ =	shalt  }

// kernel: kernel.23.cloned.1.call-start
scs
__scs_entry_jumppad:
0x0: {  	(pc) =	sbr.rel $0x88, $3  }
0x1: {  	(tag) =	ssettag $0x0;
	lr =	simm.s32 $0x1  }
0x2: {  	[smem:$0x3F67] =	sst lr;
	_ =	strace $0xD0000000  }
0x3: {  	_ = 	snop  }
0x4: {  	_ = 	snop  }
0x5: {  	_ = 	snop  }
0x6: {  	_ = 	snop  }
0x7: {  	_ = 	snop  }
__scs_overlays_trampoline_lowered:
0x8: {  	[smem:$0x3F76] =	sst s0  }
0x9: {  	[smem:$0x3F77] =	sst s1  }
0xa: {  	[smem:$0x3F78] =	sst s2  }
0xb: {  	[smem:$0x3F79] =	sst s3  }
0xc: {  	[smem:$0x3F7A] =	sst s4  }
0xd: {  	[smem:$0x3F7B] =	sst s5  }
0xe: {  	[smem:$0x3F7C] =	sst s6  }
0xf: {  	[smem:$0x3F7D] =	sst s7  }
0x10: {  	[smem:$0x3F7E] =	sst s8  }
0x11: {  	[smem:$0x3F7F] =	sst s9;
	s0 =	simm.s32 @!p0 $0x0  }
0x12: {  	s1 =	sld [smem:$0x3F65];
	s0 =	simm.s32 @p0 $0x1  }
0x13: {  	[smem:$0x3F80] =	sst s0;
	s0 =	simm.s32 @!p1 $0x0  }
0x14: {  	s2 =	sld [smem:$0x3F64];
	s0 =	simm.s32 @p1 $0x1  }
0x15: {  	[smem:$0x3F81] =	sst s0;
	s0 =	simm.s32 @!p2 $0x0  }
0x16: {  	s3 =	sld [smem:$0x3FDB];
	s0 =	simm.s32 @p2 $0x1  }
0x17: {  	s4 =	simm.s32 $0x1BF5;
	[smem:$0x3F83] =	sst s0  }
0x18: {  	s0 =	sld [smem:$0x3F66];
	_ =	swait.ge [sflag:s4], $0x0  }
0x19: {  	s7 =	sld [smem:$0x3F67]  }
0x1a: {  	s8 =	sadd.s32 $0xFFFFE003, lr  }
0x1b: {  	s9 =	sadd.s32 $0xFFFFFEF7, lr;
	s5 =	simm.s32 $0xFFFFFFFF;
	p2 =	slt.u32 s8, $0xFFFFF086  }
0x1c: {  	p1 =	slt.u32 s9, $0xF7A;
	s5 =	simm.s32 @!p2 $0x0  }
0x1d: {  	s5 =	simm.s32 @p1 $0x1;
	p0 =	seq.s32 s7, s2  }
0x1e: {  	s7 =	smul.u32 @!p0 $0xF7A, s2;
	p2 =	seq.s32 @!p0 s5, $0x0  }
0x1f: {  	s9 =	smul.u32 $0xF7A, s1;
	s8 =	simm.s32 @!p0 $0x1BF5;
	p2 =	por !p2, p0  }
0x20: {  	[sflag:s8] =	ssyncset.s32 @!p0 $0xFFFFF086;
	s6 =	sadd.s32 @!p0 s3, s7;
	s7 =	simm.s32 @!p0 $0x108  }
0x21: {  	s3 =	sadd.s32 s3, s9;
	s6 =	sadd.s32 @!p0 $0x88, s6;
	s7 =	simm.s32 @p2 $0x1082  }
0x22: {  	[simem:s7], [sflag:s8] =	dma.local @!p0 [hbm:s6], $0xF7A  }
0x23: {  	s9 =	sor.u32 $0xD0000000, s2;
	s6 =	simm.s32 $0x108;
	_ =	swait.ge @!p0 [sflag:s8], $0x0  }
0x24: {  	s3 =	sadd.s32 $0x88, s3;
	s6 =	simm.s32 @!p1 $0x1082;
	[sflag:s4] =	ssyncset.s32 $0xFFFFF086  }
0x25: {  	[simem:s6], [sflag:s4] =	dma.local [hbm:s3], $0xF7A  }
0x26: {  	[smem:$0x3F67] =	sst s1;
	(tag) =	ssettag s2;
	_ =	strace s9  }
0x27: {  	s1 =	sld [smem:$0x3F77]  }
0x28: {  	s2 =	sld [smem:$0x3F78]  }
0x29: {  	s4 =	sld [smem:$0x3F7A]  }
0x2a: {  	p0 =	seq.s32 s5, $0x0;
	s5 =	sld [smem:$0x3F7B]  }
0x2b: {  	s6 =	sld [smem:$0x3F7C]  }
0x2c: {  	s7 =	sld [smem:$0x3F7D]  }
0x2d: {  	s3 =	simm.s32 $0x108;
	s8 =	sld [smem:$0x3F7E]  }
0x2e: {  	s3 =	simm.s32 @!p0 $0x1082;
	s9 =	sld [smem:$0x3F7F]  }
0x2f: {  	lr =	sadd.s32 s0, s3;
	s0 =	sld [smem:$0x3F76]  }
0x30: {  	s3 =	sld [smem:$0x3F79]  }
0x31: {  	[smem:$0x3F82] =	sst s10  }
0x32: {  	s10 =	sld [smem:$0x3F80];
	_ =	sdelay $0x3  }
0x33: {  	p0 =	seq.s32 s10, $0x1;
	s10 =	sld [smem:$0x3F82];
	_ =	sdelay $0x3  }
0x34: {  	[smem:$0x3F82] =	sst s10  }
0x35: {  	s10 =	sld [smem:$0x3F81];
	_ =	sdelay $0x3  }
0x36: {  	p1 =	seq.s32 s10, $0x1;
	s10 =	sld [smem:$0x3F82];
	_ =	sdelay $0x3  }
0x37: {  	[smem:$0x3F82] =	sst s10  }
0x38: {  	s10 =	sld [smem:$0x3F83]  }
0x39: {  	_ = 	snop;
	(pc) =	sbr.ind lr, $3  }
0x3a: {  	_ = 	snop  }
0x3b: {  	_ = 	snop  }
0x3c: {  	p2 =	seq.s32 s10, $0x1;
	s10 =	sld [smem:$0x3F82]  }
0x3d: {  	_ =	shalt  }
0x3e: {  	_ =	shalt  }
0x3f: {  	_ =	shalt  }
0x40: {  	_ =	shalt  }
0x41: {  	_ =	shalt  }
0x42: {  	_ =	shalt  }
0x43: {  	_ =	shalt  }
0x44: {  	_ =	shalt  }
0x45: {  	_ =	shalt  }
0x46: {  	_ =	shalt  }
0x47: {  	_ =	shalt  }
0x48: {  	_ =	shalt  }
0x49: {  	_ =	shalt  }
0x4a: {  	_ =	shalt  }
0x4b: {  	_ =	shalt  }
0x4c: {  	_ =	shalt  }
0x4d: {  	_ =	shalt  }
0x4e: {  	_ =	shalt  }
0x4f: {  	_ =	shalt  }
0x50: {  	_ =	shalt  }
0x51: {  	_ =	shalt  }
0x52: {  	_ =	shalt  }
0x53: {  	_ =	shalt  }
0x54: {  	_ =	shalt  }
0x55: {  	_ =	shalt  }
0x56: {  	_ =	shalt  }
0x57: {  	_ =	shalt  }
0x58: {  	_ =	shalt  }
0x59: {  	_ =	shalt  }
0x5a: {  	_ =	shalt  }
0x5b: {  	_ =	shalt  }
0x5c: {  	_ =	shalt  }
0x5d: {  	_ =	shalt  }
0x5e: {  	_ =	shalt  }
0x5f: {  	_ =	shalt  }
0x60: {  	_ =	shalt  }
0x61: {  	_ =	shalt  }
0x62: {  	_ =	shalt  }
0x63: {  	_ =	shalt  }
0x64: {  	_ =	shalt  }
0x65: {  	_ =	shalt  }
0x66: {  	_ =	shalt  }
0x67: {  	_ =	shalt  }
0x68: {  	_ =	shalt  }
0x69: {  	_ =	shalt  }
0x6a: {  	_ =	shalt  }
0x6b: {  	_ =	shalt  }
0x6c: {  	_ =	shalt  }
0x6d: {  	_ =	shalt  }
0x6e: {  	_ =	shalt  }
0x6f: {  	_ =	shalt  }
0x70: {  	_ =	shalt  }
0x71: {  	_ =	shalt  }
0x72: {  	_ =	shalt  }
0x73: {  	_ =	shalt  }
0x74: {  	_ =	shalt  }
0x75: {  	_ =	shalt  }
0x76: {  	_ =	shalt  }
0x77: {  	_ =	shalt  }
0x78: {  	_ =	shalt  }
0x79: {  	_ =	shalt  }
0x7a: {  	_ =	shalt  }
0x7b: {  	_ =	shalt  }
0x7c: {  	_ =	shalt  }
0x7d: {  	_ =	shalt  }
0x7e: {  	_ =	shalt  }
0x7f: {  	_ =	shalt  }
0x80: {  	_ =	shalt  }
0x81: {  	_ =	shalt  }
0x82: {  	_ =	shalt  }
0x83: {  	_ =	shalt  }
0x84: {  	_ =	shalt  }
0x85: {  	_ =	shalt  }
0x86: {  	_ =	shalt  }
0x87: {  	_ =	shalt  }
.Lfunc_end0:
.L_simem_size_0:
called_computation.2_lowered:
.L_overlay_start_0:
0x88: {  	s2 =	sld [smem:$0x3FD9]  }
0x89: {  	s3 =	sld [smem:$0x3FFE];
	_ =	sdelay $0x1  }
0x8a: {  	s1 =	srdreg.scid  }
0x8b: {  	s0 =	sand.u32 $0x1, s1  }
0x8c: {  	s17 =	sshll.u32 s0, $0xA;
	s2 =	sadd.s32 s3, s2  }
0x8d: {  	s2 =	sadd.s32 s2, s17  }
0x8e: {  	[smem:$0x3F8E] =	sst s2  }
0x8f: {  	_ = 	snop  }
0x90: {  	s2 =	sld [smem:$0x3FD0];
	(tm) =	ssettm $0x1  }
0x91: {  	s18 =	sld [smem:$0x3FFB];
	_ =	sdelay $0x3  }
0x92: {  	_ =	strace s18  }
0x93: {  	s3 =	sld [smem:$0x3FFC];
	_ =	sdelay $0x3  }
0x94: {  	_ =	strace s3  }
0x95: {  	s3 =	sld [smem:$0x3FFD];
	_ =	sdelay $0x3  }
0x96: {  	_ =	strace s3  }
0x97: {  	_ =	strace $0x8FFFFFFF  }
0x98: {  	s19 =	sld [smem:$0x3FDB];
	_ =	sdelay $0x1  }
0x99: {  	s4 =	simm.s32 $_scs_section_size  }
0x9a: {  	s5 =	simm.s32 $_size__tile_overlayer_lowered;
	s6 =	simm.s32 $_tile_overlayer_lowered  }
0x9b: {  	s22 =	simm.s32 $0x1BFF;
	s21 =	sshll.u32 s6, $0x1;
	s3 =	sadd.s32 s4, s19  }
0x9c: {  	s7 =	simm.s32 $0x0;
	s20 =	sshll.u32 s5, $0x1;
	s5 =	sadd.s32 s21, s3  }
0x9d: {  	[timem:s7], [sflag:s22] =	dma.local [hbm:s5], s20  }
0x9e: {  	_ =	swait.ge [sflag:s22], s20  }
0x9f: {  	s4 =	ssub.s32 $0x0, s20;
	[sflag:s22] =	ssyncset.done $0x0  }
0xa0: {  	[sflag:s22] =	ssyncadd.s32 s4;
	_ =	sdelay $0x1  }
0xa1: {  	s23 =	simm.s32 $0x1B8B  }
0xa2: {  	_ =	swait.ge [sflag:s23], $0x1  }
0xa3: {  	[sflag:s23] =	ssyncset.done $0x0  }
0xa4: {  	s25 =	simm.s32 $0x1B8E;
	s24 =	sld [smem:$0x3FFE];
	[sflag:s23] =	ssyncadd.s32 $0xFFFFFFFF  }
0xa5: {  	s26 =	simm.s32 $execute0_lowered;
	[smem:$0x3FD2] =	sst s25  }
0xa6: {  	s5 =	sshll.u32 s26, $0x1;
	_ =	strace $0x8000004C;
	[dreg:$0x1] =	wrdreg $0xFFFFFFFF  }
0xa7: {  	s28 =	simm.s32 $_size_execute0_lowered;
	s3 =	sadd.s32 s3, s5;
	[dreg:$0x0] =	wrdreg $0x0  }
0xa8: {  	s5 =	sshll.u32 s28, $0x1;
	[dreg:$0x2] =	wrdreg s3  }
0xa9: {  	[dreg:$0x3] =	wrdreg s5  }
0xaa: {  	[dreg:$0x4] =	wrdreg $0xC0  }
0xab: {  	_ =	task [dreg:s7], $0x5FFFF  }
0xac: {  	[dreg:$0x1] =	wrdreg $0xFFFFFFFF  }
0xad: {  	[dreg:$0x0] =	wrdreg $0x60  }
0xae: {  	[dreg:$0x2] =	wrdreg s24  }
0xaf: {  	[dreg:$0x3] =	wrdreg s2  }
0xb0: {  	[dreg:$0x4] =	wrdreg $0xA8000  }
0xb1: {  	[dreg:$0x5] =	wrdreg $0x9  }
0xb2: {  	_ =	task.clear_ibuf [dreg:s7], $0x6FFFF;
	_ =	strace $0x9000004C  }
0xb3: {  	s29 =	simm.s32 $0x9;
	_ =	strace $0x8000004E  }
0xb4: {  	_ =	swait.ge [sflag:s29], $0x1  }
0xb5: {  	[sflag:s29] =	ssyncadd.s32 $0xFFFFFFFF  }
0xb6: {  	_ =	strace $0x9000004E  }
0xb7: {  	_ =	sfence  }
0xb8: {  	s30 =	sld [smem:$0x0];
	_ =	sdelay $0x2  }
0xb9: {  	s31 =	sshll.u32 s1, $0xD;
	s1 =	sshrl.u32 s1, $0x2  }
0xba: {  	s3 =	sand.u32 $0x4000, s31;
	s1 =	sadd.s32 s1, s30  }
0xbb: {  	s0 =	sor.u32 s3, s0;
	s1 =	sshll.u32 s1, $0x11  }
0xbc: {  	s0 =	sor.u32 s1, s0  }
0xbd: {  	s0 =	sadd.s32 $0x8F2B, s0  }
0xbe: {  	[sflag:s0] =	ssyncadd.remote.s32 $0x1  }
0xbf: {  	_ =	sfence.sel $0xFFFF  }
0xc0: {  	[dreg:$0x0] =	wrdreg $0xFFFFFFFF;
	(pc) =	sbr.abs _section_cstart, $3  }
0xc1: {  	[dreg:$0x1] =	wrdreg $0xFFFFFFFF  }
0xc2: {  	_ =	task.clear_ibuf [dreg:s7], $0x2FFFF;
	_ =	strace $0x9FFFFFFF  }
0xc3: {  	(tm) =	ssettm $0x7FFFFFFF  }
tec
execute0_lowered:
.L_overlay_start_1:
0x0: {  	(tag) =	ssettag $0x1  }
0x1: {  	s8 =	rddreg [dreg:$0x0]  }
0x2: {  	s10 =	rddreg [dreg:$0x1]  }
0x3: {  	s1 =	rddreg [dreg:$0x2]  }
0x4: {  	s0 =	rddreg [dreg:$0x3];
	s2 =	simm.s32 $0x0;
	s3 =	srdreg.scid  }
0x5: {  	s13 =	stileid.u32;
	s19 =	simm.s32 $0x1;
	s20 =	simm.s32 $0x6800  }
0x6: {  	s21 =	simm.s32 $0x1380;
	s22 =	simm.s32 $0x2700;
	s23 =	simm.s32 $0x2780  }
0x7: {  	[smem:$0x7FF] =	sst s2;
	s9 =	sand.u32 $0x1, s3;
	s3 =	sadd.s32 $0x32000, s8  }
0x8: {  	s4 =	sadd.s32 $0x1E000, s8;
	s11 =	smul.u32 $0x4E000, s13;
	s5 =	sadd.s32 $0xA000, s8  }
0x9: {  	s26 =	sshll.u32 s13, $0x1;
	s15 =	smul.u32 $0x2700, s13;
	s29 =	sshll.u32 s13, $0x6  }
0xa: {  	s18 =	sadd.s32 $0x138000, s1;
	s8 =	sadd.s32 $0x59000, s8;
	p0 =	sne.s32 s13, $0x0  }
0xb: {  	_ =	strace $0x8000004D;
	s6 =	ssub.s32 $0x2, s9;
	s30 =	smul.u32 $0x138800, s9  }
0xc: {  	s14 =	sor.u32 s9, s26;
	s17 =	smul.u32 $0x27100, s9;
	s7 =	sshrl.u32 s6, $0x1  }
0xd: {  	s28 =	sshrl.u32 s11, $0x2;
	s9 =	smul.u32 $0x5000, s14;
	s14 =	simm.s32 $0x2  }
0xe: {  	s12 =	ssub.s32 s6, s7;
	s16 =	sadd.s32 s28, s1;
	s6 =	sadd.s32 s3, s15  }
0xf: {  	s7 =	sor.u32 $0x1C02, s29;
	s11 =	sshrl.u32 s30, $0x3;
	s31 =	sadd.s32 s15, s17  }
0x10: {  	s15 =	sshrl.u32 @!p0 s18, $0x3;
	s17 =	simm.s32 $0x7D;
	s18 =	simm.s32 $0x2800  }
0x11: {  	s11 =	sadd.s32 s10, s11;
	s10 =	sadd.s32 s10, s31;
	s12 =	smax.u32 s12, $0x1  }
0x12: {  	s13 =	sshrl.u32 s16, $0x3;
	s16 =	simm.s32 $0x1400;
	s11 =	sadd.s32 $0x27000, s11  }
.LBB2_1:
0x13: {  	[spmem:s13], [sflag:s7] =	dma.local [hbm:s6], $0x2700  }
0x14: {  	_ =	swait.ge [sflag:s14], $0x2700  }
0x15: {  	[sflag:s14] =	ssyncset.done $0x0  }
0x16: {  	s24 =	simm.s32 @!p0 $0x2;
	[sflag:s14] =	ssyncadd.s32 $0xFFFFD900  }
0x17: {  	[spmem:s15], [sflag:s7] =	dma.local @!p0 [hbm:s8], $0x100  }
0x18: {  	_ =	swait.ge @!p0 [sflag:s24], $0x100  }
0x19: {  	[sflag:s24] =	ssyncset.done @!p0 $0x0  }
0x1a: {  	[sflag:s24] =	ssyncadd.s32 @!p0 $0xFFFFFF00  }
0x1b: {  	s24 =	simm.s32 $0x0;
	[bflag:$0x0] =	sbarrier.arrive $0xFFFF  }
.LBB2_2:
0x1c: {  	s25 =	smul.u32 $0x1400, s24;
	_ =	sdelay $0x1  }
0x1d: {  	s25 =	sadd.s32 s9, s25  }
0x1e: {  	s25 =	sshrl.u32 s25, $0x3  }
0x1f: {  	s28 =	simm.s32 $0x0;
	s26 =	sadd.s32 s4, s25  }
0x20: {  	[tilespmem:s28], [sflag:$0x2] =	stream.linear.gather [hbm4b:s26+s28], $0x1400, $0x38;
	[tilespmem:$0x1E0C0] =	vst v63  }
0x21: {  	_ =	swait.ge [sflag:s14], $0x1400  }
0x22: {  	[sflag:s14] =	ssyncset.done $0x0  }
0x23: {  	s25 =	sadd.s32 s5, s25;
	[sflag:s14] =	ssyncadd.s32 $0xFFFFEC00  }
0x24: {  	[tilespmem:s16], [sflag:$0x2] =	stream.linear.gather [hbm4b:s25+s28], $0x1400, $0x38;
	[tilespmem:$0x1E0C0] =	vst v63  }
0x25: {  	_ =	swait.ge [sflag:s14], $0x1400  }
0x26: {  	[sflag:s14] =	ssyncset.done $0x0  }
0x27: {  	[sflag:s14] =	ssyncadd.s32 $0xFFFFEC00  }
0x28: {  	[tilespmem:s18], [sflag:$0x1] =	stream.indirect.gather [hbm4b:s3+s17], $0x80, s28, s17, $0xb8;
	[tilespmem:$0x1E0C0] =	vst v63  }
0x29: {  	_ =	swait.ge [sflag:s19], $0x3E80  }
0x2a: {  	[sflag:s19] =	ssyncset.done $0x0  }
0x2b: {  	s28 =	simm.s32 $0x80;
	[sflag:s19] =	ssyncadd.s32 $0xFFFFC180  }
0x2c: {  	[tilespmem:s20], [sflag:$0x1] =	stream.indirect.gather [hbm4b:s3+s17], $0x80, s28, s17, $0xb8;
	[tilespmem:$0x1E0C0] =	vst v63  }
0x2d: {  	s29 =	simm.s32 $0x1400  }
0x2e: {  	[spmem:s1] =	stream.indirect.scatter.add.f32 [tilespmem:s18], [sflag:$0x2], $0x80, s29, s17, $0xb8;
	[tilespmem:$0x1E0C0] =	vst v63  }
0x2f: {  	_ =	swait.ge [sflag:s14], $0x3E80  }
0x30: {  	[sflag:s14] =	ssyncset.done $0x0  }
0x31: {  	[sflag:s14] =	ssyncadd.s32 $0xFFFFC180  }
0x32: {  	_ =	swait.ge [sflag:s19], $0x3E80  }
0x33: {  	[sflag:s19] =	ssyncset.done $0x0  }
0x34: {  	s30 =	simm.s32 $0x100;
	[sflag:s19] =	ssyncadd.s32 $0xFFFFC180  }
0x35: {  	[tilespmem:s18], [sflag:$0x1] =	stream.indirect.gather [hbm4b:s3+s17], $0x80, s30, s17, $0xb8;
	[tilespmem:$0x1E0C0] =	vst v63  }
0x36: {  	s31 =	simm.s32 $0x1480  }
0x37: {  	[spmem:s1] =	stream.indirect.scatter.add.f32 [tilespmem:s20], [sflag:$0x2], $0x80, s31, s17, $0xb8;
	[tilespmem:$0x1E0C0] =	vst v63  }
0x38: {  	_ =	swait.ge [sflag:s14], $0x3E80  }
0x39: {  	s25 =	simm.s32 $0x400;
	[sflag:s14] =	ssyncset.done $0x0  }
.LBB2_3:
0x3a: {  	p1 =	sne.s32 s25, $0x4800  }
0x3b: {  	[sflag:s14] =	ssyncadd.s32 $0xFFFFC180;
	s26 =	smov.u32 s25;
	s25 =	sadd.s32 $0x400, s25  }
0x3c: {  	_ = 	snop  }
0x3d: {  	_ =	swait.ge [sflag:s19], $0x3E80  }
0x3e: {  	s26 =	sshra.s32 s26, $0x2;
	[sflag:s19] =	ssyncset.done $0x0  }
0x3f: {  	s28 =	sadd.s32 $0x80, s26;
	[sflag:s19] =	ssyncadd.s32 $0xFFFFC180  }
0x40: {  	[tilespmem:s20], [sflag:$0x1] =	stream.indirect.gather [hbm4b:s3+s17], $0x80, s28, s17, $0xb8;
	[tilespmem:$0x1E0C0] =	vst v63  }
0x41: {  	s28 =	sadd.s32 $0x1400, s26  }
0x42: {  	[spmem:s1] =	stream.indirect.scatter.add.f32 [tilespmem:s18], [sflag:$0x2], $0x80, s28, s17, $0xb8;
	[tilespmem:$0x1E0C0] =	vst v63  }
0x43: {  	_ =	swait.ge [sflag:s14], $0x3E80  }
0x44: {  	[sflag:s14] =	ssyncset.done $0x0  }
0x45: {  	[sflag:s14] =	ssyncadd.s32 $0xFFFFC180  }
0x46: {  	_ =	swait.ge [sflag:s19], $0x3E80  }
0x47: {  	[sflag:s19] =	ssyncset.done $0x0  }
0x48: {  	s28 =	sadd.s32 $0x100, s26;
	[sflag:s19] =	ssyncadd.s32 $0xFFFFC180  }
0x49: {  	[tilespmem:s18], [sflag:$0x1] =	stream.indirect.gather [hbm4b:s3+s17], $0x80, s28, s17, $0xb8;
	[tilespmem:$0x1E0C0] =	vst v63  }
.Ltmp0:
0x4a: {  	_ = 	snop;
	(pc) =	sbr.rel @p1 .LBB2_3-.Ltmp0, $4  }
0x4b: {  	s26 =	sadd.s32 $0x1480, s26  }
0x4c: {  	[spmem:s1] =	stream.indirect.scatter.add.f32 [tilespmem:s20], [sflag:$0x2], $0x80, s26, s17, $0xb8;
	[tilespmem:$0x1E0C0] =	vst v63  }
0x4d: {  	_ =	swait.ge [sflag:s14], $0x3E80  }
0x4e: {  	[sflag:s14] =	ssyncset.done $0x0  }
0x4f: {  	[sflag:s14] =	ssyncadd.s32 $0xFFFFC180  }
0x50: {  	_ =	swait.ge [sflag:s19], $0x3E80  }
0x51: {  	[sflag:s19] =	ssyncset.done $0x0  }
0x52: {  	[sflag:s19] =	ssyncadd.s32 $0xFFFFC180  }
0x53: {  	[tilespmem:s20], [sflag:$0x1] =	stream.indirect.gather [hbm4b:s3+s17], $0x80, s21, s17, $0xb8;
	[tilespmem:$0x1E0C0] =	vst v63  }
0x54: {  	_ = 	snop  }
0x55: {  	[spmem:s1] =	stream.indirect.scatter.add.f32 [tilespmem:s18], [sflag:$0x2], $0x80, s22, s17, $0xb8;
	[tilespmem:$0x1E0C0] =	vst v63  }
0x56: {  	_ =	swait.ge [sflag:s14], $0x3E80  }
0x57: {  	[sflag:s14] =	ssyncset.done $0x0  }
0x58: {  	[sflag:s14] =	ssyncadd.s32 $0xFFFFC180  }
0x59: {  	s24 =	sadd.s32 $0x1, s24;
	_ =	swait.ge [sflag:s19], $0x3E80  }
0x5a: {  	p1 =	sne.s32 s24, $0x4;
	[sflag:s19] =	ssyncset.done $0x0  }
.Ltmp1:
0x5b: {  	[sflag:s19] =	ssyncadd.s32 $0xFFFFC180;
	(pc) =	sbr.rel @p1 .LBB2_2-.Ltmp1, $4  }
0x5c: {  	[spmem:s1] =	stream.indirect.scatter.add.f32 [tilespmem:s20], [sflag:$0x2], $0x80, s23, s17, $0xb8;
	[tilespmem:$0x1E0C0] =	vst v63  }
0x5d: {  	_ =	swait.ge [sflag:s14], $0x3E80  }
0x5e: {  	[sflag:s14] =	ssyncset.done $0x0  }
0x5f: {  	[sflag:s14] =	ssyncadd.s32 $0xFFFFC180  }
0x60: {  	[bflag:$0x0] =	sbarrier.arrive $0xFFFF  }
0x61: {  	[hbm:s10], [sflag:s7] =	dma.local [spmem:s13], $0x2700  }
0x62: {  	s2 =	sadd.s32 $0x1, s2;
	_ =	swait.ge [sflag:s14], $0x2700  }
0x63: {  	p1 =	sne.s32 s2, s12;
	[sflag:s14] =	ssyncset.done $0x0  }
.Ltmp2:
0x64: {  	s24 =	simm.s32 @!p0 $0x2;
	[sflag:s14] =	ssyncadd.s32 $0xFFFFD900;
	(pc) =	sbr.rel @p1 .LBB2_1-.Ltmp2, $4  }
0x65: {  	[hbm:s11], [sflag:s7] =	dma.local @!p0 [spmem:s15], $0x100  }
0x66: {  	_ =	swait.ge @!p0 [sflag:s24], $0x100  }
0x67: {  	[sflag:s24] =	ssyncset.done @!p0 $0x0  }
0x68: {  	[sflag:s24] =	ssyncadd.s32 @!p0 $0xFFFFFF00  }
0x69: {  	_ =	sfence.sel $0x180000  }
0x6a: {  	[bflag:$0x0] =	sbarrier.arrive $0xFFFF  }
0x6b: {  	_ =	strace $0x9000004D  }
0x6c: {  	s0 =	sadd.s32 @!p0 $0x100000, s0;
	[bflag:$0x2] =	sbarrier.arrive $0xFFFF  }
0x6d: {  	[sflag:s0] =	ssyncadd.tile.s32 @!p0 $0x1;
	_ =	shalt  }
.Lfunc_end2:
_tile_overlayer_lowered:
.L_overlay_start_2:
0x6e: {  	(tag) =	ssettag $0x2  }
0x6f: {  	s0 =	rddreg [dreg:$0x0];
	s2 =	stileid.u32  }
0x70: {  	s1 =	rddreg [dreg:$0x1];
	p0 =	sne.s32 s2, $0x0  }
0x71: {  	s3 =	rddreg [dreg:$0x2];
	[bflag:$0x3] =	sbarrier.arrive $0xFFFF;
	s2 =	simm.s32 @!p0 $0x1C02  }
0x72: {  	[timem:s3], [sflag:s2] =	dma.local @!p0 [hbm:s0], s1  }
0x73: {  	s0 =	simm.s32 @!p0 $0x2  }
0x74: {  	_ =	swait.ge @!p0 [sflag:s0], s1  }
0x75: {  	s1 =	ssub.s32 @!p0 $0x0, s1;
	[sflag:s0] =	ssyncset.done @!p0 $0x0  }
0x76: {  	[sflag:s0] =	ssyncadd.s32 @!p0 s1  }
0x77: {  	[bflag:$0x3] =	sbarrier.arrive $0xFFFF  }
0x78: {  	_ =	shalt  }

// kernel: kernel.26.cloned.1.call-start
scs
__scs_entry_jumppad:
0x0: {  	(pc) =	sbr.rel $0x88, $3  }
0x1: {  	(tag) =	ssettag $0x0;
	lr =	simm.s32 $0x1  }
0x2: {  	[smem:$0x3F67] =	sst lr;
	_ =	strace $0xD0000000  }
0x3: {  	_ = 	snop  }
0x4: {  	_ = 	snop  }
0x5: {  	_ = 	snop  }
0x6: {  	_ = 	snop  }
0x7: {  	_ = 	snop  }
__scs_overlays_trampoline_lowered:
0x8: {  	[smem:$0x3F76] =	sst s0  }
0x9: {  	[smem:$0x3F77] =	sst s1  }
0xa: {  	[smem:$0x3F78] =	sst s2  }
0xb: {  	[smem:$0x3F79] =	sst s3  }
0xc: {  	[smem:$0x3F7A] =	sst s4  }
0xd: {  	[smem:$0x3F7B] =	sst s5  }
0xe: {  	[smem:$0x3F7C] =	sst s6  }
0xf: {  	[smem:$0x3F7D] =	sst s7  }
0x10: {  	[smem:$0x3F7E] =	sst s8  }
0x11: {  	[smem:$0x3F7F] =	sst s9;
	s0 =	simm.s32 @!p0 $0x0  }
0x12: {  	s1 =	sld [smem:$0x3F65];
	s0 =	simm.s32 @p0 $0x1  }
0x13: {  	[smem:$0x3F80] =	sst s0;
	s0 =	simm.s32 @!p1 $0x0  }
0x14: {  	s2 =	sld [smem:$0x3F64];
	s0 =	simm.s32 @p1 $0x1  }
0x15: {  	[smem:$0x3F81] =	sst s0;
	s0 =	simm.s32 @!p2 $0x0  }
0x16: {  	s3 =	sld [smem:$0x3FDB];
	s0 =	simm.s32 @p2 $0x1  }
0x17: {  	s4 =	simm.s32 $0x1BF5;
	[smem:$0x3F83] =	sst s0  }
0x18: {  	s0 =	sld [smem:$0x3F66];
	_ =	swait.ge [sflag:s4], $0x0  }
0x19: {  	s7 =	sld [smem:$0x3F67]  }
0x1a: {  	s8 =	sadd.s32 $0xFFFFE003, lr  }
0x1b: {  	s9 =	sadd.s32 $0xFFFFFEF7, lr;
	s5 =	simm.s32 $0xFFFFFFFF;
	p2 =	slt.u32 s8, $0xFFFFF086  }
0x1c: {  	p1 =	slt.u32 s9, $0xF7A;
	s5 =	simm.s32 @!p2 $0x0  }
0x1d: {  	s5 =	simm.s32 @p1 $0x1;
	p0 =	seq.s32 s7, s2  }
0x1e: {  	s7 =	smul.u32 @!p0 $0xF7A, s2;
	p2 =	seq.s32 @!p0 s5, $0x0  }
0x1f: {  	s9 =	smul.u32 $0xF7A, s1;
	s8 =	simm.s32 @!p0 $0x1BF5;
	p2 =	por !p2, p0  }
0x20: {  	[sflag:s8] =	ssyncset.s32 @!p0 $0xFFFFF086;
	s6 =	sadd.s32 @!p0 s3, s7;
	s7 =	simm.s32 @!p0 $0x108  }
0x21: {  	s3 =	sadd.s32 s3, s9;
	s6 =	sadd.s32 @!p0 $0x88, s6;
	s7 =	simm.s32 @p2 $0x1082  }
0x22: {  	[simem:s7], [sflag:s8] =	dma.local @!p0 [hbm:s6], $0xF7A  }
0x23: {  	s9 =	sor.u32 $0xD0000000, s2;
	s6 =	simm.s32 $0x108;
	_ =	swait.ge @!p0 [sflag:s8], $0x0  }
0x24: {  	s3 =	sadd.s32 $0x88, s3;
	s6 =	simm.s32 @!p1 $0x1082;
	[sflag:s4] =	ssyncset.s32 $0xFFFFF086  }
0x25: {  	[simem:s6], [sflag:s4] =	dma.local [hbm:s3], $0xF7A  }
0x26: {  	[smem:$0x3F67] =	sst s1;
	(tag) =	ssettag s2;
	_ =	strace s9  }
0x27: {  	s1 =	sld [smem:$0x3F77]  }
0x28: {  	s2 =	sld [smem:$0x3F78]  }
0x29: {  	s4 =	sld [smem:$0x3F7A]  }
0x2a: {  	p0 =	seq.s32 s5, $0x0;
	s5 =	sld [smem:$0x3F7B]  }
0x2b: {  	s6 =	sld [smem:$0x3F7C]  }
0x2c: {  	s7 =	sld [smem:$0x3F7D]  }
0x2d: {  	s3 =	simm.s32 $0x108;
	s8 =	sld [smem:$0x3F7E]  }
0x2e: {  	s3 =	simm.s32 @!p0 $0x1082;
	s9 =	sld [smem:$0x3F7F]  }
0x2f: {  	lr =	sadd.s32 s0, s3;
	s0 =	sld [smem:$0x3F76]  }
0x30: {  	s3 =	sld [smem:$0x3F79]  }
0x31: {  	[smem:$0x3F82] =	sst s10  }
0x32: {  	s10 =	sld [smem:$0x3F80];
	_ =	sdelay $0x3  }
0x33: {  	p0 =	seq.s32 s10, $0x1;
	s10 =	sld [smem:$0x3F82];
	_ =	sdelay $0x3  }
0x34: {  	[smem:$0x3F82] =	sst s10  }
0x35: {  	s10 =	sld [smem:$0x3F81];
	_ =	sdelay $0x3  }
0x36: {  	p1 =	seq.s32 s10, $0x1;
	s10 =	sld [smem:$0x3F82];
	_ =	sdelay $0x3  }
0x37: {  	[smem:$0x3F82] =	sst s10  }
0x38: {  	s10 =	sld [smem:$0x3F83]  }
0x39: {  	_ = 	snop;
	(pc) =	sbr.ind lr, $3  }
0x3a: {  	_ = 	snop  }
0x3b: {  	_ = 	snop  }
0x3c: {  	p2 =	seq.s32 s10, $0x1;
	s10 =	sld [smem:$0x3F82]  }
0x3d: {  	_ =	shalt  }
0x3e: {  	_ =	shalt  }
0x3f: {  	_ =	shalt  }
0x40: {  	_ =	shalt  }
0x41: {  	_ =	shalt  }
0x42: {  	_ =	shalt  }
0x43: {  	_ =	shalt  }
0x44: {  	_ =	shalt  }
0x45: {  	_ =	shalt  }
0x46: {  	_ =	shalt  }
0x47: {  	_ =	shalt  }
0x48: {  	_ =	shalt  }
0x49: {  	_ =	shalt  }
0x4a: {  	_ =	shalt  }
0x4b: {  	_ =	shalt  }
0x4c: {  	_ =	shalt  }
0x4d: {  	_ =	shalt  }
0x4e: {  	_ =	shalt  }
0x4f: {  	_ =	shalt  }
0x50: {  	_ =	shalt  }
0x51: {  	_ =	shalt  }
0x52: {  	_ =	shalt  }
0x53: {  	_ =	shalt  }
0x54: {  	_ =	shalt  }
0x55: {  	_ =	shalt  }
0x56: {  	_ =	shalt  }
0x57: {  	_ =	shalt  }
0x58: {  	_ =	shalt  }
0x59: {  	_ =	shalt  }
0x5a: {  	_ =	shalt  }
0x5b: {  	_ =	shalt  }
0x5c: {  	_ =	shalt  }
0x5d: {  	_ =	shalt  }
0x5e: {  	_ =	shalt  }
0x5f: {  	_ =	shalt  }
0x60: {  	_ =	shalt  }
0x61: {  	_ =	shalt  }
0x62: {  	_ =	shalt  }
0x63: {  	_ =	shalt  }
0x64: {  	_ =	shalt  }
0x65: {  	_ =	shalt  }
0x66: {  	_ =	shalt  }
0x67: {  	_ =	shalt  }
0x68: {  	_ =	shalt  }
0x69: {  	_ =	shalt  }
0x6a: {  	_ =	shalt  }
0x6b: {  	_ =	shalt  }
0x6c: {  	_ =	shalt  }
0x6d: {  	_ =	shalt  }
0x6e: {  	_ =	shalt  }
0x6f: {  	_ =	shalt  }
0x70: {  	_ =	shalt  }
0x71: {  	_ =	shalt  }
0x72: {  	_ =	shalt  }
0x73: {  	_ =	shalt  }
0x74: {  	_ =	shalt  }
0x75: {  	_ =	shalt  }
0x76: {  	_ =	shalt  }
0x77: {  	_ =	shalt  }
0x78: {  	_ =	shalt  }
0x79: {  	_ =	shalt  }
0x7a: {  	_ =	shalt  }
0x7b: {  	_ =	shalt  }
0x7c: {  	_ =	shalt  }
0x7d: {  	_ =	shalt  }
0x7e: {  	_ =	shalt  }
0x7f: {  	_ =	shalt  }
0x80: {  	_ =	shalt  }
0x81: {  	_ =	shalt  }
0x82: {  	_ =	shalt  }
0x83: {  	_ =	shalt  }
0x84: {  	_ =	shalt  }
0x85: {  	_ =	shalt  }
0x86: {  	_ =	shalt  }
0x87: {  	_ =	shalt  }
.Lfunc_end0:
.L_simem_size_0:
called_computation.3_lowered:
.L_overlay_start_0:
0x88: {  	s2 =	sld [smem:$0x3FD9]  }
0x89: {  	s3 =	sld [smem:$0x3FFE];
	_ =	sdelay $0x1  }
0x8a: {  	s1 =	srdreg.scid  }
0x8b: {  	s0 =	sand.u32 $0x1, s1  }
0x8c: {  	s17 =	sshll.u32 s0, $0xA;
	s2 =	sadd.s32 s3, s2  }
0x8d: {  	s2 =	sadd.s32 s2, s17  }
0x8e: {  	[smem:$0x3F8E] =	sst s2  }
0x8f: {  	_ = 	snop  }
0x90: {  	s2 =	sld [smem:$0x3FD0];
	(tm) =	ssettm $0x1  }
0x91: {  	s18 =	sld [smem:$0x3FFB];
	_ =	sdelay $0x3  }
0x92: {  	_ =	strace s18  }
0x93: {  	s3 =	sld [smem:$0x3FFC];
	_ =	sdelay $0x3  }
0x94: {  	_ =	strace s3  }
0x95: {  	s3 =	sld [smem:$0x3FFD];
	_ =	sdelay $0x3  }
0x96: {  	_ =	strace s3  }
0x97: {  	_ =	strace $0x8FFFFFFF  }
0x98: {  	s19 =	sld [smem:$0x3FDB];
	_ =	sdelay $0x1  }
0x99: {  	s4 =	simm.s32 $_scs_section_size  }
0x9a: {  	s5 =	simm.s32 $_size__tile_overlayer_lowered;
	s6 =	simm.s32 $_tile_overlayer_lowered  }
0x9b: {  	s22 =	simm.s32 $0x1BFF;
	s21 =	sshll.u32 s6, $0x1;
	s3 =	sadd.s32 s4, s19  }
0x9c: {  	s7 =	simm.s32 $0x0;
	s20 =	sshll.u32 s5, $0x1;
	s5 =	sadd.s32 s21, s3  }
0x9d: {  	[timem:s7], [sflag:s22] =	dma.local [hbm:s5], s20  }
0x9e: {  	_ =	swait.ge [sflag:s22], s20  }
0x9f: {  	s4 =	ssub.s32 $0x0, s20;
	[sflag:s22] =	ssyncset.done $0x0  }
0xa0: {  	[sflag:s22] =	ssyncadd.s32 s4;
	_ =	sdelay $0x1  }
0xa1: {  	s23 =	simm.s32 $0x1B8B  }
0xa2: {  	_ =	swait.ge [sflag:s23], $0x1  }
0xa3: {  	[sflag:s23] =	ssyncset.done $0x0  }
0xa4: {  	s25 =	simm.s32 $0x1B8E;
	s24 =	sld [smem:$0x3FFE];
	[sflag:s23] =	ssyncadd.s32 $0xFFFFFFFF  }
0xa5: {  	s26 =	simm.s32 $execute0_lowered;
	[smem:$0x3FD2] =	sst s25  }
0xa6: {  	s5 =	sshll.u32 s26, $0x1;
	_ =	strace $0x8000004F;
	[dreg:$0x1] =	wrdreg $0xFFFFFFFF  }
0xa7: {  	s28 =	simm.s32 $_size_execute0_lowered;
	s3 =	sadd.s32 s3, s5;
	[dreg:$0x0] =	wrdreg $0x0  }
0xa8: {  	s5 =	sshll.u32 s28, $0x1;
	[dreg:$0x2] =	wrdreg s3  }
0xa9: {  	[dreg:$0x3] =	wrdreg s5  }
0xaa: {  	[dreg:$0x4] =	wrdreg $0xC0  }
0xab: {  	_ =	task [dreg:s7], $0x5FFFF  }
0xac: {  	[dreg:$0x1] =	wrdreg $0xFFFFFFFF  }
0xad: {  	[dreg:$0x0] =	wrdreg $0x60  }
0xae: {  	[dreg:$0x2] =	wrdreg s24  }
0xaf: {  	[dreg:$0x3] =	wrdreg s2  }
0xb0: {  	[dreg:$0x4] =	wrdreg $0xA8000  }
0xb1: {  	[dreg:$0x5] =	wrdreg $0x9  }
0xb2: {  	_ =	task.clear_ibuf [dreg:s7], $0x6FFFF;
	_ =	strace $0x9000004F  }
0xb3: {  	s29 =	simm.s32 $0x9;
	_ =	strace $0x80000051  }
0xb4: {  	_ =	swait.ge [sflag:s29], $0x1  }
0xb5: {  	[sflag:s29] =	ssyncadd.s32 $0xFFFFFFFF  }
0xb6: {  	_ =	strace $0x90000051  }
0xb7: {  	_ =	sfence  }
0xb8: {  	s30 =	sld [smem:$0x0];
	_ =	sdelay $0x2  }
0xb9: {  	s31 =	sshll.u32 s1, $0xD;
	s1 =	sshrl.u32 s1, $0x2  }
0xba: {  	s3 =	sand.u32 $0x4000, s31;
	s1 =	sadd.s32 s1, s30  }
0xbb: {  	s0 =	sor.u32 s3, s0;
	s1 =	sshll.u32 s1, $0x11  }
0xbc: {  	s0 =	sor.u32 s1, s0  }
0xbd: {  	s0 =	sadd.s32 $0x8F2B, s0  }
0xbe: {  	[sflag:s0] =	ssyncadd.remote.s32 $0x1  }
0xbf: {  	_ =	sfence.sel $0xFFFF  }
0xc0: {  	[dreg:$0x0] =	wrdreg $0xFFFFFFFF;
	(pc) =	sbr.abs _section_cstart, $3  }
0xc1: {  	[dreg:$0x1] =	wrdreg $0xFFFFFFFF  }
0xc2: {  	_ =	task.clear_ibuf [dreg:s7], $0x2FFFF;
	_ =	strace $0x9FFFFFFF  }
0xc3: {  	(tm) =	ssettm $0x7FFFFFFF  }
tec
execute0_lowered:
.L_overlay_start_1:
0x0: {  	(tag) =	ssettag $0x1  }
0x1: {  	s8 =	rddreg [dreg:$0x0]  }
0x2: {  	s10 =	rddreg [dreg:$0x1]  }
0x3: {  	s1 =	rddreg [dreg:$0x2]  }
0x4: {  	s0 =	rddreg [dreg:$0x3];
	s2 =	simm.s32 $0x0;
	s3 =	srdreg.scid  }
0x5: {  	s13 =	stileid.u32;
	s19 =	simm.s32 $0x1;
	s20 =	simm.s32 $0x6800  }
0x6: {  	s21 =	simm.s32 $0x1380;
	s22 =	simm.s32 $0x2700;
	s23 =	simm.s32 $0x2780  }
0x7: {  	[smem:$0x7FF] =	sst s2;
	s9 =	sand.u32 $0x1, s3;
	s3 =	sadd.s32 $0x32000, s8  }
0x8: {  	s4 =	sadd.s32 $0x1E000, s8;
	s11 =	smul.u32 $0x4E000, s13;
	s5 =	sadd.s32 $0xA000, s8  }
0x9: {  	s26 =	sshll.u32 s13, $0x1;
	s15 =	smul.u32 $0x2700, s13;
	s29 =	sshll.u32 s13, $0x6  }
0xa: {  	s18 =	sadd.s32 $0x138000, s1;
	s8 =	sadd.s32 $0x59000, s8;
	p0 =	sne.s32 s13, $0x0  }
0xb: {  	_ =	strace $0x80000050;
	s6 =	ssub.s32 $0x2, s9;
	s30 =	smul.u32 $0x138800, s9  }
0xc: {  	s14 =	sor.u32 s9, s26;
	s17 =	smul.u32 $0x27100, s9;
	s7 =	sshrl.u32 s6, $0x1  }
0xd: {  	s28 =	sshrl.u32 s11, $0x2;
	s9 =	smul.u32 $0x5000, s14;
	s14 =	simm.s32 $0x2  }
0xe: {  	s12 =	ssub.s32 s6, s7;
	s16 =	sadd.s32 s28, s1;
	s6 =	sadd.s32 s3, s15  }
0xf: {  	s7 =	sor.u32 $0x1C02, s29;
	s11 =	sshrl.u32 s30, $0x3;
	s31 =	sadd.s32 s15, s17  }
0x10: {  	s15 =	sshrl.u32 @!p0 s18, $0x3;
	s17 =	simm.s32 $0x7D;
	s18 =	simm.s32 $0x2800  }
0x11: {  	s11 =	sadd.s32 s10, s11;
	s10 =	sadd.s32 s10, s31;
	s12 =	smax.u32 s12, $0x1  }
0x12: {  	s13 =	sshrl.u32 s16, $0x3;
	s16 =	simm.s32 $0x1400;
	s11 =	sadd.s32 $0x27000, s11  }
.LBB2_1:
0x13: {  	[spmem:s13], [sflag:s7] =	dma.local [hbm:s6], $0x2700  }
0x14: {  	_ =	swait.ge [sflag:s14], $0x2700  }
0x15: {  	[sflag:s14] =	ssyncset.done $0x0  }
0x16: {  	s24 =	simm.s32 @!p0 $0x2;
	[sflag:s14] =	ssyncadd.s32 $0xFFFFD900  }
0x17: {  	[spmem:s15], [sflag:s7] =	dma.local @!p0 [hbm:s8], $0x100  }
0x18: {  	_ =	swait.ge @!p0 [sflag:s24], $0x100  }
0x19: {  	[sflag:s24] =	ssyncset.done @!p0 $0x0  }
0x1a: {  	[sflag:s24] =	ssyncadd.s32 @!p0 $0xFFFFFF00  }
0x1b: {  	s24 =	simm.s32 $0x0;
	[bflag:$0x0] =	sbarrier.arrive $0xFFFF  }
.LBB2_2:
0x1c: {  	s25 =	smul.u32 $0x1400, s24;
	_ =	sdelay $0x1  }
0x1d: {  	s25 =	sadd.s32 s9, s25  }
0x1e: {  	s25 =	sshrl.u32 s25, $0x3  }
0x1f: {  	s28 =	simm.s32 $0x0;
	s26 =	sadd.s32 s4, s25  }
0x20: {  	[tilespmem:s28], [sflag:$0x2] =	stream.linear.gather [hbm4b:s26+s28], $0x1400, $0x38;
	[tilespmem:$0x1E0C0] =	vst v63  }
0x21: {  	_ =	swait.ge [sflag:s14], $0x1400  }
0x22: {  	[sflag:s14] =	ssyncset.done $0x0  }
0x23: {  	s25 =	sadd.s32 s5, s25;
	[sflag:s14] =	ssyncadd.s32 $0xFFFFEC00  }
0x24: {  	[tilespmem:s16], [sflag:$0x2] =	stream.linear.gather [hbm4b:s25+s28], $0x1400, $0x38;
	[tilespmem:$0x1E0C0] =	vst v63  }
0x25: {  	_ =	swait.ge [sflag:s14], $0x1400  }
0x26: {  	[sflag:s14] =	ssyncset.done $0x0  }
0x27: {  	[sflag:s14] =	ssyncadd.s32 $0xFFFFEC00  }
0x28: {  	[tilespmem:s18], [sflag:$0x1] =	stream.indirect.gather [hbm4b:s3+s17], $0x80, s28, s17, $0xb8;
	[tilespmem:$0x1E0C0] =	vst v63  }
0x29: {  	_ =	swait.ge [sflag:s19], $0x3E80  }
0x2a: {  	[sflag:s19] =	ssyncset.done $0x0  }
0x2b: {  	s28 =	simm.s32 $0x80;
	[sflag:s19] =	ssyncadd.s32 $0xFFFFC180  }
0x2c: {  	[tilespmem:s20], [sflag:$0x1] =	stream.indirect.gather [hbm4b:s3+s17], $0x80, s28, s17, $0xb8;
	[tilespmem:$0x1E0C0] =	vst v63  }
0x2d: {  	s29 =	simm.s32 $0x1400  }
0x2e: {  	[spmem:s1] =	stream.indirect.scatter.add.f32 [tilespmem:s18], [sflag:$0x2], $0x80, s29, s17, $0xb8;
	[tilespmem:$0x1E0C0] =	vst v63  }
0x2f: {  	_ =	swait.ge [sflag:s14], $0x3E80  }
0x30: {  	[sflag:s14] =	ssyncset.done $0x0  }
0x31: {  	[sflag:s14] =	ssyncadd.s32 $0xFFFFC180  }
0x32: {  	_ =	swait.ge [sflag:s19], $0x3E80  }
0x33: {  	[sflag:s19] =	ssyncset.done $0x0  }
0x34: {  	s30 =	simm.s32 $0x100;
	[sflag:s19] =	ssyncadd.s32 $0xFFFFC180  }
0x35: {  	[tilespmem:s18], [sflag:$0x1] =	stream.indirect.gather [hbm4b:s3+s17], $0x80, s30, s17, $0xb8;
	[tilespmem:$0x1E0C0] =	vst v63  }
0x36: {  	s31 =	simm.s32 $0x1480  }
0x37: {  	[spmem:s1] =	stream.indirect.scatter.add.f32 [tilespmem:s20], [sflag:$0x2], $0x80, s31, s17, $0xb8;
	[tilespmem:$0x1E0C0] =	vst v63  }
0x38: {  	_ =	swait.ge [sflag:s14], $0x3E80  }
0x39: {  	s25 =	simm.s32 $0x400;
	[sflag:s14] =	ssyncset.done $0x0  }
.LBB2_3:
0x3a: {  	p1 =	sne.s32 s25, $0x4800  }
0x3b: {  	[sflag:s14] =	ssyncadd.s32 $0xFFFFC180;
	s26 =	smov.u32 s25;
	s25 =	sadd.s32 $0x400, s25  }
0x3c: {  	_ = 	snop  }
0x3d: {  	_ =	swait.ge [sflag:s19], $0x3E80  }
0x3e: {  	s26 =	sshra.s32 s26, $0x2;
	[sflag:s19] =	ssyncset.done $0x0  }
0x3f: {  	s28 =	sadd.s32 $0x80, s26;
	[sflag:s19] =	ssyncadd.s32 $0xFFFFC180  }
0x40: {  	[tilespmem:s20], [sflag:$0x1] =	stream.indirect.gather [hbm4b:s3+s17], $0x80, s28, s17, $0xb8;
	[tilespmem:$0x1E0C0] =	vst v63  }
0x41: {  	s28 =	sadd.s32 $0x1400, s26  }
0x42: {  	[spmem:s1] =	stream.indirect.scatter.add.f32 [tilespmem:s18], [sflag:$0x2], $0x80, s28, s17, $0xb8;
	[tilespmem:$0x1E0C0] =	vst v63  }
0x43: {  	_ =	swait.ge [sflag:s14], $0x3E80  }
0x44: {  	[sflag:s14] =	ssyncset.done $0x0  }
0x45: {  	[sflag:s14] =	ssyncadd.s32 $0xFFFFC180  }
0x46: {  	_ =	swait.ge [sflag:s19], $0x3E80  }
0x47: {  	[sflag:s19] =	ssyncset.done $0x0  }
0x48: {  	s28 =	sadd.s32 $0x100, s26;
	[sflag:s19] =	ssyncadd.s32 $0xFFFFC180  }
0x49: {  	[tilespmem:s18], [sflag:$0x1] =	stream.indirect.gather [hbm4b:s3+s17], $0x80, s28, s17, $0xb8;
	[tilespmem:$0x1E0C0] =	vst v63  }
.Ltmp0:
0x4a: {  	_ = 	snop;
	(pc) =	sbr.rel @p1 .LBB2_3-.Ltmp0, $4  }
0x4b: {  	s26 =	sadd.s32 $0x1480, s26  }
0x4c: {  	[spmem:s1] =	stream.indirect.scatter.add.f32 [tilespmem:s20], [sflag:$0x2], $0x80, s26, s17, $0xb8;
	[tilespmem:$0x1E0C0] =	vst v63  }
0x4d: {  	_ =	swait.ge [sflag:s14], $0x3E80  }
0x4e: {  	[sflag:s14] =	ssyncset.done $0x0  }
0x4f: {  	[sflag:s14] =	ssyncadd.s32 $0xFFFFC180  }
0x50: {  	_ =	swait.ge [sflag:s19], $0x3E80  }
0x51: {  	[sflag:s19] =	ssyncset.done $0x0  }
0x52: {  	[sflag:s19] =	ssyncadd.s32 $0xFFFFC180  }
0x53: {  	[tilespmem:s20], [sflag:$0x1] =	stream.indirect.gather [hbm4b:s3+s17], $0x80, s21, s17, $0xb8;
	[tilespmem:$0x1E0C0] =	vst v63  }
0x54: {  	_ = 	snop  }
0x55: {  	[spmem:s1] =	stream.indirect.scatter.add.f32 [tilespmem:s18], [sflag:$0x2], $0x80, s22, s17, $0xb8;
	[tilespmem:$0x1E0C0] =	vst v63  }
0x56: {  	_ =	swait.ge [sflag:s14], $0x3E80  }
0x57: {  	[sflag:s14] =	ssyncset.done $0x0  }
0x58: {  	[sflag:s14] =	ssyncadd.s32 $0xFFFFC180  }
0x59: {  	s24 =	sadd.s32 $0x1, s24;
	_ =	swait.ge [sflag:s19], $0x3E80  }
0x5a: {  	p1 =	sne.s32 s24, $0x4;
	[sflag:s19] =	ssyncset.done $0x0  }
.Ltmp1:
0x5b: {  	[sflag:s19] =	ssyncadd.s32 $0xFFFFC180;
	(pc) =	sbr.rel @p1 .LBB2_2-.Ltmp1, $4  }
0x5c: {  	[spmem:s1] =	stream.indirect.scatter.add.f32 [tilespmem:s20], [sflag:$0x2], $0x80, s23, s17, $0xb8;
	[tilespmem:$0x1E0C0] =	vst v63  }
0x5d: {  	_ =	swait.ge [sflag:s14], $0x3E80  }
0x5e: {  	[sflag:s14] =	ssyncset.done $0x0  }
0x5f: {  	[sflag:s14] =	ssyncadd.s32 $0xFFFFC180  }
0x60: {  	[bflag:$0x0] =	sbarrier.arrive $0xFFFF  }
0x61: {  	[hbm:s10], [sflag:s7] =	dma.local [spmem:s13], $0x2700  }
0x62: {  	s2 =	sadd.s32 $0x1, s2;
	_ =	swait.ge [sflag:s14], $0x2700  }
0x63: {  	p1 =	sne.s32 s2, s12;
	[sflag:s14] =	ssyncset.done $0x0  }
.Ltmp2:
0x64: {  	s24 =	simm.s32 @!p0 $0x2;
	[sflag:s14] =	ssyncadd.s32 $0xFFFFD900;
	(pc) =	sbr.rel @p1 .LBB2_1-.Ltmp2, $4  }
0x65: {  	[hbm:s11], [sflag:s7] =	dma.local @!p0 [spmem:s15], $0x100  }
0x66: {  	_ =	swait.ge @!p0 [sflag:s24], $0x100  }
0x67: {  	[sflag:s24] =	ssyncset.done @!p0 $0x0  }
0x68: {  	[sflag:s24] =	ssyncadd.s32 @!p0 $0xFFFFFF00  }
0x69: {  	_ =	sfence.sel $0x180000  }
0x6a: {  	[bflag:$0x0] =	sbarrier.arrive $0xFFFF  }
0x6b: {  	_ =	strace $0x90000050  }
0x6c: {  	s0 =	sadd.s32 @!p0 $0x100000, s0;
	[bflag:$0x2] =	sbarrier.arrive $0xFFFF  }
0x6d: {  	[sflag:s0] =	ssyncadd.tile.s32 @!p0 $0x1;
	_ =	shalt  }
.Lfunc_end2:
_tile_overlayer_lowered:
.L_overlay_start_2:
0x6e: {  	(tag) =	ssettag $0x2  }
0x6f: {  	s0 =	rddreg [dreg:$0x0];
	s2 =	stileid.u32  }
0x70: {  	s1 =	rddreg [dreg:$0x1];
	p0 =	sne.s32 s2, $0x0  }
0x71: {  	s3 =	rddreg [dreg:$0x2];
	[bflag:$0x3] =	sbarrier.arrive $0xFFFF;
	s2 =	simm.s32 @!p0 $0x1C02  }
0x72: {  	[timem:s3], [sflag:s2] =	dma.local @!p0 [hbm:s0], s1  }
0x73: {  	s0 =	simm.s32 @!p0 $0x2  }
0x74: {  	_ =	swait.ge @!p0 [sflag:s0], s1  }
0x75: {  	s1 =	ssub.s32 @!p0 $0x0, s1;
	[sflag:s0] =	ssyncset.done @!p0 $0x0  }
0x76: {  	[sflag:s0] =	ssyncadd.s32 @!p0 s1  }
0x77: {  	[bflag:$0x3] =	sbarrier.arrive $0xFFFF  }
0x78: {  	_ =	shalt  }

// kernel: kernel.29.cloned.1.call-start
scs
__scs_entry_jumppad:
0x0: {  	(pc) =	sbr.rel $0x88, $3  }
0x1: {  	(tag) =	ssettag $0x0;
	lr =	simm.s32 $0x1  }
0x2: {  	[smem:$0x3F67] =	sst lr;
	_ =	strace $0xD0000000  }
0x3: {  	_ = 	snop  }
0x4: {  	_ = 	snop  }
0x5: {  	_ = 	snop  }
0x6: {  	_ = 	snop  }
0x7: {  	_ = 	snop  }
__scs_overlays_trampoline_lowered:
0x8: {  	[smem:$0x3F76] =	sst s0  }
0x9: {  	[smem:$0x3F77] =	sst s1  }
0xa: {  	[smem:$0x3F78] =	sst s2  }
0xb: {  	[smem:$0x3F79] =	sst s3  }
0xc: {  	[smem:$0x3F7A] =	sst s4  }
0xd: {  	[smem:$0x3F7B] =	sst s5  }
0xe: {  	[smem:$0x3F7C] =	sst s6  }
0xf: {  	[smem:$0x3F7D] =	sst s7  }
0x10: {  	[smem:$0x3F7E] =	sst s8  }
0x11: {  	[smem:$0x3F7F] =	sst s9;
	s0 =	simm.s32 @!p0 $0x0  }
0x12: {  	s1 =	sld [smem:$0x3F65];
	s0 =	simm.s32 @p0 $0x1  }
0x13: {  	[smem:$0x3F80] =	sst s0;
	s0 =	simm.s32 @!p1 $0x0  }
0x14: {  	s2 =	sld [smem:$0x3F64];
	s0 =	simm.s32 @p1 $0x1  }
0x15: {  	[smem:$0x3F81] =	sst s0;
	s0 =	simm.s32 @!p2 $0x0  }
0x16: {  	s3 =	sld [smem:$0x3FDB];
	s0 =	simm.s32 @p2 $0x1  }
0x17: {  	s4 =	simm.s32 $0x1BF5;
	[smem:$0x3F83] =	sst s0  }
0x18: {  	s0 =	sld [smem:$0x3F66];
	_ =	swait.ge [sflag:s4], $0x0  }
0x19: {  	s7 =	sld [smem:$0x3F67]  }
0x1a: {  	s8 =	sadd.s32 $0xFFFFE003, lr  }
0x1b: {  	s9 =	sadd.s32 $0xFFFFFEF7, lr;
	s5 =	simm.s32 $0xFFFFFFFF;
	p2 =	slt.u32 s8, $0xFFFFF086  }
0x1c: {  	p1 =	slt.u32 s9, $0xF7A;
	s5 =	simm.s32 @!p2 $0x0  }
0x1d: {  	s5 =	simm.s32 @p1 $0x1;
	p0 =	seq.s32 s7, s2  }
0x1e: {  	s7 =	smul.u32 @!p0 $0xF7A, s2;
	p2 =	seq.s32 @!p0 s5, $0x0  }
0x1f: {  	s9 =	smul.u32 $0xF7A, s1;
	s8 =	simm.s32 @!p0 $0x1BF5;
	p2 =	por !p2, p0  }
0x20: {  	[sflag:s8] =	ssyncset.s32 @!p0 $0xFFFFF086;
	s6 =	sadd.s32 @!p0 s3, s7;
	s7 =	simm.s32 @!p0 $0x108  }
0x21: {  	s3 =	sadd.s32 s3, s9;
	s6 =	sadd.s32 @!p0 $0x88, s6;
	s7 =	simm.s32 @p2 $0x1082  }
0x22: {  	[simem:s7], [sflag:s8] =	dma.local @!p0 [hbm:s6], $0xF7A  }
0x23: {  	s9 =	sor.u32 $0xD0000000, s2;
	s6 =	simm.s32 $0x108;
	_ =	swait.ge @!p0 [sflag:s8], $0x0  }
0x24: {  	s3 =	sadd.s32 $0x88, s3;
	s6 =	simm.s32 @!p1 $0x1082;
	[sflag:s4] =	ssyncset.s32 $0xFFFFF086  }
0x25: {  	[simem:s6], [sflag:s4] =	dma.local [hbm:s3], $0xF7A  }
0x26: {  	[smem:$0x3F67] =	sst s1;
	(tag) =	ssettag s2;
	_ =	strace s9  }
0x27: {  	s1 =	sld [smem:$0x3F77]  }
0x28: {  	s2 =	sld [smem:$0x3F78]  }
0x29: {  	s4 =	sld [smem:$0x3F7A]  }
0x2a: {  	p0 =	seq.s32 s5, $0x0;
	s5 =	sld [smem:$0x3F7B]  }
0x2b: {  	s6 =	sld [smem:$0x3F7C]  }
0x2c: {  	s7 =	sld [smem:$0x3F7D]  }
0x2d: {  	s3 =	simm.s32 $0x108;
	s8 =	sld [smem:$0x3F7E]  }
0x2e: {  	s3 =	simm.s32 @!p0 $0x1082;
	s9 =	sld [smem:$0x3F7F]  }
0x2f: {  	lr =	sadd.s32 s0, s3;
	s0 =	sld [smem:$0x3F76]  }
0x30: {  	s3 =	sld [smem:$0x3F79]  }
0x31: {  	[smem:$0x3F82] =	sst s10  }
0x32: {  	s10 =	sld [smem:$0x3F80];
	_ =	sdelay $0x3  }
0x33: {  	p0 =	seq.s32 s10, $0x1;
	s10 =	sld [smem:$0x3F82];
	_ =	sdelay $0x3  }
0x34: {  	[smem:$0x3F82] =	sst s10  }
0x35: {  	s10 =	sld [smem:$0x3F81];
	_ =	sdelay $0x3  }
0x36: {  	p1 =	seq.s32 s10, $0x1;
	s10 =	sld [smem:$0x3F82];
	_ =	sdelay $0x3  }
0x37: {  	[smem:$0x3F82] =	sst s10  }
0x38: {  	s10 =	sld [smem:$0x3F83]  }
0x39: {  	_ = 	snop;
	(pc) =	sbr.ind lr, $3  }
0x3a: {  	_ = 	snop  }
0x3b: {  	_ = 	snop  }
0x3c: {  	p2 =	seq.s32 s10, $0x1;
	s10 =	sld [smem:$0x3F82]  }
0x3d: {  	_ =	shalt  }
0x3e: {  	_ =	shalt  }
0x3f: {  	_ =	shalt  }
0x40: {  	_ =	shalt  }
0x41: {  	_ =	shalt  }
0x42: {  	_ =	shalt  }
0x43: {  	_ =	shalt  }
0x44: {  	_ =	shalt  }
0x45: {  	_ =	shalt  }
0x46: {  	_ =	shalt  }
0x47: {  	_ =	shalt  }
0x48: {  	_ =	shalt  }
0x49: {  	_ =	shalt  }
0x4a: {  	_ =	shalt  }
0x4b: {  	_ =	shalt  }
0x4c: {  	_ =	shalt  }
0x4d: {  	_ =	shalt  }
0x4e: {  	_ =	shalt  }
0x4f: {  	_ =	shalt  }
0x50: {  	_ =	shalt  }
0x51: {  	_ =	shalt  }
0x52: {  	_ =	shalt  }
0x53: {  	_ =	shalt  }
0x54: {  	_ =	shalt  }
0x55: {  	_ =	shalt  }
0x56: {  	_ =	shalt  }
0x57: {  	_ =	shalt  }
0x58: {  	_ =	shalt  }
0x59: {  	_ =	shalt  }
0x5a: {  	_ =	shalt  }
0x5b: {  	_ =	shalt  }
0x5c: {  	_ =	shalt  }
0x5d: {  	_ =	shalt  }
0x5e: {  	_ =	shalt  }
0x5f: {  	_ =	shalt  }
0x60: {  	_ =	shalt  }
0x61: {  	_ =	shalt  }
0x62: {  	_ =	shalt  }
0x63: {  	_ =	shalt  }
0x64: {  	_ =	shalt  }
0x65: {  	_ =	shalt  }
0x66: {  	_ =	shalt  }
0x67: {  	_ =	shalt  }
0x68: {  	_ =	shalt  }
0x69: {  	_ =	shalt  }
0x6a: {  	_ =	shalt  }
0x6b: {  	_ =	shalt  }
0x6c: {  	_ =	shalt  }
0x6d: {  	_ =	shalt  }
0x6e: {  	_ =	shalt  }
0x6f: {  	_ =	shalt  }
0x70: {  	_ =	shalt  }
0x71: {  	_ =	shalt  }
0x72: {  	_ =	shalt  }
0x73: {  	_ =	shalt  }
0x74: {  	_ =	shalt  }
0x75: {  	_ =	shalt  }
0x76: {  	_ =	shalt  }
0x77: {  	_ =	shalt  }
0x78: {  	_ =	shalt  }
0x79: {  	_ =	shalt  }
0x7a: {  	_ =	shalt  }
0x7b: {  	_ =	shalt  }
0x7c: {  	_ =	shalt  }
0x7d: {  	_ =	shalt  }
0x7e: {  	_ =	shalt  }
0x7f: {  	_ =	shalt  }
0x80: {  	_ =	shalt  }
0x81: {  	_ =	shalt  }
0x82: {  	_ =	shalt  }
0x83: {  	_ =	shalt  }
0x84: {  	_ =	shalt  }
0x85: {  	_ =	shalt  }
0x86: {  	_ =	shalt  }
0x87: {  	_ =	shalt  }
.Lfunc_end0:
.L_simem_size_0:
called_computation.4_lowered:
.L_overlay_start_0:
0x88: {  	s2 =	sld [smem:$0x3FD9]  }
0x89: {  	s3 =	sld [smem:$0x3FFE];
	_ =	sdelay $0x1  }
0x8a: {  	s1 =	srdreg.scid  }
0x8b: {  	s0 =	sand.u32 $0x1, s1  }
0x8c: {  	s17 =	sshll.u32 s0, $0xA;
	s2 =	sadd.s32 s3, s2  }
0x8d: {  	s2 =	sadd.s32 s2, s17  }
0x8e: {  	[smem:$0x3F8E] =	sst s2  }
0x8f: {  	_ = 	snop  }
0x90: {  	s2 =	sld [smem:$0x3FD0];
	(tm) =	ssettm $0x1  }
0x91: {  	s18 =	sld [smem:$0x3FFB];
	_ =	sdelay $0x3  }
0x92: {  	_ =	strace s18  }
0x93: {  	s3 =	sld [smem:$0x3FFC];
	_ =	sdelay $0x3  }
0x94: {  	_ =	strace s3  }
0x95: {  	s3 =	sld [smem:$0x3FFD];
	_ =	sdelay $0x3  }
0x96: {  	_ =	strace s3  }
0x97: {  	_ =	strace $0x8FFFFFFF  }
0x98: {  	s19 =	sld [smem:$0x3FDB];
	_ =	sdelay $0x1  }
0x99: {  	s4 =	simm.s32 $_scs_section_size  }
0x9a: {  	s5 =	simm.s32 $_size__tile_overlayer_lowered;
	s6 =	simm.s32 $_tile_overlayer_lowered  }
0x9b: {  	s22 =	simm.s32 $0x1BFF;
	s21 =	sshll.u32 s6, $0x1;
	s3 =	sadd.s32 s4, s19  }
0x9c: {  	s7 =	simm.s32 $0x0;
	s20 =	sshll.u32 s5, $0x1;
	s5 =	sadd.s32 s21, s3  }
0x9d: {  	[timem:s7], [sflag:s22] =	dma.local [hbm:s5], s20  }
0x9e: {  	_ =	swait.ge [sflag:s22], s20  }
0x9f: {  	s4 =	ssub.s32 $0x0, s20;
	[sflag:s22] =	ssyncset.done $0x0  }
0xa0: {  	[sflag:s22] =	ssyncadd.s32 s4;
	_ =	sdelay $0x1  }
0xa1: {  	s23 =	simm.s32 $0x1B8B  }
0xa2: {  	_ =	swait.ge [sflag:s23], $0x1  }
0xa3: {  	[sflag:s23] =	ssyncset.done $0x0  }
0xa4: {  	s25 =	simm.s32 $0x1B8E;
	s24 =	sld [smem:$0x3FFE];
	[sflag:s23] =	ssyncadd.s32 $0xFFFFFFFF  }
0xa5: {  	s26 =	simm.s32 $execute0_lowered;
	[smem:$0x3FD2] =	sst s25  }
0xa6: {  	s5 =	sshll.u32 s26, $0x1;
	_ =	strace $0x80000052;
	[dreg:$0x1] =	wrdreg $0xFFFFFFFF  }
0xa7: {  	s28 =	simm.s32 $_size_execute0_lowered;
	s3 =	sadd.s32 s3, s5;
	[dreg:$0x0] =	wrdreg $0x0  }
0xa8: {  	s5 =	sshll.u32 s28, $0x1;
	[dreg:$0x2] =	wrdreg s3  }
0xa9: {  	[dreg:$0x3] =	wrdreg s5  }
0xaa: {  	[dreg:$0x4] =	wrdreg $0xC0  }
0xab: {  	_ =	task [dreg:s7], $0x5FFFF  }
0xac: {  	[dreg:$0x1] =	wrdreg $0xFFFFFFFF  }
0xad: {  	[dreg:$0x0] =	wrdreg $0x60  }
0xae: {  	[dreg:$0x2] =	wrdreg s24  }
0xaf: {  	[dreg:$0x3] =	wrdreg s2  }
0xb0: {  	[dreg:$0x4] =	wrdreg $0xA8000  }
0xb1: {  	[dreg:$0x5] =	wrdreg $0x9  }
0xb2: {  	_ =	task.clear_ibuf [dreg:s7], $0x6FFFF;
	_ =	strace $0x90000052  }
0xb3: {  	s29 =	simm.s32 $0x9;
	_ =	strace $0x80000054  }
0xb4: {  	_ =	swait.ge [sflag:s29], $0x1  }
0xb5: {  	[sflag:s29] =	ssyncadd.s32 $0xFFFFFFFF  }
0xb6: {  	_ =	strace $0x90000054  }
0xb7: {  	_ =	sfence  }
0xb8: {  	s30 =	sld [smem:$0x0];
	_ =	sdelay $0x2  }
0xb9: {  	s31 =	sshll.u32 s1, $0xD;
	s1 =	sshrl.u32 s1, $0x2  }
0xba: {  	s3 =	sand.u32 $0x4000, s31;
	s1 =	sadd.s32 s1, s30  }
0xbb: {  	s0 =	sor.u32 s3, s0;
	s1 =	sshll.u32 s1, $0x11  }
0xbc: {  	s0 =	sor.u32 s1, s0  }
0xbd: {  	s0 =	sadd.s32 $0x8F2B, s0  }
0xbe: {  	[sflag:s0] =	ssyncadd.remote.s32 $0x1  }
0xbf: {  	_ =	sfence.sel $0xFFFF  }
0xc0: {  	[dreg:$0x0] =	wrdreg $0xFFFFFFFF;
	(pc) =	sbr.abs _section_cstart, $3  }
0xc1: {  	[dreg:$0x1] =	wrdreg $0xFFFFFFFF  }
0xc2: {  	_ =	task.clear_ibuf [dreg:s7], $0x2FFFF;
	_ =	strace $0x9FFFFFFF  }
0xc3: {  	(tm) =	ssettm $0x7FFFFFFF  }
tec
execute0_lowered:
.L_overlay_start_1:
0x0: {  	(tag) =	ssettag $0x1  }
0x1: {  	s8 =	rddreg [dreg:$0x0]  }
0x2: {  	s10 =	rddreg [dreg:$0x1]  }
0x3: {  	s1 =	rddreg [dreg:$0x2]  }
0x4: {  	s0 =	rddreg [dreg:$0x3];
	s2 =	simm.s32 $0x0;
	s3 =	srdreg.scid  }
0x5: {  	s13 =	stileid.u32;
	s19 =	simm.s32 $0x1;
	s20 =	simm.s32 $0x6800  }
0x6: {  	s21 =	simm.s32 $0x1380;
	s22 =	simm.s32 $0x2700;
	s23 =	simm.s32 $0x2780  }
0x7: {  	[smem:$0x7FF] =	sst s2;
	s9 =	sand.u32 $0x1, s3;
	s3 =	sadd.s32 $0x32000, s8  }
0x8: {  	s4 =	sadd.s32 $0x1E000, s8;
	s11 =	smul.u32 $0x4E000, s13;
	s5 =	sadd.s32 $0xA000, s8  }
0x9: {  	s26 =	sshll.u32 s13, $0x1;
	s15 =	smul.u32 $0x2700, s13;
	s29 =	sshll.u32 s13, $0x6  }
0xa: {  	s18 =	sadd.s32 $0x138000, s1;
	s8 =	sadd.s32 $0x59000, s8;
	p0 =	sne.s32 s13, $0x0  }
0xb: {  	_ =	strace $0x80000053;
	s6 =	ssub.s32 $0x2, s9;
	s30 =	smul.u32 $0x138800, s9  }
0xc: {  	s14 =	sor.u32 s9, s26;
	s17 =	smul.u32 $0x27100, s9;
	s7 =	sshrl.u32 s6, $0x1  }
0xd: {  	s28 =	sshrl.u32 s11, $0x2;
	s9 =	smul.u32 $0x5000, s14;
	s14 =	simm.s32 $0x2  }
0xe: {  	s12 =	ssub.s32 s6, s7;
	s16 =	sadd.s32 s28, s1;
	s6 =	sadd.s32 s3, s15  }
0xf: {  	s7 =	sor.u32 $0x1C02, s29;
	s11 =	sshrl.u32 s30, $0x3;
	s31 =	sadd.s32 s15, s17  }
0x10: {  	s15 =	sshrl.u32 @!p0 s18, $0x3;
	s17 =	simm.s32 $0x7D;
	s18 =	simm.s32 $0x2800  }
0x11: {  	s11 =	sadd.s32 s10, s11;
	s10 =	sadd.s32 s10, s31;
	s12 =	smax.u32 s12, $0x1  }
0x12: {  	s13 =	sshrl.u32 s16, $0x3;
	s16 =	simm.s32 $0x1400;
	s11 =	sadd.s32 $0x27000, s11  }
.LBB2_1:
0x13: {  	[spmem:s13], [sflag:s7] =	dma.local [hbm:s6], $0x2700  }
0x14: {  	_ =	swait.ge [sflag:s14], $0x2700  }
0x15: {  	[sflag:s14] =	ssyncset.done $0x0  }
0x16: {  	s24 =	simm.s32 @!p0 $0x2;
	[sflag:s14] =	ssyncadd.s32 $0xFFFFD900  }
0x17: {  	[spmem:s15], [sflag:s7] =	dma.local @!p0 [hbm:s8], $0x100  }
0x18: {  	_ =	swait.ge @!p0 [sflag:s24], $0x100  }
0x19: {  	[sflag:s24] =	ssyncset.done @!p0 $0x0  }
0x1a: {  	[sflag:s24] =	ssyncadd.s32 @!p0 $0xFFFFFF00  }
0x1b: {  	s24 =	simm.s32 $0x0;
	[bflag:$0x0] =	sbarrier.arrive $0xFFFF  }
.LBB2_2:
0x1c: {  	s25 =	smul.u32 $0x1400, s24;
	_ =	sdelay $0x1  }
0x1d: {  	s25 =	sadd.s32 s9, s25  }
0x1e: {  	s25 =	sshrl.u32 s25, $0x3  }
0x1f: {  	s28 =	simm.s32 $0x0;
	s26 =	sadd.s32 s4, s25  }
0x20: {  	[tilespmem:s28], [sflag:$0x2] =	stream.linear.gather [hbm4b:s26+s28], $0x1400, $0x38;
	[tilespmem:$0x1E0C0] =	vst v63  }
0x21: {  	_ =	swait.ge [sflag:s14], $0x1400  }
0x22: {  	[sflag:s14] =	ssyncset.done $0x0  }
0x23: {  	s25 =	sadd.s32 s5, s25;
	[sflag:s14] =	ssyncadd.s32 $0xFFFFEC00  }
0x24: {  	[tilespmem:s16], [sflag:$0x2] =	stream.linear.gather [hbm4b:s25+s28], $0x1400, $0x38;
	[tilespmem:$0x1E0C0] =	vst v63  }
0x25: {  	_ =	swait.ge [sflag:s14], $0x1400  }
0x26: {  	[sflag:s14] =	ssyncset.done $0x0  }
0x27: {  	[sflag:s14] =	ssyncadd.s32 $0xFFFFEC00  }
0x28: {  	[tilespmem:s18], [sflag:$0x1] =	stream.indirect.gather [hbm4b:s3+s17], $0x80, s28, s17, $0xb8;
	[tilespmem:$0x1E0C0] =	vst v63  }
0x29: {  	_ =	swait.ge [sflag:s19], $0x3E80  }
0x2a: {  	[sflag:s19] =	ssyncset.done $0x0  }
0x2b: {  	s28 =	simm.s32 $0x80;
	[sflag:s19] =	ssyncadd.s32 $0xFFFFC180  }
0x2c: {  	[tilespmem:s20], [sflag:$0x1] =	stream.indirect.gather [hbm4b:s3+s17], $0x80, s28, s17, $0xb8;
	[tilespmem:$0x1E0C0] =	vst v63  }
0x2d: {  	s29 =	simm.s32 $0x1400  }
0x2e: {  	[spmem:s1] =	stream.indirect.scatter.add.f32 [tilespmem:s18], [sflag:$0x2], $0x80, s29, s17, $0xb8;
	[tilespmem:$0x1E0C0] =	vst v63  }
0x2f: {  	_ =	swait.ge [sflag:s14], $0x3E80  }
0x30: {  	[sflag:s14] =	ssyncset.done $0x0  }
0x31: {  	[sflag:s14] =	ssyncadd.s32 $0xFFFFC180  }
0x32: {  	_ =	swait.ge [sflag:s19], $0x3E80  }
0x33: {  	[sflag:s19] =	ssyncset.done $0x0  }
0x34: {  	s30 =	simm.s32 $0x100;
	[sflag:s19] =	ssyncadd.s32 $0xFFFFC180  }
0x35: {  	[tilespmem:s18], [sflag:$0x1] =	stream.indirect.gather [hbm4b:s3+s17], $0x80, s30, s17, $0xb8;
	[tilespmem:$0x1E0C0] =	vst v63  }
0x36: {  	s31 =	simm.s32 $0x1480  }
0x37: {  	[spmem:s1] =	stream.indirect.scatter.add.f32 [tilespmem:s20], [sflag:$0x2], $0x80, s31, s17, $0xb8;
	[tilespmem:$0x1E0C0] =	vst v63  }
0x38: {  	_ =	swait.ge [sflag:s14], $0x3E80  }
0x39: {  	s25 =	simm.s32 $0x400;
	[sflag:s14] =	ssyncset.done $0x0  }
.LBB2_3:
0x3a: {  	p1 =	sne.s32 s25, $0x4800  }
0x3b: {  	[sflag:s14] =	ssyncadd.s32 $0xFFFFC180;
	s26 =	smov.u32 s25;
	s25 =	sadd.s32 $0x400, s25  }
0x3c: {  	_ = 	snop  }
0x3d: {  	_ =	swait.ge [sflag:s19], $0x3E80  }
0x3e: {  	s26 =	sshra.s32 s26, $0x2;
	[sflag:s19] =	ssyncset.done $0x0  }
0x3f: {  	s28 =	sadd.s32 $0x80, s26;
	[sflag:s19] =	ssyncadd.s32 $0xFFFFC180  }
0x40: {  	[tilespmem:s20], [sflag:$0x1] =	stream.indirect.gather [hbm4b:s3+s17], $0x80, s28, s17, $0xb8;
	[tilespmem:$0x1E0C0] =	vst v63  }
0x41: {  	s28 =	sadd.s32 $0x1400, s26  }
0x42: {  	[spmem:s1] =	stream.indirect.scatter.add.f32 [tilespmem:s18], [sflag:$0x2], $0x80, s28, s17, $0xb8;
	[tilespmem:$0x1E0C0] =	vst v63  }
0x43: {  	_ =	swait.ge [sflag:s14], $0x3E80  }
0x44: {  	[sflag:s14] =	ssyncset.done $0x0  }
0x45: {  	[sflag:s14] =	ssyncadd.s32 $0xFFFFC180  }
0x46: {  	_ =	swait.ge [sflag:s19], $0x3E80  }
0x47: {  	[sflag:s19] =	ssyncset.done $0x0  }
0x48: {  	s28 =	sadd.s32 $0x100, s26;
	[sflag:s19] =	ssyncadd.s32 $0xFFFFC180  }
0x49: {  	[tilespmem:s18], [sflag:$0x1] =	stream.indirect.gather [hbm4b:s3+s17], $0x80, s28, s17, $0xb8;
	[tilespmem:$0x1E0C0] =	vst v63  }
.Ltmp0:
0x4a: {  	_ = 	snop;
	(pc) =	sbr.rel @p1 .LBB2_3-.Ltmp0, $4  }
0x4b: {  	s26 =	sadd.s32 $0x1480, s26  }
0x4c: {  	[spmem:s1] =	stream.indirect.scatter.add.f32 [tilespmem:s20], [sflag:$0x2], $0x80, s26, s17, $0xb8;
	[tilespmem:$0x1E0C0] =	vst v63  }
0x4d: {  	_ =	swait.ge [sflag:s14], $0x3E80  }
0x4e: {  	[sflag:s14] =	ssyncset.done $0x0  }
0x4f: {  	[sflag:s14] =	ssyncadd.s32 $0xFFFFC180  }
0x50: {  	_ =	swait.ge [sflag:s19], $0x3E80  }
0x51: {  	[sflag:s19] =	ssyncset.done $0x0  }
0x52: {  	[sflag:s19] =	ssyncadd.s32 $0xFFFFC180  }
0x53: {  	[tilespmem:s20], [sflag:$0x1] =	stream.indirect.gather [hbm4b:s3+s17], $0x80, s21, s17, $0xb8;
	[tilespmem:$0x1E0C0] =	vst v63  }
0x54: {  	_ = 	snop  }
0x55: {  	[spmem:s1] =	stream.indirect.scatter.add.f32 [tilespmem:s18], [sflag:$0x2], $0x80, s22, s17, $0xb8;
	[tilespmem:$0x1E0C0] =	vst v63  }
0x56: {  	_ =	swait.ge [sflag:s14], $0x3E80  }
0x57: {  	[sflag:s14] =	ssyncset.done $0x0  }
0x58: {  	[sflag:s14] =	ssyncadd.s32 $0xFFFFC180  }
0x59: {  	s24 =	sadd.s32 $0x1, s24;
	_ =	swait.ge [sflag:s19], $0x3E80  }
0x5a: {  	p1 =	sne.s32 s24, $0x4;
	[sflag:s19] =	ssyncset.done $0x0  }
.Ltmp1:
0x5b: {  	[sflag:s19] =	ssyncadd.s32 $0xFFFFC180;
	(pc) =	sbr.rel @p1 .LBB2_2-.Ltmp1, $4  }
0x5c: {  	[spmem:s1] =	stream.indirect.scatter.add.f32 [tilespmem:s20], [sflag:$0x2], $0x80, s23, s17, $0xb8;
	[tilespmem:$0x1E0C0] =	vst v63  }
0x5d: {  	_ =	swait.ge [sflag:s14], $0x3E80  }
0x5e: {  	[sflag:s14] =	ssyncset.done $0x0  }
0x5f: {  	[sflag:s14] =	ssyncadd.s32 $0xFFFFC180  }
0x60: {  	[bflag:$0x0] =	sbarrier.arrive $0xFFFF  }
0x61: {  	[hbm:s10], [sflag:s7] =	dma.local [spmem:s13], $0x2700  }
0x62: {  	s2 =	sadd.s32 $0x1, s2;
	_ =	swait.ge [sflag:s14], $0x2700  }
0x63: {  	p1 =	sne.s32 s2, s12;
	[sflag:s14] =	ssyncset.done $0x0  }
.Ltmp2:
0x64: {  	s24 =	simm.s32 @!p0 $0x2;
	[sflag:s14] =	ssyncadd.s32 $0xFFFFD900;
	(pc) =	sbr.rel @p1 .LBB2_1-.Ltmp2, $4  }
0x65: {  	[hbm:s11], [sflag:s7] =	dma.local @!p0 [spmem:s15], $0x100  }
0x66: {  	_ =	swait.ge @!p0 [sflag:s24], $0x100  }
0x67: {  	[sflag:s24] =	ssyncset.done @!p0 $0x0  }
0x68: {  	[sflag:s24] =	ssyncadd.s32 @!p0 $0xFFFFFF00  }
0x69: {  	_ =	sfence.sel $0x180000  }
0x6a: {  	[bflag:$0x0] =	sbarrier.arrive $0xFFFF  }
0x6b: {  	_ =	strace $0x90000053  }
0x6c: {  	s0 =	sadd.s32 @!p0 $0x100000, s0;
	[bflag:$0x2] =	sbarrier.arrive $0xFFFF  }
0x6d: {  	[sflag:s0] =	ssyncadd.tile.s32 @!p0 $0x1;
	_ =	shalt  }
.Lfunc_end2:
_tile_overlayer_lowered:
.L_overlay_start_2:
0x6e: {  	(tag) =	ssettag $0x2  }
0x6f: {  	s0 =	rddreg [dreg:$0x0];
	s2 =	stileid.u32  }
0x70: {  	s1 =	rddreg [dreg:$0x1];
	p0 =	sne.s32 s2, $0x0  }
0x71: {  	s3 =	rddreg [dreg:$0x2];
	[bflag:$0x3] =	sbarrier.arrive $0xFFFF;
	s2 =	simm.s32 @!p0 $0x1C02  }
0x72: {  	[timem:s3], [sflag:s2] =	dma.local @!p0 [hbm:s0], s1  }
0x73: {  	s0 =	simm.s32 @!p0 $0x2  }
0x74: {  	_ =	swait.ge @!p0 [sflag:s0], s1  }
0x75: {  	s1 =	ssub.s32 @!p0 $0x0, s1;
	[sflag:s0] =	ssyncset.done @!p0 $0x0  }
0x76: {  	[sflag:s0] =	ssyncadd.s32 @!p0 s1  }
0x77: {  	[bflag:$0x3] =	sbarrier.arrive $0xFFFF  }
0x78: {  	_ =	shalt  }

// kernel: kernel.32.cloned.1.call-start
scs
__scs_entry_jumppad:
0x0: {  	(pc) =	sbr.rel $0x88, $3  }
0x1: {  	(tag) =	ssettag $0x0;
	lr =	simm.s32 $0x1  }
0x2: {  	[smem:$0x3F67] =	sst lr;
	_ =	strace $0xD0000000  }
0x3: {  	_ = 	snop  }
0x4: {  	_ = 	snop  }
0x5: {  	_ = 	snop  }
0x6: {  	_ = 	snop  }
0x7: {  	_ = 	snop  }
__scs_overlays_trampoline_lowered:
0x8: {  	[smem:$0x3F76] =	sst s0  }
0x9: {  	[smem:$0x3F77] =	sst s1  }
0xa: {  	[smem:$0x3F78] =	sst s2  }
0xb: {  	[smem:$0x3F79] =	sst s3  }
0xc: {  	[smem:$0x3F7A] =	sst s4  }
0xd: {  	[smem:$0x3F7B] =	sst s5  }
0xe: {  	[smem:$0x3F7C] =	sst s6  }
0xf: {  	[smem:$0x3F7D] =	sst s7  }
0x10: {  	[smem:$0x3F7E] =	sst s8  }
0x11: {  	[smem:$0x3F7F] =	sst s9;
	s0 =	simm.s32 @!p0 $0x0  }
0x12: {  	s1 =	sld [smem:$0x3F65];
	s0 =	simm.s32 @p0 $0x1  }
0x13: {  	[smem:$0x3F80] =	sst s0;
	s0 =	simm.s32 @!p1 $0x0  }
0x14: {  	s2 =	sld [smem:$0x3F64];
	s0 =	simm.s32 @p1 $0x1  }
0x15: {  	[smem:$0x3F81] =	sst s0;
	s0 =	simm.s32 @!p2 $0x0  }
0x16: {  	s3 =	sld [smem:$0x3FDB];
	s0 =	simm.s32 @p2 $0x1  }
0x17: {  	s4 =	simm.s32 $0x1BF5;
	[smem:$0x3F83] =	sst s0  }
0x18: {  	s0 =	sld [smem:$0x3F66];
	_ =	swait.ge [sflag:s4], $0x0  }
0x19: {  	s7 =	sld [smem:$0x3F67]  }
0x1a: {  	s8 =	sadd.s32 $0xFFFFE003, lr  }
0x1b: {  	s9 =	sadd.s32 $0xFFFFFEF7, lr;
	s5 =	simm.s32 $0xFFFFFFFF;
	p2 =	slt.u32 s8, $0xFFFFF086  }
0x1c: {  	p1 =	slt.u32 s9, $0xF7A;
	s5 =	simm.s32 @!p2 $0x0  }
0x1d: {  	s5 =	simm.s32 @p1 $0x1;
	p0 =	seq.s32 s7, s2  }
0x1e: {  	s7 =	smul.u32 @!p0 $0xF7A, s2;
	p2 =	seq.s32 @!p0 s5, $0x0  }
0x1f: {  	s9 =	smul.u32 $0xF7A, s1;
	s8 =	simm.s32 @!p0 $0x1BF5;
	p2 =	por !p2, p0  }
0x20: {  	[sflag:s8] =	ssyncset.s32 @!p0 $0xFFFFF086;
	s6 =	sadd.s32 @!p0 s3, s7;
	s7 =	simm.s32 @!p0 $0x108  }
0x21: {  	s3 =	sadd.s32 s3, s9;
	s6 =	sadd.s32 @!p0 $0x88, s6;
	s7 =	simm.s32 @p2 $0x1082  }
0x22: {  	[simem:s7], [sflag:s8] =	dma.local @!p0 [hbm:s6], $0xF7A  }
0x23: {  	s9 =	sor.u32 $0xD0000000, s2;
	s6 =	simm.s32 $0x108;
	_ =	swait.ge @!p0 [sflag:s8], $0x0  }
0x24: {  	s3 =	sadd.s32 $0x88, s3;
	s6 =	simm.s32 @!p1 $0x1082;
	[sflag:s4] =	ssyncset.s32 $0xFFFFF086  }
0x25: {  	[simem:s6], [sflag:s4] =	dma.local [hbm:s3], $0xF7A  }
0x26: {  	[smem:$0x3F67] =	sst s1;
	(tag) =	ssettag s2;
	_ =	strace s9  }
0x27: {  	s1 =	sld [smem:$0x3F77]  }
0x28: {  	s2 =	sld [smem:$0x3F78]  }
0x29: {  	s4 =	sld [smem:$0x3F7A]  }
0x2a: {  	p0 =	seq.s32 s5, $0x0;
	s5 =	sld [smem:$0x3F7B]  }
0x2b: {  	s6 =	sld [smem:$0x3F7C]  }
0x2c: {  	s7 =	sld [smem:$0x3F7D]  }
0x2d: {  	s3 =	simm.s32 $0x108;
	s8 =	sld [smem:$0x3F7E]  }
0x2e: {  	s3 =	simm.s32 @!p0 $0x1082;
	s9 =	sld [smem:$0x3F7F]  }
0x2f: {  	lr =	sadd.s32 s0, s3;
	s0 =	sld [smem:$0x3F76]  }
0x30: {  	s3 =	sld [smem:$0x3F79]  }
0x31: {  	[smem:$0x3F82] =	sst s10  }
0x32: {  	s10 =	sld [smem:$0x3F80];
	_ =	sdelay $0x3  }
0x33: {  	p0 =	seq.s32 s10, $0x1;
	s10 =	sld [smem:$0x3F82];
	_ =	sdelay $0x3  }
0x34: {  	[smem:$0x3F82] =	sst s10  }
0x35: {  	s10 =	sld [smem:$0x3F81];
	_ =	sdelay $0x3  }
0x36: {  	p1 =	seq.s32 s10, $0x1;
	s10 =	sld [smem:$0x3F82];
	_ =	sdelay $0x3  }
0x37: {  	[smem:$0x3F82] =	sst s10  }
0x38: {  	s10 =	sld [smem:$0x3F83]  }
0x39: {  	_ = 	snop;
	(pc) =	sbr.ind lr, $3  }
0x3a: {  	_ = 	snop  }
0x3b: {  	_ = 	snop  }
0x3c: {  	p2 =	seq.s32 s10, $0x1;
	s10 =	sld [smem:$0x3F82]  }
0x3d: {  	_ =	shalt  }
0x3e: {  	_ =	shalt  }
0x3f: {  	_ =	shalt  }
0x40: {  	_ =	shalt  }
0x41: {  	_ =	shalt  }
0x42: {  	_ =	shalt  }
0x43: {  	_ =	shalt  }
0x44: {  	_ =	shalt  }
0x45: {  	_ =	shalt  }
0x46: {  	_ =	shalt  }
0x47: {  	_ =	shalt  }
0x48: {  	_ =	shalt  }
0x49: {  	_ =	shalt  }
0x4a: {  	_ =	shalt  }
0x4b: {  	_ =	shalt  }
0x4c: {  	_ =	shalt  }
0x4d: {  	_ =	shalt  }
0x4e: {  	_ =	shalt  }
0x4f: {  	_ =	shalt  }
0x50: {  	_ =	shalt  }
0x51: {  	_ =	shalt  }
0x52: {  	_ =	shalt  }
0x53: {  	_ =	shalt  }
0x54: {  	_ =	shalt  }
0x55: {  	_ =	shalt  }
0x56: {  	_ =	shalt  }
0x57: {  	_ =	shalt  }
0x58: {  	_ =	shalt  }
0x59: {  	_ =	shalt  }
0x5a: {  	_ =	shalt  }
0x5b: {  	_ =	shalt  }
0x5c: {  	_ =	shalt  }
0x5d: {  	_ =	shalt  }
0x5e: {  	_ =	shalt  }
0x5f: {  	_ =	shalt  }
0x60: {  	_ =	shalt  }
0x61: {  	_ =	shalt  }
0x62: {  	_ =	shalt  }
0x63: {  	_ =	shalt  }
0x64: {  	_ =	shalt  }
0x65: {  	_ =	shalt  }
0x66: {  	_ =	shalt  }
0x67: {  	_ =	shalt  }
0x68: {  	_ =	shalt  }
0x69: {  	_ =	shalt  }
0x6a: {  	_ =	shalt  }
0x6b: {  	_ =	shalt  }
0x6c: {  	_ =	shalt  }
0x6d: {  	_ =	shalt  }
0x6e: {  	_ =	shalt  }
0x6f: {  	_ =	shalt  }
0x70: {  	_ =	shalt  }
0x71: {  	_ =	shalt  }
0x72: {  	_ =	shalt  }
0x73: {  	_ =	shalt  }
0x74: {  	_ =	shalt  }
0x75: {  	_ =	shalt  }
0x76: {  	_ =	shalt  }
0x77: {  	_ =	shalt  }
0x78: {  	_ =	shalt  }
0x79: {  	_ =	shalt  }
0x7a: {  	_ =	shalt  }
0x7b: {  	_ =	shalt  }
0x7c: {  	_ =	shalt  }
0x7d: {  	_ =	shalt  }
0x7e: {  	_ =	shalt  }
0x7f: {  	_ =	shalt  }
0x80: {  	_ =	shalt  }
0x81: {  	_ =	shalt  }
0x82: {  	_ =	shalt  }
0x83: {  	_ =	shalt  }
0x84: {  	_ =	shalt  }
0x85: {  	_ =	shalt  }
0x86: {  	_ =	shalt  }
0x87: {  	_ =	shalt  }
.Lfunc_end0:
.L_simem_size_0:
called_computation.5_lowered:
.L_overlay_start_0:
0x88: {  	s2 =	sld [smem:$0x3FD9]  }
0x89: {  	s3 =	sld [smem:$0x3FFE];
	_ =	sdelay $0x1  }
0x8a: {  	s1 =	srdreg.scid  }
0x8b: {  	s0 =	sand.u32 $0x1, s1  }
0x8c: {  	s17 =	sshll.u32 s0, $0xA;
	s2 =	sadd.s32 s3, s2  }
0x8d: {  	s2 =	sadd.s32 s2, s17  }
0x8e: {  	[smem:$0x3F8E] =	sst s2  }
0x8f: {  	_ = 	snop  }
0x90: {  	s2 =	sld [smem:$0x3FD0];
	(tm) =	ssettm $0x1  }
0x91: {  	s18 =	sld [smem:$0x3FFB];
	_ =	sdelay $0x3  }
0x92: {  	_ =	strace s18  }
0x93: {  	s3 =	sld [smem:$0x3FFC];
	_ =	sdelay $0x3  }
0x94: {  	_ =	strace s3  }
0x95: {  	s3 =	sld [smem:$0x3FFD];
	_ =	sdelay $0x3  }
0x96: {  	_ =	strace s3  }
0x97: {  	_ =	strace $0x8FFFFFFF  }
0x98: {  	s19 =	sld [smem:$0x3FDB];
	_ =	sdelay $0x1  }
0x99: {  	s4 =	simm.s32 $_scs_section_size  }
0x9a: {  	s5 =	simm.s32 $_size__tile_overlayer_lowered;
	s6 =	simm.s32 $_tile_overlayer_lowered  }
0x9b: {  	s22 =	simm.s32 $0x1BFF;
	s21 =	sshll.u32 s6, $0x1;
	s3 =	sadd.s32 s4, s19  }
0x9c: {  	s7 =	simm.s32 $0x0;
	s20 =	sshll.u32 s5, $0x1;
	s5 =	sadd.s32 s21, s3  }
0x9d: {  	[timem:s7], [sflag:s22] =	dma.local [hbm:s5], s20  }
0x9e: {  	_ =	swait.ge [sflag:s22], s20  }
0x9f: {  	s4 =	ssub.s32 $0x0, s20;
	[sflag:s22] =	ssyncset.done $0x0  }
0xa0: {  	[sflag:s22] =	ssyncadd.s32 s4;
	_ =	sdelay $0x1  }
0xa1: {  	s23 =	simm.s32 $0x1B8B  }
0xa2: {  	_ =	swait.ge [sflag:s23], $0x1  }
0xa3: {  	[sflag:s23] =	ssyncset.done $0x0  }
0xa4: {  	s25 =	simm.s32 $0x1B8E;
	s24 =	sld [smem:$0x3FFE];
	[sflag:s23] =	ssyncadd.s32 $0xFFFFFFFF  }
0xa5: {  	s26 =	simm.s32 $execute0_lowered;
	[smem:$0x3FD2] =	sst s25  }
0xa6: {  	s5 =	sshll.u32 s26, $0x1;
	_ =	strace $0x80000055;
	[dreg:$0x1] =	wrdreg $0xFFFFFFFF  }
0xa7: {  	s28 =	simm.s32 $_size_execute0_lowered;
	s3 =	sadd.s32 s3, s5;
	[dreg:$0x0] =	wrdreg $0x0  }
0xa8: {  	s5 =	sshll.u32 s28, $0x1;
	[dreg:$0x2] =	wrdreg s3  }
0xa9: {  	[dreg:$0x3] =	wrdreg s5  }
0xaa: {  	[dreg:$0x4] =	wrdreg $0xC0  }
0xab: {  	_ =	task [dreg:s7], $0x5FFFF  }
0xac: {  	[dreg:$0x1] =	wrdreg $0xFFFFFFFF  }
0xad: {  	[dreg:$0x0] =	wrdreg $0x60  }
0xae: {  	[dreg:$0x2] =	wrdreg s24  }
0xaf: {  	[dreg:$0x3] =	wrdreg s2  }
0xb0: {  	[dreg:$0x4] =	wrdreg $0xA8000  }
0xb1: {  	[dreg:$0x5] =	wrdreg $0x9  }
0xb2: {  	_ =	task.clear_ibuf [dreg:s7], $0x6FFFF;
	_ =	strace $0x90000055  }
0xb3: {  	s29 =	simm.s32 $0x9;
	_ =	strace $0x80000057  }
0xb4: {  	_ =	swait.ge [sflag:s29], $0x1  }
0xb5: {  	[sflag:s29] =	ssyncadd.s32 $0xFFFFFFFF  }
0xb6: {  	_ =	strace $0x90000057  }
0xb7: {  	_ =	sfence  }
0xb8: {  	s30 =	sld [smem:$0x0];
	_ =	sdelay $0x2  }
0xb9: {  	s31 =	sshll.u32 s1, $0xD;
	s1 =	sshrl.u32 s1, $0x2  }
0xba: {  	s3 =	sand.u32 $0x4000, s31;
	s1 =	sadd.s32 s1, s30  }
0xbb: {  	s0 =	sor.u32 s3, s0;
	s1 =	sshll.u32 s1, $0x11  }
0xbc: {  	s0 =	sor.u32 s1, s0  }
0xbd: {  	s0 =	sadd.s32 $0x8F2B, s0  }
0xbe: {  	[sflag:s0] =	ssyncadd.remote.s32 $0x1  }
0xbf: {  	_ =	sfence.sel $0xFFFF  }
0xc0: {  	[dreg:$0x0] =	wrdreg $0xFFFFFFFF;
	(pc) =	sbr.abs _section_cstart, $3  }
0xc1: {  	[dreg:$0x1] =	wrdreg $0xFFFFFFFF  }
0xc2: {  	_ =	task.clear_ibuf [dreg:s7], $0x2FFFF;
	_ =	strace $0x9FFFFFFF  }
0xc3: {  	(tm) =	ssettm $0x7FFFFFFF  }
tec
execute0_lowered:
.L_overlay_start_1:
0x0: {  	(tag) =	ssettag $0x1  }
0x1: {  	s8 =	rddreg [dreg:$0x0]  }
0x2: {  	s10 =	rddreg [dreg:$0x1]  }
0x3: {  	s1 =	rddreg [dreg:$0x2]  }
0x4: {  	s0 =	rddreg [dreg:$0x3];
	s2 =	simm.s32 $0x0;
	s3 =	srdreg.scid  }
0x5: {  	s13 =	stileid.u32;
	s19 =	simm.s32 $0x1;
	s20 =	simm.s32 $0x6800  }
0x6: {  	s21 =	simm.s32 $0x1380;
	s22 =	simm.s32 $0x2700;
	s23 =	simm.s32 $0x2780  }
0x7: {  	[smem:$0x7FF] =	sst s2;
	s9 =	sand.u32 $0x1, s3;
	s3 =	sadd.s32 $0x32000, s8  }
0x8: {  	s4 =	sadd.s32 $0x1E000, s8;
	s11 =	smul.u32 $0x4E000, s13;
	s5 =	sadd.s32 $0xA000, s8  }
0x9: {  	s26 =	sshll.u32 s13, $0x1;
	s15 =	smul.u32 $0x2700, s13;
	s29 =	sshll.u32 s13, $0x6  }
0xa: {  	s18 =	sadd.s32 $0x138000, s1;
	s8 =	sadd.s32 $0x59000, s8;
	p0 =	sne.s32 s13, $0x0  }
0xb: {  	_ =	strace $0x80000056;
	s6 =	ssub.s32 $0x2, s9;
	s30 =	smul.u32 $0x138800, s9  }
0xc: {  	s14 =	sor.u32 s9, s26;
	s17 =	smul.u32 $0x27100, s9;
	s7 =	sshrl.u32 s6, $0x1  }
0xd: {  	s28 =	sshrl.u32 s11, $0x2;
	s9 =	smul.u32 $0x5000, s14;
	s14 =	simm.s32 $0x2  }
0xe: {  	s12 =	ssub.s32 s6, s7;
	s16 =	sadd.s32 s28, s1;
	s6 =	sadd.s32 s3, s15  }
0xf: {  	s7 =	sor.u32 $0x1C02, s29;
	s11 =	sshrl.u32 s30, $0x3;
	s31 =	sadd.s32 s15, s17  }
0x10: {  	s15 =	sshrl.u32 @!p0 s18, $0x3;
	s17 =	simm.s32 $0x7D;
	s18 =	simm.s32 $0x2800  }
0x11: {  	s11 =	sadd.s32 s10, s11;
	s10 =	sadd.s32 s10, s31;
	s12 =	smax.u32 s12, $0x1  }
0x12: {  	s13 =	sshrl.u32 s16, $0x3;
	s16 =	simm.s32 $0x1400;
	s11 =	sadd.s32 $0x27000, s11  }
.LBB2_1:
0x13: {  	[spmem:s13], [sflag:s7] =	dma.local [hbm:s6], $0x2700  }
0x14: {  	_ =	swait.ge [sflag:s14], $0x2700  }
0x15: {  	[sflag:s14] =	ssyncset.done $0x0  }
0x16: {  	s24 =	simm.s32 @!p0 $0x2;
	[sflag:s14] =	ssyncadd.s32 $0xFFFFD900  }
0x17: {  	[spmem:s15], [sflag:s7] =	dma.local @!p0 [hbm:s8], $0x100  }
0x18: {  	_ =	swait.ge @!p0 [sflag:s24], $0x100  }
0x19: {  	[sflag:s24] =	ssyncset.done @!p0 $0x0  }
0x1a: {  	[sflag:s24] =	ssyncadd.s32 @!p0 $0xFFFFFF00  }
0x1b: {  	s24 =	simm.s32 $0x0;
	[bflag:$0x0] =	sbarrier.arrive $0xFFFF  }
.LBB2_2:
0x1c: {  	s25 =	smul.u32 $0x1400, s24;
	_ =	sdelay $0x1  }
0x1d: {  	s25 =	sadd.s32 s9, s25  }
0x1e: {  	s25 =	sshrl.u32 s25, $0x3  }
0x1f: {  	s28 =	simm.s32 $0x0;
	s26 =	sadd.s32 s4, s25  }
0x20: {  	[tilespmem:s28], [sflag:$0x2] =	stream.linear.gather [hbm4b:s26+s28], $0x1400, $0x38;
	[tilespmem:$0x1E0C0] =	vst v63  }
0x21: {  	_ =	swait.ge [sflag:s14], $0x1400  }
0x22: {  	[sflag:s14] =	ssyncset.done $0x0  }
0x23: {  	s25 =	sadd.s32 s5, s25;
	[sflag:s14] =	ssyncadd.s32 $0xFFFFEC00  }
0x24: {  	[tilespmem:s16], [sflag:$0x2] =	stream.linear.gather [hbm4b:s25+s28], $0x1400, $0x38;
	[tilespmem:$0x1E0C0] =	vst v63  }
0x25: {  	_ =	swait.ge [sflag:s14], $0x1400  }
0x26: {  	[sflag:s14] =	ssyncset.done $0x0  }
0x27: {  	[sflag:s14] =	ssyncadd.s32 $0xFFFFEC00  }
0x28: {  	[tilespmem:s18], [sflag:$0x1] =	stream.indirect.gather [hbm4b:s3+s17], $0x80, s28, s17, $0xb8;
	[tilespmem:$0x1E0C0] =	vst v63  }
0x29: {  	_ =	swait.ge [sflag:s19], $0x3E80  }
0x2a: {  	[sflag:s19] =	ssyncset.done $0x0  }
0x2b: {  	s28 =	simm.s32 $0x80;
	[sflag:s19] =	ssyncadd.s32 $0xFFFFC180  }
0x2c: {  	[tilespmem:s20], [sflag:$0x1] =	stream.indirect.gather [hbm4b:s3+s17], $0x80, s28, s17, $0xb8;
	[tilespmem:$0x1E0C0] =	vst v63  }
0x2d: {  	s29 =	simm.s32 $0x1400  }
0x2e: {  	[spmem:s1] =	stream.indirect.scatter.add.f32 [tilespmem:s18], [sflag:$0x2], $0x80, s29, s17, $0xb8;
	[tilespmem:$0x1E0C0] =	vst v63  }
0x2f: {  	_ =	swait.ge [sflag:s14], $0x3E80  }
0x30: {  	[sflag:s14] =	ssyncset.done $0x0  }
0x31: {  	[sflag:s14] =	ssyncadd.s32 $0xFFFFC180  }
0x32: {  	_ =	swait.ge [sflag:s19], $0x3E80  }
0x33: {  	[sflag:s19] =	ssyncset.done $0x0  }
0x34: {  	s30 =	simm.s32 $0x100;
	[sflag:s19] =	ssyncadd.s32 $0xFFFFC180  }
0x35: {  	[tilespmem:s18], [sflag:$0x1] =	stream.indirect.gather [hbm4b:s3+s17], $0x80, s30, s17, $0xb8;
	[tilespmem:$0x1E0C0] =	vst v63  }
0x36: {  	s31 =	simm.s32 $0x1480  }
0x37: {  	[spmem:s1] =	stream.indirect.scatter.add.f32 [tilespmem:s20], [sflag:$0x2], $0x80, s31, s17, $0xb8;
	[tilespmem:$0x1E0C0] =	vst v63  }
0x38: {  	_ =	swait.ge [sflag:s14], $0x3E80  }
0x39: {  	s25 =	simm.s32 $0x400;
	[sflag:s14] =	ssyncset.done $0x0  }
.LBB2_3:
0x3a: {  	p1 =	sne.s32 s25, $0x4800  }
0x3b: {  	[sflag:s14] =	ssyncadd.s32 $0xFFFFC180;
	s26 =	smov.u32 s25;
	s25 =	sadd.s32 $0x400, s25  }
0x3c: {  	_ = 	snop  }
0x3d: {  	_ =	swait.ge [sflag:s19], $0x3E80  }
0x3e: {  	s26 =	sshra.s32 s26, $0x2;
	[sflag:s19] =	ssyncset.done $0x0  }
0x3f: {  	s28 =	sadd.s32 $0x80, s26;
	[sflag:s19] =	ssyncadd.s32 $0xFFFFC180  }
0x40: {  	[tilespmem:s20], [sflag:$0x1] =	stream.indirect.gather [hbm4b:s3+s17], $0x80, s28, s17, $0xb8;
	[tilespmem:$0x1E0C0] =	vst v63  }
0x41: {  	s28 =	sadd.s32 $0x1400, s26  }
0x42: {  	[spmem:s1] =	stream.indirect.scatter.add.f32 [tilespmem:s18], [sflag:$0x2], $0x80, s28, s17, $0xb8;
	[tilespmem:$0x1E0C0] =	vst v63  }
0x43: {  	_ =	swait.ge [sflag:s14], $0x3E80  }
0x44: {  	[sflag:s14] =	ssyncset.done $0x0  }
0x45: {  	[sflag:s14] =	ssyncadd.s32 $0xFFFFC180  }
0x46: {  	_ =	swait.ge [sflag:s19], $0x3E80  }
0x47: {  	[sflag:s19] =	ssyncset.done $0x0  }
0x48: {  	s28 =	sadd.s32 $0x100, s26;
	[sflag:s19] =	ssyncadd.s32 $0xFFFFC180  }
0x49: {  	[tilespmem:s18], [sflag:$0x1] =	stream.indirect.gather [hbm4b:s3+s17], $0x80, s28, s17, $0xb8;
	[tilespmem:$0x1E0C0] =	vst v63  }
.Ltmp0:
0x4a: {  	_ = 	snop;
	(pc) =	sbr.rel @p1 .LBB2_3-.Ltmp0, $4  }
0x4b: {  	s26 =	sadd.s32 $0x1480, s26  }
0x4c: {  	[spmem:s1] =	stream.indirect.scatter.add.f32 [tilespmem:s20], [sflag:$0x2], $0x80, s26, s17, $0xb8;
	[tilespmem:$0x1E0C0] =	vst v63  }
0x4d: {  	_ =	swait.ge [sflag:s14], $0x3E80  }
0x4e: {  	[sflag:s14] =	ssyncset.done $0x0  }
0x4f: {  	[sflag:s14] =	ssyncadd.s32 $0xFFFFC180  }
0x50: {  	_ =	swait.ge [sflag:s19], $0x3E80  }
0x51: {  	[sflag:s19] =	ssyncset.done $0x0  }
0x52: {  	[sflag:s19] =	ssyncadd.s32 $0xFFFFC180  }
0x53: {  	[tilespmem:s20], [sflag:$0x1] =	stream.indirect.gather [hbm4b:s3+s17], $0x80, s21, s17, $0xb8;
	[tilespmem:$0x1E0C0] =	vst v63  }
0x54: {  	_ = 	snop  }
0x55: {  	[spmem:s1] =	stream.indirect.scatter.add.f32 [tilespmem:s18], [sflag:$0x2], $0x80, s22, s17, $0xb8;
	[tilespmem:$0x1E0C0] =	vst v63  }
0x56: {  	_ =	swait.ge [sflag:s14], $0x3E80  }
0x57: {  	[sflag:s14] =	ssyncset.done $0x0  }
0x58: {  	[sflag:s14] =	ssyncadd.s32 $0xFFFFC180  }
0x59: {  	s24 =	sadd.s32 $0x1, s24;
	_ =	swait.ge [sflag:s19], $0x3E80  }
0x5a: {  	p1 =	sne.s32 s24, $0x4;
	[sflag:s19] =	ssyncset.done $0x0  }
.Ltmp1:
0x5b: {  	[sflag:s19] =	ssyncadd.s32 $0xFFFFC180;
	(pc) =	sbr.rel @p1 .LBB2_2-.Ltmp1, $4  }
0x5c: {  	[spmem:s1] =	stream.indirect.scatter.add.f32 [tilespmem:s20], [sflag:$0x2], $0x80, s23, s17, $0xb8;
	[tilespmem:$0x1E0C0] =	vst v63  }
0x5d: {  	_ =	swait.ge [sflag:s14], $0x3E80  }
0x5e: {  	[sflag:s14] =	ssyncset.done $0x0  }
0x5f: {  	[sflag:s14] =	ssyncadd.s32 $0xFFFFC180  }
0x60: {  	[bflag:$0x0] =	sbarrier.arrive $0xFFFF  }
0x61: {  	[hbm:s10], [sflag:s7] =	dma.local [spmem:s13], $0x2700  }
0x62: {  	s2 =	sadd.s32 $0x1, s2;
	_ =	swait.ge [sflag:s14], $0x2700  }
0x63: {  	p1 =	sne.s32 s2, s12;
	[sflag:s14] =	ssyncset.done $0x0  }
.Ltmp2:
0x64: {  	s24 =	simm.s32 @!p0 $0x2;
	[sflag:s14] =	ssyncadd.s32 $0xFFFFD900;
	(pc) =	sbr.rel @p1 .LBB2_1-.Ltmp2, $4  }
0x65: {  	[hbm:s11], [sflag:s7] =	dma.local @!p0 [spmem:s15], $0x100  }
0x66: {  	_ =	swait.ge @!p0 [sflag:s24], $0x100  }
0x67: {  	[sflag:s24] =	ssyncset.done @!p0 $0x0  }
0x68: {  	[sflag:s24] =	ssyncadd.s32 @!p0 $0xFFFFFF00  }
0x69: {  	_ =	sfence.sel $0x180000  }
0x6a: {  	[bflag:$0x0] =	sbarrier.arrive $0xFFFF  }
0x6b: {  	_ =	strace $0x90000056  }
0x6c: {  	s0 =	sadd.s32 @!p0 $0x100000, s0;
	[bflag:$0x2] =	sbarrier.arrive $0xFFFF  }
0x6d: {  	[sflag:s0] =	ssyncadd.tile.s32 @!p0 $0x1;
	_ =	shalt  }
.Lfunc_end2:
_tile_overlayer_lowered:
.L_overlay_start_2:
0x6e: {  	(tag) =	ssettag $0x2  }
0x6f: {  	s0 =	rddreg [dreg:$0x0];
	s2 =	stileid.u32  }
0x70: {  	s1 =	rddreg [dreg:$0x1];
	p0 =	sne.s32 s2, $0x0  }
0x71: {  	s3 =	rddreg [dreg:$0x2];
	[bflag:$0x3] =	sbarrier.arrive $0xFFFF;
	s2 =	simm.s32 @!p0 $0x1C02  }
0x72: {  	[timem:s3], [sflag:s2] =	dma.local @!p0 [hbm:s0], s1  }
0x73: {  	s0 =	simm.s32 @!p0 $0x2  }
0x74: {  	_ =	swait.ge @!p0 [sflag:s0], s1  }
0x75: {  	s1 =	ssub.s32 @!p0 $0x0, s1;
	[sflag:s0] =	ssyncset.done @!p0 $0x0  }
0x76: {  	[sflag:s0] =	ssyncadd.s32 @!p0 s1  }
0x77: {  	[bflag:$0x3] =	sbarrier.arrive $0xFFFF  }
0x78: {  	_ =	shalt  }

// kernel: kernel.35.cloned.1.call-start
scs
__scs_entry_jumppad:
0x0: {  	(pc) =	sbr.rel $0x88, $3  }
0x1: {  	(tag) =	ssettag $0x0;
	lr =	simm.s32 $0x1  }
0x2: {  	[smem:$0x3F67] =	sst lr;
	_ =	strace $0xD0000000  }
0x3: {  	_ = 	snop  }
0x4: {  	_ = 	snop  }
0x5: {  	_ = 	snop  }
0x6: {  	_ = 	snop  }
0x7: {  	_ = 	snop  }
__scs_overlays_trampoline_lowered:
0x8: {  	[smem:$0x3F76] =	sst s0  }
0x9: {  	[smem:$0x3F77] =	sst s1  }
0xa: {  	[smem:$0x3F78] =	sst s2  }
0xb: {  	[smem:$0x3F79] =	sst s3  }
0xc: {  	[smem:$0x3F7A] =	sst s4  }
0xd: {  	[smem:$0x3F7B] =	sst s5  }
0xe: {  	[smem:$0x3F7C] =	sst s6  }
0xf: {  	[smem:$0x3F7D] =	sst s7  }
0x10: {  	[smem:$0x3F7E] =	sst s8  }
0x11: {  	[smem:$0x3F7F] =	sst s9;
	s0 =	simm.s32 @!p0 $0x0  }
0x12: {  	s1 =	sld [smem:$0x3F65];
	s0 =	simm.s32 @p0 $0x1  }
0x13: {  	[smem:$0x3F80] =	sst s0;
	s0 =	simm.s32 @!p1 $0x0  }
0x14: {  	s2 =	sld [smem:$0x3F64];
	s0 =	simm.s32 @p1 $0x1  }
0x15: {  	[smem:$0x3F81] =	sst s0;
	s0 =	simm.s32 @!p2 $0x0  }
0x16: {  	s3 =	sld [smem:$0x3FDB];
	s0 =	simm.s32 @p2 $0x1  }
0x17: {  	s4 =	simm.s32 $0x1BF5;
	[smem:$0x3F83] =	sst s0  }
0x18: {  	s0 =	sld [smem:$0x3F66];
	_ =	swait.ge [sflag:s4], $0x0  }
0x19: {  	s7 =	sld [smem:$0x3F67]  }
0x1a: {  	s8 =	sadd.s32 $0xFFFFE003, lr  }
0x1b: {  	s9 =	sadd.s32 $0xFFFFFEF7, lr;
	s5 =	simm.s32 $0xFFFFFFFF;
	p2 =	slt.u32 s8, $0xFFFFF086  }
0x1c: {  	p1 =	slt.u32 s9, $0xF7A;
	s5 =	simm.s32 @!p2 $0x0  }
0x1d: {  	s5 =	simm.s32 @p1 $0x1;
	p0 =	seq.s32 s7, s2  }
0x1e: {  	s7 =	smul.u32 @!p0 $0xF7A, s2;
	p2 =	seq.s32 @!p0 s5, $0x0  }
0x1f: {  	s9 =	smul.u32 $0xF7A, s1;
	s8 =	simm.s32 @!p0 $0x1BF5;
	p2 =	por !p2, p0  }
0x20: {  	[sflag:s8] =	ssyncset.s32 @!p0 $0xFFFFF086;
	s6 =	sadd.s32 @!p0 s3, s7;
	s7 =	simm.s32 @!p0 $0x108  }
0x21: {  	s3 =	sadd.s32 s3, s9;
	s6 =	sadd.s32 @!p0 $0x88, s6;
	s7 =	simm.s32 @p2 $0x1082  }
0x22: {  	[simem:s7], [sflag:s8] =	dma.local @!p0 [hbm:s6], $0xF7A  }
0x23: {  	s9 =	sor.u32 $0xD0000000, s2;
	s6 =	simm.s32 $0x108;
	_ =	swait.ge @!p0 [sflag:s8], $0x0  }
0x24: {  	s3 =	sadd.s32 $0x88, s3;
	s6 =	simm.s32 @!p1 $0x1082;
	[sflag:s4] =	ssyncset.s32 $0xFFFFF086  }
0x25: {  	[simem:s6], [sflag:s4] =	dma.local [hbm:s3], $0xF7A  }
0x26: {  	[smem:$0x3F67] =	sst s1;
	(tag) =	ssettag s2;
	_ =	strace s9  }
0x27: {  	s1 =	sld [smem:$0x3F77]  }
0x28: {  	s2 =	sld [smem:$0x3F78]  }
0x29: {  	s4 =	sld [smem:$0x3F7A]  }
0x2a: {  	p0 =	seq.s32 s5, $0x0;
	s5 =	sld [smem:$0x3F7B]  }
0x2b: {  	s6 =	sld [smem:$0x3F7C]  }
0x2c: {  	s7 =	sld [smem:$0x3F7D]  }
0x2d: {  	s3 =	simm.s32 $0x108;
	s8 =	sld [smem:$0x3F7E]  }
0x2e: {  	s3 =	simm.s32 @!p0 $0x1082;
	s9 =	sld [smem:$0x3F7F]  }
0x2f: {  	lr =	sadd.s32 s0, s3;
	s0 =	sld [smem:$0x3F76]  }
0x30: {  	s3 =	sld [smem:$0x3F79]  }
0x31: {  	[smem:$0x3F82] =	sst s10  }
0x32: {  	s10 =	sld [smem:$0x3F80];
	_ =	sdelay $0x3  }
0x33: {  	p0 =	seq.s32 s10, $0x1;
	s10 =	sld [smem:$0x3F82];
	_ =	sdelay $0x3  }
0x34: {  	[smem:$0x3F82] =	sst s10  }
0x35: {  	s10 =	sld [smem:$0x3F81];
	_ =	sdelay $0x3  }
0x36: {  	p1 =	seq.s32 s10, $0x1;
	s10 =	sld [smem:$0x3F82];
	_ =	sdelay $0x3  }
0x37: {  	[smem:$0x3F82] =	sst s10  }
0x38: {  	s10 =	sld [smem:$0x3F83]  }
0x39: {  	_ = 	snop;
	(pc) =	sbr.ind lr, $3  }
0x3a: {  	_ = 	snop  }
0x3b: {  	_ = 	snop  }
0x3c: {  	p2 =	seq.s32 s10, $0x1;
	s10 =	sld [smem:$0x3F82]  }
0x3d: {  	_ =	shalt  }
0x3e: {  	_ =	shalt  }
0x3f: {  	_ =	shalt  }
0x40: {  	_ =	shalt  }
0x41: {  	_ =	shalt  }
0x42: {  	_ =	shalt  }
0x43: {  	_ =	shalt  }
0x44: {  	_ =	shalt  }
0x45: {  	_ =	shalt  }
0x46: {  	_ =	shalt  }
0x47: {  	_ =	shalt  }
0x48: {  	_ =	shalt  }
0x49: {  	_ =	shalt  }
0x4a: {  	_ =	shalt  }
0x4b: {  	_ =	shalt  }
0x4c: {  	_ =	shalt  }
0x4d: {  	_ =	shalt  }
0x4e: {  	_ =	shalt  }
0x4f: {  	_ =	shalt  }
0x50: {  	_ =	shalt  }
0x51: {  	_ =	shalt  }
0x52: {  	_ =	shalt  }
0x53: {  	_ =	shalt  }
0x54: {  	_ =	shalt  }
0x55: {  	_ =	shalt  }
0x56: {  	_ =	shalt  }
0x57: {  	_ =	shalt  }
0x58: {  	_ =	shalt  }
0x59: {  	_ =	shalt  }
0x5a: {  	_ =	shalt  }
0x5b: {  	_ =	shalt  }
0x5c: {  	_ =	shalt  }
0x5d: {  	_ =	shalt  }
0x5e: {  	_ =	shalt  }
0x5f: {  	_ =	shalt  }
0x60: {  	_ =	shalt  }
0x61: {  	_ =	shalt  }
0x62: {  	_ =	shalt  }
0x63: {  	_ =	shalt  }
0x64: {  	_ =	shalt  }
0x65: {  	_ =	shalt  }
0x66: {  	_ =	shalt  }
0x67: {  	_ =	shalt  }
0x68: {  	_ =	shalt  }
0x69: {  	_ =	shalt  }
0x6a: {  	_ =	shalt  }
0x6b: {  	_ =	shalt  }
0x6c: {  	_ =	shalt  }
0x6d: {  	_ =	shalt  }
0x6e: {  	_ =	shalt  }
0x6f: {  	_ =	shalt  }
0x70: {  	_ =	shalt  }
0x71: {  	_ =	shalt  }
0x72: {  	_ =	shalt  }
0x73: {  	_ =	shalt  }
0x74: {  	_ =	shalt  }
0x75: {  	_ =	shalt  }
0x76: {  	_ =	shalt  }
0x77: {  	_ =	shalt  }
0x78: {  	_ =	shalt  }
0x79: {  	_ =	shalt  }
0x7a: {  	_ =	shalt  }
0x7b: {  	_ =	shalt  }
0x7c: {  	_ =	shalt  }
0x7d: {  	_ =	shalt  }
0x7e: {  	_ =	shalt  }
0x7f: {  	_ =	shalt  }
0x80: {  	_ =	shalt  }
0x81: {  	_ =	shalt  }
0x82: {  	_ =	shalt  }
0x83: {  	_ =	shalt  }
0x84: {  	_ =	shalt  }
0x85: {  	_ =	shalt  }
0x86: {  	_ =	shalt  }
0x87: {  	_ =	shalt  }
.Lfunc_end0:
.L_simem_size_0:
called_computation.6_lowered:
.L_overlay_start_0:
0x88: {  	s2 =	sld [smem:$0x3FD9]  }
0x89: {  	s3 =	sld [smem:$0x3FFE];
	_ =	sdelay $0x1  }
0x8a: {  	s1 =	srdreg.scid  }
0x8b: {  	s0 =	sand.u32 $0x1, s1  }
0x8c: {  	s17 =	sshll.u32 s0, $0xA;
	s2 =	sadd.s32 s3, s2  }
0x8d: {  	s2 =	sadd.s32 s2, s17  }
0x8e: {  	[smem:$0x3F8E] =	sst s2  }
0x8f: {  	_ = 	snop  }
0x90: {  	s2 =	sld [smem:$0x3FD0];
	(tm) =	ssettm $0x1  }
0x91: {  	s18 =	sld [smem:$0x3FFB];
	_ =	sdelay $0x3  }
0x92: {  	_ =	strace s18  }
0x93: {  	s3 =	sld [smem:$0x3FFC];
	_ =	sdelay $0x3  }
0x94: {  	_ =	strace s3  }
0x95: {  	s3 =	sld [smem:$0x3FFD];
	_ =	sdelay $0x3  }
0x96: {  	_ =	strace s3  }
0x97: {  	_ =	strace $0x8FFFFFFF  }
0x98: {  	s19 =	sld [smem:$0x3FDB];
	_ =	sdelay $0x1  }
0x99: {  	s4 =	simm.s32 $_scs_section_size  }
0x9a: {  	s5 =	simm.s32 $_size__tile_overlayer_lowered;
	s6 =	simm.s32 $_tile_overlayer_lowered  }
0x9b: {  	s22 =	simm.s32 $0x1BFF;
	s21 =	sshll.u32 s6, $0x1;
	s3 =	sadd.s32 s4, s19  }
0x9c: {  	s7 =	simm.s32 $0x0;
	s20 =	sshll.u32 s5, $0x1;
	s5 =	sadd.s32 s21, s3  }
0x9d: {  	[timem:s7], [sflag:s22] =	dma.local [hbm:s5], s20  }
0x9e: {  	_ =	swait.ge [sflag:s22], s20  }
0x9f: {  	s4 =	ssub.s32 $0x0, s20;
	[sflag:s22] =	ssyncset.done $0x0  }
0xa0: {  	[sflag:s22] =	ssyncadd.s32 s4;
	_ =	sdelay $0x1  }
0xa1: {  	s23 =	simm.s32 $0x1B8B  }
0xa2: {  	_ =	swait.ge [sflag:s23], $0x1  }
0xa3: {  	[sflag:s23] =	ssyncset.done $0x0  }
0xa4: {  	s25 =	simm.s32 $0x1B8E;
	s24 =	sld [smem:$0x3FFE];
	[sflag:s23] =	ssyncadd.s32 $0xFFFFFFFF  }
0xa5: {  	s26 =	simm.s32 $execute0_lowered;
	[smem:$0x3FD2] =	sst s25  }
0xa6: {  	s5 =	sshll.u32 s26, $0x1;
	_ =	strace $0x80000058;
	[dreg:$0x1] =	wrdreg $0xFFFFFFFF  }
0xa7: {  	s28 =	simm.s32 $_size_execute0_lowered;
	s3 =	sadd.s32 s3, s5;
	[dreg:$0x0] =	wrdreg $0x0  }
0xa8: {  	s5 =	sshll.u32 s28, $0x1;
	[dreg:$0x2] =	wrdreg s3  }
0xa9: {  	[dreg:$0x3] =	wrdreg s5  }
0xaa: {  	[dreg:$0x4] =	wrdreg $0xC0  }
0xab: {  	_ =	task [dreg:s7], $0x5FFFF  }
0xac: {  	[dreg:$0x1] =	wrdreg $0xFFFFFFFF  }
0xad: {  	[dreg:$0x0] =	wrdreg $0x60  }
0xae: {  	[dreg:$0x2] =	wrdreg s24  }
0xaf: {  	[dreg:$0x3] =	wrdreg s2  }
0xb0: {  	[dreg:$0x4] =	wrdreg $0xA8000  }
0xb1: {  	[dreg:$0x5] =	wrdreg $0x9  }
0xb2: {  	_ =	task.clear_ibuf [dreg:s7], $0x6FFFF;
	_ =	strace $0x90000058  }
0xb3: {  	s29 =	simm.s32 $0x9;
	_ =	strace $0x8000005A  }
0xb4: {  	_ =	swait.ge [sflag:s29], $0x1  }
0xb5: {  	[sflag:s29] =	ssyncadd.s32 $0xFFFFFFFF  }
0xb6: {  	_ =	strace $0x9000005A  }
0xb7: {  	_ =	sfence  }
0xb8: {  	s30 =	sld [smem:$0x0];
	_ =	sdelay $0x2  }
0xb9: {  	s31 =	sshll.u32 s1, $0xD;
	s1 =	sshrl.u32 s1, $0x2  }
0xba: {  	s3 =	sand.u32 $0x4000, s31;
	s1 =	sadd.s32 s1, s30  }
0xbb: {  	s0 =	sor.u32 s3, s0;
	s1 =	sshll.u32 s1, $0x11  }
0xbc: {  	s0 =	sor.u32 s1, s0  }
0xbd: {  	s0 =	sadd.s32 $0x8F2B, s0  }
0xbe: {  	[sflag:s0] =	ssyncadd.remote.s32 $0x1  }
0xbf: {  	_ =	sfence.sel $0xFFFF  }
0xc0: {  	[dreg:$0x0] =	wrdreg $0xFFFFFFFF;
	(pc) =	sbr.abs _section_cstart, $3  }
0xc1: {  	[dreg:$0x1] =	wrdreg $0xFFFFFFFF  }
0xc2: {  	_ =	task.clear_ibuf [dreg:s7], $0x2FFFF;
	_ =	strace $0x9FFFFFFF  }
0xc3: {  	(tm) =	ssettm $0x7FFFFFFF  }
tec
execute0_lowered:
.L_overlay_start_1:
0x0: {  	(tag) =	ssettag $0x1  }
0x1: {  	s8 =	rddreg [dreg:$0x0]  }
0x2: {  	s10 =	rddreg [dreg:$0x1]  }
0x3: {  	s1 =	rddreg [dreg:$0x2]  }
0x4: {  	s0 =	rddreg [dreg:$0x3];
	s2 =	simm.s32 $0x0;
	s3 =	srdreg.scid  }
0x5: {  	s13 =	stileid.u32;
	s19 =	simm.s32 $0x1;
	s20 =	simm.s32 $0x6800  }
0x6: {  	s21 =	simm.s32 $0x1380;
	s22 =	simm.s32 $0x2700;
	s23 =	simm.s32 $0x2780  }
0x7: {  	[smem:$0x7FF] =	sst s2;
	s9 =	sand.u32 $0x1, s3;
	s3 =	sadd.s32 $0x32000, s8  }
0x8: {  	s4 =	sadd.s32 $0x1E000, s8;
	s11 =	smul.u32 $0x4E000, s13;
	s5 =	sadd.s32 $0xA000, s8  }
0x9: {  	s26 =	sshll.u32 s13, $0x1;
	s15 =	smul.u32 $0x2700, s13;
	s29 =	sshll.u32 s13, $0x6  }
0xa: {  	s18 =	sadd.s32 $0x138000, s1;
	s8 =	sadd.s32 $0x59000, s8;
	p0 =	sne.s32 s13, $0x0  }
0xb: {  	_ =	strace $0x80000059;
	s6 =	ssub.s32 $0x2, s9;
	s30 =	smul.u32 $0x138800, s9  }
0xc: {  	s14 =	sor.u32 s9, s26;
	s17 =	smul.u32 $0x27100, s9;
	s7 =	sshrl.u32 s6, $0x1  }
0xd: {  	s28 =	sshrl.u32 s11, $0x2;
	s9 =	smul.u32 $0x5000, s14;
	s14 =	simm.s32 $0x2  }
0xe: {  	s12 =	ssub.s32 s6, s7;
	s16 =	sadd.s32 s28, s1;
	s6 =	sadd.s32 s3, s15  }
0xf: {  	s7 =	sor.u32 $0x1C02, s29;
	s11 =	sshrl.u32 s30, $0x3;
	s31 =	sadd.s32 s15, s17  }
0x10: {  	s15 =	sshrl.u32 @!p0 s18, $0x3;
	s17 =	simm.s32 $0x7D;
	s18 =	simm.s32 $0x2800  }
0x11: {  	s11 =	sadd.s32 s10, s11;
	s10 =	sadd.s32 s10, s31;
	s12 =	smax.u32 s12, $0x1  }
0x12: {  	s13 =	sshrl.u32 s16, $0x3;
	s16 =	simm.s32 $0x1400;
	s11 =	sadd.s32 $0x27000, s11  }
.LBB2_1:
0x13: {  	[spmem:s13], [sflag:s7] =	dma.local [hbm:s6], $0x2700  }
0x14: {  	_ =	swait.ge [sflag:s14], $0x2700  }
0x15: {  	[sflag:s14] =	ssyncset.done $0x0  }
0x16: {  	s24 =	simm.s32 @!p0 $0x2;
	[sflag:s14] =	ssyncadd.s32 $0xFFFFD900  }
0x17: {  	[spmem:s15], [sflag:s7] =	dma.local @!p0 [hbm:s8], $0x100  }
0x18: {  	_ =	swait.ge @!p0 [sflag:s24], $0x100  }
0x19: {  	[sflag:s24] =	ssyncset.done @!p0 $0x0  }
0x1a: {  	[sflag:s24] =	ssyncadd.s32 @!p0 $0xFFFFFF00  }
0x1b: {  	s24 =	simm.s32 $0x0;
	[bflag:$0x0] =	sbarrier.arrive $0xFFFF  }
.LBB2_2:
0x1c: {  	s25 =	smul.u32 $0x1400, s24;
	_ =	sdelay $0x1  }
0x1d: {  	s25 =	sadd.s32 s9, s25  }
0x1e: {  	s25 =	sshrl.u32 s25, $0x3  }
0x1f: {  	s28 =	simm.s32 $0x0;
	s26 =	sadd.s32 s4, s25  }
0x20: {  	[tilespmem:s28], [sflag:$0x2] =	stream.linear.gather [hbm4b:s26+s28], $0x1400, $0x38;
	[tilespmem:$0x1E0C0] =	vst v63  }
0x21: {  	_ =	swait.ge [sflag:s14], $0x1400  }
0x22: {  	[sflag:s14] =	ssyncset.done $0x0  }
0x23: {  	s25 =	sadd.s32 s5, s25;
	[sflag:s14] =	ssyncadd.s32 $0xFFFFEC00  }
0x24: {  	[tilespmem:s16], [sflag:$0x2] =	stream.linear.gather [hbm4b:s25+s28], $0x1400, $0x38;
	[tilespmem:$0x1E0C0] =	vst v63  }
0x25: {  	_ =	swait.ge [sflag:s14], $0x1400  }
0x26: {  	[sflag:s14] =	ssyncset.done $0x0  }
0x27: {  	[sflag:s14] =	ssyncadd.s32 $0xFFFFEC00  }
0x28: {  	[tilespmem:s18], [sflag:$0x1] =	stream.indirect.gather [hbm4b:s3+s17], $0x80, s28, s17, $0xb8;
	[tilespmem:$0x1E0C0] =	vst v63  }
0x29: {  	_ =	swait.ge [sflag:s19], $0x3E80  }
0x2a: {  	[sflag:s19] =	ssyncset.done $0x0  }
0x2b: {  	s28 =	simm.s32 $0x80;
	[sflag:s19] =	ssyncadd.s32 $0xFFFFC180  }
0x2c: {  	[tilespmem:s20], [sflag:$0x1] =	stream.indirect.gather [hbm4b:s3+s17], $0x80, s28, s17, $0xb8;
	[tilespmem:$0x1E0C0] =	vst v63  }
0x2d: {  	s29 =	simm.s32 $0x1400  }
0x2e: {  	[spmem:s1] =	stream.indirect.scatter.add.f32 [tilespmem:s18], [sflag:$0x2], $0x80, s29, s17, $0xb8;
	[tilespmem:$0x1E0C0] =	vst v63  }
0x2f: {  	_ =	swait.ge [sflag:s14], $0x3E80  }
0x30: {  	[sflag:s14] =	ssyncset.done $0x0  }
0x31: {  	[sflag:s14] =	ssyncadd.s32 $0xFFFFC180  }
0x32: {  	_ =	swait.ge [sflag:s19], $0x3E80  }
0x33: {  	[sflag:s19] =	ssyncset.done $0x0  }
0x34: {  	s30 =	simm.s32 $0x100;
	[sflag:s19] =	ssyncadd.s32 $0xFFFFC180  }
0x35: {  	[tilespmem:s18], [sflag:$0x1] =	stream.indirect.gather [hbm4b:s3+s17], $0x80, s30, s17, $0xb8;
	[tilespmem:$0x1E0C0] =	vst v63  }
0x36: {  	s31 =	simm.s32 $0x1480  }
0x37: {  	[spmem:s1] =	stream.indirect.scatter.add.f32 [tilespmem:s20], [sflag:$0x2], $0x80, s31, s17, $0xb8;
	[tilespmem:$0x1E0C0] =	vst v63  }
0x38: {  	_ =	swait.ge [sflag:s14], $0x3E80  }
0x39: {  	s25 =	simm.s32 $0x400;
	[sflag:s14] =	ssyncset.done $0x0  }
.LBB2_3:
0x3a: {  	p1 =	sne.s32 s25, $0x4800  }
0x3b: {  	[sflag:s14] =	ssyncadd.s32 $0xFFFFC180;
	s26 =	smov.u32 s25;
	s25 =	sadd.s32 $0x400, s25  }
0x3c: {  	_ = 	snop  }
0x3d: {  	_ =	swait.ge [sflag:s19], $0x3E80  }
0x3e: {  	s26 =	sshra.s32 s26, $0x2;
	[sflag:s19] =	ssyncset.done $0x0  }
0x3f: {  	s28 =	sadd.s32 $0x80, s26;
	[sflag:s19] =	ssyncadd.s32 $0xFFFFC180  }
0x40: {  	[tilespmem:s20], [sflag:$0x1] =	stream.indirect.gather [hbm4b:s3+s17], $0x80, s28, s17, $0xb8;
	[tilespmem:$0x1E0C0] =	vst v63  }
0x41: {  	s28 =	sadd.s32 $0x1400, s26  }
0x42: {  	[spmem:s1] =	stream.indirect.scatter.add.f32 [tilespmem:s18], [sflag:$0x2], $0x80, s28, s17, $0xb8;
	[tilespmem:$0x1E0C0] =	vst v63  }
0x43: {  	_ =	swait.ge [sflag:s14], $0x3E80  }
0x44: {  	[sflag:s14] =	ssyncset.done $0x0  }
0x45: {  	[sflag:s14] =	ssyncadd.s32 $0xFFFFC180  }
0x46: {  	_ =	swait.ge [sflag:s19], $0x3E80  }
0x47: {  	[sflag:s19] =	ssyncset.done $0x0  }
0x48: {  	s28 =	sadd.s32 $0x100, s26;
	[sflag:s19] =	ssyncadd.s32 $0xFFFFC180  }
0x49: {  	[tilespmem:s18], [sflag:$0x1] =	stream.indirect.gather [hbm4b:s3+s17], $0x80, s28, s17, $0xb8;
	[tilespmem:$0x1E0C0] =	vst v63  }
.Ltmp0:
0x4a: {  	_ = 	snop;
	(pc) =	sbr.rel @p1 .LBB2_3-.Ltmp0, $4  }
0x4b: {  	s26 =	sadd.s32 $0x1480, s26  }
0x4c: {  	[spmem:s1] =	stream.indirect.scatter.add.f32 [tilespmem:s20], [sflag:$0x2], $0x80, s26, s17, $0xb8;
	[tilespmem:$0x1E0C0] =	vst v63  }
0x4d: {  	_ =	swait.ge [sflag:s14], $0x3E80  }
0x4e: {  	[sflag:s14] =	ssyncset.done $0x0  }
0x4f: {  	[sflag:s14] =	ssyncadd.s32 $0xFFFFC180  }
0x50: {  	_ =	swait.ge [sflag:s19], $0x3E80  }
0x51: {  	[sflag:s19] =	ssyncset.done $0x0  }
0x52: {  	[sflag:s19] =	ssyncadd.s32 $0xFFFFC180  }
0x53: {  	[tilespmem:s20], [sflag:$0x1] =	stream.indirect.gather [hbm4b:s3+s17], $0x80, s21, s17, $0xb8;
	[tilespmem:$0x1E0C0] =	vst v63  }
0x54: {  	_ = 	snop  }
0x55: {  	[spmem:s1] =	stream.indirect.scatter.add.f32 [tilespmem:s18], [sflag:$0x2], $0x80, s22, s17, $0xb8;
	[tilespmem:$0x1E0C0] =	vst v63  }
0x56: {  	_ =	swait.ge [sflag:s14], $0x3E80  }
0x57: {  	[sflag:s14] =	ssyncset.done $0x0  }
0x58: {  	[sflag:s14] =	ssyncadd.s32 $0xFFFFC180  }
0x59: {  	s24 =	sadd.s32 $0x1, s24;
	_ =	swait.ge [sflag:s19], $0x3E80  }
0x5a: {  	p1 =	sne.s32 s24, $0x4;
	[sflag:s19] =	ssyncset.done $0x0  }
.Ltmp1:
0x5b: {  	[sflag:s19] =	ssyncadd.s32 $0xFFFFC180;
	(pc) =	sbr.rel @p1 .LBB2_2-.Ltmp1, $4  }
0x5c: {  	[spmem:s1] =	stream.indirect.scatter.add.f32 [tilespmem:s20], [sflag:$0x2], $0x80, s23, s17, $0xb8;
	[tilespmem:$0x1E0C0] =	vst v63  }
0x5d: {  	_ =	swait.ge [sflag:s14], $0x3E80  }
0x5e: {  	[sflag:s14] =	ssyncset.done $0x0  }
0x5f: {  	[sflag:s14] =	ssyncadd.s32 $0xFFFFC180  }
0x60: {  	[bflag:$0x0] =	sbarrier.arrive $0xFFFF  }
0x61: {  	[hbm:s10], [sflag:s7] =	dma.local [spmem:s13], $0x2700  }
0x62: {  	s2 =	sadd.s32 $0x1, s2;
	_ =	swait.ge [sflag:s14], $0x2700  }
0x63: {  	p1 =	sne.s32 s2, s12;
	[sflag:s14] =	ssyncset.done $0x0  }
.Ltmp2:
0x64: {  	s24 =	simm.s32 @!p0 $0x2;
	[sflag:s14] =	ssyncadd.s32 $0xFFFFD900;
	(pc) =	sbr.rel @p1 .LBB2_1-.Ltmp2, $4  }
0x65: {  	[hbm:s11], [sflag:s7] =	dma.local @!p0 [spmem:s15], $0x100  }
0x66: {  	_ =	swait.ge @!p0 [sflag:s24], $0x100  }
0x67: {  	[sflag:s24] =	ssyncset.done @!p0 $0x0  }
0x68: {  	[sflag:s24] =	ssyncadd.s32 @!p0 $0xFFFFFF00  }
0x69: {  	_ =	sfence.sel $0x180000  }
0x6a: {  	[bflag:$0x0] =	sbarrier.arrive $0xFFFF  }
0x6b: {  	_ =	strace $0x90000059  }
0x6c: {  	s0 =	sadd.s32 @!p0 $0x100000, s0;
	[bflag:$0x2] =	sbarrier.arrive $0xFFFF  }
0x6d: {  	[sflag:s0] =	ssyncadd.tile.s32 @!p0 $0x1;
	_ =	shalt  }
.Lfunc_end2:
_tile_overlayer_lowered:
.L_overlay_start_2:
0x6e: {  	(tag) =	ssettag $0x2  }
0x6f: {  	s0 =	rddreg [dreg:$0x0];
	s2 =	stileid.u32  }
0x70: {  	s1 =	rddreg [dreg:$0x1];
	p0 =	sne.s32 s2, $0x0  }
0x71: {  	s3 =	rddreg [dreg:$0x2];
	[bflag:$0x3] =	sbarrier.arrive $0xFFFF;
	s2 =	simm.s32 @!p0 $0x1C02  }
0x72: {  	[timem:s3], [sflag:s2] =	dma.local @!p0 [hbm:s0], s1  }
0x73: {  	s0 =	simm.s32 @!p0 $0x2  }
0x74: {  	_ =	swait.ge @!p0 [sflag:s0], s1  }
0x75: {  	s1 =	ssub.s32 @!p0 $0x0, s1;
	[sflag:s0] =	ssyncset.done @!p0 $0x0  }
0x76: {  	[sflag:s0] =	ssyncadd.s32 @!p0 s1  }
0x77: {  	[bflag:$0x3] =	sbarrier.arrive $0xFFFF  }
0x78: {  	_ =	shalt  }

</sc_bundles>
